<compile_context>
chip_gen: v7x
topology: tpu7x:2x2x1
jax: 0.10.2.dev20260603
libtpu: 0.0.44.dev20260713+nightly
codegen_flags: <defaults>
</compile_context>

<pallas_src>
import functools

import jax
import jax.numpy as jnp
from jax import lax
from jax.experimental import pallas as pl
from jax.experimental.pallas import tpu as pltpu
from jax.experimental.pallas import tpu_sc as plsc

LANE = 128
CH_ROWS = 16
NEG_SLOPE_ = 0.01
PAD_SPREAD = 128


def _sc_mesh():
    return plsc.VectorSubcoreMesh(core_axis_name="c", subcore_axis_name="s")


def _make_deg_kernel(n_half, deg_sp_len, tile_rows, lt_rows):
    n_chunks = tile_rows // CH_ROWS
    lt_full, lt_part = lt_rows // CH_ROWS, lt_rows % CH_ROWS
    z_len = deg_sp_len // 16
    z_last = n_half - 15 * z_len

    @functools.partial(
        pl.kernel,
        out_type=jax.ShapeDtypeStruct((2 * n_half,), jnp.float32),
        mesh=_sc_mesh(),
        compiler_params=pltpu.CompilerParams(use_tc_tiling_on_sc=False),
        scratch_types=[
            pltpu.VMEM((CH_ROWS, LANE), jnp.int32),
            pltpu.VMEM((LANE,), jnp.float32),
            pltpu.VMEM((z_len,), jnp.float32),
            pltpu.VMEM_SHARED((deg_sp_len,), jnp.float32),
            pltpu.SemaphoreType.DMA,
        ],
    )
    def deg_kernel(idx_a_hbm, idx_b_hbm, deg_hbm, idx_v, ones_v,
                   zbuf_v, deg_sp, sem):
        c = lax.axis_index("c")
        w = lax.axis_index("s")
        for i in range(LANE // 16):
            ones_v[pl.ds(i * 16, 16)] = jnp.full((16,), 1.0, jnp.float32)

        def zb(i, carry):
            zbuf_v[pl.ds(i * 16, 16)] = jnp.zeros((16,), jnp.float32)
            return carry

        lax.fori_loop(0, z_len // 16, zb, 0)
        pltpu.sync_copy(zbuf_v, deg_sp.at[pl.ds(pl.multiple_of(w * z_len, 8),
                                                z_len)])
        plsc.subcore_barrier()

        base_row = w * tile_rows

        def do_chunk(r0, nrows):
            @pl.when(c == 0)
            def _():
                pltpu.sync_copy(idx_a_hbm.at[pl.ds(r0, nrows), :],
                                idx_v.at[pl.ds(0, nrows), :])

            @pl.when(c == 1)
            def _():
                pltpu.sync_copy(idx_b_hbm.at[pl.ds(r0, nrows), :],
                                idx_v.at[pl.ds(0, nrows), :])

            cps = [
                pltpu.async_copy(ones_v, deg_sp.at[idx_v.at[j]], sem, add=True)
                for j in range(nrows)
            ]
            for cp in cps:
                cp.wait()

        def chunk(i, carry):
            do_chunk(base_row + i * CH_ROWS, CH_ROWS)
            return carry

        n_ch = jnp.where(w == 15, lt_full, n_chunks)
        lax.fori_loop(0, n_ch, chunk, 0)
        if lt_part:
            @pl.when(w == 15)
            def _():
                do_chunk(base_row + lt_full * CH_ROWS, lt_part)
        plsc.subcore_barrier()

        zoff = w * z_len

        @pl.when(w < 15)
        def _():
            pltpu.sync_copy(deg_sp.at[pl.ds(zoff, z_len)], zbuf_v)
            pltpu.sync_copy(zbuf_v,
                            deg_hbm.at[pl.ds(c * n_half + zoff, z_len)])

        @pl.when(w == 15)
        def _():
            pltpu.sync_copy(deg_sp.at[pl.ds(zoff, z_last)],
                            zbuf_v.at[pl.ds(0, z_last)])
            pltpu.sync_copy(zbuf_v.at[pl.ds(0, z_last)],
                            deg_hbm.at[pl.ds(c * n_half + zoff, z_last)])

    return deg_kernel


def _make_msg_kernel(n_half, d, acc_rows, tile_rows, lt_rows):
    ch_rows = 8
    n_chunks = tile_rows // ch_rows
    lt_full, lt_part = lt_rows // ch_rows, lt_rows % ch_rows
    chunk_e = ch_rows * LANE
    z_rows = acc_rows // 16
    z_full, z_tail = z_rows // chunk_e, z_rows % chunk_e
    out_rows = -(-n_half // 16 // 16) * 16
    out_last = n_half - 15 * out_rows

    @functools.partial(
        pl.kernel,
        out_type=jax.ShapeDtypeStruct((2 * n_half, d), jnp.float32),
        mesh=_sc_mesh(),
        compiler_params=pltpu.CompilerParams(use_tc_tiling_on_sc=False),
        scratch_types=[
            pltpu.VMEM((ch_rows, LANE), jnp.int32),
            pltpu.VMEM((ch_rows, LANE), jnp.int32),
            pltpu.VMEM((chunk_e, d), jnp.float32),
            pltpu.VMEM_SHARED((acc_rows, d), jnp.float32),
            pltpu.SemaphoreType.DMA,
            pltpu.SemaphoreType.DMA,
        ],
    )
    def msg_kernel(idx_a_hbm, idx_b_hbm, idx_b2_hbm, y_hbm, t_hbm,
                   gidx_v, sidx_v, rows_v, acc_sp, gsem, ssem):
        c = lax.axis_index("c")
        w = lax.axis_index("s")

        def zr(i, carry):
            rows_v[i, :] = jnp.zeros((d,), jnp.float32)
            return carry

        lax.fori_loop(0, chunk_e, zr, 0)
        zbase = pl.multiple_of(w * z_rows, 16)
        for k in range(z_full):
            pltpu.sync_copy(rows_v, acc_sp.at[pl.ds(zbase + k * chunk_e,
                                                    chunk_e), :])
        if z_tail:
            pltpu.sync_copy(
                rows_v.at[pl.ds(0, z_tail), :],
                acc_sp.at[pl.ds(zbase + z_full * chunk_e, z_tail), :])
        plsc.subcore_barrier()

        base_row = w * tile_rows

        def do_chunk(r0, nrows):
            @pl.when(c == 0)
            def _():
                pltpu.sync_copy(idx_a_hbm.at[pl.ds(r0, nrows), :],
                                gidx_v.at[pl.ds(0, nrows), :])
                pltpu.sync_copy(idx_b_hbm.at[pl.ds(r0, nrows), :],
                                sidx_v.at[pl.ds(0, nrows), :])

            @pl.when(c == 1)
            def _():
                pltpu.sync_copy(idx_b2_hbm.at[pl.ds(r0, nrows), :],
                                gidx_v.at[pl.ds(0, nrows), :])
                pltpu.sync_copy(idx_a_hbm.at[pl.ds(r0, nrows), :],
                                sidx_v.at[pl.ds(0, nrows), :])

            gs = [
                pltpu.async_copy(
                    y_hbm.at[gidx_v.at[j]],
                    rows_v.at[pl.ds(j * LANE, LANE), :], gsem)
                for j in range(nrows)
            ]
            for cp in gs:
                cp.wait()
            ss = [
                pltpu.async_copy(
                    rows_v.at[pl.ds(j * LANE, LANE), :],
                    acc_sp.at[sidx_v.at[j]], ssem, add=True)
                for j in range(nrows)
            ]
            for cp in ss:
                cp.wait()

        def chunk(i, carry):
            do_chunk(base_row + i * ch_rows, ch_rows)
            return carry

        n_ch = jnp.where(w == 15, lt_full, n_chunks)
        lax.fori_loop(0, n_ch, chunk, 0)
        if lt_part:
            @pl.when(w == 15)
            def _():
                do_chunk(base_row + lt_full * ch_rows, lt_part)
        plsc.subcore_barrier()

        src_base = pl.multiple_of(w * out_rows, 16)
        dst_base = pl.multiple_of((1 - c) * n_half + w * out_rows, 16)
        o_full, o_tail = out_rows // chunk_e, out_rows % chunk_e
        l_full, l_tail = out_last // chunk_e, out_last % chunk_e

        def _bounce(n_f, n_t):
            for k in range(n_f):
                pltpu.sync_copy(
                    acc_sp.at[pl.ds(src_base + k * chunk_e, chunk_e), :],
                    rows_v)
                pltpu.sync_copy(
                    rows_v, t_hbm.at[pl.ds(dst_base + k * chunk_e, chunk_e), :])
            if n_t:
                pltpu.sync_copy(
                    acc_sp.at[pl.ds(src_base + n_f * chunk_e, n_t), :],
                    rows_v.at[pl.ds(0, n_t), :])
                pltpu.sync_copy(
                    rows_v.at[pl.ds(0, n_t), :],
                    t_hbm.at[pl.ds(dst_base + n_f * chunk_e, n_t), :])

        @pl.when(w < 15)
        def _():
            _bounce(o_full, o_tail)

        @pl.when(w == 15)
        def _():
            _bounce(l_full, l_tail)

    return msg_kernel


def _scale_body(x_ref, deg8_ref, r8_ref, y_ref):
    d128 = jnp.dot(deg8_ref[...], r8_ref[...],
                   preferred_element_type=jnp.float32) + 1.0
    y_ref[...] = x_ref[...] * lax.rsqrt(d128)


def _final_body(x_ref, t_ref, deg8_ref, r8_ref, wbig_ref, bbig_ref, o_ref):
    d128 = jnp.dot(deg8_ref[...], r8_ref[...],
                   preferred_element_type=jnp.float32) + 1.0
    xv = x_ref[...]
    agg = t_ref[...] * lax.rsqrt(d128) + xv / d128
    z = jnp.dot(agg, wbig_ref[...],
                preferred_element_type=jnp.float32) + bbig_ref[...]
    h = jnp.where(z > 0, z, z * NEG_SLOPE_)
    o_ref[...] = 0.5 * (xv + h)


def kernel(user_emb, item_emb, W, b, edge_index):
    n_half, d = user_emb.shape
    assert item_emb.shape[0] == n_half
    n = 2 * n_half
    e = edge_index.shape[1]
    per_row = LANE // d
    assert e % LANE == 0

    rows = e // LANE
    tile_rows = -(-rows // (16 * CH_ROWS)) * CH_ROWS
    lt_rows = rows - 15 * tile_rows

    idx_a = edge_index[0].reshape(rows, LANE)
    idx_b = edge_index[1].reshape(rows, LANE)
    idx_b2 = (edge_index[1] + n_half).reshape(rows, LANE)

    deg_sp_len = -(-(n_half + PAD_SPREAD) // 256) * 256
    deg_cat = _make_deg_kernel(n_half, deg_sp_len, tile_rows,
                               lt_rows)(idx_a, idx_b)
    deg8 = deg_cat.reshape(n // per_row, per_row)

    xf = jnp.concatenate([user_emb, item_emb]).reshape(n // per_row, LANE)
    r8 = jnp.repeat(jnp.eye(per_row, dtype=jnp.float32), d, axis=1)
    blk = 5000
    n_blk = (n // per_row) // blk
    yf = pl.pallas_call(
        _scale_body,
        grid=(n_blk,),
        in_specs=[
            pl.BlockSpec((blk, LANE), lambda i: (i, 0)),
            pl.BlockSpec((blk, per_row), lambda i: (i, 0)),
            pl.BlockSpec((per_row, LANE), lambda i: (0, 0)),
        ],
        out_specs=pl.BlockSpec((blk, LANE), lambda i: (i, 0)),
        out_shape=jax.ShapeDtypeStruct((n // per_row, LANE), jnp.float32),
    )(xf, deg8, r8)

    acc_rows = deg_sp_len
    y = yf.reshape(n, d)
    t = _make_msg_kernel(n_half, d, acc_rows, tile_rows,
                         lt_rows)(idx_a, idx_b, idx_b2, y)

    tf = t.reshape(n // per_row, LANE)
    w_big = jnp.kron(jnp.eye(per_row, dtype=jnp.float32), W)
    b_big = jnp.tile(b.reshape(-1), per_row)[None, :]
    of = pl.pallas_call(
        _final_body,
        grid=(n_blk,),
        in_specs=[
            pl.BlockSpec((blk, LANE), lambda i: (i, 0)),
            pl.BlockSpec((blk, LANE), lambda i: (i, 0)),
            pl.BlockSpec((blk, per_row), lambda i: (i, 0)),
            pl.BlockSpec((per_row, LANE), lambda i: (0, 0)),
            pl.BlockSpec((LANE, LANE), lambda i: (0, 0)),
            pl.BlockSpec((1, LANE), lambda i: (0, 0)),
        ],
        out_specs=pl.BlockSpec((blk, LANE), lambda i: (i, 0)),
        out_shape=jax.ShapeDtypeStruct((n // per_row, LANE), jnp.float32),
    )(xf, tf, deg8, r8, w_big, b_big)
    return of.reshape(n, d)

# --- scband reference (transcript-rebuilt; emitter-appended) ---
"""Pipeline reference for scband-hyper-graph-custom-bipartite-disen-gatvaev3-ctrobj-same-idx-hyper-graph-2276332666883 (READ-ONLY COPY).

The authoritative reference and input builder live on the scoring server;
editing this copy changes nothing except your own understanding.
"""

import jax, jax.numpy as jnp
import numpy as np

U = 100000
I = 100000
E = 1600000
D = 16
LAYERS = 1
NEG_SLOPE = 0.01


def setup_inputs(seed: int = 0) -> dict:
    key = jax.random.key(seed)
    k1, k2, k3, k4, k5 = jax.random.split(key, 5)
    user_emb = jax.random.normal(k1, (U, D), dtype=jnp.float32)
    item_emb = jax.random.normal(k2, (I, D), dtype=jnp.float32)
    W = jax.random.normal(k3, (D, D), dtype=jnp.float32)
    b = jax.random.normal(k4, (1, D), dtype=jnp.float32)
    edge_index = jax.random.randint(k5, (2, E), 0, 100000, dtype=jnp.int32)
    return {"user_emb": user_emb, "item_emb": item_emb, "W": W, "b": b, "edge_index": edge_index}


def reference(user_emb, item_emb, W, b, edge_index):
    # LightGCN-style bipartite user-item propagation with symmetric norm,
    # self loops (add_self=True), weight_lightgcn/bias_lightgcn transform and LeakyReLU,
    # followed by layer-mean readout (standard LightGCN aggregation).
    Uv = user_emb.shape[0]
    x = jnp.concatenate([user_emb, item_emb], axis=0)
    N = x.shape[0]
    src = edge_index[0]
    dst = edge_index[1] + Uv  # item nodes offset after users (bipartite adjacency)
    s = jnp.concatenate([src, dst])
    d = jnp.concatenate([dst, src])
    deg = jnp.zeros((N,), dtype=x.dtype).at[s].add(1.0) + 1.0  # +1 for self loop
    inv_sqrt = 1.0 / jnp.sqrt(deg)
    norm = inv_sqrt[s] * inv_sqrt[d]
    embs = [x]
    h = x
    for _ in range(LAYERS):
        msgs = h[s] * norm[:, None]                      # gather (memory-bound)
        agg = jnp.zeros_like(h).at[d].add(msgs)          # scatter-add (memory-bound)
        agg = agg + h * (1.0 / deg)[:, None]             # self-loop contribution
        h = jax.nn.leaky_relu(agg @ W + b, negative_slope=NEG_SLOPE)
        embs.append(h)
    out = jnp.mean(jnp.stack(embs, axis=0), axis=0)
    return out  # [U+I, D]; first U rows are user embeddings, remaining I rows item embeddings

if __name__ == "__main__":
    import jax
    _d = setup_inputs()
    print(jax.jit(kernel)(*tuple(_d.values())))

</pallas_src>

<mosaic_0001>
#map = affine_map<(d0, d1) -> (0, 0)>
#map1 = affine_map<(d0, d1) -> (0)>
module attributes {stable_mosaic.version = 14 : i64} {
  func.func @deg_kernel(%arg0: i32, %arg1: i32, %arg2: memref<12500x128xi32, #tpu.memory_space<hbm>>, %arg3: memref<12500x128xi32, #tpu.memory_space<hbm>>, %arg4: memref<200000xf32, #tpu.memory_space<hbm>>, %arg5: memref<16x128xi32, #tpu.memory_space<vmem>>, %arg6: memref<128xf32, #tpu.memory_space<vmem>>, %arg7: memref<6272xf32, #tpu.memory_space<vmem>>, %arg8: memref<100352xf32, #tpu.memory_space<vmem_shared>>, %arg9: memref<!tpu.dma_semaphore, #tpu.memory_space<semaphore_mem>>) attributes {dimension_semantics = [#tpu.dimension_semantics<core_parallel>, #tpu.dimension_semantics<subcore_parallel>], iteration_bounds = array<i64: 2, 16>, scalar_prefetch = 0 : i64, scratch_operands = 5 : i64, tpu.core_type = #tpu.core_type<sc_vector_subcore>, window_params = [{transform_indices = #map}, {transform_indices = #map}, {transform_indices = #map1}]} {
    %broadcast_in_dim3A = arith.constant 1.000000e+00 : f32
    %broadcast_in_dim3A_0 = vector.broadcast %broadcast_in_dim3A : f32 to vector<16xf32>
    %swap3A = arith.constant 0 : index
    %swap3A_1 = tpu.vector_load %arg6[%swap3A] {strides = array<i32>} : memref<128xf32, #tpu.memory_space<vmem>>, vector<16xf32>,
    %swap3A_2 = vector.shape_cast %swap3A_1 : vector<16xf32> to vector<16xf32>
    %swap3A_3 = vector.shape_cast %broadcast_in_dim3A_0 : vector<16xf32> to vector<16xf32>
    tpu.vector_store %arg6[%swap3A], %swap3A_3 {strides = array<i32>} : memref<128xf32, #tpu.memory_space<vmem>>, vector<16xf32>,
    %broadcast_in_dim3A_4 = arith.constant 1.000000e+00 : f32
    %broadcast_in_dim3A_5 = vector.broadcast %broadcast_in_dim3A_4 : f32 to vector<16xf32>
    %swap3A_6 = arith.constant 16 : index
    %swap3A_7 = tpu.vector_load %arg6[%swap3A_6] {strides = array<i32>} : memref<128xf32, #tpu.memory_space<vmem>>, vector<16xf32>,
    %swap3A_8 = vector.shape_cast %swap3A_7 : vector<16xf32> to vector<16xf32>
    %swap3A_9 = vector.shape_cast %broadcast_in_dim3A_5 : vector<16xf32> to vector<16xf32>
    tpu.vector_store %arg6[%swap3A_6], %swap3A_9 {strides = array<i32>} : memref<128xf32, #tpu.memory_space<vmem>>, vector<16xf32>,
    %broadcast_in_dim3A_10 = arith.constant 1.000000e+00 : f32
    %broadcast_in_dim3A_11 = vector.broadcast %broadcast_in_dim3A_10 : f32 to vector<16xf32>
    %swap3A_12 = arith.constant 32 : index
    %swap3A_13 = tpu.vector_load %arg6[%swap3A_12] {strides = array<i32>} : memref<128xf32, #tpu.memory_space<vmem>>, vector<16xf32>,
    %swap3A_14 = vector.shape_cast %swap3A_13 : vector<16xf32> to vector<16xf32>
    %swap3A_15 = vector.shape_cast %broadcast_in_dim3A_11 : vector<16xf32> to vector<16xf32>
    tpu.vector_store %arg6[%swap3A_12], %swap3A_15 {strides = array<i32>} : memref<128xf32, #tpu.memory_space<vmem>>, vector<16xf32>,
    %broadcast_in_dim3A_16 = arith.constant 1.000000e+00 : f32
    %broadcast_in_dim3A_17 = vector.broadcast %broadcast_in_dim3A_16 : f32 to vector<16xf32>
    %swap3A_18 = arith.constant 48 : index
    %swap3A_19 = tpu.vector_load %arg6[%swap3A_18] {strides = array<i32>} : memref<128xf32, #tpu.memory_space<vmem>>, vector<16xf32>,
    %swap3A_20 = vector.shape_cast %swap3A_19 : vector<16xf32> to vector<16xf32>
    %swap3A_21 = vector.shape_cast %broadcast_in_dim3A_17 : vector<16xf32> to vector<16xf32>
    tpu.vector_store %arg6[%swap3A_18], %swap3A_21 {strides = array<i32>} : memref<128xf32, #tpu.memory_space<vmem>>, vector<16xf32>,
    %broadcast_in_dim3A_22 = arith.constant 1.000000e+00 : f32
    %broadcast_in_dim3A_23 = vector.broadcast %broadcast_in_dim3A_22 : f32 to vector<16xf32>
    %swap3A_24 = arith.constant 64 : index
    %swap3A_25 = tpu.vector_load %arg6[%swap3A_24] {strides = array<i32>} : memref<128xf32, #tpu.memory_space<vmem>>, vector<16xf32>,
    %swap3A_26 = vector.shape_cast %swap3A_25 : vector<16xf32> to vector<16xf32>
    %swap3A_27 = vector.shape_cast %broadcast_in_dim3A_23 : vector<16xf32> to vector<16xf32>
    tpu.vector_store %arg6[%swap3A_24], %swap3A_27 {strides = array<i32>} : memref<128xf32, #tpu.memory_space<vmem>>, vector<16xf32>,
    %broadcast_in_dim3A_28 = arith.constant 1.000000e+00 : f32
    %broadcast_in_dim3A_29 = vector.broadcast %broadcast_in_dim3A_28 : f32 to vector<16xf32>
    %swap3A_30 = arith.constant 80 : index
    %swap3A_31 = tpu.vector_load %arg6[%swap3A_30] {strides = array<i32>} : memref<128xf32, #tpu.memory_space<vmem>>, vector<16xf32>,
    %swap3A_32 = vector.shape_cast %swap3A_31 : vector<16xf32> to vector<16xf32>
    %swap3A_33 = vector.shape_cast %broadcast_in_dim3A_29 : vector<16xf32> to vector<16xf32>
    tpu.vector_store %arg6[%swap3A_30], %swap3A_33 {strides = array<i32>} : memref<128xf32, #tpu.memory_space<vmem>>, vector<16xf32>,
    %broadcast_in_dim3A_34 = arith.constant 1.000000e+00 : f32
    %broadcast_in_dim3A_35 = vector.broadcast %broadcast_in_dim3A_34 : f32 to vector<16xf32>
    %swap3A_36 = arith.constant 96 : index
    %swap3A_37 = tpu.vector_load %arg6[%swap3A_36] {strides = array<i32>} : memref<128xf32, #tpu.memory_space<vmem>>, vector<16xf32>,
    %swap3A_38 = vector.shape_cast %swap3A_37 : vector<16xf32> to vector<16xf32>
    %swap3A_39 = vector.shape_cast %broadcast_in_dim3A_35 : vector<16xf32> to vector<16xf32>
    tpu.vector_store %arg6[%swap3A_36], %swap3A_39 {strides = array<i32>} : memref<128xf32, #tpu.memory_space<vmem>>, vector<16xf32>,
    %broadcast_in_dim3A_40 = arith.constant 1.000000e+00 : f32
    %broadcast_in_dim3A_41 = vector.broadcast %broadcast_in_dim3A_40 : f32 to vector<16xf32>
    %swap3A_42 = arith.constant 112 : index
    %swap3A_43 = tpu.vector_load %arg6[%swap3A_42] {strides = array<i32>} : memref<128xf32, #tpu.memory_space<vmem>>, vector<16xf32>,
    %swap3A_44 = vector.shape_cast %swap3A_43 : vector<16xf32> to vector<16xf32>
    %swap3A_45 = vector.shape_cast %broadcast_in_dim3A_41 : vector<16xf32> to vector<16xf32>
    tpu.vector_store %arg6[%swap3A_42], %swap3A_45 {strides = array<i32>} : memref<128xf32, #tpu.memory_space<vmem>>, vector<16xf32>,
    %scan3A = arith.constant 0 : i32
    %scan3A_46 = arith.constant 0 : i32
    %scan3A_47 = arith.constant 392 : i32
    %scan3A_48 = arith.addi %scan3A_46, %scan3A_47 : i32
    %scan3A_49 = arith.constant 1 : i32
    scf.for %scan3A_80 = %scan3A_46 to %scan3A_48 step %scan3A_49  : i32 {
      %broadcast_in_dim3A_81 = arith.constant 0.000000e+00 : f32
      %broadcast_in_dim3A_82 = vector.broadcast %broadcast_in_dim3A_81 : f32 to vector<16xf32>
      %mul3A_83 = arith.constant 16 : i32
      %mul3A_84 = arith.muli %scan3A_80, %mul3A_83 : i32
      %swap3A_85 = arith.index_cast %mul3A_84 : i32 to index
      %swap3A_86 = tpu.vector_load %arg7[%swap3A_85] {strides = array<i32>} : memref<6272xf32, #tpu.memory_space<vmem>>, vector<16xf32>,
      %swap3A_87 = vector.shape_cast %swap3A_86 : vector<16xf32> to vector<16xf32>
      %swap3A_88 = vector.shape_cast %broadcast_in_dim3A_82 : vector<16xf32> to vector<16xf32>
      tpu.vector_store %arg7[%swap3A_85], %swap3A_88 {strides = array<i32>} : memref<6272xf32, #tpu.memory_space<vmem>>, vector<16xf32>,
    }
    %scan3A_50 = arith.constant 392 : i32
    %mul3A = arith.constant 6272 : i32
    %mul3A_51 = arith.muli %arg1, %mul3A : i32
    %multiple_of3A = tpu.assume_multiple %mul3A_51, 8 : i32
    "tpu.region"() ({
      %run_scoped3A = tpu.sem_alloc : memref<!tpu.dma_semaphore, #tpu.memory_space<semaphore_mem>>
      %dma_start3A = tpu.memref_slice %arg8[%multiple_of3A] : memref<100352xf32, #tpu.memory_space<vmem_shared>> -> memref<6272xf32, #tpu.memory_space<vmem_shared>>
      %dma_start3A_80 = tpu.memref_slice %arg8[%multiple_of3A] : memref<100352xf32, #tpu.memory_space<vmem_shared>> -> memref<6272xf32, #tpu.memory_space<vmem_shared>>
      tpu.enqueue_dma source(%arg7 : memref<6272xf32, #tpu.memory_space<vmem>>) target(%dma_start3A_80 : memref<6272xf32, #tpu.memory_space<vmem_shared>>) target_semaphore(%run_scoped3A : memref<!tpu.dma_semaphore, #tpu.memory_space<semaphore_mem>>)
      %dma_wait3A = tpu.memref_slice %arg8[%multiple_of3A] : memref<100352xf32, #tpu.memory_space<vmem_shared>> -> memref<6272xf32, #tpu.memory_space<vmem_shared>>
      %dma_wait3A_81 = tpu.memref_slice %arg8[%multiple_of3A] : memref<100352xf32, #tpu.memory_space<vmem_shared>> -> memref<6272xf32, #tpu.memory_space<vmem_shared>>
      tpu.wait_dma2 semaphore(%run_scoped3A : memref<!tpu.dma_semaphore, #tpu.memory_space<semaphore_mem>>) src(%arg7 : memref<6272xf32, #tpu.memory_space<vmem>>) dst(%dma_wait3A_81 : memref<6272xf32, #tpu.memory_space<vmem_shared>>)
      tpu.yield
    }) : () -> ()
    %barrier3A = arith.constant 0 : index
    tpu.barrier barrier_id(%barrier3A)
    %mul3A_52 = arith.constant 784 : i32
    %mul3A_53 = arith.muli %arg1, %mul3A_52 : i32
    %eq3A = arith.constant 15 : i32
    %eq3A_54 = arith.cmpi eq, %arg1, %eq3A : i32
    %jit3A = arith.constant 46 : i32
    %jit3A_55 = arith.constant 49 : i32
    %select_n3A = arith.select %eq3A_54, %jit3A, %jit3A_55 : i32
    %while3A = arith.constant 0 : i32
    %while3A_56 = arith.constant 0 : i32
    %while3A_57 = arith.subi %select_n3A, %while3A_56 : i32
    %while3A_58 = arith.addi %while3A_56, %while3A_57 : i32
    %while3A_59 = arith.constant 1 : i32
    %while3A_60 = arith.divsi %while3A_57, %while3A_59 : i32
    %while3A_61 = arith.muli %while3A_60, %while3A_59 : i32
    %while3A_62 = arith.addi %while3A_56, %while3A_61 : i32
    %while3A_63 = arith.constant 1 : i32
    scf.for %while3A_80 = %while3A_56 to %while3A_62 step %while3A_63  : i32 {
      %mul3A_81 = arith.constant 16 : i32
      %mul3A_82 = arith.muli %while3A_80, %mul3A_81 : i32
      %add3A = arith.addi %mul3A_53, %mul3A_82 : i32
      %eq3A_83 = arith.constant 0 : i32
      %eq3A_84 = arith.cmpi eq, %arg0, %eq3A_83 : i32
      %convert_element_type3A_85 = arith.extui %eq3A_84 : i1 to i32
      %cond3A_86 = arith.constant 0 : i32
      %cond3A_87 = arith.cmpi ne, %convert_element_type3A_85, %cond3A_86 : i32
      scf.if %cond3A_87 {
        "tpu.region"() ({
          %run_scoped3A = tpu.sem_alloc : memref<!tpu.dma_semaphore, #tpu.memory_space<semaphore_mem>>
          %dma_start3A_283 = arith.constant 0 : i32
          %dma_start3A_284 = arith.constant 0 : i32
          %dma_start3A_285 = tpu.memref_slice %arg5[%dma_start3A_283, %dma_start3A_284] : memref<16x128xi32, #tpu.memory_space<vmem>> -> memref<16x128xi32, #tpu.memory_space<vmem>>
          %dma_start3A_286 = arith.constant 0 : i32
          %dma_start3A_287 = tpu.memref_slice %arg2[%add3A, %dma_start3A_286] : memref<12500x128xi32, #tpu.memory_space<hbm>> -> memref<16x128xi32, #tpu.memory_space<hbm>>
          %dma_start3A_288 = arith.constant 0 : i32
          %dma_start3A_289 = arith.constant 0 : i32
          %dma_start3A_290 = tpu.memref_slice %arg5[%dma_start3A_288, %dma_start3A_289] : memref<16x128xi32, #tpu.memory_space<vmem>> -> memref<16x128xi32, #tpu.memory_space<vmem>>
          %dma_start3A_291 = arith.constant 0 : i32
          %dma_start3A_292 = tpu.memref_slice %arg2[%add3A, %dma_start3A_291] : memref<12500x128xi32, #tpu.memory_space<hbm>> -> memref<16x128xi32, #tpu.memory_space<hbm>>
          tpu.enqueue_dma source(%dma_start3A_292 : memref<16x128xi32, #tpu.memory_space<hbm>>) target(%dma_start3A_290 : memref<16x128xi32, #tpu.memory_space<vmem>>) target_semaphore(%run_scoped3A : memref<!tpu.dma_semaphore, #tpu.memory_space<semaphore_mem>>)
          %dma_wait3A_293 = arith.constant 0 : i32
          %dma_wait3A_294 = arith.constant 0 : i32
          %dma_wait3A_295 = tpu.memref_slice %arg5[%dma_wait3A_293, %dma_wait3A_294] : memref<16x128xi32, #tpu.memory_space<vmem>> -> memref<16x128xi32, #tpu.memory_space<vmem>>
          %dma_wait3A_296 = arith.constant 0 : i32
          %dma_wait3A_297 = tpu.memref_slice %arg2[%add3A, %dma_wait3A_296] : memref<12500x128xi32, #tpu.memory_space<hbm>> -> memref<16x128xi32, #tpu.memory_space<hbm>>
          %dma_wait3A_298 = arith.constant 0 : i32
          %dma_wait3A_299 = arith.constant 0 : i32
          %dma_wait3A_300 = tpu.memref_slice %arg5[%dma_wait3A_298, %dma_wait3A_299] : memref<16x128xi32, #tpu.memory_space<vmem>> -> memref<16x128xi32, #tpu.memory_space<vmem>>
          %dma_wait3A_301 = arith.constant 0 : i32
          %dma_wait3A_302 = tpu.memref_slice %arg2[%add3A, %dma_wait3A_301] : memref<12500x128xi32, #tpu.memory_space<hbm>> -> memref<16x128xi32, #tpu.memory_space<hbm>>
          tpu.wait_dma2 semaphore(%run_scoped3A : memref<!tpu.dma_semaphore, #tpu.memory_space<semaphore_mem>>) src(%dma_wait3A_302 : memref<16x128xi32, #tpu.memory_space<hbm>>) dst(%dma_wait3A_300 : memref<16x128xi32, #tpu.memory_space<vmem>>)
          tpu.yield
        }) : () -> ()
      } else {
      }
      %eq3A_88 = arith.constant 1 : i32
      %eq3A_89 = arith.cmpi eq, %arg0, %eq3A_88 : i32
      %convert_element_type3A_90 = arith.extui %eq3A_89 : i1 to i32
      %cond3A_91 = arith.constant 0 : i32
      %cond3A_92 = arith.cmpi ne, %convert_element_type3A_90, %cond3A_91 : i32
      scf.if %cond3A_92 {
        "tpu.region"() ({
          %run_scoped3A = tpu.sem_alloc : memref<!tpu.dma_semaphore, #tpu.memory_space<semaphore_mem>>
          %dma_start3A_283 = arith.constant 0 : i32
          %dma_start3A_284 = arith.constant 0 : i32
          %dma_start3A_285 = tpu.memref_slice %arg5[%dma_start3A_283, %dma_start3A_284] : memref<16x128xi32, #tpu.memory_space<vmem>> -> memref<16x128xi32, #tpu.memory_space<vmem>>
          %dma_start3A_286 = arith.constant 0 : i32
          %dma_start3A_287 = tpu.memref_slice %arg3[%add3A, %dma_start3A_286] : memref<12500x128xi32, #tpu.memory_space<hbm>> -> memref<16x128xi32, #tpu.memory_space<hbm>>
          %dma_start3A_288 = arith.constant 0 : i32
          %dma_start3A_289 = arith.constant 0 : i32
          %dma_start3A_290 = tpu.memref_slice %arg5[%dma_start3A_288, %dma_start3A_289] : memref<16x128xi32, #tpu.memory_space<vmem>> -> memref<16x128xi32, #tpu.memory_space<vmem>>
          %dma_start3A_291 = arith.constant 0 : i32
          %dma_start3A_292 = tpu.memref_slice %arg3[%add3A, %dma_start3A_291] : memref<12500x128xi32, #tpu.memory_space<hbm>> -> memref<16x128xi32, #tpu.memory_space<hbm>>
          tpu.enqueue_dma source(%dma_start3A_292 : memref<16x128xi32, #tpu.memory_space<hbm>>) target(%dma_start3A_290 : memref<16x128xi32, #tpu.memory_space<vmem>>) target_semaphore(%run_scoped3A : memref<!tpu.dma_semaphore, #tpu.memory_space<semaphore_mem>>)
          %dma_wait3A_293 = arith.constant 0 : i32
          %dma_wait3A_294 = arith.constant 0 : i32
          %dma_wait3A_295 = tpu.memref_slice %arg5[%dma_wait3A_293, %dma_wait3A_294] : memref<16x128xi32, #tpu.memory_space<vmem>> -> memref<16x128xi32, #tpu.memory_space<vmem>>
          %dma_wait3A_296 = arith.constant 0 : i32
          %dma_wait3A_297 = tpu.memref_slice %arg3[%add3A, %dma_wait3A_296] : memref<12500x128xi32, #tpu.memory_space<hbm>> -> memref<16x128xi32, #tpu.memory_space<hbm>>
          %dma_wait3A_298 = arith.constant 0 : i32
          %dma_wait3A_299 = arith.constant 0 : i32
          %dma_wait3A_300 = tpu.memref_slice %arg5[%dma_wait3A_298, %dma_wait3A_299] : memref<16x128xi32, #tpu.memory_space<vmem>> -> memref<16x128xi32, #tpu.memory_space<vmem>>
          %dma_wait3A_301 = arith.constant 0 : i32
          %dma_wait3A_302 = tpu.memref_slice %arg3[%add3A, %dma_wait3A_301] : memref<12500x128xi32, #tpu.memory_space<hbm>> -> memref<16x128xi32, #tpu.memory_space<hbm>>
          tpu.wait_dma2 semaphore(%run_scoped3A : memref<!tpu.dma_semaphore, #tpu.memory_space<semaphore_mem>>) src(%dma_wait3A_302 : memref<16x128xi32, #tpu.memory_space<hbm>>) dst(%dma_wait3A_300 : memref<16x128xi32, #tpu.memory_space<vmem>>)
          tpu.yield
        }) : () -> ()
      } else {
      }
      %dma_start3A = arith.constant 0 : i32
      %dma_start3A_93 = arith.constant 0 : i32
      %dma_start3A_94 = tpu.memref_slice %arg5[%dma_start3A, %dma_start3A_93] : memref<16x128xi32, #tpu.memory_space<vmem>> -> memref<1x128xi32, #tpu.memory_space<vmem>>
      %dma_start3A_95 = tpu.memref_squeeze %dma_start3A_94 : memref<1x128xi32, #tpu.memory_space<vmem>> -> memref<128xi32, #tpu.memory_space<vmem>>
      %dma_start3A_96 = arith.constant 0 : i32
      %dma_start3A_97 = tpu.memref_slice %arg8[%dma_start3A_96] : memref<100352xf32, #tpu.memory_space<vmem_shared>> -> memref<100352xf32, #tpu.memory_space<vmem_shared>>
      tpu.enqueue_indirect_dma source(%arg6 : memref<128xf32, #tpu.memory_space<vmem>>) target(%dma_start3A_97 : memref<100352xf32, #tpu.memory_space<vmem_shared>>) offsets(%dma_start3A_95 : memref<128xi32, #tpu.memory_space<vmem>>) semaphore(%arg9 : memref<!tpu.dma_semaphore, #tpu.memory_space<semaphore_mem>>) {add = true}
      %dma_start3A_98 = arith.constant 1 : i32
      %dma_start3A_99 = arith.constant 0 : i32
      %dma_start3A_100 = tpu.memref_slice %arg5[%dma_start3A_98, %dma_start3A_99] : memref<16x128xi32, #tpu.memory_space<vmem>> -> memref<1x128xi32, #tpu.memory_space<vmem>>
      %dma_start3A_101 = tpu.memref_squeeze %dma_start3A_100 : memref<1x128xi32, #tpu.memory_space<vmem>> -> memref<128xi32, #tpu.memory_space<vmem>>
      %dma_start3A_102 = arith.constant 0 : i32
      %dma_start3A_103 = tpu.memref_slice %arg8[%dma_start3A_102] : memref<100352xf32, #tpu.memory_space<vmem_shared>> -> memref<100352xf32, #tpu.memory_space<vmem_shared>>
      tpu.enqueue_indirect_dma source(%arg6 : memref<128xf32, #tpu.memory_space<vmem>>) target(%dma_start3A_103 : memref<100352xf32, #tpu.memory_space<vmem_shared>>) offsets(%dma_start3A_101 : memref<128xi32, #tpu.memory_space<vmem>>) semaphore(%arg9 : memref<!tpu.dma_semaphore, #tpu.memory_space<semaphore_mem>>) {add = true}
      %dma_start3A_104 = arith.constant 2 : i32
      %dma_start3A_105 = arith.constant 0 : i32
      %dma_start3A_106 = tpu.memref_slice %arg5[%dma_start3A_104, %dma_start3A_105] : memref<16x128xi32, #tpu.memory_space<vmem>> -> memref<1x128xi32, #tpu.memory_space<vmem>>
      %dma_start3A_107 = tpu.memref_squeeze %dma_start3A_106 : memref<1x128xi32, #tpu.memory_space<vmem>> -> memref<128xi32, #tpu.memory_space<vmem>>
      %dma_start3A_108 = arith.constant 0 : i32
      %dma_start3A_109 = tpu.memref_slice %arg8[%dma_start3A_108] : memref<100352xf32, #tpu.memory_space<vmem_shared>> -> memref<100352xf32, #tpu.memory_space<vmem_shared>>
      tpu.enqueue_indirect_dma source(%arg6 : memref<128xf32, #tpu.memory_space<vmem>>) target(%dma_start3A_109 : memref<100352xf32, #tpu.memory_space<vmem_shared>>) offsets(%dma_start3A_107 : memref<128xi32, #tpu.memory_space<vmem>>) semaphore(%arg9 : memref<!tpu.dma_semaphore, #tpu.memory_space<semaphore_mem>>) {add = true}
      %dma_start3A_110 = arith.constant 3 : i32
      %dma_start3A_111 = arith.constant 0 : i32
      %dma_start3A_112 = tpu.memref_slice %arg5[%dma_start3A_110, %dma_start3A_111] : memref<16x128xi32, #tpu.memory_space<vmem>> -> memref<1x128xi32, #tpu.memory_space<vmem>>
      %dma_start3A_113 = tpu.memref_squeeze %dma_start3A_112 : memref<1x128xi32, #tpu.memory_space<vmem>> -> memref<128xi32, #tpu.memory_space<vmem>>
      %dma_start3A_114 = arith.constant 0 : i32
      %dma_start3A_115 = tpu.memref_slice %arg8[%dma_start3A_114] : memref<100352xf32, #tpu.memory_space<vmem_shared>> -> memref<100352xf32, #tpu.memory_space<vmem_shared>>
      tpu.enqueue_indirect_dma source(%arg6 : memref<128xf32, #tpu.memory_space<vmem>>) target(%dma_start3A_115 : memref<100352xf32, #tpu.memory_space<vmem_shared>>) offsets(%dma_start3A_113 : memref<128xi32, #tpu.memory_space<vmem>>) semaphore(%arg9 : memref<!tpu.dma_semaphore, #tpu.memory_space<semaphore_mem>>) {add = true}
      %dma_start3A_116 = arith.constant 4 : i32
      %dma_start3A_117 = arith.constant 0 : i32
      %dma_start3A_118 = tpu.memref_slice %arg5[%dma_start3A_116, %dma_start3A_117] : memref<16x128xi32, #tpu.memory_space<vmem>> -> memref<1x128xi32, #tpu.memory_space<vmem>>
      %dma_start3A_119 = tpu.memref_squeeze %dma_start3A_118 : memref<1x128xi32, #tpu.memory_space<vmem>> -> memref<128xi32, #tpu.memory_space<vmem>>
      %dma_start3A_120 = arith.constant 0 : i32
      %dma_start3A_121 = tpu.memref_slice %arg8[%dma_start3A_120] : memref<100352xf32, #tpu.memory_space<vmem_shared>> -> memref<100352xf32, #tpu.memory_space<vmem_shared>>
      tpu.enqueue_indirect_dma source(%arg6 : memref<128xf32, #tpu.memory_space<vmem>>) target(%dma_start3A_121 : memref<100352xf32, #tpu.memory_space<vmem_shared>>) offsets(%dma_start3A_119 : memref<128xi32, #tpu.memory_space<vmem>>) semaphore(%arg9 : memref<!tpu.dma_semaphore, #tpu.memory_space<semaphore_mem>>) {add = true}
      %dma_start3A_122 = arith.constant 5 : i32
      %dma_start3A_123 = arith.constant 0 : i32
      %dma_start3A_124 = tpu.memref_slice %arg5[%dma_start3A_122, %dma_start3A_123] : memref<16x128xi32, #tpu.memory_space<vmem>> -> memref<1x128xi32, #tpu.memory_space<vmem>>
      %dma_start3A_125 = tpu.memref_squeeze %dma_start3A_124 : memref<1x128xi32, #tpu.memory_space<vmem>> -> memref<128xi32, #tpu.memory_space<vmem>>
      %dma_start3A_126 = arith.constant 0 : i32
      %dma_start3A_127 = tpu.memref_slice %arg8[%dma_start3A_126] : memref<100352xf32, #tpu.memory_space<vmem_shared>> -> memref<100352xf32, #tpu.memory_space<vmem_shared>>
      tpu.enqueue_indirect_dma source(%arg6 : memref<128xf32, #tpu.memory_space<vmem>>) target(%dma_start3A_127 : memref<100352xf32, #tpu.memory_space<vmem_shared>>) offsets(%dma_start3A_125 : memref<128xi32, #tpu.memory_space<vmem>>) semaphore(%arg9 : memref<!tpu.dma_semaphore, #tpu.memory_space<semaphore_mem>>) {add = true}
      %dma_start3A_128 = arith.constant 6 : i32
      %dma_start3A_129 = arith.constant 0 : i32
      %dma_start3A_130 = tpu.memref_slice %arg5[%dma_start3A_128, %dma_start3A_129] : memref<16x128xi32, #tpu.memory_space<vmem>> -> memref<1x128xi32, #tpu.memory_space<vmem>>
      %dma_start3A_131 = tpu.memref_squeeze %dma_start3A_130 : memref<1x128xi32, #tpu.memory_space<vmem>> -> memref<128xi32, #tpu.memory_space<vmem>>
      %dma_start3A_132 = arith.constant 0 : i32
      %dma_start3A_133 = tpu.memref_slice %arg8[%dma_start3A_132] : memref<100352xf32, #tpu.memory_space<vmem_shared>> -> memref<100352xf32, #tpu.memory_space<vmem_shared>>
      tpu.enqueue_indirect_dma source(%arg6 : memref<128xf32, #tpu.memory_space<vmem>>) target(%dma_start3A_133 : memref<100352xf32, #tpu.memory_space<vmem_shared>>) offsets(%dma_start3A_131 : memref<128xi32, #tpu.memory_space<vmem>>) semaphore(%arg9 : memref<!tpu.dma_semaphore, #tpu.memory_space<semaphore_mem>>) {add = true}
      %dma_start3A_134 = arith.constant 7 : i32
      %dma_start3A_135 = arith.constant 0 : i32
      %dma_start3A_136 = tpu.memref_slice %arg5[%dma_start3A_134, %dma_start3A_135] : memref<16x128xi32, #tpu.memory_space<vmem>> -> memref<1x128xi32, #tpu.memory_space<vmem>>
      %dma_start3A_137 = tpu.memref_squeeze %dma_start3A_136 : memref<1x128xi32, #tpu.memory_space<vmem>> -> memref<128xi32, #tpu.memory_space<vmem>>
      %dma_start3A_138 = arith.constant 0 : i32
      %dma_start3A_139 = tpu.memref_slice %arg8[%dma_start3A_138] : memref<100352xf32, #tpu.memory_space<vmem_shared>> -> memref<100352xf32, #tpu.memory_space<vmem_shared>>
      tpu.enqueue_indirect_dma source(%arg6 : memref<128xf32, #tpu.memory_space<vmem>>) target(%dma_start3A_139 : memref<100352xf32, #tpu.memory_space<vmem_shared>>) offsets(%dma_start3A_137 : memref<128xi32, #tpu.memory_space<vmem>>) semaphore(%arg9 : memref<!tpu.dma_semaphore, #tpu.memory_space<semaphore_mem>>) {add = true}
      %dma_start3A_140 = arith.constant 8 : i32
      %dma_start3A_141 = arith.constant 0 : i32
      %dma_start3A_142 = tpu.memref_slice %arg5[%dma_start3A_140, %dma_start3A_141] : memref<16x128xi32, #tpu.memory_space<vmem>> -> memref<1x128xi32, #tpu.memory_space<vmem>>
      %dma_start3A_143 = tpu.memref_squeeze %dma_start3A_142 : memref<1x128xi32, #tpu.memory_space<vmem>> -> memref<128xi32, #tpu.memory_space<vmem>>
      %dma_start3A_144 = arith.constant 0 : i32
      %dma_start3A_145 = tpu.memref_slice %arg8[%dma_start3A_144] : memref<100352xf32, #tpu.memory_space<vmem_shared>> -> memref<100352xf32, #tpu.memory_space<vmem_shared>>
      tpu.enqueue_indirect_dma source(%arg6 : memref<128xf32, #tpu.memory_space<vmem>>) target(%dma_start3A_145 : memref<100352xf32, #tpu.memory_space<vmem_shared>>) offsets(%dma_start3A_143 : memref<128xi32, #tpu.memory_space<vmem>>) semaphore(%arg9 : memref<!tpu.dma_semaphore, #tpu.memory_space<semaphore_mem>>) {add = true}
      %dma_start3A_146 = arith.constant 9 : i32
      %dma_start3A_147 = arith.constant 0 : i32
      %dma_start3A_148 = tpu.memref_slice %arg5[%dma_start3A_146, %dma_start3A_147] : memref<16x128xi32, #tpu.memory_space<vmem>> -> memref<1x128xi32, #tpu.memory_space<vmem>>
      %dma_start3A_149 = tpu.memref_squeeze %dma_start3A_148 : memref<1x128xi32, #tpu.memory_space<vmem>> -> memref<128xi32, #tpu.memory_space<vmem>>
      %dma_start3A_150 = arith.constant 0 : i32
      %dma_start3A_151 = tpu.memref_slice %arg8[%dma_start3A_150] : memref<100352xf32, #tpu.memory_space<vmem_shared>> -> memref<100352xf32, #tpu.memory_space<vmem_shared>>
      tpu.enqueue_indirect_dma source(%arg6 : memref<128xf32, #tpu.memory_space<vmem>>) target(%dma_start3A_151 : memref<100352xf32, #tpu.memory_space<vmem_shared>>) offsets(%dma_start3A_149 : memref<128xi32, #tpu.memory_space<vmem>>) semaphore(%arg9 : memref<!tpu.dma_semaphore, #tpu.memory_space<semaphore_mem>>) {add = true}
      %dma_start3A_152 = arith.constant 10 : i32
      %dma_start3A_153 = arith.constant 0 : i32
      %dma_start3A_154 = tpu.memref_slice %arg5[%dma_start3A_152, %dma_start3A_153] : memref<16x128xi32, #tpu.memory_space<vmem>> -> memref<1x128xi32, #tpu.memory_space<vmem>>
      %dma_start3A_155 = tpu.memref_squeeze %dma_start3A_154 : memref<1x128xi32, #tpu.memory_space<vmem>> -> memref<128xi32, #tpu.memory_space<vmem>>
      %dma_start3A_156 = arith.constant 0 : i32
      %dma_start3A_157 = tpu.memref_slice %arg8[%dma_start3A_156] : memref<100352xf32, #tpu.memory_space<vmem_shared>> -> memref<100352xf32, #tpu.memory_space<vmem_shared>>
      tpu.enqueue_indirect_dma source(%arg6 : memref<128xf32, #tpu.memory_space<vmem>>) target(%dma_start3A_157 : memref<100352xf32, #tpu.memory_space<vmem_shared>>) offsets(%dma_start3A_155 : memref<128xi32, #tpu.memory_space<vmem>>) semaphore(%arg9 : memref<!tpu.dma_semaphore, #tpu.memory_space<semaphore_mem>>) {add = true}
      %dma_start3A_158 = arith.constant 11 : i32
      %dma_start3A_159 = arith.constant 0 : i32
      %dma_start3A_160 = tpu.memref_slice %arg5[%dma_start3A_158, %dma_start3A_159] : memref<16x128xi32, #tpu.memory_space<vmem>> -> memref<1x128xi32, #tpu.memory_space<vmem>>
      %dma_start3A_161 = tpu.memref_squeeze %dma_start3A_160 : memref<1x128xi32, #tpu.memory_space<vmem>> -> memref<128xi32, #tpu.memory_space<vmem>>
      %dma_start3A_162 = arith.constant 0 : i32
      %dma_start3A_163 = tpu.memref_slice %arg8[%dma_start3A_162] : memref<100352xf32, #tpu.memory_space<vmem_shared>> -> memref<100352xf32, #tpu.memory_space<vmem_shared>>
      tpu.enqueue_indirect_dma source(%arg6 : memref<128xf32, #tpu.memory_space<vmem>>) target(%dma_start3A_163 : memref<100352xf32, #tpu.memory_space<vmem_shared>>) offsets(%dma_start3A_161 : memref<128xi32, #tpu.memory_space<vmem>>) semaphore(%arg9 : memref<!tpu.dma_semaphore, #tpu.memory_space<semaphore_mem>>) {add = true}
      %dma_start3A_164 = arith.constant 12 : i32
      %dma_start3A_165 = arith.constant 0 : i32
      %dma_start3A_166 = tpu.memref_slice %arg5[%dma_start3A_164, %dma_start3A_165] : memref<16x128xi32, #tpu.memory_space<vmem>> -> memref<1x128xi32, #tpu.memory_space<vmem>>
      %dma_start3A_167 = tpu.memref_squeeze %dma_start3A_166 : memref<1x128xi32, #tpu.memory_space<vmem>> -> memref<128xi32, #tpu.memory_space<vmem>>
      %dma_start3A_168 = arith.constant 0 : i32
      %dma_start3A_169 = tpu.memref_slice %arg8[%dma_start3A_168] : memref<100352xf32, #tpu.memory_space<vmem_shared>> -> memref<100352xf32, #tpu.memory_space<vmem_shared>>
      tpu.enqueue_indirect_dma source(%arg6 : memref<128xf32, #tpu.memory_space<vmem>>) target(%dma_start3A_169 : memref<100352xf32, #tpu.memory_space<vmem_shared>>) offsets(%dma_start3A_167 : memref<128xi32, #tpu.memory_space<vmem>>) semaphore(%arg9 : memref<!tpu.dma_semaphore, #tpu.memory_space<semaphore_mem>>) {add = true}
      %dma_start3A_170 = arith.constant 13 : i32
      %dma_start3A_171 = arith.constant 0 : i32
      %dma_start3A_172 = tpu.memref_slice %arg5[%dma_start3A_170, %dma_start3A_171] : memref<16x128xi32, #tpu.memory_space<vmem>> -> memref<1x128xi32, #tpu.memory_space<vmem>>
      %dma_start3A_173 = tpu.memref_squeeze %dma_start3A_172 : memref<1x128xi32, #tpu.memory_space<vmem>> -> memref<128xi32, #tpu.memory_space<vmem>>
      %dma_start3A_174 = arith.constant 0 : i32
      %dma_start3A_175 = tpu.memref_slice %arg8[%dma_start3A_174] : memref<100352xf32, #tpu.memory_space<vmem_shared>> -> memref<100352xf32, #tpu.memory_space<vmem_shared>>
      tpu.enqueue_indirect_dma source(%arg6 : memref<128xf32, #tpu.memory_space<vmem>>) target(%dma_start3A_175 : memref<100352xf32, #tpu.memory_space<vmem_shared>>) offsets(%dma_start3A_173 : memref<128xi32, #tpu.memory_space<vmem>>) semaphore(%arg9 : memref<!tpu.dma_semaphore, #tpu.memory_space<semaphore_mem>>) {add = true}
      %dma_start3A_176 = arith.constant 14 : i32
      %dma_start3A_177 = arith.constant 0 : i32
      %dma_start3A_178 = tpu.memref_slice %arg5[%dma_start3A_176, %dma_start3A_177] : memref<16x128xi32, #tpu.memory_space<vmem>> -> memref<1x128xi32, #tpu.memory_space<vmem>>
      %dma_start3A_179 = tpu.memref_squeeze %dma_start3A_178 : memref<1x128xi32, #tpu.memory_space<vmem>> -> memref<128xi32, #tpu.memory_space<vmem>>
      %dma_start3A_180 = arith.constant 0 : i32
      %dma_start3A_181 = tpu.memref_slice %arg8[%dma_start3A_180] : memref<100352xf32, #tpu.memory_space<vmem_shared>> -> memref<100352xf32, #tpu.memory_space<vmem_shared>>
      tpu.enqueue_indirect_dma source(%arg6 : memref<128xf32, #tpu.memory_space<vmem>>) target(%dma_start3A_181 : memref<100352xf32, #tpu.memory_space<vmem_shared>>) offsets(%dma_start3A_179 : memref<128xi32, #tpu.memory_space<vmem>>) semaphore(%arg9 : memref<!tpu.dma_semaphore, #tpu.memory_space<semaphore_mem>>) {add = true}
      %dma_start3A_182 = arith.constant 15 : i32
      %dma_start3A_183 = arith.constant 0 : i32
      %dma_start3A_184 = tpu.memref_slice %arg5[%dma_start3A_182, %dma_start3A_183] : memref<16x128xi32, #tpu.memory_space<vmem>> -> memref<1x128xi32, #tpu.memory_space<vmem>>
      %dma_start3A_185 = tpu.memref_squeeze %dma_start3A_184 : memref<1x128xi32, #tpu.memory_space<vmem>> -> memref<128xi32, #tpu.memory_space<vmem>>
      %dma_start3A_186 = arith.constant 0 : i32
      %dma_start3A_187 = tpu.memref_slice %arg8[%dma_start3A_186] : memref<100352xf32, #tpu.memory_space<vmem_shared>> -> memref<100352xf32, #tpu.memory_space<vmem_shared>>
      tpu.enqueue_indirect_dma source(%arg6 : memref<128xf32, #tpu.memory_space<vmem>>) target(%dma_start3A_187 : memref<100352xf32, #tpu.memory_space<vmem_shared>>) offsets(%dma_start3A_185 : memref<128xi32, #tpu.memory_space<vmem>>) semaphore(%arg9 : memref<!tpu.dma_semaphore, #tpu.memory_space<semaphore_mem>>) {add = true}
      %dma_wait3A = arith.constant 0 : i32
      %dma_wait3A_188 = arith.constant 0 : i32
      %dma_wait3A_189 = tpu.memref_slice %arg5[%dma_wait3A, %dma_wait3A_188] : memref<16x128xi32, #tpu.memory_space<vmem>> -> memref<1x128xi32, #tpu.memory_space<vmem>>
      %dma_wait3A_190 = tpu.memref_squeeze %dma_wait3A_189 : memref<1x128xi32, #tpu.memory_space<vmem>> -> memref<128xi32, #tpu.memory_space<vmem>>
      %dma_wait3A_191 = arith.constant 0 : i32
      %dma_wait3A_192 = tpu.memref_slice %arg8[%dma_wait3A_191] : memref<100352xf32, #tpu.memory_space<vmem_shared>> -> memref<100352xf32, #tpu.memory_space<vmem_shared>>
      tpu.wait_indirect_dma semaphore(%arg9 : memref<!tpu.dma_semaphore, #tpu.memory_space<semaphore_mem>>) src(%arg6 : memref<128xf32, #tpu.memory_space<vmem>>) dst(%dma_wait3A_192 : memref<100352xf32, #tpu.memory_space<vmem_shared>>)
      %dma_wait3A_193 = arith.constant 1 : i32
      %dma_wait3A_194 = arith.constant 0 : i32
      %dma_wait3A_195 = tpu.memref_slice %arg5[%dma_wait3A_193, %dma_wait3A_194] : memref<16x128xi32, #tpu.memory_space<vmem>> -> memref<1x128xi32, #tpu.memory_space<vmem>>
      %dma_wait3A_196 = tpu.memref_squeeze %dma_wait3A_195 : memref<1x128xi32, #tpu.memory_space<vmem>> -> memref<128xi32, #tpu.memory_space<vmem>>
      %dma_wait3A_197 = arith.constant 0 : i32
      %dma_wait3A_198 = tpu.memref_slice %arg8[%dma_wait3A_197] : memref<100352xf32, #tpu.memory_space<vmem_shared>> -> memref<100352xf32, #tpu.memory_space<vmem_shared>>
      tpu.wait_indirect_dma semaphore(%arg9 : memref<!tpu.dma_semaphore, #tpu.memory_space<semaphore_mem>>) src(%arg6 : memref<128xf32, #tpu.memory_space<vmem>>) dst(%dma_wait3A_198 : memref<100352xf32, #tpu.memory_space<vmem_shared>>)
      %dma_wait3A_199 = arith.constant 2 : i32
      %dma_wait3A_200 = arith.constant 0 : i32
      %dma_wait3A_201 = tpu.memref_slice %arg5[%dma_wait3A_199, %dma_wait3A_200] : memref<16x128xi32, #tpu.memory_space<vmem>> -> memref<1x128xi32, #tpu.memory_space<vmem>>
      %dma_wait3A_202 = tpu.memref_squeeze %dma_wait3A_201 : memref<1x128xi32, #tpu.memory_space<vmem>> -> memref<128xi32, #tpu.memory_space<vmem>>
      %dma_wait3A_203 = arith.constant 0 : i32
      %dma_wait3A_204 = tpu.memref_slice %arg8[%dma_wait3A_203] : memref<100352xf32, #tpu.memory_space<vmem_shared>> -> memref<100352xf32, #tpu.memory_space<vmem_shared>>
      tpu.wait_indirect_dma semaphore(%arg9 : memref<!tpu.dma_semaphore, #tpu.memory_space<semaphore_mem>>) src(%arg6 : memref<128xf32, #tpu.memory_space<vmem>>) dst(%dma_wait3A_204 : memref<100352xf32, #tpu.memory_space<vmem_shared>>)
      %dma_wait3A_205 = arith.constant 3 : i32
      %dma_wait3A_206 = arith.constant 0 : i32
      %dma_wait3A_207 = tpu.memref_slice %arg5[%dma_wait3A_205, %dma_wait3A_206] : memref<16x128xi32, #tpu.memory_space<vmem>> -> memref<1x128xi32, #tpu.memory_space<vmem>>
      %dma_wait3A_208 = tpu.memref_squeeze %dma_wait3A_207 : memref<1x128xi32, #tpu.memory_space<vmem>> -> memref<128xi32, #tpu.memory_space<vmem>>
      %dma_wait3A_209 = arith.constant 0 : i32
      %dma_wait3A_210 = tpu.memref_slice %arg8[%dma_wait3A_209] : memref<100352xf32, #tpu.memory_space<vmem_shared>> -> memref<100352xf32, #tpu.memory_space<vmem_shared>>
      tpu.wait_indirect_dma semaphore(%arg9 : memref<!tpu.dma_semaphore, #tpu.memory_space<semaphore_mem>>) src(%arg6 : memref<128xf32, #tpu.memory_space<vmem>>) dst(%dma_wait3A_210 : memref<100352xf32, #tpu.memory_space<vmem_shared>>)
      %dma_wait3A_211 = arith.constant 4 : i32
      %dma_wait3A_212 = arith.constant 0 : i32
      %dma_wait3A_213 = tpu.memref_slice %arg5[%dma_wait3A_211, %dma_wait3A_212] : memref<16x128xi32, #tpu.memory_space<vmem>> -> memref<1x128xi32, #tpu.memory_space<vmem>>
      %dma_wait3A_214 = tpu.memref_squeeze %dma_wait3A_213 : memref<1x128xi32, #tpu.memory_space<vmem>> -> memref<128xi32, #tpu.memory_space<vmem>>
      %dma_wait3A_215 = arith.constant 0 : i32
      %dma_wait3A_216 = tpu.memref_slice %arg8[%dma_wait3A_215] : memref<100352xf32, #tpu.memory_space<vmem_shared>> -> memref<100352xf32, #tpu.memory_space<vmem_shared>>
      tpu.wait_indirect_dma semaphore(%arg9 : memref<!tpu.dma_semaphore, #tpu.memory_space<semaphore_mem>>) src(%arg6 : memref<128xf32, #tpu.memory_space<vmem>>) dst(%dma_wait3A_216 : memref<100352xf32, #tpu.memory_space<vmem_shared>>)
      %dma_wait3A_217 = arith.constant 5 : i32
      %dma_wait3A_218 = arith.constant 0 : i32
      %dma_wait3A_219 = tpu.memref_slice %arg5[%dma_wait3A_217, %dma_wait3A_218] : memref<16x128xi32, #tpu.memory_space<vmem>> -> memref<1x128xi32, #tpu.memory_space<vmem>>
      %dma_wait3A_220 = tpu.memref_squeeze %dma_wait3A_219 : memref<1x128xi32, #tpu.memory_space<vmem>> -> memref<128xi32, #tpu.memory_space<vmem>>
      %dma_wait3A_221 = arith.constant 0 : i32
      %dma_wait3A_222 = tpu.memref_slice %arg8[%dma_wait3A_221] : memref<100352xf32, #tpu.memory_space<vmem_shared>> -> memref<100352xf32, #tpu.memory_space<vmem_shared>>
      tpu.wait_indirect_dma semaphore(%arg9 : memref<!tpu.dma_semaphore, #tpu.memory_space<semaphore_mem>>) src(%arg6 : memref<128xf32, #tpu.memory_space<vmem>>) dst(%dma_wait3A_222 : memref<100352xf32, #tpu.memory_space<vmem_shared>>)
      %dma_wait3A_223 = arith.constant 6 : i32
      %dma_wait3A_224 = arith.constant 0 : i32
      %dma_wait3A_225 = tpu.memref_slice %arg5[%dma_wait3A_223, %dma_wait3A_224] : memref<16x128xi32, #tpu.memory_space<vmem>> -> memref<1x128xi32, #tpu.memory_space<vmem>>
      %dma_wait3A_226 = tpu.memref_squeeze %dma_wait3A_225 : memref<1x128xi32, #tpu.memory_space<vmem>> -> memref<128xi32, #tpu.memory_space<vmem>>
      %dma_wait3A_227 = arith.constant 0 : i32
      %dma_wait3A_228 = tpu.memref_slice %arg8[%dma_wait3A_227] : memref<100352xf32, #tpu.memory_space<vmem_shared>> -> memref<100352xf32, #tpu.memory_space<vmem_shared>>
      tpu.wait_indirect_dma semaphore(%arg9 : memref<!tpu.dma_semaphore, #tpu.memory_space<semaphore_mem>>) src(%arg6 : memref<128xf32, #tpu.memory_space<vmem>>) dst(%dma_wait3A_228 : memref<100352xf32, #tpu.memory_space<vmem_shared>>)
      %dma_wait3A_229 = arith.constant 7 : i32
      %dma_wait3A_230 = arith.constant 0 : i32
      %dma_wait3A_231 = tpu.memref_slice %arg5[%dma_wait3A_229, %dma_wait3A_230] : memref<16x128xi32, #tpu.memory_space<vmem>> -> memref<1x128xi32, #tpu.memory_space<vmem>>
      %dma_wait3A_232 = tpu.memref_squeeze %dma_wait3A_231 : memref<1x128xi32, #tpu.memory_space<vmem>> -> memref<128xi32, #tpu.memory_space<vmem>>
      %dma_wait3A_233 = arith.constant 0 : i32
      %dma_wait3A_234 = tpu.memref_slice %arg8[%dma_wait3A_233] : memref<100352xf32, #tpu.memory_space<vmem_shared>> -> memref<100352xf32, #tpu.memory_space<vmem_shared>>
      tpu.wait_indirect_dma semaphore(%arg9 : memref<!tpu.dma_semaphore, #tpu.memory_space<semaphore_mem>>) src(%arg6 : memref<128xf32, #tpu.memory_space<vmem>>) dst(%dma_wait3A_234 : memref<100352xf32, #tpu.memory_space<vmem_shared>>)
      %dma_wait3A_235 = arith.constant 8 : i32
      %dma_wait3A_236 = arith.constant 0 : i32
      %dma_wait3A_237 = tpu.memref_slice %arg5[%dma_wait3A_235, %dma_wait3A_236] : memref<16x128xi32, #tpu.memory_space<vmem>> -> memref<1x128xi32, #tpu.memory_space<vmem>>
      %dma_wait3A_238 = tpu.memref_squeeze %dma_wait3A_237 : memref<1x128xi32, #tpu.memory_space<vmem>> -> memref<128xi32, #tpu.memory_space<vmem>>
      %dma_wait3A_239 = arith.constant 0 : i32
      %dma_wait3A_240 = tpu.memref_slice %arg8[%dma_wait3A_239] : memref<100352xf32, #tpu.memory_space<vmem_shared>> -> memref<100352xf32, #tpu.memory_space<vmem_shared>>
      tpu.wait_indirect_dma semaphore(%arg9 : memref<!tpu.dma_semaphore, #tpu.memory_space<semaphore_mem>>) src(%arg6 : memref<128xf32, #tpu.memory_space<vmem>>) dst(%dma_wait3A_240 : memref<100352xf32, #tpu.memory_space<vmem_shared>>)
      %dma_wait3A_241 = arith.constant 9 : i32
      %dma_wait3A_242 = arith.constant 0 : i32
      %dma_wait3A_243 = tpu.memref_slice %arg5[%dma_wait3A_241, %dma_wait3A_242] : memref<16x128xi32, #tpu.memory_space<vmem>> -> memref<1x128xi32, #tpu.memory_space<vmem>>
      %dma_wait3A_244 = tpu.memref_squeeze %dma_wait3A_243 : memref<1x128xi32, #tpu.memory_space<vmem>> -> memref<128xi32, #tpu.memory_space<vmem>>
      %dma_wait3A_245 = arith.constant 0 : i32
      %dma_wait3A_246 = tpu.memref_slice %arg8[%dma_wait3A_245] : memref<100352xf32, #tpu.memory_space<vmem_shared>> -> memref<100352xf32, #tpu.memory_space<vmem_shared>>
      tpu.wait_indirect_dma semaphore(%arg9 : memref<!tpu.dma_semaphore, #tpu.memory_space<semaphore_mem>>) src(%arg6 : memref<128xf32, #tpu.memory_space<vmem>>) dst(%dma_wait3A_246 : memref<100352xf32, #tpu.memory_space<vmem_shared>>)
      %dma_wait3A_247 = arith.constant 10 : i32
      %dma_wait3A_248 = arith.constant 0 : i32
      %dma_wait3A_249 = tpu.memref_slice %arg5[%dma_wait3A_247, %dma_wait3A_248] : memref<16x128xi32, #tpu.memory_space<vmem>> -> memref<1x128xi32, #tpu.memory_space<vmem>>
      %dma_wait3A_250 = tpu.memref_squeeze %dma_wait3A_249 : memref<1x128xi32, #tpu.memory_space<vmem>> -> memref<128xi32, #tpu.memory_space<vmem>>
      %dma_wait3A_251 = arith.constant 0 : i32
      %dma_wait3A_252 = tpu.memref_slice %arg8[%dma_wait3A_251] : memref<100352xf32, #tpu.memory_space<vmem_shared>> -> memref<100352xf32, #tpu.memory_space<vmem_shared>>
      tpu.wait_indirect_dma semaphore(%arg9 : memref<!tpu.dma_semaphore, #tpu.memory_space<semaphore_mem>>) src(%arg6 : memref<128xf32, #tpu.memory_space<vmem>>) dst(%dma_wait3A_252 : memref<100352xf32, #tpu.memory_space<vmem_shared>>)
      %dma_wait3A_253 = arith.constant 11 : i32
      %dma_wait3A_254 = arith.constant 0 : i32
      %dma_wait3A_255 = tpu.memref_slice %arg5[%dma_wait3A_253, %dma_wait3A_254] : memref<16x128xi32, #tpu.memory_space<vmem>> -> memref<1x128xi32, #tpu.memory_space<vmem>>
      %dma_wait3A_256 = tpu.memref_squeeze %dma_wait3A_255 : memref<1x128xi32, #tpu.memory_space<vmem>> -> memref<128xi32, #tpu.memory_space<vmem>>
      %dma_wait3A_257 = arith.constant 0 : i32
      %dma_wait3A_258 = tpu.memref_slice %arg8[%dma_wait3A_257] : memref<100352xf32, #tpu.memory_space<vmem_shared>> -> memref<100352xf32, #tpu.memory_space<vmem_shared>>
      tpu.wait_indirect_dma semaphore(%arg9 : memref<!tpu.dma_semaphore, #tpu.memory_space<semaphore_mem>>) src(%arg6 : memref<128xf32, #tpu.memory_space<vmem>>) dst(%dma_wait3A_258 : memref<100352xf32, #tpu.memory_space<vmem_shared>>)
      %dma_wait3A_259 = arith.constant 12 : i32
      %dma_wait3A_260 = arith.constant 0 : i32
      %dma_wait3A_261 = tpu.memref_slice %arg5[%dma_wait3A_259, %dma_wait3A_260] : memref<16x128xi32, #tpu.memory_space<vmem>> -> memref<1x128xi32, #tpu.memory_space<vmem>>
      %dma_wait3A_262 = tpu.memref_squeeze %dma_wait3A_261 : memref<1x128xi32, #tpu.memory_space<vmem>> -> memref<128xi32, #tpu.memory_space<vmem>>
      %dma_wait3A_263 = arith.constant 0 : i32
      %dma_wait3A_264 = tpu.memref_slice %arg8[%dma_wait3A_263] : memref<100352xf32, #tpu.memory_space<vmem_shared>> -> memref<100352xf32, #tpu.memory_space<vmem_shared>>
      tpu.wait_indirect_dma semaphore(%arg9 : memref<!tpu.dma_semaphore, #tpu.memory_space<semaphore_mem>>) src(%arg6 : memref<128xf32, #tpu.memory_space<vmem>>) dst(%dma_wait3A_264 : memref<100352xf32, #tpu.memory_space<vmem_shared>>)
      %dma_wait3A_265 = arith.constant 13 : i32
      %dma_wait3A_266 = arith.constant 0 : i32
      %dma_wait3A_267 = tpu.memref_slice %arg5[%dma_wait3A_265, %dma_wait3A_266] : memref<16x128xi32, #tpu.memory_space<vmem>> -> memref<1x128xi32, #tpu.memory_space<vmem>>
      %dma_wait3A_268 = tpu.memref_squeeze %dma_wait3A_267 : memref<1x128xi32, #tpu.memory_space<vmem>> -> memref<128xi32, #tpu.memory_space<vmem>>
      %dma_wait3A_269 = arith.constant 0 : i32
      %dma_wait3A_270 = tpu.memref_slice %arg8[%dma_wait3A_269] : memref<100352xf32, #tpu.memory_space<vmem_shared>> -> memref<100352xf32, #tpu.memory_space<vmem_shared>>
      tpu.wait_indirect_dma semaphore(%arg9 : memref<!tpu.dma_semaphore, #tpu.memory_space<semaphore_mem>>) src(%arg6 : memref<128xf32, #tpu.memory_space<vmem>>) dst(%dma_wait3A_270 : memref<100352xf32, #tpu.memory_space<vmem_shared>>)
      %dma_wait3A_271 = arith.constant 14 : i32
      %dma_wait3A_272 = arith.constant 0 : i32
      %dma_wait3A_273 = tpu.memref_slice %arg5[%dma_wait3A_271, %dma_wait3A_272] : memref<16x128xi32, #tpu.memory_space<vmem>> -> memref<1x128xi32, #tpu.memory_space<vmem>>
      %dma_wait3A_274 = tpu.memref_squeeze %dma_wait3A_273 : memref<1x128xi32, #tpu.memory_space<vmem>> -> memref<128xi32, #tpu.memory_space<vmem>>
      %dma_wait3A_275 = arith.constant 0 : i32
      %dma_wait3A_276 = tpu.memref_slice %arg8[%dma_wait3A_275] : memref<100352xf32, #tpu.memory_space<vmem_shared>> -> memref<100352xf32, #tpu.memory_space<vmem_shared>>
      tpu.wait_indirect_dma semaphore(%arg9 : memref<!tpu.dma_semaphore, #tpu.memory_space<semaphore_mem>>) src(%arg6 : memref<128xf32, #tpu.memory_space<vmem>>) dst(%dma_wait3A_276 : memref<100352xf32, #tpu.memory_space<vmem_shared>>)
      %dma_wait3A_277 = arith.constant 15 : i32
      %dma_wait3A_278 = arith.constant 0 : i32
      %dma_wait3A_279 = tpu.memref_slice %arg5[%dma_wait3A_277, %dma_wait3A_278] : memref<16x128xi32, #tpu.memory_space<vmem>> -> memref<1x128xi32, #tpu.memory_space<vmem>>
      %dma_wait3A_280 = tpu.memref_squeeze %dma_wait3A_279 : memref<1x128xi32, #tpu.memory_space<vmem>> -> memref<128xi32, #tpu.memory_space<vmem>>
      %dma_wait3A_281 = arith.constant 0 : i32
      %dma_wait3A_282 = tpu.memref_slice %arg8[%dma_wait3A_281] : memref<100352xf32, #tpu.memory_space<vmem_shared>> -> memref<100352xf32, #tpu.memory_space<vmem_shared>>
      tpu.wait_indirect_dma semaphore(%arg9 : memref<!tpu.dma_semaphore, #tpu.memory_space<semaphore_mem>>) src(%arg6 : memref<128xf32, #tpu.memory_space<vmem>>) dst(%dma_wait3A_282 : memref<100352xf32, #tpu.memory_space<vmem_shared>>)
    }
    %while3A_64 = arith.constant 1 : i32
    scf.for %while3A_80 = %while3A_62 to %while3A_58 step %while3A_64  : i32 {
      %mul3A_81 = arith.constant 16 : i32
      %mul3A_82 = arith.muli %while3A_80, %mul3A_81 : i32
      %add3A = arith.addi %mul3A_53, %mul3A_82 : i32
      %eq3A_83 = arith.constant 0 : i32
      %eq3A_84 = arith.cmpi eq, %arg0, %eq3A_83 : i32
      %convert_element_type3A_85 = arith.extui %eq3A_84 : i1 to i32
      %cond3A_86 = arith.constant 0 : i32
      %cond3A_87 = arith.cmpi ne, %convert_element_type3A_85, %cond3A_86 : i32
      scf.if %cond3A_87 {
        "tpu.region"() ({
          %run_scoped3A = tpu.sem_alloc : memref<!tpu.dma_semaphore, #tpu.memory_space<semaphore_mem>>
          %dma_start3A_283 = arith.constant 0 : i32
          %dma_start3A_284 = arith.constant 0 : i32
          %dma_start3A_285 = tpu.memref_slice %arg5[%dma_start3A_283, %dma_start3A_284] : memref<16x128xi32, #tpu.memory_space<vmem>> -> memref<16x128xi32, #tpu.memory_space<vmem>>
          %dma_start3A_286 = arith.constant 0 : i32
          %dma_start3A_287 = tpu.memref_slice %arg2[%add3A, %dma_start3A_286] : memref<12500x128xi32, #tpu.memory_space<hbm>> -> memref<16x128xi32, #tpu.memory_space<hbm>>
          %dma_start3A_288 = arith.constant 0 : i32
          %dma_start3A_289 = arith.constant 0 : i32
          %dma_start3A_290 = tpu.memref_slice %arg5[%dma_start3A_288, %dma_start3A_289] : memref<16x128xi32, #tpu.memory_space<vmem>> -> memref<16x128xi32, #tpu.memory_space<vmem>>
          %dma_start3A_291 = arith.constant 0 : i32
          %dma_start3A_292 = tpu.memref_slice %arg2[%add3A, %dma_start3A_291] : memref<12500x128xi32, #tpu.memory_space<hbm>> -> memref<16x128xi32, #tpu.memory_space<hbm>>
          tpu.enqueue_dma source(%dma_start3A_292 : memref<16x128xi32, #tpu.memory_space<hbm>>) target(%dma_start3A_290 : memref<16x128xi32, #tpu.memory_space<vmem>>) target_semaphore(%run_scoped3A : memref<!tpu.dma_semaphore, #tpu.memory_space<semaphore_mem>>)
          %dma_wait3A_293 = arith.constant 0 : i32
          %dma_wait3A_294 = arith.constant 0 : i32
          %dma_wait3A_295 = tpu.memref_slice %arg5[%dma_wait3A_293, %dma_wait3A_294] : memref<16x128xi32, #tpu.memory_space<vmem>> -> memref<16x128xi32, #tpu.memory_space<vmem>>
          %dma_wait3A_296 = arith.constant 0 : i32
          %dma_wait3A_297 = tpu.memref_slice %arg2[%add3A, %dma_wait3A_296] : memref<12500x128xi32, #tpu.memory_space<hbm>> -> memref<16x128xi32, #tpu.memory_space<hbm>>
          %dma_wait3A_298 = arith.constant 0 : i32
          %dma_wait3A_299 = arith.constant 0 : i32
          %dma_wait3A_300 = tpu.memref_slice %arg5[%dma_wait3A_298, %dma_wait3A_299] : memref<16x128xi32, #tpu.memory_space<vmem>> -> memref<16x128xi32, #tpu.memory_space<vmem>>
          %dma_wait3A_301 = arith.constant 0 : i32
          %dma_wait3A_302 = tpu.memref_slice %arg2[%add3A, %dma_wait3A_301] : memref<12500x128xi32, #tpu.memory_space<hbm>> -> memref<16x128xi32, #tpu.memory_space<hbm>>
          tpu.wait_dma2 semaphore(%run_scoped3A : memref<!tpu.dma_semaphore, #tpu.memory_space<semaphore_mem>>) src(%dma_wait3A_302 : memref<16x128xi32, #tpu.memory_space<hbm>>) dst(%dma_wait3A_300 : memref<16x128xi32, #tpu.memory_space<vmem>>)
          tpu.yield
        }) : () -> ()
      } else {
      }
      %eq3A_88 = arith.constant 1 : i32
      %eq3A_89 = arith.cmpi eq, %arg0, %eq3A_88 : i32
      %convert_element_type3A_90 = arith.extui %eq3A_89 : i1 to i32
      %cond3A_91 = arith.constant 0 : i32
      %cond3A_92 = arith.cmpi ne, %convert_element_type3A_90, %cond3A_91 : i32
      scf.if %cond3A_92 {
        "tpu.region"() ({
          %run_scoped3A = tpu.sem_alloc : memref<!tpu.dma_semaphore, #tpu.memory_space<semaphore_mem>>
          %dma_start3A_283 = arith.constant 0 : i32
          %dma_start3A_284 = arith.constant 0 : i32
          %dma_start3A_285 = tpu.memref_slice %arg5[%dma_start3A_283, %dma_start3A_284] : memref<16x128xi32, #tpu.memory_space<vmem>> -> memref<16x128xi32, #tpu.memory_space<vmem>>
          %dma_start3A_286 = arith.constant 0 : i32
          %dma_start3A_287 = tpu.memref_slice %arg3[%add3A, %dma_start3A_286] : memref<12500x128xi32, #tpu.memory_space<hbm>> -> memref<16x128xi32, #tpu.memory_space<hbm>>
          %dma_start3A_288 = arith.constant 0 : i32
          %dma_start3A_289 = arith.constant 0 : i32
          %dma_start3A_290 = tpu.memref_slice %arg5[%dma_start3A_288, %dma_start3A_289] : memref<16x128xi32, #tpu.memory_space<vmem>> -> memref<16x128xi32, #tpu.memory_space<vmem>>
          %dma_start3A_291 = arith.constant 0 : i32
          %dma_start3A_292 = tpu.memref_slice %arg3[%add3A, %dma_start3A_291] : memref<12500x128xi32, #tpu.memory_space<hbm>> -> memref<16x128xi32, #tpu.memory_space<hbm>>
          tpu.enqueue_dma source(%dma_start3A_292 : memref<16x128xi32, #tpu.memory_space<hbm>>) target(%dma_start3A_290 : memref<16x128xi32, #tpu.memory_space<vmem>>) target_semaphore(%run_scoped3A : memref<!tpu.dma_semaphore, #tpu.memory_space<semaphore_mem>>)
          %dma_wait3A_293 = arith.constant 0 : i32
          %dma_wait3A_294 = arith.constant 0 : i32
          %dma_wait3A_295 = tpu.memref_slice %arg5[%dma_wait3A_293, %dma_wait3A_294] : memref<16x128xi32, #tpu.memory_space<vmem>> -> memref<16x128xi32, #tpu.memory_space<vmem>>
          %dma_wait3A_296 = arith.constant 0 : i32
          %dma_wait3A_297 = tpu.memref_slice %arg3[%add3A, %dma_wait3A_296] : memref<12500x128xi32, #tpu.memory_space<hbm>> -> memref<16x128xi32, #tpu.memory_space<hbm>>
          %dma_wait3A_298 = arith.constant 0 : i32
          %dma_wait3A_299 = arith.constant 0 : i32
          %dma_wait3A_300 = tpu.memref_slice %arg5[%dma_wait3A_298, %dma_wait3A_299] : memref<16x128xi32, #tpu.memory_space<vmem>> -> memref<16x128xi32, #tpu.memory_space<vmem>>
          %dma_wait3A_301 = arith.constant 0 : i32
          %dma_wait3A_302 = tpu.memref_slice %arg3[%add3A, %dma_wait3A_301] : memref<12500x128xi32, #tpu.memory_space<hbm>> -> memref<16x128xi32, #tpu.memory_space<hbm>>
          tpu.wait_dma2 semaphore(%run_scoped3A : memref<!tpu.dma_semaphore, #tpu.memory_space<semaphore_mem>>) src(%dma_wait3A_302 : memref<16x128xi32, #tpu.memory_space<hbm>>) dst(%dma_wait3A_300 : memref<16x128xi32, #tpu.memory_space<vmem>>)
          tpu.yield
        }) : () -> ()
      } else {
      }
      %dma_start3A = arith.constant 0 : i32
      %dma_start3A_93 = arith.constant 0 : i32
      %dma_start3A_94 = tpu.memref_slice %arg5[%dma_start3A, %dma_start3A_93] : memref<16x128xi32, #tpu.memory_space<vmem>> -> memref<1x128xi32, #tpu.memory_space<vmem>>
      %dma_start3A_95 = tpu.memref_squeeze %dma_start3A_94 : memref<1x128xi32, #tpu.memory_space<vmem>> -> memref<128xi32, #tpu.memory_space<vmem>>
      %dma_start3A_96 = arith.constant 0 : i32
      %dma_start3A_97 = tpu.memref_slice %arg8[%dma_start3A_96] : memref<100352xf32, #tpu.memory_space<vmem_shared>> -> memref<100352xf32, #tpu.memory_space<vmem_shared>>
      tpu.enqueue_indirect_dma source(%arg6 : memref<128xf32, #tpu.memory_space<vmem>>) target(%dma_start3A_97 : memref<100352xf32, #tpu.memory_space<vmem_shared>>) offsets(%dma_start3A_95 : memref<128xi32, #tpu.memory_space<vmem>>) semaphore(%arg9 : memref<!tpu.dma_semaphore, #tpu.memory_space<semaphore_mem>>) {add = true}
      %dma_start3A_98 = arith.constant 1 : i32
      %dma_start3A_99 = arith.constant 0 : i32
      %dma_start3A_100 = tpu.memref_slice %arg5[%dma_start3A_98, %dma_start3A_99] : memref<16x128xi32, #tpu.memory_space<vmem>> -> memref<1x128xi32, #tpu.memory_space<vmem>>
      %dma_start3A_101 = tpu.memref_squeeze %dma_start3A_100 : memref<1x128xi32, #tpu.memory_space<vmem>> -> memref<128xi32, #tpu.memory_space<vmem>>
      %dma_start3A_102 = arith.constant 0 : i32
      %dma_start3A_103 = tpu.memref_slice %arg8[%dma_start3A_102] : memref<100352xf32, #tpu.memory_space<vmem_shared>> -> memref<100352xf32, #tpu.memory_space<vmem_shared>>
      tpu.enqueue_indirect_dma source(%arg6 : memref<128xf32, #tpu.memory_space<vmem>>) target(%dma_start3A_103 : memref<100352xf32, #tpu.memory_space<vmem_shared>>) offsets(%dma_start3A_101 : memref<128xi32, #tpu.memory_space<vmem>>) semaphore(%arg9 : memref<!tpu.dma_semaphore, #tpu.memory_space<semaphore_mem>>) {add = true}
      %dma_start3A_104 = arith.constant 2 : i32
      %dma_start3A_105 = arith.constant 0 : i32
      %dma_start3A_106 = tpu.memref_slice %arg5[%dma_start3A_104, %dma_start3A_105] : memref<16x128xi32, #tpu.memory_space<vmem>> -> memref<1x128xi32, #tpu.memory_space<vmem>>
      %dma_start3A_107 = tpu.memref_squeeze %dma_start3A_106 : memref<1x128xi32, #tpu.memory_space<vmem>> -> memref<128xi32, #tpu.memory_space<vmem>>
      %dma_start3A_108 = arith.constant 0 : i32
      %dma_start3A_109 = tpu.memref_slice %arg8[%dma_start3A_108] : memref<100352xf32, #tpu.memory_space<vmem_shared>> -> memref<100352xf32, #tpu.memory_space<vmem_shared>>
      tpu.enqueue_indirect_dma source(%arg6 : memref<128xf32, #tpu.memory_space<vmem>>) target(%dma_start3A_109 : memref<100352xf32, #tpu.memory_space<vmem_shared>>) offsets(%dma_start3A_107 : memref<128xi32, #tpu.memory_space<vmem>>) semaphore(%arg9 : memref<!tpu.dma_semaphore, #tpu.memory_space<semaphore_mem>>) {add = true}
      %dma_start3A_110 = arith.constant 3 : i32
      %dma_start3A_111 = arith.constant 0 : i32
      %dma_start3A_112 = tpu.memref_slice %arg5[%dma_start3A_110, %dma_start3A_111] : memref<16x128xi32, #tpu.memory_space<vmem>> -> memref<1x128xi32, #tpu.memory_space<vmem>>
      %dma_start3A_113 = tpu.memref_squeeze %dma_start3A_112 : memref<1x128xi32, #tpu.memory_space<vmem>> -> memref<128xi32, #tpu.memory_space<vmem>>
      %dma_start3A_114 = arith.constant 0 : i32
      %dma_start3A_115 = tpu.memref_slice %arg8[%dma_start3A_114] : memref<100352xf32, #tpu.memory_space<vmem_shared>> -> memref<100352xf32, #tpu.memory_space<vmem_shared>>
      tpu.enqueue_indirect_dma source(%arg6 : memref<128xf32, #tpu.memory_space<vmem>>) target(%dma_start3A_115 : memref<100352xf32, #tpu.memory_space<vmem_shared>>) offsets(%dma_start3A_113 : memref<128xi32, #tpu.memory_space<vmem>>) semaphore(%arg9 : memref<!tpu.dma_semaphore, #tpu.memory_space<semaphore_mem>>) {add = true}
      %dma_start3A_116 = arith.constant 4 : i32
      %dma_start3A_117 = arith.constant 0 : i32
      %dma_start3A_118 = tpu.memref_slice %arg5[%dma_start3A_116, %dma_start3A_117] : memref<16x128xi32, #tpu.memory_space<vmem>> -> memref<1x128xi32, #tpu.memory_space<vmem>>
      %dma_start3A_119 = tpu.memref_squeeze %dma_start3A_118 : memref<1x128xi32, #tpu.memory_space<vmem>> -> memref<128xi32, #tpu.memory_space<vmem>>
      %dma_start3A_120 = arith.constant 0 : i32
      %dma_start3A_121 = tpu.memref_slice %arg8[%dma_start3A_120] : memref<100352xf32, #tpu.memory_space<vmem_shared>> -> memref<100352xf32, #tpu.memory_space<vmem_shared>>
      tpu.enqueue_indirect_dma source(%arg6 : memref<128xf32, #tpu.memory_space<vmem>>) target(%dma_start3A_121 : memref<100352xf32, #tpu.memory_space<vmem_shared>>) offsets(%dma_start3A_119 : memref<128xi32, #tpu.memory_space<vmem>>) semaphore(%arg9 : memref<!tpu.dma_semaphore, #tpu.memory_space<semaphore_mem>>) {add = true}
      %dma_start3A_122 = arith.constant 5 : i32
      %dma_start3A_123 = arith.constant 0 : i32
      %dma_start3A_124 = tpu.memref_slice %arg5[%dma_start3A_122, %dma_start3A_123] : memref<16x128xi32, #tpu.memory_space<vmem>> -> memref<1x128xi32, #tpu.memory_space<vmem>>
      %dma_start3A_125 = tpu.memref_squeeze %dma_start3A_124 : memref<1x128xi32, #tpu.memory_space<vmem>> -> memref<128xi32, #tpu.memory_space<vmem>>
      %dma_start3A_126 = arith.constant 0 : i32
      %dma_start3A_127 = tpu.memref_slice %arg8[%dma_start3A_126] : memref<100352xf32, #tpu.memory_space<vmem_shared>> -> memref<100352xf32, #tpu.memory_space<vmem_shared>>
      tpu.enqueue_indirect_dma source(%arg6 : memref<128xf32, #tpu.memory_space<vmem>>) target(%dma_start3A_127 : memref<100352xf32, #tpu.memory_space<vmem_shared>>) offsets(%dma_start3A_125 : memref<128xi32, #tpu.memory_space<vmem>>) semaphore(%arg9 : memref<!tpu.dma_semaphore, #tpu.memory_space<semaphore_mem>>) {add = true}
      %dma_start3A_128 = arith.constant 6 : i32
      %dma_start3A_129 = arith.constant 0 : i32
      %dma_start3A_130 = tpu.memref_slice %arg5[%dma_start3A_128, %dma_start3A_129] : memref<16x128xi32, #tpu.memory_space<vmem>> -> memref<1x128xi32, #tpu.memory_space<vmem>>
      %dma_start3A_131 = tpu.memref_squeeze %dma_start3A_130 : memref<1x128xi32, #tpu.memory_space<vmem>> -> memref<128xi32, #tpu.memory_space<vmem>>
      %dma_start3A_132 = arith.constant 0 : i32
      %dma_start3A_133 = tpu.memref_slice %arg8[%dma_start3A_132] : memref<100352xf32, #tpu.memory_space<vmem_shared>> -> memref<100352xf32, #tpu.memory_space<vmem_shared>>
      tpu.enqueue_indirect_dma source(%arg6 : memref<128xf32, #tpu.memory_space<vmem>>) target(%dma_start3A_133 : memref<100352xf32, #tpu.memory_space<vmem_shared>>) offsets(%dma_start3A_131 : memref<128xi32, #tpu.memory_space<vmem>>) semaphore(%arg9 : memref<!tpu.dma_semaphore, #tpu.memory_space<semaphore_mem>>) {add = true}
      %dma_start3A_134 = arith.constant 7 : i32
      %dma_start3A_135 = arith.constant 0 : i32
      %dma_start3A_136 = tpu.memref_slice %arg5[%dma_start3A_134, %dma_start3A_135] : memref<16x128xi32, #tpu.memory_space<vmem>> -> memref<1x128xi32, #tpu.memory_space<vmem>>
      %dma_start3A_137 = tpu.memref_squeeze %dma_start3A_136 : memref<1x128xi32, #tpu.memory_space<vmem>> -> memref<128xi32, #tpu.memory_space<vmem>>
      %dma_start3A_138 = arith.constant 0 : i32
      %dma_start3A_139 = tpu.memref_slice %arg8[%dma_start3A_138] : memref<100352xf32, #tpu.memory_space<vmem_shared>> -> memref<100352xf32, #tpu.memory_space<vmem_shared>>
      tpu.enqueue_indirect_dma source(%arg6 : memref<128xf32, #tpu.memory_space<vmem>>) target(%dma_start3A_139 : memref<100352xf32, #tpu.memory_space<vmem_shared>>) offsets(%dma_start3A_137 : memref<128xi32, #tpu.memory_space<vmem>>) semaphore(%arg9 : memref<!tpu.dma_semaphore, #tpu.memory_space<semaphore_mem>>) {add = true}
      %dma_start3A_140 = arith.constant 8 : i32
      %dma_start3A_141 = arith.constant 0 : i32
      %dma_start3A_142 = tpu.memref_slice %arg5[%dma_start3A_140, %dma_start3A_141] : memref<16x128xi32, #tpu.memory_space<vmem>> -> memref<1x128xi32, #tpu.memory_space<vmem>>
      %dma_start3A_143 = tpu.memref_squeeze %dma_start3A_142 : memref<1x128xi32, #tpu.memory_space<vmem>> -> memref<128xi32, #tpu.memory_space<vmem>>
      %dma_start3A_144 = arith.constant 0 : i32
      %dma_start3A_145 = tpu.memref_slice %arg8[%dma_start3A_144] : memref<100352xf32, #tpu.memory_space<vmem_shared>> -> memref<100352xf32, #tpu.memory_space<vmem_shared>>
      tpu.enqueue_indirect_dma source(%arg6 : memref<128xf32, #tpu.memory_space<vmem>>) target(%dma_start3A_145 : memref<100352xf32, #tpu.memory_space<vmem_shared>>) offsets(%dma_start3A_143 : memref<128xi32, #tpu.memory_space<vmem>>) semaphore(%arg9 : memref<!tpu.dma_semaphore, #tpu.memory_space<semaphore_mem>>) {add = true}
      %dma_start3A_146 = arith.constant 9 : i32
      %dma_start3A_147 = arith.constant 0 : i32
      %dma_start3A_148 = tpu.memref_slice %arg5[%dma_start3A_146, %dma_start3A_147] : memref<16x128xi32, #tpu.memory_space<vmem>> -> memref<1x128xi32, #tpu.memory_space<vmem>>
      %dma_start3A_149 = tpu.memref_squeeze %dma_start3A_148 : memref<1x128xi32, #tpu.memory_space<vmem>> -> memref<128xi32, #tpu.memory_space<vmem>>
      %dma_start3A_150 = arith.constant 0 : i32
      %dma_start3A_151 = tpu.memref_slice %arg8[%dma_start3A_150] : memref<100352xf32, #tpu.memory_space<vmem_shared>> -> memref<100352xf32, #tpu.memory_space<vmem_shared>>
      tpu.enqueue_indirect_dma source(%arg6 : memref<128xf32, #tpu.memory_space<vmem>>) target(%dma_start3A_151 : memref<100352xf32, #tpu.memory_space<vmem_shared>>) offsets(%dma_start3A_149 : memref<128xi32, #tpu.memory_space<vmem>>) semaphore(%arg9 : memref<!tpu.dma_semaphore, #tpu.memory_space<semaphore_mem>>) {add = true}
      %dma_start3A_152 = arith.constant 10 : i32
      %dma_start3A_153 = arith.constant 0 : i32
      %dma_start3A_154 = tpu.memref_slice %arg5[%dma_start3A_152, %dma_start3A_153] : memref<16x128xi32, #tpu.memory_space<vmem>> -> memref<1x128xi32, #tpu.memory_space<vmem>>
      %dma_start3A_155 = tpu.memref_squeeze %dma_start3A_154 : memref<1x128xi32, #tpu.memory_space<vmem>> -> memref<128xi32, #tpu.memory_space<vmem>>
      %dma_start3A_156 = arith.constant 0 : i32
      %dma_start3A_157 = tpu.memref_slice %arg8[%dma_start3A_156] : memref<100352xf32, #tpu.memory_space<vmem_shared>> -> memref<100352xf32, #tpu.memory_space<vmem_shared>>
      tpu.enqueue_indirect_dma source(%arg6 : memref<128xf32, #tpu.memory_space<vmem>>) target(%dma_start3A_157 : memref<100352xf32, #tpu.memory_space<vmem_shared>>) offsets(%dma_start3A_155 : memref<128xi32, #tpu.memory_space<vmem>>) semaphore(%arg9 : memref<!tpu.dma_semaphore, #tpu.memory_space<semaphore_mem>>) {add = true}
      %dma_start3A_158 = arith.constant 11 : i32
      %dma_start3A_159 = arith.constant 0 : i32
      %dma_start3A_160 = tpu.memref_slice %arg5[%dma_start3A_158, %dma_start3A_159] : memref<16x128xi32, #tpu.memory_space<vmem>> -> memref<1x128xi32, #tpu.memory_space<vmem>>
      %dma_start3A_161 = tpu.memref_squeeze %dma_start3A_160 : memref<1x128xi32, #tpu.memory_space<vmem>> -> memref<128xi32, #tpu.memory_space<vmem>>
      %dma_start3A_162 = arith.constant 0 : i32
      %dma_start3A_163 = tpu.memref_slice %arg8[%dma_start3A_162] : memref<100352xf32, #tpu.memory_space<vmem_shared>> -> memref<100352xf32, #tpu.memory_space<vmem_shared>>
      tpu.enqueue_indirect_dma source(%arg6 : memref<128xf32, #tpu.memory_space<vmem>>) target(%dma_start3A_163 : memref<100352xf32, #tpu.memory_space<vmem_shared>>) offsets(%dma_start3A_161 : memref<128xi32, #tpu.memory_space<vmem>>) semaphore(%arg9 : memref<!tpu.dma_semaphore, #tpu.memory_space<semaphore_mem>>) {add = true}
      %dma_start3A_164 = arith.constant 12 : i32
      %dma_start3A_165 = arith.constant 0 : i32
      %dma_start3A_166 = tpu.memref_slice %arg5[%dma_start3A_164, %dma_start3A_165] : memref<16x128xi32, #tpu.memory_space<vmem>> -> memref<1x128xi32, #tpu.memory_space<vmem>>
      %dma_start3A_167 = tpu.memref_squeeze %dma_start3A_166 : memref<1x128xi32, #tpu.memory_space<vmem>> -> memref<128xi32, #tpu.memory_space<vmem>>
      %dma_start3A_168 = arith.constant 0 : i32
      %dma_start3A_169 = tpu.memref_slice %arg8[%dma_start3A_168] : memref<100352xf32, #tpu.memory_space<vmem_shared>> -> memref<100352xf32, #tpu.memory_space<vmem_shared>>
      tpu.enqueue_indirect_dma source(%arg6 : memref<128xf32, #tpu.memory_space<vmem>>) target(%dma_start3A_169 : memref<100352xf32, #tpu.memory_space<vmem_shared>>) offsets(%dma_start3A_167 : memref<128xi32, #tpu.memory_space<vmem>>) semaphore(%arg9 : memref<!tpu.dma_semaphore, #tpu.memory_space<semaphore_mem>>) {add = true}
      %dma_start3A_170 = arith.constant 13 : i32
      %dma_start3A_171 = arith.constant 0 : i32
      %dma_start3A_172 = tpu.memref_slice %arg5[%dma_start3A_170, %dma_start3A_171] : memref<16x128xi32, #tpu.memory_space<vmem>> -> memref<1x128xi32, #tpu.memory_space<vmem>>
      %dma_start3A_173 = tpu.memref_squeeze %dma_start3A_172 : memref<1x128xi32, #tpu.memory_space<vmem>> -> memref<128xi32, #tpu.memory_space<vmem>>
      %dma_start3A_174 = arith.constant 0 : i32
      %dma_start3A_175 = tpu.memref_slice %arg8[%dma_start3A_174] : memref<100352xf32, #tpu.memory_space<vmem_shared>> -> memref<100352xf32, #tpu.memory_space<vmem_shared>>
      tpu.enqueue_indirect_dma source(%arg6 : memref<128xf32, #tpu.memory_space<vmem>>) target(%dma_start3A_175 : memref<100352xf32, #tpu.memory_space<vmem_shared>>) offsets(%dma_start3A_173 : memref<128xi32, #tpu.memory_space<vmem>>) semaphore(%arg9 : memref<!tpu.dma_semaphore, #tpu.memory_space<semaphore_mem>>) {add = true}
      %dma_start3A_176 = arith.constant 14 : i32
      %dma_start3A_177 = arith.constant 0 : i32
      %dma_start3A_178 = tpu.memref_slice %arg5[%dma_start3A_176, %dma_start3A_177] : memref<16x128xi32, #tpu.memory_space<vmem>> -> memref<1x128xi32, #tpu.memory_space<vmem>>
      %dma_start3A_179 = tpu.memref_squeeze %dma_start3A_178 : memref<1x128xi32, #tpu.memory_space<vmem>> -> memref<128xi32, #tpu.memory_space<vmem>>
      %dma_start3A_180 = arith.constant 0 : i32
      %dma_start3A_181 = tpu.memref_slice %arg8[%dma_start3A_180] : memref<100352xf32, #tpu.memory_space<vmem_shared>> -> memref<100352xf32, #tpu.memory_space<vmem_shared>>
      tpu.enqueue_indirect_dma source(%arg6 : memref<128xf32, #tpu.memory_space<vmem>>) target(%dma_start3A_181 : memref<100352xf32, #tpu.memory_space<vmem_shared>>) offsets(%dma_start3A_179 : memref<128xi32, #tpu.memory_space<vmem>>) semaphore(%arg9 : memref<!tpu.dma_semaphore, #tpu.memory_space<semaphore_mem>>) {add = true}
      %dma_start3A_182 = arith.constant 15 : i32
      %dma_start3A_183 = arith.constant 0 : i32
      %dma_start3A_184 = tpu.memref_slice %arg5[%dma_start3A_182, %dma_start3A_183] : memref<16x128xi32, #tpu.memory_space<vmem>> -> memref<1x128xi32, #tpu.memory_space<vmem>>
      %dma_start3A_185 = tpu.memref_squeeze %dma_start3A_184 : memref<1x128xi32, #tpu.memory_space<vmem>> -> memref<128xi32, #tpu.memory_space<vmem>>
      %dma_start3A_186 = arith.constant 0 : i32
      %dma_start3A_187 = tpu.memref_slice %arg8[%dma_start3A_186] : memref<100352xf32, #tpu.memory_space<vmem_shared>> -> memref<100352xf32, #tpu.memory_space<vmem_shared>>
      tpu.enqueue_indirect_dma source(%arg6 : memref<128xf32, #tpu.memory_space<vmem>>) target(%dma_start3A_187 : memref<100352xf32, #tpu.memory_space<vmem_shared>>) offsets(%dma_start3A_185 : memref<128xi32, #tpu.memory_space<vmem>>) semaphore(%arg9 : memref<!tpu.dma_semaphore, #tpu.memory_space<semaphore_mem>>) {add = true}
      %dma_wait3A = arith.constant 0 : i32
      %dma_wait3A_188 = arith.constant 0 : i32
      %dma_wait3A_189 = tpu.memref_slice %arg5[%dma_wait3A, %dma_wait3A_188] : memref<16x128xi32, #tpu.memory_space<vmem>> -> memref<1x128xi32, #tpu.memory_space<vmem>>
      %dma_wait3A_190 = tpu.memref_squeeze %dma_wait3A_189 : memref<1x128xi32, #tpu.memory_space<vmem>> -> memref<128xi32, #tpu.memory_space<vmem>>
      %dma_wait3A_191 = arith.constant 0 : i32
      %dma_wait3A_192 = tpu.memref_slice %arg8[%dma_wait3A_191] : memref<100352xf32, #tpu.memory_space<vmem_shared>> -> memref<100352xf32, #tpu.memory_space<vmem_shared>>
      tpu.wait_indirect_dma semaphore(%arg9 : memref<!tpu.dma_semaphore, #tpu.memory_space<semaphore_mem>>) src(%arg6 : memref<128xf32, #tpu.memory_space<vmem>>) dst(%dma_wait3A_192 : memref<100352xf32, #tpu.memory_space<vmem_shared>>)
      %dma_wait3A_193 = arith.constant 1 : i32
      %dma_wait3A_194 = arith.constant 0 : i32
      %dma_wait3A_195 = tpu.memref_slice %arg5[%dma_wait3A_193, %dma_wait3A_194] : memref<16x128xi32, #tpu.memory_space<vmem>> -> memref<1x128xi32, #tpu.memory_space<vmem>>
      %dma_wait3A_196 = tpu.memref_squeeze %dma_wait3A_195 : memref<1x128xi32, #tpu.memory_space<vmem>> -> memref<128xi32, #tpu.memory_space<vmem>>
      %dma_wait3A_197 = arith.constant 0 : i32
      %dma_wait3A_198 = tpu.memref_slice %arg8[%dma_wait3A_197] : memref<100352xf32, #tpu.memory_space<vmem_shared>> -> memref<100352xf32, #tpu.memory_space<vmem_shared>>
      tpu.wait_indirect_dma semaphore(%arg9 : memref<!tpu.dma_semaphore, #tpu.memory_space<semaphore_mem>>) src(%arg6 : memref<128xf32, #tpu.memory_space<vmem>>) dst(%dma_wait3A_198 : memref<100352xf32, #tpu.memory_space<vmem_shared>>)
      %dma_wait3A_199 = arith.constant 2 : i32
      %dma_wait3A_200 = arith.constant 0 : i32
      %dma_wait3A_201 = tpu.memref_slice %arg5[%dma_wait3A_199, %dma_wait3A_200] : memref<16x128xi32, #tpu.memory_space<vmem>> -> memref<1x128xi32, #tpu.memory_space<vmem>>
      %dma_wait3A_202 = tpu.memref_squeeze %dma_wait3A_201 : memref<1x128xi32, #tpu.memory_space<vmem>> -> memref<128xi32, #tpu.memory_space<vmem>>
      %dma_wait3A_203 = arith.constant 0 : i32
      %dma_wait3A_204 = tpu.memref_slice %arg8[%dma_wait3A_203] : memref<100352xf32, #tpu.memory_space<vmem_shared>> -> memref<100352xf32, #tpu.memory_space<vmem_shared>>
      tpu.wait_indirect_dma semaphore(%arg9 : memref<!tpu.dma_semaphore, #tpu.memory_space<semaphore_mem>>) src(%arg6 : memref<128xf32, #tpu.memory_space<vmem>>) dst(%dma_wait3A_204 : memref<100352xf32, #tpu.memory_space<vmem_shared>>)
      %dma_wait3A_205 = arith.constant 3 : i32
      %dma_wait3A_206 = arith.constant 0 : i32
      %dma_wait3A_207 = tpu.memref_slice %arg5[%dma_wait3A_205, %dma_wait3A_206] : memref<16x128xi32, #tpu.memory_space<vmem>> -> memref<1x128xi32, #tpu.memory_space<vmem>>
      %dma_wait3A_208 = tpu.memref_squeeze %dma_wait3A_207 : memref<1x128xi32, #tpu.memory_space<vmem>> -> memref<128xi32, #tpu.memory_space<vmem>>
      %dma_wait3A_209 = arith.constant 0 : i32
      %dma_wait3A_210 = tpu.memref_slice %arg8[%dma_wait3A_209] : memref<100352xf32, #tpu.memory_space<vmem_shared>> -> memref<100352xf32, #tpu.memory_space<vmem_shared>>
      tpu.wait_indirect_dma semaphore(%arg9 : memref<!tpu.dma_semaphore, #tpu.memory_space<semaphore_mem>>) src(%arg6 : memref<128xf32, #tpu.memory_space<vmem>>) dst(%dma_wait3A_210 : memref<100352xf32, #tpu.memory_space<vmem_shared>>)
      %dma_wait3A_211 = arith.constant 4 : i32
      %dma_wait3A_212 = arith.constant 0 : i32
      %dma_wait3A_213 = tpu.memref_slice %arg5[%dma_wait3A_211, %dma_wait3A_212] : memref<16x128xi32, #tpu.memory_space<vmem>> -> memref<1x128xi32, #tpu.memory_space<vmem>>
      %dma_wait3A_214 = tpu.memref_squeeze %dma_wait3A_213 : memref<1x128xi32, #tpu.memory_space<vmem>> -> memref<128xi32, #tpu.memory_space<vmem>>
      %dma_wait3A_215 = arith.constant 0 : i32
      %dma_wait3A_216 = tpu.memref_slice %arg8[%dma_wait3A_215] : memref<100352xf32, #tpu.memory_space<vmem_shared>> -> memref<100352xf32, #tpu.memory_space<vmem_shared>>
      tpu.wait_indirect_dma semaphore(%arg9 : memref<!tpu.dma_semaphore, #tpu.memory_space<semaphore_mem>>) src(%arg6 : memref<128xf32, #tpu.memory_space<vmem>>) dst(%dma_wait3A_216 : memref<100352xf32, #tpu.memory_space<vmem_shared>>)
      %dma_wait3A_217 = arith.constant 5 : i32
      %dma_wait3A_218 = arith.constant 0 : i32
      %dma_wait3A_219 = tpu.memref_slice %arg5[%dma_wait3A_217, %dma_wait3A_218] : memref<16x128xi32, #tpu.memory_space<vmem>> -> memref<1x128xi32, #tpu.memory_space<vmem>>
      %dma_wait3A_220 = tpu.memref_squeeze %dma_wait3A_219 : memref<1x128xi32, #tpu.memory_space<vmem>> -> memref<128xi32, #tpu.memory_space<vmem>>
      %dma_wait3A_221 = arith.constant 0 : i32
      %dma_wait3A_222 = tpu.memref_slice %arg8[%dma_wait3A_221] : memref<100352xf32, #tpu.memory_space<vmem_shared>> -> memref<100352xf32, #tpu.memory_space<vmem_shared>>
      tpu.wait_indirect_dma semaphore(%arg9 : memref<!tpu.dma_semaphore, #tpu.memory_space<semaphore_mem>>) src(%arg6 : memref<128xf32, #tpu.memory_space<vmem>>) dst(%dma_wait3A_222 : memref<100352xf32, #tpu.memory_space<vmem_shared>>)
      %dma_wait3A_223 = arith.constant 6 : i32
      %dma_wait3A_224 = arith.constant 0 : i32
      %dma_wait3A_225 = tpu.memref_slice %arg5[%dma_wait3A_223, %dma_wait3A_224] : memref<16x128xi32, #tpu.memory_space<vmem>> -> memref<1x128xi32, #tpu.memory_space<vmem>>
      %dma_wait3A_226 = tpu.memref_squeeze %dma_wait3A_225 : memref<1x128xi32, #tpu.memory_space<vmem>> -> memref<128xi32, #tpu.memory_space<vmem>>
      %dma_wait3A_227 = arith.constant 0 : i32
      %dma_wait3A_228 = tpu.memref_slice %arg8[%dma_wait3A_227] : memref<100352xf32, #tpu.memory_space<vmem_shared>> -> memref<100352xf32, #tpu.memory_space<vmem_shared>>
      tpu.wait_indirect_dma semaphore(%arg9 : memref<!tpu.dma_semaphore, #tpu.memory_space<semaphore_mem>>) src(%arg6 : memref<128xf32, #tpu.memory_space<vmem>>) dst(%dma_wait3A_228 : memref<100352xf32, #tpu.memory_space<vmem_shared>>)
      %dma_wait3A_229 = arith.constant 7 : i32
      %dma_wait3A_230 = arith.constant 0 : i32
      %dma_wait3A_231 = tpu.memref_slice %arg5[%dma_wait3A_229, %dma_wait3A_230] : memref<16x128xi32, #tpu.memory_space<vmem>> -> memref<1x128xi32, #tpu.memory_space<vmem>>
      %dma_wait3A_232 = tpu.memref_squeeze %dma_wait3A_231 : memref<1x128xi32, #tpu.memory_space<vmem>> -> memref<128xi32, #tpu.memory_space<vmem>>
      %dma_wait3A_233 = arith.constant 0 : i32
      %dma_wait3A_234 = tpu.memref_slice %arg8[%dma_wait3A_233] : memref<100352xf32, #tpu.memory_space<vmem_shared>> -> memref<100352xf32, #tpu.memory_space<vmem_shared>>
      tpu.wait_indirect_dma semaphore(%arg9 : memref<!tpu.dma_semaphore, #tpu.memory_space<semaphore_mem>>) src(%arg6 : memref<128xf32, #tpu.memory_space<vmem>>) dst(%dma_wait3A_234 : memref<100352xf32, #tpu.memory_space<vmem_shared>>)
      %dma_wait3A_235 = arith.constant 8 : i32
      %dma_wait3A_236 = arith.constant 0 : i32
      %dma_wait3A_237 = tpu.memref_slice %arg5[%dma_wait3A_235, %dma_wait3A_236] : memref<16x128xi32, #tpu.memory_space<vmem>> -> memref<1x128xi32, #tpu.memory_space<vmem>>
      %dma_wait3A_238 = tpu.memref_squeeze %dma_wait3A_237 : memref<1x128xi32, #tpu.memory_space<vmem>> -> memref<128xi32, #tpu.memory_space<vmem>>
      %dma_wait3A_239 = arith.constant 0 : i32
      %dma_wait3A_240 = tpu.memref_slice %arg8[%dma_wait3A_239] : memref<100352xf32, #tpu.memory_space<vmem_shared>> -> memref<100352xf32, #tpu.memory_space<vmem_shared>>
      tpu.wait_indirect_dma semaphore(%arg9 : memref<!tpu.dma_semaphore, #tpu.memory_space<semaphore_mem>>) src(%arg6 : memref<128xf32, #tpu.memory_space<vmem>>) dst(%dma_wait3A_240 : memref<100352xf32, #tpu.memory_space<vmem_shared>>)
      %dma_wait3A_241 = arith.constant 9 : i32
      %dma_wait3A_242 = arith.constant 0 : i32
      %dma_wait3A_243 = tpu.memref_slice %arg5[%dma_wait3A_241, %dma_wait3A_242] : memref<16x128xi32, #tpu.memory_space<vmem>> -> memref<1x128xi32, #tpu.memory_space<vmem>>
      %dma_wait3A_244 = tpu.memref_squeeze %dma_wait3A_243 : memref<1x128xi32, #tpu.memory_space<vmem>> -> memref<128xi32, #tpu.memory_space<vmem>>
      %dma_wait3A_245 = arith.constant 0 : i32
      %dma_wait3A_246 = tpu.memref_slice %arg8[%dma_wait3A_245] : memref<100352xf32, #tpu.memory_space<vmem_shared>> -> memref<100352xf32, #tpu.memory_space<vmem_shared>>
      tpu.wait_indirect_dma semaphore(%arg9 : memref<!tpu.dma_semaphore, #tpu.memory_space<semaphore_mem>>) src(%arg6 : memref<128xf32, #tpu.memory_space<vmem>>) dst(%dma_wait3A_246 : memref<100352xf32, #tpu.memory_space<vmem_shared>>)
      %dma_wait3A_247 = arith.constant 10 : i32
      %dma_wait3A_248 = arith.constant 0 : i32
      %dma_wait3A_249 = tpu.memref_slice %arg5[%dma_wait3A_247, %dma_wait3A_248] : memref<16x128xi32, #tpu.memory_space<vmem>> -> memref<1x128xi32, #tpu.memory_space<vmem>>
      %dma_wait3A_250 = tpu.memref_squeeze %dma_wait3A_249 : memref<1x128xi32, #tpu.memory_space<vmem>> -> memref<128xi32, #tpu.memory_space<vmem>>
      %dma_wait3A_251 = arith.constant 0 : i32
      %dma_wait3A_252 = tpu.memref_slice %arg8[%dma_wait3A_251] : memref<100352xf32, #tpu.memory_space<vmem_shared>> -> memref<100352xf32, #tpu.memory_space<vmem_shared>>
      tpu.wait_indirect_dma semaphore(%arg9 : memref<!tpu.dma_semaphore, #tpu.memory_space<semaphore_mem>>) src(%arg6 : memref<128xf32, #tpu.memory_space<vmem>>) dst(%dma_wait3A_252 : memref<100352xf32, #tpu.memory_space<vmem_shared>>)
      %dma_wait3A_253 = arith.constant 11 : i32
      %dma_wait3A_254 = arith.constant 0 : i32
      %dma_wait3A_255 = tpu.memref_slice %arg5[%dma_wait3A_253, %dma_wait3A_254] : memref<16x128xi32, #tpu.memory_space<vmem>> -> memref<1x128xi32, #tpu.memory_space<vmem>>
      %dma_wait3A_256 = tpu.memref_squeeze %dma_wait3A_255 : memref<1x128xi32, #tpu.memory_space<vmem>> -> memref<128xi32, #tpu.memory_space<vmem>>
      %dma_wait3A_257 = arith.constant 0 : i32
      %dma_wait3A_258 = tpu.memref_slice %arg8[%dma_wait3A_257] : memref<100352xf32, #tpu.memory_space<vmem_shared>> -> memref<100352xf32, #tpu.memory_space<vmem_shared>>
      tpu.wait_indirect_dma semaphore(%arg9 : memref<!tpu.dma_semaphore, #tpu.memory_space<semaphore_mem>>) src(%arg6 : memref<128xf32, #tpu.memory_space<vmem>>) dst(%dma_wait3A_258 : memref<100352xf32, #tpu.memory_space<vmem_shared>>)
      %dma_wait3A_259 = arith.constant 12 : i32
      %dma_wait3A_260 = arith.constant 0 : i32
      %dma_wait3A_261 = tpu.memref_slice %arg5[%dma_wait3A_259, %dma_wait3A_260] : memref<16x128xi32, #tpu.memory_space<vmem>> -> memref<1x128xi32, #tpu.memory_space<vmem>>
      %dma_wait3A_262 = tpu.memref_squeeze %dma_wait3A_261 : memref<1x128xi32, #tpu.memory_space<vmem>> -> memref<128xi32, #tpu.memory_space<vmem>>
      %dma_wait3A_263 = arith.constant 0 : i32
      %dma_wait3A_264 = tpu.memref_slice %arg8[%dma_wait3A_263] : memref<100352xf32, #tpu.memory_space<vmem_shared>> -> memref<100352xf32, #tpu.memory_space<vmem_shared>>
      tpu.wait_indirect_dma semaphore(%arg9 : memref<!tpu.dma_semaphore, #tpu.memory_space<semaphore_mem>>) src(%arg6 : memref<128xf32, #tpu.memory_space<vmem>>) dst(%dma_wait3A_264 : memref<100352xf32, #tpu.memory_space<vmem_shared>>)
      %dma_wait3A_265 = arith.constant 13 : i32
      %dma_wait3A_266 = arith.constant 0 : i32
      %dma_wait3A_267 = tpu.memref_slice %arg5[%dma_wait3A_265, %dma_wait3A_266] : memref<16x128xi32, #tpu.memory_space<vmem>> -> memref<1x128xi32, #tpu.memory_space<vmem>>
      %dma_wait3A_268 = tpu.memref_squeeze %dma_wait3A_267 : memref<1x128xi32, #tpu.memory_space<vmem>> -> memref<128xi32, #tpu.memory_space<vmem>>
      %dma_wait3A_269 = arith.constant 0 : i32
      %dma_wait3A_270 = tpu.memref_slice %arg8[%dma_wait3A_269] : memref<100352xf32, #tpu.memory_space<vmem_shared>> -> memref<100352xf32, #tpu.memory_space<vmem_shared>>
      tpu.wait_indirect_dma semaphore(%arg9 : memref<!tpu.dma_semaphore, #tpu.memory_space<semaphore_mem>>) src(%arg6 : memref<128xf32, #tpu.memory_space<vmem>>) dst(%dma_wait3A_270 : memref<100352xf32, #tpu.memory_space<vmem_shared>>)
      %dma_wait3A_271 = arith.constant 14 : i32
      %dma_wait3A_272 = arith.constant 0 : i32
      %dma_wait3A_273 = tpu.memref_slice %arg5[%dma_wait3A_271, %dma_wait3A_272] : memref<16x128xi32, #tpu.memory_space<vmem>> -> memref<1x128xi32, #tpu.memory_space<vmem>>
      %dma_wait3A_274 = tpu.memref_squeeze %dma_wait3A_273 : memref<1x128xi32, #tpu.memory_space<vmem>> -> memref<128xi32, #tpu.memory_space<vmem>>
      %dma_wait3A_275 = arith.constant 0 : i32
      %dma_wait3A_276 = tpu.memref_slice %arg8[%dma_wait3A_275] : memref<100352xf32, #tpu.memory_space<vmem_shared>> -> memref<100352xf32, #tpu.memory_space<vmem_shared>>
      tpu.wait_indirect_dma semaphore(%arg9 : memref<!tpu.dma_semaphore, #tpu.memory_space<semaphore_mem>>) src(%arg6 : memref<128xf32, #tpu.memory_space<vmem>>) dst(%dma_wait3A_276 : memref<100352xf32, #tpu.memory_space<vmem_shared>>)
      %dma_wait3A_277 = arith.constant 15 : i32
      %dma_wait3A_278 = arith.constant 0 : i32
      %dma_wait3A_279 = tpu.memref_slice %arg5[%dma_wait3A_277, %dma_wait3A_278] : memref<16x128xi32, #tpu.memory_space<vmem>> -> memref<1x128xi32, #tpu.memory_space<vmem>>
      %dma_wait3A_280 = tpu.memref_squeeze %dma_wait3A_279 : memref<1x128xi32, #tpu.memory_space<vmem>> -> memref<128xi32, #tpu.memory_space<vmem>>
      %dma_wait3A_281 = arith.constant 0 : i32
      %dma_wait3A_282 = tpu.memref_slice %arg8[%dma_wait3A_281] : memref<100352xf32, #tpu.memory_space<vmem_shared>> -> memref<100352xf32, #tpu.memory_space<vmem_shared>>
      tpu.wait_indirect_dma semaphore(%arg9 : memref<!tpu.dma_semaphore, #tpu.memory_space<semaphore_mem>>) src(%arg6 : memref<128xf32, #tpu.memory_space<vmem>>) dst(%dma_wait3A_282 : memref<100352xf32, #tpu.memory_space<vmem_shared>>)
    }
    %eq3A_65 = arith.constant 15 : i32
    %eq3A_66 = arith.cmpi eq, %arg1, %eq3A_65 : i32
    %convert_element_type3A = arith.extui %eq3A_66 : i1 to i32
    %cond3A = arith.constant 0 : i32
    %cond3A_67 = arith.cmpi ne, %convert_element_type3A, %cond3A : i32
    scf.if %cond3A_67 {
      %add3A = arith.constant 736 : i32
      %add3A_80 = arith.addi %mul3A_53, %add3A : i32
      %eq3A_81 = arith.constant 0 : i32
      %eq3A_82 = arith.cmpi eq, %arg0, %eq3A_81 : i32
      %convert_element_type3A_83 = arith.extui %eq3A_82 : i1 to i32
      %cond3A_84 = arith.constant 0 : i32
      %cond3A_85 = arith.cmpi ne, %convert_element_type3A_83, %cond3A_84 : i32
      scf.if %cond3A_85 {
        "tpu.region"() ({
          %run_scoped3A = tpu.sem_alloc : memref<!tpu.dma_semaphore, #tpu.memory_space<semaphore_mem>>
          %dma_start3A_137 = arith.constant 0 : i32
          %dma_start3A_138 = arith.constant 0 : i32
          %dma_start3A_139 = tpu.memref_slice %arg5[%dma_start3A_137, %dma_start3A_138] : memref<16x128xi32, #tpu.memory_space<vmem>> -> memref<4x128xi32, #tpu.memory_space<vmem>>
          %dma_start3A_140 = arith.constant 0 : i32
          %dma_start3A_141 = tpu.memref_slice %arg2[%add3A_80, %dma_start3A_140] : memref<12500x128xi32, #tpu.memory_space<hbm>> -> memref<4x128xi32, #tpu.memory_space<hbm>>
          %dma_start3A_142 = arith.constant 0 : i32
          %dma_start3A_143 = arith.constant 0 : i32
          %dma_start3A_144 = tpu.memref_slice %arg5[%dma_start3A_142, %dma_start3A_143] : memref<16x128xi32, #tpu.memory_space<vmem>> -> memref<4x128xi32, #tpu.memory_space<vmem>>
          %dma_start3A_145 = arith.constant 0 : i32
          %dma_start3A_146 = tpu.memref_slice %arg2[%add3A_80, %dma_start3A_145] : memref<12500x128xi32, #tpu.memory_space<hbm>> -> memref<4x128xi32, #tpu.memory_space<hbm>>
          tpu.enqueue_dma source(%dma_start3A_146 : memref<4x128xi32, #tpu.memory_space<hbm>>) target(%dma_start3A_144 : memref<4x128xi32, #tpu.memory_space<vmem>>) target_semaphore(%run_scoped3A : memref<!tpu.dma_semaphore, #tpu.memory_space<semaphore_mem>>)
          %dma_wait3A_147 = arith.constant 0 : i32
          %dma_wait3A_148 = arith.constant 0 : i32
          %dma_wait3A_149 = tpu.memref_slice %arg5[%dma_wait3A_147, %dma_wait3A_148] : memref<16x128xi32, #tpu.memory_space<vmem>> -> memref<4x128xi32, #tpu.memory_space<vmem>>
          %dma_wait3A_150 = arith.constant 0 : i32
          %dma_wait3A_151 = tpu.memref_slice %arg2[%add3A_80, %dma_wait3A_150] : memref<12500x128xi32, #tpu.memory_space<hbm>> -> memref<4x128xi32, #tpu.memory_space<hbm>>
          %dma_wait3A_152 = arith.constant 0 : i32
          %dma_wait3A_153 = arith.constant 0 : i32
          %dma_wait3A_154 = tpu.memref_slice %arg5[%dma_wait3A_152, %dma_wait3A_153] : memref<16x128xi32, #tpu.memory_space<vmem>> -> memref<4x128xi32, #tpu.memory_space<vmem>>
          %dma_wait3A_155 = arith.constant 0 : i32
          %dma_wait3A_156 = tpu.memref_slice %arg2[%add3A_80, %dma_wait3A_155] : memref<12500x128xi32, #tpu.memory_space<hbm>> -> memref<4x128xi32, #tpu.memory_space<hbm>>
          tpu.wait_dma2 semaphore(%run_scoped3A : memref<!tpu.dma_semaphore, #tpu.memory_space<semaphore_mem>>) src(%dma_wait3A_156 : memref<4x128xi32, #tpu.memory_space<hbm>>) dst(%dma_wait3A_154 : memref<4x128xi32, #tpu.memory_space<vmem>>)
          tpu.yield
        }) : () -> ()
      } else {
      }
      %eq3A_86 = arith.constant 1 : i32
      %eq3A_87 = arith.cmpi eq, %arg0, %eq3A_86 : i32
      %convert_element_type3A_88 = arith.extui %eq3A_87 : i1 to i32
      %cond3A_89 = arith.constant 0 : i32
      %cond3A_90 = arith.cmpi ne, %convert_element_type3A_88, %cond3A_89 : i32
      scf.if %cond3A_90 {
        "tpu.region"() ({
          %run_scoped3A = tpu.sem_alloc : memref<!tpu.dma_semaphore, #tpu.memory_space<semaphore_mem>>
          %dma_start3A_137 = arith.constant 0 : i32
          %dma_start3A_138 = arith.constant 0 : i32
          %dma_start3A_139 = tpu.memref_slice %arg5[%dma_start3A_137, %dma_start3A_138] : memref<16x128xi32, #tpu.memory_space<vmem>> -> memref<4x128xi32, #tpu.memory_space<vmem>>
          %dma_start3A_140 = arith.constant 0 : i32
          %dma_start3A_141 = tpu.memref_slice %arg3[%add3A_80, %dma_start3A_140] : memref<12500x128xi32, #tpu.memory_space<hbm>> -> memref<4x128xi32, #tpu.memory_space<hbm>>
          %dma_start3A_142 = arith.constant 0 : i32
          %dma_start3A_143 = arith.constant 0 : i32
          %dma_start3A_144 = tpu.memref_slice %arg5[%dma_start3A_142, %dma_start3A_143] : memref<16x128xi32, #tpu.memory_space<vmem>> -> memref<4x128xi32, #tpu.memory_space<vmem>>
          %dma_start3A_145 = arith.constant 0 : i32
          %dma_start3A_146 = tpu.memref_slice %arg3[%add3A_80, %dma_start3A_145] : memref<12500x128xi32, #tpu.memory_space<hbm>> -> memref<4x128xi32, #tpu.memory_space<hbm>>
          tpu.enqueue_dma source(%dma_start3A_146 : memref<4x128xi32, #tpu.memory_space<hbm>>) target(%dma_start3A_144 : memref<4x128xi32, #tpu.memory_space<vmem>>) target_semaphore(%run_scoped3A : memref<!tpu.dma_semaphore, #tpu.memory_space<semaphore_mem>>)
          %dma_wait3A_147 = arith.constant 0 : i32
          %dma_wait3A_148 = arith.constant 0 : i32
          %dma_wait3A_149 = tpu.memref_slice %arg5[%dma_wait3A_147, %dma_wait3A_148] : memref<16x128xi32, #tpu.memory_space<vmem>> -> memref<4x128xi32, #tpu.memory_space<vmem>>
          %dma_wait3A_150 = arith.constant 0 : i32
          %dma_wait3A_151 = tpu.memref_slice %arg3[%add3A_80, %dma_wait3A_150] : memref<12500x128xi32, #tpu.memory_space<hbm>> -> memref<4x128xi32, #tpu.memory_space<hbm>>
          %dma_wait3A_152 = arith.constant 0 : i32
          %dma_wait3A_153 = arith.constant 0 : i32
          %dma_wait3A_154 = tpu.memref_slice %arg5[%dma_wait3A_152, %dma_wait3A_153] : memref<16x128xi32, #tpu.memory_space<vmem>> -> memref<4x128xi32, #tpu.memory_space<vmem>>
          %dma_wait3A_155 = arith.constant 0 : i32
          %dma_wait3A_156 = tpu.memref_slice %arg3[%add3A_80, %dma_wait3A_155] : memref<12500x128xi32, #tpu.memory_space<hbm>> -> memref<4x128xi32, #tpu.memory_space<hbm>>
          tpu.wait_dma2 semaphore(%run_scoped3A : memref<!tpu.dma_semaphore, #tpu.memory_space<semaphore_mem>>) src(%dma_wait3A_156 : memref<4x128xi32, #tpu.memory_space<hbm>>) dst(%dma_wait3A_154 : memref<4x128xi32, #tpu.memory_space<vmem>>)
          tpu.yield
        }) : () -> ()
      } else {
      }
      %dma_start3A = arith.constant 0 : i32
      %dma_start3A_91 = arith.constant 0 : i32
      %dma_start3A_92 = tpu.memref_slice %arg5[%dma_start3A, %dma_start3A_91] : memref<16x128xi32, #tpu.memory_space<vmem>> -> memref<1x128xi32, #tpu.memory_space<vmem>>
      %dma_start3A_93 = tpu.memref_squeeze %dma_start3A_92 : memref<1x128xi32, #tpu.memory_space<vmem>> -> memref<128xi32, #tpu.memory_space<vmem>>
      %dma_start3A_94 = arith.constant 0 : i32
      %dma_start3A_95 = tpu.memref_slice %arg8[%dma_start3A_94] : memref<100352xf32, #tpu.memory_space<vmem_shared>> -> memref<100352xf32, #tpu.memory_space<vmem_shared>>
      tpu.enqueue_indirect_dma source(%arg6 : memref<128xf32, #tpu.memory_space<vmem>>) target(%dma_start3A_95 : memref<100352xf32, #tpu.memory_space<vmem_shared>>) offsets(%dma_start3A_93 : memref<128xi32, #tpu.memory_space<vmem>>) semaphore(%arg9 : memref<!tpu.dma_semaphore, #tpu.memory_space<semaphore_mem>>) {add = true}
      %dma_start3A_96 = arith.constant 1 : i32
      %dma_start3A_97 = arith.constant 0 : i32
      %dma_start3A_98 = tpu.memref_slice %arg5[%dma_start3A_96, %dma_start3A_97] : memref<16x128xi32, #tpu.memory_space<vmem>> -> memref<1x128xi32, #tpu.memory_space<vmem>>
      %dma_start3A_99 = tpu.memref_squeeze %dma_start3A_98 : memref<1x128xi32, #tpu.memory_space<vmem>> -> memref<128xi32, #tpu.memory_space<vmem>>
      %dma_start3A_100 = arith.constant 0 : i32
      %dma_start3A_101 = tpu.memref_slice %arg8[%dma_start3A_100] : memref<100352xf32, #tpu.memory_space<vmem_shared>> -> memref<100352xf32, #tpu.memory_space<vmem_shared>>
      tpu.enqueue_indirect_dma source(%arg6 : memref<128xf32, #tpu.memory_space<vmem>>) target(%dma_start3A_101 : memref<100352xf32, #tpu.memory_space<vmem_shared>>) offsets(%dma_start3A_99 : memref<128xi32, #tpu.memory_space<vmem>>) semaphore(%arg9 : memref<!tpu.dma_semaphore, #tpu.memory_space<semaphore_mem>>) {add = true}
      %dma_start3A_102 = arith.constant 2 : i32
      %dma_start3A_103 = arith.constant 0 : i32
      %dma_start3A_104 = tpu.memref_slice %arg5[%dma_start3A_102, %dma_start3A_103] : memref<16x128xi32, #tpu.memory_space<vmem>> -> memref<1x128xi32, #tpu.memory_space<vmem>>
      %dma_start3A_105 = tpu.memref_squeeze %dma_start3A_104 : memref<1x128xi32, #tpu.memory_space<vmem>> -> memref<128xi32, #tpu.memory_space<vmem>>
      %dma_start3A_106 = arith.constant 0 : i32
      %dma_start3A_107 = tpu.memref_slice %arg8[%dma_start3A_106] : memref<100352xf32, #tpu.memory_space<vmem_shared>> -> memref<100352xf32, #tpu.memory_space<vmem_shared>>
      tpu.enqueue_indirect_dma source(%arg6 : memref<128xf32, #tpu.memory_space<vmem>>) target(%dma_start3A_107 : memref<100352xf32, #tpu.memory_space<vmem_shared>>) offsets(%dma_start3A_105 : memref<128xi32, #tpu.memory_space<vmem>>) semaphore(%arg9 : memref<!tpu.dma_semaphore, #tpu.memory_space<semaphore_mem>>) {add = true}
      %dma_start3A_108 = arith.constant 3 : i32
      %dma_start3A_109 = arith.constant 0 : i32
      %dma_start3A_110 = tpu.memref_slice %arg5[%dma_start3A_108, %dma_start3A_109] : memref<16x128xi32, #tpu.memory_space<vmem>> -> memref<1x128xi32, #tpu.memory_space<vmem>>
      %dma_start3A_111 = tpu.memref_squeeze %dma_start3A_110 : memref<1x128xi32, #tpu.memory_space<vmem>> -> memref<128xi32, #tpu.memory_space<vmem>>
      %dma_start3A_112 = arith.constant 0 : i32
      %dma_start3A_113 = tpu.memref_slice %arg8[%dma_start3A_112] : memref<100352xf32, #tpu.memory_space<vmem_shared>> -> memref<100352xf32, #tpu.memory_space<vmem_shared>>
      tpu.enqueue_indirect_dma source(%arg6 : memref<128xf32, #tpu.memory_space<vmem>>) target(%dma_start3A_113 : memref<100352xf32, #tpu.memory_space<vmem_shared>>) offsets(%dma_start3A_111 : memref<128xi32, #tpu.memory_space<vmem>>) semaphore(%arg9 : memref<!tpu.dma_semaphore, #tpu.memory_space<semaphore_mem>>) {add = true}
      %dma_wait3A = arith.constant 0 : i32
      %dma_wait3A_114 = arith.constant 0 : i32
      %dma_wait3A_115 = tpu.memref_slice %arg5[%dma_wait3A, %dma_wait3A_114] : memref<16x128xi32, #tpu.memory_space<vmem>> -> memref<1x128xi32, #tpu.memory_space<vmem>>
      %dma_wait3A_116 = tpu.memref_squeeze %dma_wait3A_115 : memref<1x128xi32, #tpu.memory_space<vmem>> -> memref<128xi32, #tpu.memory_space<vmem>>
      %dma_wait3A_117 = arith.constant 0 : i32
      %dma_wait3A_118 = tpu.memref_slice %arg8[%dma_wait3A_117] : memref<100352xf32, #tpu.memory_space<vmem_shared>> -> memref<100352xf32, #tpu.memory_space<vmem_shared>>
      tpu.wait_indirect_dma semaphore(%arg9 : memref<!tpu.dma_semaphore, #tpu.memory_space<semaphore_mem>>) src(%arg6 : memref<128xf32, #tpu.memory_space<vmem>>) dst(%dma_wait3A_118 : memref<100352xf32, #tpu.memory_space<vmem_shared>>)
      %dma_wait3A_119 = arith.constant 1 : i32
      %dma_wait3A_120 = arith.constant 0 : i32
      %dma_wait3A_121 = tpu.memref_slice %arg5[%dma_wait3A_119, %dma_wait3A_120] : memref<16x128xi32, #tpu.memory_space<vmem>> -> memref<1x128xi32, #tpu.memory_space<vmem>>
      %dma_wait3A_122 = tpu.memref_squeeze %dma_wait3A_121 : memref<1x128xi32, #tpu.memory_space<vmem>> -> memref<128xi32, #tpu.memory_space<vmem>>
      %dma_wait3A_123 = arith.constant 0 : i32
      %dma_wait3A_124 = tpu.memref_slice %arg8[%dma_wait3A_123] : memref<100352xf32, #tpu.memory_space<vmem_shared>> -> memref<100352xf32, #tpu.memory_space<vmem_shared>>
      tpu.wait_indirect_dma semaphore(%arg9 : memref<!tpu.dma_semaphore, #tpu.memory_space<semaphore_mem>>) src(%arg6 : memref<128xf32, #tpu.memory_space<vmem>>) dst(%dma_wait3A_124 : memref<100352xf32, #tpu.memory_space<vmem_shared>>)
      %dma_wait3A_125 = arith.constant 2 : i32
      %dma_wait3A_126 = arith.constant 0 : i32
      %dma_wait3A_127 = tpu.memref_slice %arg5[%dma_wait3A_125, %dma_wait3A_126] : memref<16x128xi32, #tpu.memory_space<vmem>> -> memref<1x128xi32, #tpu.memory_space<vmem>>
      %dma_wait3A_128 = tpu.memref_squeeze %dma_wait3A_127 : memref<1x128xi32, #tpu.memory_space<vmem>> -> memref<128xi32, #tpu.memory_space<vmem>>
      %dma_wait3A_129 = arith.constant 0 : i32
      %dma_wait3A_130 = tpu.memref_slice %arg8[%dma_wait3A_129] : memref<100352xf32, #tpu.memory_space<vmem_shared>> -> memref<100352xf32, #tpu.memory_space<vmem_shared>>
      tpu.wait_indirect_dma semaphore(%arg9 : memref<!tpu.dma_semaphore, #tpu.memory_space<semaphore_mem>>) src(%arg6 : memref<128xf32, #tpu.memory_space<vmem>>) dst(%dma_wait3A_130 : memref<100352xf32, #tpu.memory_space<vmem_shared>>)
      %dma_wait3A_131 = arith.constant 3 : i32
      %dma_wait3A_132 = arith.constant 0 : i32
      %dma_wait3A_133 = tpu.memref_slice %arg5[%dma_wait3A_131, %dma_wait3A_132] : memref<16x128xi32, #tpu.memory_space<vmem>> -> memref<1x128xi32, #tpu.memory_space<vmem>>
      %dma_wait3A_134 = tpu.memref_squeeze %dma_wait3A_133 : memref<1x128xi32, #tpu.memory_space<vmem>> -> memref<128xi32, #tpu.memory_space<vmem>>
      %dma_wait3A_135 = arith.constant 0 : i32
      %dma_wait3A_136 = tpu.memref_slice %arg8[%dma_wait3A_135] : memref<100352xf32, #tpu.memory_space<vmem_shared>> -> memref<100352xf32, #tpu.memory_space<vmem_shared>>
      tpu.wait_indirect_dma semaphore(%arg9 : memref<!tpu.dma_semaphore, #tpu.memory_space<semaphore_mem>>) src(%arg6 : memref<128xf32, #tpu.memory_space<vmem>>) dst(%dma_wait3A_136 : memref<100352xf32, #tpu.memory_space<vmem_shared>>)
    } else {
    }
    %barrier3A_68 = arith.constant 0 : index
    tpu.barrier barrier_id(%barrier3A_68)
    %mul3A_69 = arith.constant 6272 : i32
    %mul3A_70 = arith.muli %arg1, %mul3A_69 : i32
    %lt3A = arith.constant 15 : i32
    %lt3A_71 = arith.cmpi slt, %arg1, %lt3A : i32
    %convert_element_type3A_72 = arith.extui %lt3A_71 : i1 to i32
    %cond3A_73 = arith.constant 0 : i32
    %cond3A_74 = arith.cmpi ne, %convert_element_type3A_72, %cond3A_73 : i32
    scf.if %cond3A_74 {
      "tpu.region"() ({
        %run_scoped3A = tpu.sem_alloc : memref<!tpu.dma_semaphore, #tpu.memory_space<semaphore_mem>>
        %dma_start3A = tpu.memref_slice %arg8[%mul3A_70] : memref<100352xf32, #tpu.memory_space<vmem_shared>> -> memref<6272xf32, #tpu.memory_space<vmem_shared>>
        %dma_start3A_82 = tpu.memref_slice %arg8[%mul3A_70] : memref<100352xf32, #tpu.memory_space<vmem_shared>> -> memref<6272xf32, #tpu.memory_space<vmem_shared>>
        tpu.enqueue_dma source(%dma_start3A_82 : memref<6272xf32, #tpu.memory_space<vmem_shared>>) target(%arg7 : memref<6272xf32, #tpu.memory_space<vmem>>) target_semaphore(%run_scoped3A : memref<!tpu.dma_semaphore, #tpu.memory_space<semaphore_mem>>)
        %dma_wait3A = tpu.memref_slice %arg8[%mul3A_70] : memref<100352xf32, #tpu.memory_space<vmem_shared>> -> memref<6272xf32, #tpu.memory_space<vmem_shared>>
        %dma_wait3A_83 = tpu.memref_slice %arg8[%mul3A_70] : memref<100352xf32, #tpu.memory_space<vmem_shared>> -> memref<6272xf32, #tpu.memory_space<vmem_shared>>
        tpu.wait_dma2 semaphore(%run_scoped3A : memref<!tpu.dma_semaphore, #tpu.memory_space<semaphore_mem>>) src(%dma_wait3A_83 : memref<6272xf32, #tpu.memory_space<vmem_shared>>) dst(%arg7 : memref<6272xf32, #tpu.memory_space<vmem>>)
        tpu.yield
      }) : () -> ()
      %mul3A_80 = arith.constant 100000 : i32
      %mul3A_81 = arith.muli %arg0, %mul3A_80 : i32
      %add3A = arith.addi %mul3A_81, %mul3A_70 : i32
      "tpu.region"() ({
        %run_scoped3A = tpu.sem_alloc : memref<!tpu.dma_semaphore, #tpu.memory_space<semaphore_mem>>
        %dma_start3A = tpu.memref_slice %arg4[%add3A] : memref<200000xf32, #tpu.memory_space<hbm>> -> memref<6272xf32, #tpu.memory_space<hbm>>
        %dma_start3A_82 = tpu.memref_slice %arg4[%add3A] : memref<200000xf32, #tpu.memory_space<hbm>> -> memref<6272xf32, #tpu.memory_space<hbm>>
        tpu.enqueue_dma source(%arg7 : memref<6272xf32, #tpu.memory_space<vmem>>) target(%dma_start3A_82 : memref<6272xf32, #tpu.memory_space<hbm>>) target_semaphore(%run_scoped3A : memref<!tpu.dma_semaphore, #tpu.memory_space<semaphore_mem>>)
        %dma_wait3A = tpu.memref_slice %arg4[%add3A] : memref<200000xf32, #tpu.memory_space<hbm>> -> memref<6272xf32, #tpu.memory_space<hbm>>
        %dma_wait3A_83 = tpu.memref_slice %arg4[%add3A] : memref<200000xf32, #tpu.memory_space<hbm>> -> memref<6272xf32, #tpu.memory_space<hbm>>
        tpu.wait_dma2 semaphore(%run_scoped3A : memref<!tpu.dma_semaphore, #tpu.memory_space<semaphore_mem>>) src(%arg7 : memref<6272xf32, #tpu.memory_space<vmem>>) dst(%dma_wait3A_83 : memref<6272xf32, #tpu.memory_space<hbm>>)
        tpu.yield
      }) : () -> ()
    } else {
    }
    %eq3A_75 = arith.constant 15 : i32
    %eq3A_76 = arith.cmpi eq, %arg1, %eq3A_75 : i32
    %convert_element_type3A_77 = arith.extui %eq3A_76 : i1 to i32
    %cond3A_78 = arith.constant 0 : i32
    %cond3A_79 = arith.cmpi ne, %convert_element_type3A_77, %cond3A_78 : i32
    scf.if %cond3A_79 {
      "tpu.region"() ({
        %run_scoped3A = tpu.sem_alloc : memref<!tpu.dma_semaphore, #tpu.memory_space<semaphore_mem>>
        %dma_start3A = arith.constant 0 : i32
        %dma_start3A_82 = tpu.memref_slice %arg7[%dma_start3A] : memref<6272xf32, #tpu.memory_space<vmem>> -> memref<5920xf32, #tpu.memory_space<vmem>>
        %dma_start3A_83 = tpu.memref_slice %arg8[%mul3A_70] : memref<100352xf32, #tpu.memory_space<vmem_shared>> -> memref<5920xf32, #tpu.memory_space<vmem_shared>>
        %dma_start3A_84 = arith.constant 0 : i32
        %dma_start3A_85 = tpu.memref_slice %arg7[%dma_start3A_84] : memref<6272xf32, #tpu.memory_space<vmem>> -> memref<5920xf32, #tpu.memory_space<vmem>>
        %dma_start3A_86 = tpu.memref_slice %arg8[%mul3A_70] : memref<100352xf32, #tpu.memory_space<vmem_shared>> -> memref<5920xf32, #tpu.memory_space<vmem_shared>>
        tpu.enqueue_dma source(%dma_start3A_86 : memref<5920xf32, #tpu.memory_space<vmem_shared>>) target(%dma_start3A_85 : memref<5920xf32, #tpu.memory_space<vmem>>) target_semaphore(%run_scoped3A : memref<!tpu.dma_semaphore, #tpu.memory_space<semaphore_mem>>)
        %dma_wait3A = arith.constant 0 : i32
        %dma_wait3A_87 = tpu.memref_slice %arg7[%dma_wait3A] : memref<6272xf32, #tpu.memory_space<vmem>> -> memref<5920xf32, #tpu.memory_space<vmem>>
        %dma_wait3A_88 = tpu.memref_slice %arg8[%mul3A_70] : memref<100352xf32, #tpu.memory_space<vmem_shared>> -> memref<5920xf32, #tpu.memory_space<vmem_shared>>
        %dma_wait3A_89 = arith.constant 0 : i32
        %dma_wait3A_90 = tpu.memref_slice %arg7[%dma_wait3A_89] : memref<6272xf32, #tpu.memory_space<vmem>> -> memref<5920xf32, #tpu.memory_space<vmem>>
        %dma_wait3A_91 = tpu.memref_slice %arg8[%mul3A_70] : memref<100352xf32, #tpu.memory_space<vmem_shared>> -> memref<5920xf32, #tpu.memory_space<vmem_shared>>
        tpu.wait_dma2 semaphore(%run_scoped3A : memref<!tpu.dma_semaphore, #tpu.memory_space<semaphore_mem>>) src(%dma_wait3A_91 : memref<5920xf32, #tpu.memory_space<vmem_shared>>) dst(%dma_wait3A_90 : memref<5920xf32, #tpu.memory_space<vmem>>)
        tpu.yield
      }) : () -> ()
      %mul3A_80 = arith.constant 100000 : i32
      %mul3A_81 = arith.muli %arg0, %mul3A_80 : i32
      %add3A = arith.addi %mul3A_81, %mul3A_70 : i32
      "tpu.region"() ({
        %run_scoped3A = tpu.sem_alloc : memref<!tpu.dma_semaphore, #tpu.memory_space<semaphore_mem>>
        %dma_start3A = arith.constant 0 : i32
        %dma_start3A_82 = tpu.memref_slice %arg7[%dma_start3A] : memref<6272xf32, #tpu.memory_space<vmem>> -> memref<5920xf32, #tpu.memory_space<vmem>>
        %dma_start3A_83 = tpu.memref_slice %arg4[%add3A] : memref<200000xf32, #tpu.memory_space<hbm>> -> memref<5920xf32, #tpu.memory_space<hbm>>
        %dma_start3A_84 = tpu.memref_slice %arg4[%add3A] : memref<200000xf32, #tpu.memory_space<hbm>> -> memref<5920xf32, #tpu.memory_space<hbm>>
        %dma_start3A_85 = arith.constant 0 : i32
        %dma_start3A_86 = tpu.memref_slice %arg7[%dma_start3A_85] : memref<6272xf32, #tpu.memory_space<vmem>> -> memref<5920xf32, #tpu.memory_space<vmem>>
        tpu.enqueue_dma source(%dma_start3A_86 : memref<5920xf32, #tpu.memory_space<vmem>>) target(%dma_start3A_84 : memref<5920xf32, #tpu.memory_space<hbm>>) target_semaphore(%run_scoped3A : memref<!tpu.dma_semaphore, #tpu.memory_space<semaphore_mem>>)
        %dma_wait3A = arith.constant 0 : i32
        %dma_wait3A_87 = tpu.memref_slice %arg7[%dma_wait3A] : memref<6272xf32, #tpu.memory_space<vmem>> -> memref<5920xf32, #tpu.memory_space<vmem>>
        %dma_wait3A_88 = tpu.memref_slice %arg4[%add3A] : memref<200000xf32, #tpu.memory_space<hbm>> -> memref<5920xf32, #tpu.memory_space<hbm>>
        %dma_wait3A_89 = tpu.memref_slice %arg4[%add3A] : memref<200000xf32, #tpu.memory_space<hbm>> -> memref<5920xf32, #tpu.memory_space<hbm>>
        %dma_wait3A_90 = arith.constant 0 : i32
        %dma_wait3A_91 = tpu.memref_slice %arg7[%dma_wait3A_90] : memref<6272xf32, #tpu.memory_space<vmem>> -> memref<5920xf32, #tpu.memory_space<vmem>>
        tpu.wait_dma2 semaphore(%run_scoped3A : memref<!tpu.dma_semaphore, #tpu.memory_space<semaphore_mem>>) src(%dma_wait3A_91 : memref<5920xf32, #tpu.memory_space<vmem>>) dst(%dma_wait3A_89 : memref<5920xf32, #tpu.memory_space<hbm>>)
        tpu.yield
      }) : () -> ()
    } else {
    }
    return
  }
}

#map = affine_map<(d0, d1) -> (0, 0)>
module attributes {stable_mosaic.version = 14 : i64} {
  func.func @msg_kernel(%arg0: i32, %arg1: i32, %arg2: memref<12500x128xi32, #tpu.memory_space<hbm>>, %arg3: memref<12500x128xi32, #tpu.memory_space<hbm>>, %arg4: memref<12500x128xi32, #tpu.memory_space<hbm>>, %arg5: memref<200000x16xf32, #tpu.memory_space<hbm>>, %arg6: memref<200000x16xf32, #tpu.memory_space<hbm>>, %arg7: memref<8x128xi32, #tpu.memory_space<vmem>>, %arg8: memref<8x128xi32, #tpu.memory_space<vmem>>, %arg9: memref<1024x16xf32, #tpu.memory_space<vmem>>, %arg10: memref<100352x16xf32, #tpu.memory_space<vmem_shared>>, %arg11: memref<!tpu.dma_semaphore, #tpu.memory_space<semaphore_mem>>, %arg12: memref<!tpu.dma_semaphore, #tpu.memory_space<semaphore_mem>>) attributes {dimension_semantics = [#tpu.dimension_semantics<core_parallel>, #tpu.dimension_semantics<subcore_parallel>], iteration_bounds = array<i64: 2, 16>, scalar_prefetch = 0 : i64, scratch_operands = 6 : i64, tpu.core_type = #tpu.core_type<sc_vector_subcore>, window_params = [{transform_indices = #map}, {transform_indices = #map}, {transform_indices = #map}, {transform_indices = #map}, {transform_indices = #map}]} {
    %scan3A = arith.constant 0 : i32
    %scan3A_0 = arith.constant 0 : i32
    %scan3A_1 = arith.constant 1024 : i32
    %scan3A_2 = arith.addi %scan3A_0, %scan3A_1 : i32
    %scan3A_3 = arith.constant 1 : i32
    scf.for %scan3A_55 = %scan3A_0 to %scan3A_2 step %scan3A_3  : i32 {
      %broadcast_in_dim3A = arith.constant 0.000000e+00 : f32
      %broadcast_in_dim3A_56 = vector.broadcast %broadcast_in_dim3A : f32 to vector<16xf32>
      %swap3A = arith.index_cast %scan3A_55 : i32 to index
      %swap3A_57 = arith.constant 0 : index
      %swap3A_58 = tpu.vector_load %arg9[%swap3A, %swap3A_57] {strides = array<i32>} : memref<1024x16xf32, #tpu.memory_space<vmem>>, vector<1x16xf32>,
      %swap3A_59 = vector.shape_cast %swap3A_58 : vector<1x16xf32> to vector<16xf32>
      %swap3A_60 = vector.shape_cast %broadcast_in_dim3A_56 : vector<16xf32> to vector<1x16xf32>
      tpu.vector_store %arg9[%swap3A, %swap3A_57], %swap3A_60 {strides = array<i32>} : memref<1024x16xf32, #tpu.memory_space<vmem>>, vector<1x16xf32>,
    }
    %scan3A_4 = arith.constant 1024 : i32
    %mul3A = arith.constant 6272 : i32
    %mul3A_5 = arith.muli %arg1, %mul3A : i32
    %multiple_of3A = tpu.assume_multiple %mul3A_5, 16 : i32
    %add3A = arith.constant 0 : i32
    %add3A_6 = arith.addi %multiple_of3A, %add3A : i32
    "tpu.region"() ({
      %run_scoped3A = tpu.sem_alloc : memref<!tpu.dma_semaphore, #tpu.memory_space<semaphore_mem>>
      %dma_start3A = arith.constant 0 : i32
      %dma_start3A_55 = tpu.memref_slice %arg10[%add3A_6, %dma_start3A] : memref<100352x16xf32, #tpu.memory_space<vmem_shared>> -> memref<1024x16xf32, #tpu.memory_space<vmem_shared>>
      %dma_start3A_56 = arith.constant 0 : i32
      %dma_start3A_57 = tpu.memref_slice %arg10[%add3A_6, %dma_start3A_56] : memref<100352x16xf32, #tpu.memory_space<vmem_shared>> -> memref<1024x16xf32, #tpu.memory_space<vmem_shared>>
      tpu.enqueue_dma source(%arg9 : memref<1024x16xf32, #tpu.memory_space<vmem>>) target(%dma_start3A_57 : memref<1024x16xf32, #tpu.memory_space<vmem_shared>>) target_semaphore(%run_scoped3A : memref<!tpu.dma_semaphore, #tpu.memory_space<semaphore_mem>>)
      %dma_wait3A = arith.constant 0 : i32
      %dma_wait3A_58 = tpu.memref_slice %arg10[%add3A_6, %dma_wait3A] : memref<100352x16xf32, #tpu.memory_space<vmem_shared>> -> memref<1024x16xf32, #tpu.memory_space<vmem_shared>>
      %dma_wait3A_59 = arith.constant 0 : i32
      %dma_wait3A_60 = tpu.memref_slice %arg10[%add3A_6, %dma_wait3A_59] : memref<100352x16xf32, #tpu.memory_space<vmem_shared>> -> memref<1024x16xf32, #tpu.memory_space<vmem_shared>>
      tpu.wait_dma2 semaphore(%run_scoped3A : memref<!tpu.dma_semaphore, #tpu.memory_space<semaphore_mem>>) src(%arg9 : memref<1024x16xf32, #tpu.memory_space<vmem>>) dst(%dma_wait3A_60 : memref<1024x16xf32, #tpu.memory_space<vmem_shared>>)
      tpu.yield
    }) : () -> ()
    %add3A_7 = arith.constant 1024 : i32
    %add3A_8 = arith.addi %multiple_of3A, %add3A_7 : i32
    "tpu.region"() ({
      %run_scoped3A = tpu.sem_alloc : memref<!tpu.dma_semaphore, #tpu.memory_space<semaphore_mem>>
      %dma_start3A = arith.constant 0 : i32
      %dma_start3A_55 = tpu.memref_slice %arg10[%add3A_8, %dma_start3A] : memref<100352x16xf32, #tpu.memory_space<vmem_shared>> -> memref<1024x16xf32, #tpu.memory_space<vmem_shared>>
      %dma_start3A_56 = arith.constant 0 : i32
      %dma_start3A_57 = tpu.memref_slice %arg10[%add3A_8, %dma_start3A_56] : memref<100352x16xf32, #tpu.memory_space<vmem_shared>> -> memref<1024x16xf32, #tpu.memory_space<vmem_shared>>
      tpu.enqueue_dma source(%arg9 : memref<1024x16xf32, #tpu.memory_space<vmem>>) target(%dma_start3A_57 : memref<1024x16xf32, #tpu.memory_space<vmem_shared>>) target_semaphore(%run_scoped3A : memref<!tpu.dma_semaphore, #tpu.memory_space<semaphore_mem>>)
      %dma_wait3A = arith.constant 0 : i32
      %dma_wait3A_58 = tpu.memref_slice %arg10[%add3A_8, %dma_wait3A] : memref<100352x16xf32, #tpu.memory_space<vmem_shared>> -> memref<1024x16xf32, #tpu.memory_space<vmem_shared>>
      %dma_wait3A_59 = arith.constant 0 : i32
      %dma_wait3A_60 = tpu.memref_slice %arg10[%add3A_8, %dma_wait3A_59] : memref<100352x16xf32, #tpu.memory_space<vmem_shared>> -> memref<1024x16xf32, #tpu.memory_space<vmem_shared>>
      tpu.wait_dma2 semaphore(%run_scoped3A : memref<!tpu.dma_semaphore, #tpu.memory_space<semaphore_mem>>) src(%arg9 : memref<1024x16xf32, #tpu.memory_space<vmem>>) dst(%dma_wait3A_60 : memref<1024x16xf32, #tpu.memory_space<vmem_shared>>)
      tpu.yield
    }) : () -> ()
    %add3A_9 = arith.constant 2048 : i32
    %add3A_10 = arith.addi %multiple_of3A, %add3A_9 : i32
    "tpu.region"() ({
      %run_scoped3A = tpu.sem_alloc : memref<!tpu.dma_semaphore, #tpu.memory_space<semaphore_mem>>
      %dma_start3A = arith.constant 0 : i32
      %dma_start3A_55 = tpu.memref_slice %arg10[%add3A_10, %dma_start3A] : memref<100352x16xf32, #tpu.memory_space<vmem_shared>> -> memref<1024x16xf32, #tpu.memory_space<vmem_shared>>
      %dma_start3A_56 = arith.constant 0 : i32
      %dma_start3A_57 = tpu.memref_slice %arg10[%add3A_10, %dma_start3A_56] : memref<100352x16xf32, #tpu.memory_space<vmem_shared>> -> memref<1024x16xf32, #tpu.memory_space<vmem_shared>>
      tpu.enqueue_dma source(%arg9 : memref<1024x16xf32, #tpu.memory_space<vmem>>) target(%dma_start3A_57 : memref<1024x16xf32, #tpu.memory_space<vmem_shared>>) target_semaphore(%run_scoped3A : memref<!tpu.dma_semaphore, #tpu.memory_space<semaphore_mem>>)
      %dma_wait3A = arith.constant 0 : i32
      %dma_wait3A_58 = tpu.memref_slice %arg10[%add3A_10, %dma_wait3A] : memref<100352x16xf32, #tpu.memory_space<vmem_shared>> -> memref<1024x16xf32, #tpu.memory_space<vmem_shared>>
      %dma_wait3A_59 = arith.constant 0 : i32
      %dma_wait3A_60 = tpu.memref_slice %arg10[%add3A_10, %dma_wait3A_59] : memref<100352x16xf32, #tpu.memory_space<vmem_shared>> -> memref<1024x16xf32, #tpu.memory_space<vmem_shared>>
      tpu.wait_dma2 semaphore(%run_scoped3A : memref<!tpu.dma_semaphore, #tpu.memory_space<semaphore_mem>>) src(%arg9 : memref<1024x16xf32, #tpu.memory_space<vmem>>) dst(%dma_wait3A_60 : memref<1024x16xf32, #tpu.memory_space<vmem_shared>>)
      tpu.yield
    }) : () -> ()
    %add3A_11 = arith.constant 3072 : i32
    %add3A_12 = arith.addi %multiple_of3A, %add3A_11 : i32
    "tpu.region"() ({
      %run_scoped3A = tpu.sem_alloc : memref<!tpu.dma_semaphore, #tpu.memory_space<semaphore_mem>>
      %dma_start3A = arith.constant 0 : i32
      %dma_start3A_55 = tpu.memref_slice %arg10[%add3A_12, %dma_start3A] : memref<100352x16xf32, #tpu.memory_space<vmem_shared>> -> memref<1024x16xf32, #tpu.memory_space<vmem_shared>>
      %dma_start3A_56 = arith.constant 0 : i32
      %dma_start3A_57 = tpu.memref_slice %arg10[%add3A_12, %dma_start3A_56] : memref<100352x16xf32, #tpu.memory_space<vmem_shared>> -> memref<1024x16xf32, #tpu.memory_space<vmem_shared>>
      tpu.enqueue_dma source(%arg9 : memref<1024x16xf32, #tpu.memory_space<vmem>>) target(%dma_start3A_57 : memref<1024x16xf32, #tpu.memory_space<vmem_shared>>) target_semaphore(%run_scoped3A : memref<!tpu.dma_semaphore, #tpu.memory_space<semaphore_mem>>)
      %dma_wait3A = arith.constant 0 : i32
      %dma_wait3A_58 = tpu.memref_slice %arg10[%add3A_12, %dma_wait3A] : memref<100352x16xf32, #tpu.memory_space<vmem_shared>> -> memref<1024x16xf32, #tpu.memory_space<vmem_shared>>
      %dma_wait3A_59 = arith.constant 0 : i32
      %dma_wait3A_60 = tpu.memref_slice %arg10[%add3A_12, %dma_wait3A_59] : memref<100352x16xf32, #tpu.memory_space<vmem_shared>> -> memref<1024x16xf32, #tpu.memory_space<vmem_shared>>
      tpu.wait_dma2 semaphore(%run_scoped3A : memref<!tpu.dma_semaphore, #tpu.memory_space<semaphore_mem>>) src(%arg9 : memref<1024x16xf32, #tpu.memory_space<vmem>>) dst(%dma_wait3A_60 : memref<1024x16xf32, #tpu.memory_space<vmem_shared>>)
      tpu.yield
    }) : () -> ()
    %add3A_13 = arith.constant 4096 : i32
    %add3A_14 = arith.addi %multiple_of3A, %add3A_13 : i32
    "tpu.region"() ({
      %run_scoped3A = tpu.sem_alloc : memref<!tpu.dma_semaphore, #tpu.memory_space<semaphore_mem>>
      %dma_start3A = arith.constant 0 : i32
      %dma_start3A_55 = tpu.memref_slice %arg10[%add3A_14, %dma_start3A] : memref<100352x16xf32, #tpu.memory_space<vmem_shared>> -> memref<1024x16xf32, #tpu.memory_space<vmem_shared>>
      %dma_start3A_56 = arith.constant 0 : i32
      %dma_start3A_57 = tpu.memref_slice %arg10[%add3A_14, %dma_start3A_56] : memref<100352x16xf32, #tpu.memory_space<vmem_shared>> -> memref<1024x16xf32, #tpu.memory_space<vmem_shared>>
      tpu.enqueue_dma source(%arg9 : memref<1024x16xf32, #tpu.memory_space<vmem>>) target(%dma_start3A_57 : memref<1024x16xf32, #tpu.memory_space<vmem_shared>>) target_semaphore(%run_scoped3A : memref<!tpu.dma_semaphore, #tpu.memory_space<semaphore_mem>>)
      %dma_wait3A = arith.constant 0 : i32
      %dma_wait3A_58 = tpu.memref_slice %arg10[%add3A_14, %dma_wait3A] : memref<100352x16xf32, #tpu.memory_space<vmem_shared>> -> memref<1024x16xf32, #tpu.memory_space<vmem_shared>>
      %dma_wait3A_59 = arith.constant 0 : i32
      %dma_wait3A_60 = tpu.memref_slice %arg10[%add3A_14, %dma_wait3A_59] : memref<100352x16xf32, #tpu.memory_space<vmem_shared>> -> memref<1024x16xf32, #tpu.memory_space<vmem_shared>>
      tpu.wait_dma2 semaphore(%run_scoped3A : memref<!tpu.dma_semaphore, #tpu.memory_space<semaphore_mem>>) src(%arg9 : memref<1024x16xf32, #tpu.memory_space<vmem>>) dst(%dma_wait3A_60 : memref<1024x16xf32, #tpu.memory_space<vmem_shared>>)
      tpu.yield
    }) : () -> ()
    %add3A_15 = arith.constant 5120 : i32
    %add3A_16 = arith.addi %multiple_of3A, %add3A_15 : i32
    "tpu.region"() ({
      %run_scoped3A = tpu.sem_alloc : memref<!tpu.dma_semaphore, #tpu.memory_space<semaphore_mem>>
      %dma_start3A = arith.constant 0 : i32
      %dma_start3A_55 = tpu.memref_slice %arg10[%add3A_16, %dma_start3A] : memref<100352x16xf32, #tpu.memory_space<vmem_shared>> -> memref<1024x16xf32, #tpu.memory_space<vmem_shared>>
      %dma_start3A_56 = arith.constant 0 : i32
      %dma_start3A_57 = tpu.memref_slice %arg10[%add3A_16, %dma_start3A_56] : memref<100352x16xf32, #tpu.memory_space<vmem_shared>> -> memref<1024x16xf32, #tpu.memory_space<vmem_shared>>
      tpu.enqueue_dma source(%arg9 : memref<1024x16xf32, #tpu.memory_space<vmem>>) target(%dma_start3A_57 : memref<1024x16xf32, #tpu.memory_space<vmem_shared>>) target_semaphore(%run_scoped3A : memref<!tpu.dma_semaphore, #tpu.memory_space<semaphore_mem>>)
      %dma_wait3A = arith.constant 0 : i32
      %dma_wait3A_58 = tpu.memref_slice %arg10[%add3A_16, %dma_wait3A] : memref<100352x16xf32, #tpu.memory_space<vmem_shared>> -> memref<1024x16xf32, #tpu.memory_space<vmem_shared>>
      %dma_wait3A_59 = arith.constant 0 : i32
      %dma_wait3A_60 = tpu.memref_slice %arg10[%add3A_16, %dma_wait3A_59] : memref<100352x16xf32, #tpu.memory_space<vmem_shared>> -> memref<1024x16xf32, #tpu.memory_space<vmem_shared>>
      tpu.wait_dma2 semaphore(%run_scoped3A : memref<!tpu.dma_semaphore, #tpu.memory_space<semaphore_mem>>) src(%arg9 : memref<1024x16xf32, #tpu.memory_space<vmem>>) dst(%dma_wait3A_60 : memref<1024x16xf32, #tpu.memory_space<vmem_shared>>)
      tpu.yield
    }) : () -> ()
    %add3A_17 = arith.constant 6144 : i32
    %add3A_18 = arith.addi %multiple_of3A, %add3A_17 : i32
    "tpu.region"() ({
      %run_scoped3A = tpu.sem_alloc : memref<!tpu.dma_semaphore, #tpu.memory_space<semaphore_mem>>
      %dma_start3A = arith.constant 0 : i32
      %dma_start3A_55 = arith.constant 0 : i32
      %dma_start3A_56 = tpu.memref_slice %arg9[%dma_start3A, %dma_start3A_55] : memref<1024x16xf32, #tpu.memory_space<vmem>> -> memref<128x16xf32, #tpu.memory_space<vmem>>
      %dma_start3A_57 = arith.constant 0 : i32
      %dma_start3A_58 = tpu.memref_slice %arg10[%add3A_18, %dma_start3A_57] : memref<100352x16xf32, #tpu.memory_space<vmem_shared>> -> memref<128x16xf32, #tpu.memory_space<vmem_shared>>
      %dma_start3A_59 = arith.constant 0 : i32
      %dma_start3A_60 = tpu.memref_slice %arg10[%add3A_18, %dma_start3A_59] : memref<100352x16xf32, #tpu.memory_space<vmem_shared>> -> memref<128x16xf32, #tpu.memory_space<vmem_shared>>
      %dma_start3A_61 = arith.constant 0 : i32
      %dma_start3A_62 = arith.constant 0 : i32
      %dma_start3A_63 = tpu.memref_slice %arg9[%dma_start3A_61, %dma_start3A_62] : memref<1024x16xf32, #tpu.memory_space<vmem>> -> memref<128x16xf32, #tpu.memory_space<vmem>>
      tpu.enqueue_dma source(%dma_start3A_63 : memref<128x16xf32, #tpu.memory_space<vmem>>) target(%dma_start3A_60 : memref<128x16xf32, #tpu.memory_space<vmem_shared>>) target_semaphore(%run_scoped3A : memref<!tpu.dma_semaphore, #tpu.memory_space<semaphore_mem>>)
      %dma_wait3A = arith.constant 0 : i32
      %dma_wait3A_64 = arith.constant 0 : i32
      %dma_wait3A_65 = tpu.memref_slice %arg9[%dma_wait3A, %dma_wait3A_64] : memref<1024x16xf32, #tpu.memory_space<vmem>> -> memref<128x16xf32, #tpu.memory_space<vmem>>
      %dma_wait3A_66 = arith.constant 0 : i32
      %dma_wait3A_67 = tpu.memref_slice %arg10[%add3A_18, %dma_wait3A_66] : memref<100352x16xf32, #tpu.memory_space<vmem_shared>> -> memref<128x16xf32, #tpu.memory_space<vmem_shared>>
      %dma_wait3A_68 = arith.constant 0 : i32
      %dma_wait3A_69 = tpu.memref_slice %arg10[%add3A_18, %dma_wait3A_68] : memref<100352x16xf32, #tpu.memory_space<vmem_shared>> -> memref<128x16xf32, #tpu.memory_space<vmem_shared>>
      %dma_wait3A_70 = arith.constant 0 : i32
      %dma_wait3A_71 = arith.constant 0 : i32
      %dma_wait3A_72 = tpu.memref_slice %arg9[%dma_wait3A_70, %dma_wait3A_71] : memref<1024x16xf32, #tpu.memory_space<vmem>> -> memref<128x16xf32, #tpu.memory_space<vmem>>
      tpu.wait_dma2 semaphore(%run_scoped3A : memref<!tpu.dma_semaphore, #tpu.memory_space<semaphore_mem>>) src(%dma_wait3A_72 : memref<128x16xf32, #tpu.memory_space<vmem>>) dst(%dma_wait3A_69 : memref<128x16xf32, #tpu.memory_space<vmem_shared>>)
      tpu.yield
    }) : () -> ()
    %barrier3A = arith.constant 0 : index
    tpu.barrier barrier_id(%barrier3A)
    %mul3A_19 = arith.constant 784 : i32
    %mul3A_20 = arith.muli %arg1, %mul3A_19 : i32
    %eq3A = arith.constant 15 : i32
    %eq3A_21 = arith.cmpi eq, %arg1, %eq3A : i32
    %jit3A = arith.constant 92 : i32
    %jit3A_22 = arith.constant 98 : i32
    %select_n3A = arith.select %eq3A_21, %jit3A, %jit3A_22 : i32
    %while3A = arith.constant 0 : i32
    %while3A_23 = arith.constant 0 : i32
    %while3A_24 = arith.subi %select_n3A, %while3A_23 : i32
    %while3A_25 = arith.addi %while3A_23, %while3A_24 : i32
    %while3A_26 = arith.constant 1 : i32
    %while3A_27 = arith.divsi %while3A_24, %while3A_26 : i32
    %while3A_28 = arith.muli %while3A_27, %while3A_26 : i32
    %while3A_29 = arith.addi %while3A_23, %while3A_28 : i32
    %while3A_30 = arith.constant 1 : i32
    scf.for %while3A_55 = %while3A_23 to %while3A_29 step %while3A_30  : i32 {
      %mul3A_56 = arith.constant 8 : i32
      %mul3A_57 = arith.muli %while3A_55, %mul3A_56 : i32
      %add3A_58 = arith.addi %mul3A_20, %mul3A_57 : i32
      %eq3A_59 = arith.constant 0 : i32
      %eq3A_60 = arith.cmpi eq, %arg0, %eq3A_59 : i32
      %convert_element_type3A_61 = arith.extui %eq3A_60 : i1 to i32
      %cond3A_62 = arith.constant 0 : i32
      %cond3A_63 = arith.cmpi ne, %convert_element_type3A_61, %cond3A_62 : i32
      scf.if %cond3A_63 {
        "tpu.region"() ({
          %run_scoped3A = tpu.sem_alloc : memref<!tpu.dma_semaphore, #tpu.memory_space<semaphore_mem>>
          %dma_start3A_387 = arith.constant 0 : i32
          %dma_start3A_388 = arith.constant 0 : i32
          %dma_start3A_389 = tpu.memref_slice %arg7[%dma_start3A_387, %dma_start3A_388] : memref<8x128xi32, #tpu.memory_space<vmem>> -> memref<8x128xi32, #tpu.memory_space<vmem>>
          %dma_start3A_390 = arith.constant 0 : i32
          %dma_start3A_391 = tpu.memref_slice %arg2[%add3A_58, %dma_start3A_390] : memref<12500x128xi32, #tpu.memory_space<hbm>> -> memref<8x128xi32, #tpu.memory_space<hbm>>
          %dma_start3A_392 = arith.constant 0 : i32
          %dma_start3A_393 = arith.constant 0 : i32
          %dma_start3A_394 = tpu.memref_slice %arg7[%dma_start3A_392, %dma_start3A_393] : memref<8x128xi32, #tpu.memory_space<vmem>> -> memref<8x128xi32, #tpu.memory_space<vmem>>
          %dma_start3A_395 = arith.constant 0 : i32
          %dma_start3A_396 = tpu.memref_slice %arg2[%add3A_58, %dma_start3A_395] : memref<12500x128xi32, #tpu.memory_space<hbm>> -> memref<8x128xi32, #tpu.memory_space<hbm>>
          tpu.enqueue_dma source(%dma_start3A_396 : memref<8x128xi32, #tpu.memory_space<hbm>>) target(%dma_start3A_394 : memref<8x128xi32, #tpu.memory_space<vmem>>) target_semaphore(%run_scoped3A : memref<!tpu.dma_semaphore, #tpu.memory_space<semaphore_mem>>)
          %dma_wait3A_397 = arith.constant 0 : i32
          %dma_wait3A_398 = arith.constant 0 : i32
          %dma_wait3A_399 = tpu.memref_slice %arg7[%dma_wait3A_397, %dma_wait3A_398] : memref<8x128xi32, #tpu.memory_space<vmem>> -> memref<8x128xi32, #tpu.memory_space<vmem>>
          %dma_wait3A_400 = arith.constant 0 : i32
          %dma_wait3A_401 = tpu.memref_slice %arg2[%add3A_58, %dma_wait3A_400] : memref<12500x128xi32, #tpu.memory_space<hbm>> -> memref<8x128xi32, #tpu.memory_space<hbm>>
          %dma_wait3A_402 = arith.constant 0 : i32
          %dma_wait3A_403 = arith.constant 0 : i32
          %dma_wait3A_404 = tpu.memref_slice %arg7[%dma_wait3A_402, %dma_wait3A_403] : memref<8x128xi32, #tpu.memory_space<vmem>> -> memref<8x128xi32, #tpu.memory_space<vmem>>
          %dma_wait3A_405 = arith.constant 0 : i32
          %dma_wait3A_406 = tpu.memref_slice %arg2[%add3A_58, %dma_wait3A_405] : memref<12500x128xi32, #tpu.memory_space<hbm>> -> memref<8x128xi32, #tpu.memory_space<hbm>>
          tpu.wait_dma2 semaphore(%run_scoped3A : memref<!tpu.dma_semaphore, #tpu.memory_space<semaphore_mem>>) src(%dma_wait3A_406 : memref<8x128xi32, #tpu.memory_space<hbm>>) dst(%dma_wait3A_404 : memref<8x128xi32, #tpu.memory_space<vmem>>)
          tpu.yield
        }) : () -> ()
        "tpu.region"() ({
          %run_scoped3A = tpu.sem_alloc : memref<!tpu.dma_semaphore, #tpu.memory_space<semaphore_mem>>
          %dma_start3A_387 = arith.constant 0 : i32
          %dma_start3A_388 = arith.constant 0 : i32
          %dma_start3A_389 = tpu.memref_slice %arg8[%dma_start3A_387, %dma_start3A_388] : memref<8x128xi32, #tpu.memory_space<vmem>> -> memref<8x128xi32, #tpu.memory_space<vmem>>
          %dma_start3A_390 = arith.constant 0 : i32
          %dma_start3A_391 = tpu.memref_slice %arg3[%add3A_58, %dma_start3A_390] : memref<12500x128xi32, #tpu.memory_space<hbm>> -> memref<8x128xi32, #tpu.memory_space<hbm>>
          %dma_start3A_392 = arith.constant 0 : i32
          %dma_start3A_393 = arith.constant 0 : i32
          %dma_start3A_394 = tpu.memref_slice %arg8[%dma_start3A_392, %dma_start3A_393] : memref<8x128xi32, #tpu.memory_space<vmem>> -> memref<8x128xi32, #tpu.memory_space<vmem>>
          %dma_start3A_395 = arith.constant 0 : i32
          %dma_start3A_396 = tpu.memref_slice %arg3[%add3A_58, %dma_start3A_395] : memref<12500x128xi32, #tpu.memory_space<hbm>> -> memref<8x128xi32, #tpu.memory_space<hbm>>
          tpu.enqueue_dma source(%dma_start3A_396 : memref<8x128xi32, #tpu.memory_space<hbm>>) target(%dma_start3A_394 : memref<8x128xi32, #tpu.memory_space<vmem>>) target_semaphore(%run_scoped3A : memref<!tpu.dma_semaphore, #tpu.memory_space<semaphore_mem>>)
          %dma_wait3A_397 = arith.constant 0 : i32
          %dma_wait3A_398 = arith.constant 0 : i32
          %dma_wait3A_399 = tpu.memref_slice %arg8[%dma_wait3A_397, %dma_wait3A_398] : memref<8x128xi32, #tpu.memory_space<vmem>> -> memref<8x128xi32, #tpu.memory_space<vmem>>
          %dma_wait3A_400 = arith.constant 0 : i32
          %dma_wait3A_401 = tpu.memref_slice %arg3[%add3A_58, %dma_wait3A_400] : memref<12500x128xi32, #tpu.memory_space<hbm>> -> memref<8x128xi32, #tpu.memory_space<hbm>>
          %dma_wait3A_402 = arith.constant 0 : i32
          %dma_wait3A_403 = arith.constant 0 : i32
          %dma_wait3A_404 = tpu.memref_slice %arg8[%dma_wait3A_402, %dma_wait3A_403] : memref<8x128xi32, #tpu.memory_space<vmem>> -> memref<8x128xi32, #tpu.memory_space<vmem>>
          %dma_wait3A_405 = arith.constant 0 : i32
          %dma_wait3A_406 = tpu.memref_slice %arg3[%add3A_58, %dma_wait3A_405] : memref<12500x128xi32, #tpu.memory_space<hbm>> -> memref<8x128xi32, #tpu.memory_space<hbm>>
          tpu.wait_dma2 semaphore(%run_scoped3A : memref<!tpu.dma_semaphore, #tpu.memory_space<semaphore_mem>>) src(%dma_wait3A_406 : memref<8x128xi32, #tpu.memory_space<hbm>>) dst(%dma_wait3A_404 : memref<8x128xi32, #tpu.memory_space<vmem>>)
          tpu.yield
        }) : () -> ()
      } else {
      }
      %eq3A_64 = arith.constant 1 : i32
      %eq3A_65 = arith.cmpi eq, %arg0, %eq3A_64 : i32
      %convert_element_type3A_66 = arith.extui %eq3A_65 : i1 to i32
      %cond3A_67 = arith.constant 0 : i32
      %cond3A_68 = arith.cmpi ne, %convert_element_type3A_66, %cond3A_67 : i32
      scf.if %cond3A_68 {
        "tpu.region"() ({
          %run_scoped3A = tpu.sem_alloc : memref<!tpu.dma_semaphore, #tpu.memory_space<semaphore_mem>>
          %dma_start3A_387 = arith.constant 0 : i32
          %dma_start3A_388 = arith.constant 0 : i32
          %dma_start3A_389 = tpu.memref_slice %arg7[%dma_start3A_387, %dma_start3A_388] : memref<8x128xi32, #tpu.memory_space<vmem>> -> memref<8x128xi32, #tpu.memory_space<vmem>>
          %dma_start3A_390 = arith.constant 0 : i32
          %dma_start3A_391 = tpu.memref_slice %arg4[%add3A_58, %dma_start3A_390] : memref<12500x128xi32, #tpu.memory_space<hbm>> -> memref<8x128xi32, #tpu.memory_space<hbm>>
          %dma_start3A_392 = arith.constant 0 : i32
          %dma_start3A_393 = arith.constant 0 : i32
          %dma_start3A_394 = tpu.memref_slice %arg7[%dma_start3A_392, %dma_start3A_393] : memref<8x128xi32, #tpu.memory_space<vmem>> -> memref<8x128xi32, #tpu.memory_space<vmem>>
          %dma_start3A_395 = arith.constant 0 : i32
          %dma_start3A_396 = tpu.memref_slice %arg4[%add3A_58, %dma_start3A_395] : memref<12500x128xi32, #tpu.memory_space<hbm>> -> memref<8x128xi32, #tpu.memory_space<hbm>>
          tpu.enqueue_dma source(%dma_start3A_396 : memref<8x128xi32, #tpu.memory_space<hbm>>) target(%dma_start3A_394 : memref<8x128xi32, #tpu.memory_space<vmem>>) target_semaphore(%run_scoped3A : memref<!tpu.dma_semaphore, #tpu.memory_space<semaphore_mem>>)
          %dma_wait3A_397 = arith.constant 0 : i32
          %dma_wait3A_398 = arith.constant 0 : i32
          %dma_wait3A_399 = tpu.memref_slice %arg7[%dma_wait3A_397, %dma_wait3A_398] : memref<8x128xi32, #tpu.memory_space<vmem>> -> memref<8x128xi32, #tpu.memory_space<vmem>>
          %dma_wait3A_400 = arith.constant 0 : i32
          %dma_wait3A_401 = tpu.memref_slice %arg4[%add3A_58, %dma_wait3A_400] : memref<12500x128xi32, #tpu.memory_space<hbm>> -> memref<8x128xi32, #tpu.memory_space<hbm>>
          %dma_wait3A_402 = arith.constant 0 : i32
          %dma_wait3A_403 = arith.constant 0 : i32
          %dma_wait3A_404 = tpu.memref_slice %arg7[%dma_wait3A_402, %dma_wait3A_403] : memref<8x128xi32, #tpu.memory_space<vmem>> -> memref<8x128xi32, #tpu.memory_space<vmem>>
          %dma_wait3A_405 = arith.constant 0 : i32
          %dma_wait3A_406 = tpu.memref_slice %arg4[%add3A_58, %dma_wait3A_405] : memref<12500x128xi32, #tpu.memory_space<hbm>> -> memref<8x128xi32, #tpu.memory_space<hbm>>
          tpu.wait_dma2 semaphore(%run_scoped3A : memref<!tpu.dma_semaphore, #tpu.memory_space<semaphore_mem>>) src(%dma_wait3A_406 : memref<8x128xi32, #tpu.memory_space<hbm>>) dst(%dma_wait3A_404 : memref<8x128xi32, #tpu.memory_space<vmem>>)
          tpu.yield
        }) : () -> ()
        "tpu.region"() ({
          %run_scoped3A = tpu.sem_alloc : memref<!tpu.dma_semaphore, #tpu.memory_space<semaphore_mem>>
          %dma_start3A_387 = arith.constant 0 : i32
          %dma_start3A_388 = arith.constant 0 : i32
          %dma_start3A_389 = tpu.memref_slice %arg8[%dma_start3A_387, %dma_start3A_388] : memref<8x128xi32, #tpu.memory_space<vmem>> -> memref<8x128xi32, #tpu.memory_space<vmem>>
          %dma_start3A_390 = arith.constant 0 : i32
          %dma_start3A_391 = tpu.memref_slice %arg2[%add3A_58, %dma_start3A_390] : memref<12500x128xi32, #tpu.memory_space<hbm>> -> memref<8x128xi32, #tpu.memory_space<hbm>>
          %dma_start3A_392 = arith.constant 0 : i32
          %dma_start3A_393 = arith.constant 0 : i32
          %dma_start3A_394 = tpu.memref_slice %arg8[%dma_start3A_392, %dma_start3A_393] : memref<8x128xi32, #tpu.memory_space<vmem>> -> memref<8x128xi32, #tpu.memory_space<vmem>>
          %dma_start3A_395 = arith.constant 0 : i32
          %dma_start3A_396 = tpu.memref_slice %arg2[%add3A_58, %dma_start3A_395] : memref<12500x128xi32, #tpu.memory_space<hbm>> -> memref<8x128xi32, #tpu.memory_space<hbm>>
          tpu.enqueue_dma source(%dma_start3A_396 : memref<8x128xi32, #tpu.memory_space<hbm>>) target(%dma_start3A_394 : memref<8x128xi32, #tpu.memory_space<vmem>>) target_semaphore(%run_scoped3A : memref<!tpu.dma_semaphore, #tpu.memory_space<semaphore_mem>>)
          %dma_wait3A_397 = arith.constant 0 : i32
          %dma_wait3A_398 = arith.constant 0 : i32
          %dma_wait3A_399 = tpu.memref_slice %arg8[%dma_wait3A_397, %dma_wait3A_398] : memref<8x128xi32, #tpu.memory_space<vmem>> -> memref<8x128xi32, #tpu.memory_space<vmem>>
          %dma_wait3A_400 = arith.constant 0 : i32
          %dma_wait3A_401 = tpu.memref_slice %arg2[%add3A_58, %dma_wait3A_400] : memref<12500x128xi32, #tpu.memory_space<hbm>> -> memref<8x128xi32, #tpu.memory_space<hbm>>
          %dma_wait3A_402 = arith.constant 0 : i32
          %dma_wait3A_403 = arith.constant 0 : i32
          %dma_wait3A_404 = tpu.memref_slice %arg8[%dma_wait3A_402, %dma_wait3A_403] : memref<8x128xi32, #tpu.memory_space<vmem>> -> memref<8x128xi32, #tpu.memory_space<vmem>>
          %dma_wait3A_405 = arith.constant 0 : i32
          %dma_wait3A_406 = tpu.memref_slice %arg2[%add3A_58, %dma_wait3A_405] : memref<12500x128xi32, #tpu.memory_space<hbm>> -> memref<8x128xi32, #tpu.memory_space<hbm>>
          tpu.wait_dma2 semaphore(%run_scoped3A : memref<!tpu.dma_semaphore, #tpu.memory_space<semaphore_mem>>) src(%dma_wait3A_406 : memref<8x128xi32, #tpu.memory_space<hbm>>) dst(%dma_wait3A_404 : memref<8x128xi32, #tpu.memory_space<vmem>>)
          tpu.yield
        }) : () -> ()
      } else {
      }
      %dma_start3A = arith.constant 0 : i32
      %dma_start3A_69 = arith.constant 0 : i32
      %dma_start3A_70 = arith.constant 0 : i32
      %dma_start3A_71 = tpu.memref_slice %arg9[%dma_start3A_69, %dma_start3A_70] : memref<1024x16xf32, #tpu.memory_space<vmem>> -> memref<128x16xf32, #tpu.memory_space<vmem>>
      %dma_start3A_72 = arith.constant 0 : i32
      %dma_start3A_73 = tpu.memref_slice %arg7[%dma_start3A, %dma_start3A_72] : memref<8x128xi32, #tpu.memory_space<vmem>> -> memref<1x128xi32, #tpu.memory_space<vmem>>
      %dma_start3A_74 = tpu.memref_squeeze %dma_start3A_73 : memref<1x128xi32, #tpu.memory_space<vmem>> -> memref<128xi32, #tpu.memory_space<vmem>>
      %dma_start3A_75 = arith.constant 0 : i32
      %dma_start3A_76 = arith.constant 0 : i32
      %dma_start3A_77 = tpu.memref_slice %arg5[%dma_start3A_75, %dma_start3A_76] : memref<200000x16xf32, #tpu.memory_space<hbm>> -> memref<200000x16xf32, #tpu.memory_space<hbm>>
      tpu.enqueue_indirect_dma source(%dma_start3A_77 : memref<200000x16xf32, #tpu.memory_space<hbm>>) target(%dma_start3A_71 : memref<128x16xf32, #tpu.memory_space<vmem>>) offsets(%dma_start3A_74 : memref<128xi32, #tpu.memory_space<vmem>>) semaphore(%arg11 : memref<!tpu.dma_semaphore, #tpu.memory_space<semaphore_mem>>)
      %dma_start3A_78 = arith.constant 1 : i32
      %dma_start3A_79 = arith.constant 128 : i32
      %dma_start3A_80 = arith.constant 0 : i32
      %dma_start3A_81 = tpu.memref_slice %arg9[%dma_start3A_79, %dma_start3A_80] : memref<1024x16xf32, #tpu.memory_space<vmem>> -> memref<128x16xf32, #tpu.memory_space<vmem>>
      %dma_start3A_82 = arith.constant 0 : i32
      %dma_start3A_83 = tpu.memref_slice %arg7[%dma_start3A_78, %dma_start3A_82] : memref<8x128xi32, #tpu.memory_space<vmem>> -> memref<1x128xi32, #tpu.memory_space<vmem>>
      %dma_start3A_84 = tpu.memref_squeeze %dma_start3A_83 : memref<1x128xi32, #tpu.memory_space<vmem>> -> memref<128xi32, #tpu.memory_space<vmem>>
      %dma_start3A_85 = arith.constant 0 : i32
      %dma_start3A_86 = arith.constant 0 : i32
      %dma_start3A_87 = tpu.memref_slice %arg5[%dma_start3A_85, %dma_start3A_86] : memref<200000x16xf32, #tpu.memory_space<hbm>> -> memref<200000x16xf32, #tpu.memory_space<hbm>>
      tpu.enqueue_indirect_dma source(%dma_start3A_87 : memref<200000x16xf32, #tpu.memory_space<hbm>>) target(%dma_start3A_81 : memref<128x16xf32, #tpu.memory_space<vmem>>) offsets(%dma_start3A_84 : memref<128xi32, #tpu.memory_space<vmem>>) semaphore(%arg11 : memref<!tpu.dma_semaphore, #tpu.memory_space<semaphore_mem>>)
      %dma_start3A_88 = arith.constant 2 : i32
      %dma_start3A_89 = arith.constant 256 : i32
      %dma_start3A_90 = arith.constant 0 : i32
      %dma_start3A_91 = tpu.memref_slice %arg9[%dma_start3A_89, %dma_start3A_90] : memref<1024x16xf32, #tpu.memory_space<vmem>> -> memref<128x16xf32, #tpu.memory_space<vmem>>
      %dma_start3A_92 = arith.constant 0 : i32
      %dma_start3A_93 = tpu.memref_slice %arg7[%dma_start3A_88, %dma_start3A_92] : memref<8x128xi32, #tpu.memory_space<vmem>> -> memref<1x128xi32, #tpu.memory_space<vmem>>
      %dma_start3A_94 = tpu.memref_squeeze %dma_start3A_93 : memref<1x128xi32, #tpu.memory_space<vmem>> -> memref<128xi32, #tpu.memory_space<vmem>>
      %dma_start3A_95 = arith.constant 0 : i32
      %dma_start3A_96 = arith.constant 0 : i32
      %dma_start3A_97 = tpu.memref_slice %arg5[%dma_start3A_95, %dma_start3A_96] : memref<200000x16xf32, #tpu.memory_space<hbm>> -> memref<200000x16xf32, #tpu.memory_space<hbm>>
      tpu.enqueue_indirect_dma source(%dma_start3A_97 : memref<200000x16xf32, #tpu.memory_space<hbm>>) target(%dma_start3A_91 : memref<128x16xf32, #tpu.memory_space<vmem>>) offsets(%dma_start3A_94 : memref<128xi32, #tpu.memory_space<vmem>>) semaphore(%arg11 : memref<!tpu.dma_semaphore, #tpu.memory_space<semaphore_mem>>)
      %dma_start3A_98 = arith.constant 3 : i32
      %dma_start3A_99 = arith.constant 384 : i32
      %dma_start3A_100 = arith.constant 0 : i32
      %dma_start3A_101 = tpu.memref_slice %arg9[%dma_start3A_99, %dma_start3A_100] : memref<1024x16xf32, #tpu.memory_space<vmem>> -> memref<128x16xf32, #tpu.memory_space<vmem>>
      %dma_start3A_102 = arith.constant 0 : i32
      %dma_start3A_103 = tpu.memref_slice %arg7[%dma_start3A_98, %dma_start3A_102] : memref<8x128xi32, #tpu.memory_space<vmem>> -> memref<1x128xi32, #tpu.memory_space<vmem>>
      %dma_start3A_104 = tpu.memref_squeeze %dma_start3A_103 : memref<1x128xi32, #tpu.memory_space<vmem>> -> memref<128xi32, #tpu.memory_space<vmem>>
      %dma_start3A_105 = arith.constant 0 : i32
      %dma_start3A_106 = arith.constant 0 : i32
      %dma_start3A_107 = tpu.memref_slice %arg5[%dma_start3A_105, %dma_start3A_106] : memref<200000x16xf32, #tpu.memory_space<hbm>> -> memref<200000x16xf32, #tpu.memory_space<hbm>>
      tpu.enqueue_indirect_dma source(%dma_start3A_107 : memref<200000x16xf32, #tpu.memory_space<hbm>>) target(%dma_start3A_101 : memref<128x16xf32, #tpu.memory_space<vmem>>) offsets(%dma_start3A_104 : memref<128xi32, #tpu.memory_space<vmem>>) semaphore(%arg11 : memref<!tpu.dma_semaphore, #tpu.memory_space<semaphore_mem>>)
      %dma_start3A_108 = arith.constant 4 : i32
      %dma_start3A_109 = arith.constant 512 : i32
      %dma_start3A_110 = arith.constant 0 : i32
      %dma_start3A_111 = tpu.memref_slice %arg9[%dma_start3A_109, %dma_start3A_110] : memref<1024x16xf32, #tpu.memory_space<vmem>> -> memref<128x16xf32, #tpu.memory_space<vmem>>
      %dma_start3A_112 = arith.constant 0 : i32
      %dma_start3A_113 = tpu.memref_slice %arg7[%dma_start3A_108, %dma_start3A_112] : memref<8x128xi32, #tpu.memory_space<vmem>> -> memref<1x128xi32, #tpu.memory_space<vmem>>
      %dma_start3A_114 = tpu.memref_squeeze %dma_start3A_113 : memref<1x128xi32, #tpu.memory_space<vmem>> -> memref<128xi32, #tpu.memory_space<vmem>>
      %dma_start3A_115 = arith.constant 0 : i32
      %dma_start3A_116 = arith.constant 0 : i32
      %dma_start3A_117 = tpu.memref_slice %arg5[%dma_start3A_115, %dma_start3A_116] : memref<200000x16xf32, #tpu.memory_space<hbm>> -> memref<200000x16xf32, #tpu.memory_space<hbm>>
      tpu.enqueue_indirect_dma source(%dma_start3A_117 : memref<200000x16xf32, #tpu.memory_space<hbm>>) target(%dma_start3A_111 : memref<128x16xf32, #tpu.memory_space<vmem>>) offsets(%dma_start3A_114 : memref<128xi32, #tpu.memory_space<vmem>>) semaphore(%arg11 : memref<!tpu.dma_semaphore, #tpu.memory_space<semaphore_mem>>)
      %dma_start3A_118 = arith.constant 5 : i32
      %dma_start3A_119 = arith.constant 640 : i32
      %dma_start3A_120 = arith.constant 0 : i32
      %dma_start3A_121 = tpu.memref_slice %arg9[%dma_start3A_119, %dma_start3A_120] : memref<1024x16xf32, #tpu.memory_space<vmem>> -> memref<128x16xf32, #tpu.memory_space<vmem>>
      %dma_start3A_122 = arith.constant 0 : i32
      %dma_start3A_123 = tpu.memref_slice %arg7[%dma_start3A_118, %dma_start3A_122] : memref<8x128xi32, #tpu.memory_space<vmem>> -> memref<1x128xi32, #tpu.memory_space<vmem>>
      %dma_start3A_124 = tpu.memref_squeeze %dma_start3A_123 : memref<1x128xi32, #tpu.memory_space<vmem>> -> memref<128xi32, #tpu.memory_space<vmem>>
      %dma_start3A_125 = arith.constant 0 : i32
      %dma_start3A_126 = arith.constant 0 : i32
      %dma_start3A_127 = tpu.memref_slice %arg5[%dma_start3A_125, %dma_start3A_126] : memref<200000x16xf32, #tpu.memory_space<hbm>> -> memref<200000x16xf32, #tpu.memory_space<hbm>>
      tpu.enqueue_indirect_dma source(%dma_start3A_127 : memref<200000x16xf32, #tpu.memory_space<hbm>>) target(%dma_start3A_121 : memref<128x16xf32, #tpu.memory_space<vmem>>) offsets(%dma_start3A_124 : memref<128xi32, #tpu.memory_space<vmem>>) semaphore(%arg11 : memref<!tpu.dma_semaphore, #tpu.memory_space<semaphore_mem>>)
      %dma_start3A_128 = arith.constant 6 : i32
      %dma_start3A_129 = arith.constant 768 : i32
      %dma_start3A_130 = arith.constant 0 : i32
      %dma_start3A_131 = tpu.memref_slice %arg9[%dma_start3A_129, %dma_start3A_130] : memref<1024x16xf32, #tpu.memory_space<vmem>> -> memref<128x16xf32, #tpu.memory_space<vmem>>
      %dma_start3A_132 = arith.constant 0 : i32
      %dma_start3A_133 = tpu.memref_slice %arg7[%dma_start3A_128, %dma_start3A_132] : memref<8x128xi32, #tpu.memory_space<vmem>> -> memref<1x128xi32, #tpu.memory_space<vmem>>
      %dma_start3A_134 = tpu.memref_squeeze %dma_start3A_133 : memref<1x128xi32, #tpu.memory_space<vmem>> -> memref<128xi32, #tpu.memory_space<vmem>>
      %dma_start3A_135 = arith.constant 0 : i32
      %dma_start3A_136 = arith.constant 0 : i32
      %dma_start3A_137 = tpu.memref_slice %arg5[%dma_start3A_135, %dma_start3A_136] : memref<200000x16xf32, #tpu.memory_space<hbm>> -> memref<200000x16xf32, #tpu.memory_space<hbm>>
      tpu.enqueue_indirect_dma source(%dma_start3A_137 : memref<200000x16xf32, #tpu.memory_space<hbm>>) target(%dma_start3A_131 : memref<128x16xf32, #tpu.memory_space<vmem>>) offsets(%dma_start3A_134 : memref<128xi32, #tpu.memory_space<vmem>>) semaphore(%arg11 : memref<!tpu.dma_semaphore, #tpu.memory_space<semaphore_mem>>)
      %dma_start3A_138 = arith.constant 7 : i32
      %dma_start3A_139 = arith.constant 896 : i32
      %dma_start3A_140 = arith.constant 0 : i32
      %dma_start3A_141 = tpu.memref_slice %arg9[%dma_start3A_139, %dma_start3A_140] : memref<1024x16xf32, #tpu.memory_space<vmem>> -> memref<128x16xf32, #tpu.memory_space<vmem>>
      %dma_start3A_142 = arith.constant 0 : i32
      %dma_start3A_143 = tpu.memref_slice %arg7[%dma_start3A_138, %dma_start3A_142] : memref<8x128xi32, #tpu.memory_space<vmem>> -> memref<1x128xi32, #tpu.memory_space<vmem>>
      %dma_start3A_144 = tpu.memref_squeeze %dma_start3A_143 : memref<1x128xi32, #tpu.memory_space<vmem>> -> memref<128xi32, #tpu.memory_space<vmem>>
      %dma_start3A_145 = arith.constant 0 : i32
      %dma_start3A_146 = arith.constant 0 : i32
      %dma_start3A_147 = tpu.memref_slice %arg5[%dma_start3A_145, %dma_start3A_146] : memref<200000x16xf32, #tpu.memory_space<hbm>> -> memref<200000x16xf32, #tpu.memory_space<hbm>>
      tpu.enqueue_indirect_dma source(%dma_start3A_147 : memref<200000x16xf32, #tpu.memory_space<hbm>>) target(%dma_start3A_141 : memref<128x16xf32, #tpu.memory_space<vmem>>) offsets(%dma_start3A_144 : memref<128xi32, #tpu.memory_space<vmem>>) semaphore(%arg11 : memref<!tpu.dma_semaphore, #tpu.memory_space<semaphore_mem>>)
      %dma_wait3A = arith.constant 0 : i32
      %dma_wait3A_148 = arith.constant 0 : i32
      %dma_wait3A_149 = arith.constant 0 : i32
      %dma_wait3A_150 = tpu.memref_slice %arg9[%dma_wait3A_148, %dma_wait3A_149] : memref<1024x16xf32, #tpu.memory_space<vmem>> -> memref<128x16xf32, #tpu.memory_space<vmem>>
      %dma_wait3A_151 = arith.constant 0 : i32
      %dma_wait3A_152 = tpu.memref_slice %arg7[%dma_wait3A, %dma_wait3A_151] : memref<8x128xi32, #tpu.memory_space<vmem>> -> memref<1x128xi32, #tpu.memory_space<vmem>>
      %dma_wait3A_153 = tpu.memref_squeeze %dma_wait3A_152 : memref<1x128xi32, #tpu.memory_space<vmem>> -> memref<128xi32, #tpu.memory_space<vmem>>
      %dma_wait3A_154 = arith.constant 0 : i32
      %dma_wait3A_155 = arith.constant 0 : i32
      %dma_wait3A_156 = tpu.memref_slice %arg5[%dma_wait3A_154, %dma_wait3A_155] : memref<200000x16xf32, #tpu.memory_space<hbm>> -> memref<200000x16xf32, #tpu.memory_space<hbm>>
      tpu.wait_indirect_dma semaphore(%arg11 : memref<!tpu.dma_semaphore, #tpu.memory_space<semaphore_mem>>) src(%dma_wait3A_156 : memref<200000x16xf32, #tpu.memory_space<hbm>>) dst(%dma_wait3A_150 : memref<128x16xf32, #tpu.memory_space<vmem>>)
      %dma_wait3A_157 = arith.constant 1 : i32
      %dma_wait3A_158 = arith.constant 128 : i32
      %dma_wait3A_159 = arith.constant 0 : i32
      %dma_wait3A_160 = tpu.memref_slice %arg9[%dma_wait3A_158, %dma_wait3A_159] : memref<1024x16xf32, #tpu.memory_space<vmem>> -> memref<128x16xf32, #tpu.memory_space<vmem>>
      %dma_wait3A_161 = arith.constant 0 : i32
      %dma_wait3A_162 = tpu.memref_slice %arg7[%dma_wait3A_157, %dma_wait3A_161] : memref<8x128xi32, #tpu.memory_space<vmem>> -> memref<1x128xi32, #tpu.memory_space<vmem>>
      %dma_wait3A_163 = tpu.memref_squeeze %dma_wait3A_162 : memref<1x128xi32, #tpu.memory_space<vmem>> -> memref<128xi32, #tpu.memory_space<vmem>>
      %dma_wait3A_164 = arith.constant 0 : i32
      %dma_wait3A_165 = arith.constant 0 : i32
      %dma_wait3A_166 = tpu.memref_slice %arg5[%dma_wait3A_164, %dma_wait3A_165] : memref<200000x16xf32, #tpu.memory_space<hbm>> -> memref<200000x16xf32, #tpu.memory_space<hbm>>
      tpu.wait_indirect_dma semaphore(%arg11 : memref<!tpu.dma_semaphore, #tpu.memory_space<semaphore_mem>>) src(%dma_wait3A_166 : memref<200000x16xf32, #tpu.memory_space<hbm>>) dst(%dma_wait3A_160 : memref<128x16xf32, #tpu.memory_space<vmem>>)
      %dma_wait3A_167 = arith.constant 2 : i32
      %dma_wait3A_168 = arith.constant 256 : i32
      %dma_wait3A_169 = arith.constant 0 : i32
      %dma_wait3A_170 = tpu.memref_slice %arg9[%dma_wait3A_168, %dma_wait3A_169] : memref<1024x16xf32, #tpu.memory_space<vmem>> -> memref<128x16xf32, #tpu.memory_space<vmem>>
      %dma_wait3A_171 = arith.constant 0 : i32
      %dma_wait3A_172 = tpu.memref_slice %arg7[%dma_wait3A_167, %dma_wait3A_171] : memref<8x128xi32, #tpu.memory_space<vmem>> -> memref<1x128xi32, #tpu.memory_space<vmem>>
      %dma_wait3A_173 = tpu.memref_squeeze %dma_wait3A_172 : memref<1x128xi32, #tpu.memory_space<vmem>> -> memref<128xi32, #tpu.memory_space<vmem>>
      %dma_wait3A_174 = arith.constant 0 : i32
      %dma_wait3A_175 = arith.constant 0 : i32
      %dma_wait3A_176 = tpu.memref_slice %arg5[%dma_wait3A_174, %dma_wait3A_175] : memref<200000x16xf32, #tpu.memory_space<hbm>> -> memref<200000x16xf32, #tpu.memory_space<hbm>>
      tpu.wait_indirect_dma semaphore(%arg11 : memref<!tpu.dma_semaphore, #tpu.memory_space<semaphore_mem>>) src(%dma_wait3A_176 : memref<200000x16xf32, #tpu.memory_space<hbm>>) dst(%dma_wait3A_170 : memref<128x16xf32, #tpu.memory_space<vmem>>)
      %dma_wait3A_177 = arith.constant 3 : i32
      %dma_wait3A_178 = arith.constant 384 : i32
      %dma_wait3A_179 = arith.constant 0 : i32
      %dma_wait3A_180 = tpu.memref_slice %arg9[%dma_wait3A_178, %dma_wait3A_179] : memref<1024x16xf32, #tpu.memory_space<vmem>> -> memref<128x16xf32, #tpu.memory_space<vmem>>
      %dma_wait3A_181 = arith.constant 0 : i32
      %dma_wait3A_182 = tpu.memref_slice %arg7[%dma_wait3A_177, %dma_wait3A_181] : memref<8x128xi32, #tpu.memory_space<vmem>> -> memref<1x128xi32, #tpu.memory_space<vmem>>
      %dma_wait3A_183 = tpu.memref_squeeze %dma_wait3A_182 : memref<1x128xi32, #tpu.memory_space<vmem>> -> memref<128xi32, #tpu.memory_space<vmem>>
      %dma_wait3A_184 = arith.constant 0 : i32
      %dma_wait3A_185 = arith.constant 0 : i32
      %dma_wait3A_186 = tpu.memref_slice %arg5[%dma_wait3A_184, %dma_wait3A_185] : memref<200000x16xf32, #tpu.memory_space<hbm>> -> memref<200000x16xf32, #tpu.memory_space<hbm>>
      tpu.wait_indirect_dma semaphore(%arg11 : memref<!tpu.dma_semaphore, #tpu.memory_space<semaphore_mem>>) src(%dma_wait3A_186 : memref<200000x16xf32, #tpu.memory_space<hbm>>) dst(%dma_wait3A_180 : memref<128x16xf32, #tpu.memory_space<vmem>>)
      %dma_wait3A_187 = arith.constant 4 : i32
      %dma_wait3A_188 = arith.constant 512 : i32
      %dma_wait3A_189 = arith.constant 0 : i32
      %dma_wait3A_190 = tpu.memref_slice %arg9[%dma_wait3A_188, %dma_wait3A_189] : memref<1024x16xf32, #tpu.memory_space<vmem>> -> memref<128x16xf32, #tpu.memory_space<vmem>>
      %dma_wait3A_191 = arith.constant 0 : i32
      %dma_wait3A_192 = tpu.memref_slice %arg7[%dma_wait3A_187, %dma_wait3A_191] : memref<8x128xi32, #tpu.memory_space<vmem>> -> memref<1x128xi32, #tpu.memory_space<vmem>>
      %dma_wait3A_193 = tpu.memref_squeeze %dma_wait3A_192 : memref<1x128xi32, #tpu.memory_space<vmem>> -> memref<128xi32, #tpu.memory_space<vmem>>
      %dma_wait3A_194 = arith.constant 0 : i32
      %dma_wait3A_195 = arith.constant 0 : i32
      %dma_wait3A_196 = tpu.memref_slice %arg5[%dma_wait3A_194, %dma_wait3A_195] : memref<200000x16xf32, #tpu.memory_space<hbm>> -> memref<200000x16xf32, #tpu.memory_space<hbm>>
      tpu.wait_indirect_dma semaphore(%arg11 : memref<!tpu.dma_semaphore, #tpu.memory_space<semaphore_mem>>) src(%dma_wait3A_196 : memref<200000x16xf32, #tpu.memory_space<hbm>>) dst(%dma_wait3A_190 : memref<128x16xf32, #tpu.memory_space<vmem>>)
      %dma_wait3A_197 = arith.constant 5 : i32
      %dma_wait3A_198 = arith.constant 640 : i32
      %dma_wait3A_199 = arith.constant 0 : i32
      %dma_wait3A_200 = tpu.memref_slice %arg9[%dma_wait3A_198, %dma_wait3A_199] : memref<1024x16xf32, #tpu.memory_space<vmem>> -> memref<128x16xf32, #tpu.memory_space<vmem>>
      %dma_wait3A_201 = arith.constant 0 : i32
      %dma_wait3A_202 = tpu.memref_slice %arg7[%dma_wait3A_197, %dma_wait3A_201] : memref<8x128xi32, #tpu.memory_space<vmem>> -> memref<1x128xi32, #tpu.memory_space<vmem>>
      %dma_wait3A_203 = tpu.memref_squeeze %dma_wait3A_202 : memref<1x128xi32, #tpu.memory_space<vmem>> -> memref<128xi32, #tpu.memory_space<vmem>>
      %dma_wait3A_204 = arith.constant 0 : i32
      %dma_wait3A_205 = arith.constant 0 : i32
      %dma_wait3A_206 = tpu.memref_slice %arg5[%dma_wait3A_204, %dma_wait3A_205] : memref<200000x16xf32, #tpu.memory_space<hbm>> -> memref<200000x16xf32, #tpu.memory_space<hbm>>
      tpu.wait_indirect_dma semaphore(%arg11 : memref<!tpu.dma_semaphore, #tpu.memory_space<semaphore_mem>>) src(%dma_wait3A_206 : memref<200000x16xf32, #tpu.memory_space<hbm>>) dst(%dma_wait3A_200 : memref<128x16xf32, #tpu.memory_space<vmem>>)
      %dma_wait3A_207 = arith.constant 6 : i32
      %dma_wait3A_208 = arith.constant 768 : i32
      %dma_wait3A_209 = arith.constant 0 : i32
      %dma_wait3A_210 = tpu.memref_slice %arg9[%dma_wait3A_208, %dma_wait3A_209] : memref<1024x16xf32, #tpu.memory_space<vmem>> -> memref<128x16xf32, #tpu.memory_space<vmem>>
      %dma_wait3A_211 = arith.constant 0 : i32
      %dma_wait3A_212 = tpu.memref_slice %arg7[%dma_wait3A_207, %dma_wait3A_211] : memref<8x128xi32, #tpu.memory_space<vmem>> -> memref<1x128xi32, #tpu.memory_space<vmem>>
      %dma_wait3A_213 = tpu.memref_squeeze %dma_wait3A_212 : memref<1x128xi32, #tpu.memory_space<vmem>> -> memref<128xi32, #tpu.memory_space<vmem>>
      %dma_wait3A_214 = arith.constant 0 : i32
      %dma_wait3A_215 = arith.constant 0 : i32
      %dma_wait3A_216 = tpu.memref_slice %arg5[%dma_wait3A_214, %dma_wait3A_215] : memref<200000x16xf32, #tpu.memory_space<hbm>> -> memref<200000x16xf32, #tpu.memory_space<hbm>>
      tpu.wait_indirect_dma semaphore(%arg11 : memref<!tpu.dma_semaphore, #tpu.memory_space<semaphore_mem>>) src(%dma_wait3A_216 : memref<200000x16xf32, #tpu.memory_space<hbm>>) dst(%dma_wait3A_210 : memref<128x16xf32, #tpu.memory_space<vmem>>)
      %dma_wait3A_217 = arith.constant 7 : i32
      %dma_wait3A_218 = arith.constant 896 : i32
      %dma_wait3A_219 = arith.constant 0 : i32
      %dma_wait3A_220 = tpu.memref_slice %arg9[%dma_wait3A_218, %dma_wait3A_219] : memref<1024x16xf32, #tpu.memory_space<vmem>> -> memref<128x16xf32, #tpu.memory_space<vmem>>
      %dma_wait3A_221 = arith.constant 0 : i32
      %dma_wait3A_222 = tpu.memref_slice %arg7[%dma_wait3A_217, %dma_wait3A_221] : memref<8x128xi32, #tpu.memory_space<vmem>> -> memref<1x128xi32, #tpu.memory_space<vmem>>
      %dma_wait3A_223 = tpu.memref_squeeze %dma_wait3A_222 : memref<1x128xi32, #tpu.memory_space<vmem>> -> memref<128xi32, #tpu.memory_space<vmem>>
      %dma_wait3A_224 = arith.constant 0 : i32
      %dma_wait3A_225 = arith.constant 0 : i32
      %dma_wait3A_226 = tpu.memref_slice %arg5[%dma_wait3A_224, %dma_wait3A_225] : memref<200000x16xf32, #tpu.memory_space<hbm>> -> memref<200000x16xf32, #tpu.memory_space<hbm>>
      tpu.wait_indirect_dma semaphore(%arg11 : memref<!tpu.dma_semaphore, #tpu.memory_space<semaphore_mem>>) src(%dma_wait3A_226 : memref<200000x16xf32, #tpu.memory_space<hbm>>) dst(%dma_wait3A_220 : memref<128x16xf32, #tpu.memory_space<vmem>>)
      %dma_start3A_227 = arith.constant 0 : i32
      %dma_start3A_228 = arith.constant 0 : i32
      %dma_start3A_229 = arith.constant 0 : i32
      %dma_start3A_230 = tpu.memref_slice %arg9[%dma_start3A_228, %dma_start3A_229] : memref<1024x16xf32, #tpu.memory_space<vmem>> -> memref<128x16xf32, #tpu.memory_space<vmem>>
      %dma_start3A_231 = arith.constant 0 : i32
      %dma_start3A_232 = tpu.memref_slice %arg8[%dma_start3A_227, %dma_start3A_231] : memref<8x128xi32, #tpu.memory_space<vmem>> -> memref<1x128xi32, #tpu.memory_space<vmem>>
      %dma_start3A_233 = tpu.memref_squeeze %dma_start3A_232 : memref<1x128xi32, #tpu.memory_space<vmem>> -> memref<128xi32, #tpu.memory_space<vmem>>
      %dma_start3A_234 = arith.constant 0 : i32
      %dma_start3A_235 = arith.constant 0 : i32
      %dma_start3A_236 = tpu.memref_slice %arg10[%dma_start3A_234, %dma_start3A_235] : memref<100352x16xf32, #tpu.memory_space<vmem_shared>> -> memref<100352x16xf32, #tpu.memory_space<vmem_shared>>
      tpu.enqueue_indirect_dma source(%dma_start3A_230 : memref<128x16xf32, #tpu.memory_space<vmem>>) target(%dma_start3A_236 : memref<100352x16xf32, #tpu.memory_space<vmem_shared>>) offsets(%dma_start3A_233 : memref<128xi32, #tpu.memory_space<vmem>>) semaphore(%arg12 : memref<!tpu.dma_semaphore, #tpu.memory_space<semaphore_mem>>) {add = true}
      %dma_start3A_237 = arith.constant 1 : i32
      %dma_start3A_238 = arith.constant 128 : i32
      %dma_start3A_239 = arith.constant 0 : i32
      %dma_start3A_240 = tpu.memref_slice %arg9[%dma_start3A_238, %dma_start3A_239] : memref<1024x16xf32, #tpu.memory_space<vmem>> -> memref<128x16xf32, #tpu.memory_space<vmem>>
      %dma_start3A_241 = arith.constant 0 : i32
      %dma_start3A_242 = tpu.memref_slice %arg8[%dma_start3A_237, %dma_start3A_241] : memref<8x128xi32, #tpu.memory_space<vmem>> -> memref<1x128xi32, #tpu.memory_space<vmem>>
      %dma_start3A_243 = tpu.memref_squeeze %dma_start3A_242 : memref<1x128xi32, #tpu.memory_space<vmem>> -> memref<128xi32, #tpu.memory_space<vmem>>
      %dma_start3A_244 = arith.constant 0 : i32
      %dma_start3A_245 = arith.constant 0 : i32
      %dma_start3A_246 = tpu.memref_slice %arg10[%dma_start3A_244, %dma_start3A_245] : memref<100352x16xf32, #tpu.memory_space<vmem_shared>> -> memref<100352x16xf32, #tpu.memory_space<vmem_shared>>
      tpu.enqueue_indirect_dma source(%dma_start3A_240 : memref<128x16xf32, #tpu.memory_space<vmem>>) target(%dma_start3A_246 : memref<100352x16xf32, #tpu.memory_space<vmem_shared>>) offsets(%dma_start3A_243 : memref<128xi32, #tpu.memory_space<vmem>>) semaphore(%arg12 : memref<!tpu.dma_semaphore, #tpu.memory_space<semaphore_mem>>) {add = true}
      %dma_start3A_247 = arith.constant 2 : i32
      %dma_start3A_248 = arith.constant 256 : i32
      %dma_start3A_249 = arith.constant 0 : i32
      %dma_start3A_250 = tpu.memref_slice %arg9[%dma_start3A_248, %dma_start3A_249] : memref<1024x16xf32, #tpu.memory_space<vmem>> -> memref<128x16xf32, #tpu.memory_space<vmem>>
      %dma_start3A_251 = arith.constant 0 : i32
      %dma_start3A_252 = tpu.memref_slice %arg8[%dma_start3A_247, %dma_start3A_251] : memref<8x128xi32, #tpu.memory_space<vmem>> -> memref<1x128xi32, #tpu.memory_space<vmem>>
      %dma_start3A_253 = tpu.memref_squeeze %dma_start3A_252 : memref<1x128xi32, #tpu.memory_space<vmem>> -> memref<128xi32, #tpu.memory_space<vmem>>
      %dma_start3A_254 = arith.constant 0 : i32
      %dma_start3A_255 = arith.constant 0 : i32
      %dma_start3A_256 = tpu.memref_slice %arg10[%dma_start3A_254, %dma_start3A_255] : memref<100352x16xf32, #tpu.memory_space<vmem_shared>> -> memref<100352x16xf32, #tpu.memory_space<vmem_shared>>
      tpu.enqueue_indirect_dma source(%dma_start3A_250 : memref<128x16xf32, #tpu.memory_space<vmem>>) target(%dma_start3A_256 : memref<100352x16xf32, #tpu.memory_space<vmem_shared>>) offsets(%dma_start3A_253 : memref<128xi32, #tpu.memory_space<vmem>>) semaphore(%arg12 : memref<!tpu.dma_semaphore, #tpu.memory_space<semaphore_mem>>) {add = true}
      %dma_start3A_257 = arith.constant 3 : i32
      %dma_start3A_258 = arith.constant 384 : i32
      %dma_start3A_259 = arith.constant 0 : i32
      %dma_start3A_260 = tpu.memref_slice %arg9[%dma_start3A_258, %dma_start3A_259] : memref<1024x16xf32, #tpu.memory_space<vmem>> -> memref<128x16xf32, #tpu.memory_space<vmem>>
      %dma_start3A_261 = arith.constant 0 : i32
      %dma_start3A_262 = tpu.memref_slice %arg8[%dma_start3A_257, %dma_start3A_261] : memref<8x128xi32, #tpu.memory_space<vmem>> -> memref<1x128xi32, #tpu.memory_space<vmem>>
      %dma_start3A_263 = tpu.memref_squeeze %dma_start3A_262 : memref<1x128xi32, #tpu.memory_space<vmem>> -> memref<128xi32, #tpu.memory_space<vmem>>
      %dma_start3A_264 = arith.constant 0 : i32
      %dma_start3A_265 = arith.constant 0 : i32
      %dma_start3A_266 = tpu.memref_slice %arg10[%dma_start3A_264, %dma_start3A_265] : memref<100352x16xf32, #tpu.memory_space<vmem_shared>> -> memref<100352x16xf32, #tpu.memory_space<vmem_shared>>
      tpu.enqueue_indirect_dma source(%dma_start3A_260 : memref<128x16xf32, #tpu.memory_space<vmem>>) target(%dma_start3A_266 : memref<100352x16xf32, #tpu.memory_space<vmem_shared>>) offsets(%dma_start3A_263 : memref<128xi32, #tpu.memory_space<vmem>>) semaphore(%arg12 : memref<!tpu.dma_semaphore, #tpu.memory_space<semaphore_mem>>) {add = true}
      %dma_start3A_267 = arith.constant 4 : i32
      %dma_start3A_268 = arith.constant 512 : i32
      %dma_start3A_269 = arith.constant 0 : i32
      %dma_start3A_270 = tpu.memref_slice %arg9[%dma_start3A_268, %dma_start3A_269] : memref<1024x16xf32, #tpu.memory_space<vmem>> -> memref<128x16xf32, #tpu.memory_space<vmem>>
      %dma_start3A_271 = arith.constant 0 : i32
      %dma_start3A_272 = tpu.memref_slice %arg8[%dma_start3A_267, %dma_start3A_271] : memref<8x128xi32, #tpu.memory_space<vmem>> -> memref<1x128xi32, #tpu.memory_space<vmem>>
      %dma_start3A_273 = tpu.memref_squeeze %dma_start3A_272 : memref<1x128xi32, #tpu.memory_space<vmem>> -> memref<128xi32, #tpu.memory_space<vmem>>
      %dma_start3A_274 = arith.constant 0 : i32
      %dma_start3A_275 = arith.constant 0 : i32
      %dma_start3A_276 = tpu.memref_slice %arg10[%dma_start3A_274, %dma_start3A_275] : memref<100352x16xf32, #tpu.memory_space<vmem_shared>> -> memref<100352x16xf32, #tpu.memory_space<vmem_shared>>
      tpu.enqueue_indirect_dma source(%dma_start3A_270 : memref<128x16xf32, #tpu.memory_space<vmem>>) target(%dma_start3A_276 : memref<100352x16xf32, #tpu.memory_space<vmem_shared>>) offsets(%dma_start3A_273 : memref<128xi32, #tpu.memory_space<vmem>>) semaphore(%arg12 : memref<!tpu.dma_semaphore, #tpu.memory_space<semaphore_mem>>) {add = true}
      %dma_start3A_277 = arith.constant 5 : i32
      %dma_start3A_278 = arith.constant 640 : i32
      %dma_start3A_279 = arith.constant 0 : i32
      %dma_start3A_280 = tpu.memref_slice %arg9[%dma_start3A_278, %dma_start3A_279] : memref<1024x16xf32, #tpu.memory_space<vmem>> -> memref<128x16xf32, #tpu.memory_space<vmem>>
      %dma_start3A_281 = arith.constant 0 : i32
      %dma_start3A_282 = tpu.memref_slice %arg8[%dma_start3A_277, %dma_start3A_281] : memref<8x128xi32, #tpu.memory_space<vmem>> -> memref<1x128xi32, #tpu.memory_space<vmem>>
      %dma_start3A_283 = tpu.memref_squeeze %dma_start3A_282 : memref<1x128xi32, #tpu.memory_space<vmem>> -> memref<128xi32, #tpu.memory_space<vmem>>
      %dma_start3A_284 = arith.constant 0 : i32
      %dma_start3A_285 = arith.constant 0 : i32
      %dma_start3A_286 = tpu.memref_slice %arg10[%dma_start3A_284, %dma_start3A_285] : memref<100352x16xf32, #tpu.memory_space<vmem_shared>> -> memref<100352x16xf32, #tpu.memory_space<vmem_shared>>
      tpu.enqueue_indirect_dma source(%dma_start3A_280 : memref<128x16xf32, #tpu.memory_space<vmem>>) target(%dma_start3A_286 : memref<100352x16xf32, #tpu.memory_space<vmem_shared>>) offsets(%dma_start3A_283 : memref<128xi32, #tpu.memory_space<vmem>>) semaphore(%arg12 : memref<!tpu.dma_semaphore, #tpu.memory_space<semaphore_mem>>) {add = true}
      %dma_start3A_287 = arith.constant 6 : i32
      %dma_start3A_288 = arith.constant 768 : i32
      %dma_start3A_289 = arith.constant 0 : i32
      %dma_start3A_290 = tpu.memref_slice %arg9[%dma_start3A_288, %dma_start3A_289] : memref<1024x16xf32, #tpu.memory_space<vmem>> -> memref<128x16xf32, #tpu.memory_space<vmem>>
      %dma_start3A_291 = arith.constant 0 : i32
      %dma_start3A_292 = tpu.memref_slice %arg8[%dma_start3A_287, %dma_start3A_291] : memref<8x128xi32, #tpu.memory_space<vmem>> -> memref<1x128xi32, #tpu.memory_space<vmem>>
      %dma_start3A_293 = tpu.memref_squeeze %dma_start3A_292 : memref<1x128xi32, #tpu.memory_space<vmem>> -> memref<128xi32, #tpu.memory_space<vmem>>
      %dma_start3A_294 = arith.constant 0 : i32
      %dma_start3A_295 = arith.constant 0 : i32
      %dma_start3A_296 = tpu.memref_slice %arg10[%dma_start3A_294, %dma_start3A_295] : memref<100352x16xf32, #tpu.memory_space<vmem_shared>> -> memref<100352x16xf32, #tpu.memory_space<vmem_shared>>
      tpu.enqueue_indirect_dma source(%dma_start3A_290 : memref<128x16xf32, #tpu.memory_space<vmem>>) target(%dma_start3A_296 : memref<100352x16xf32, #tpu.memory_space<vmem_shared>>) offsets(%dma_start3A_293 : memref<128xi32, #tpu.memory_space<vmem>>) semaphore(%arg12 : memref<!tpu.dma_semaphore, #tpu.memory_space<semaphore_mem>>) {add = true}
      %dma_start3A_297 = arith.constant 7 : i32
      %dma_start3A_298 = arith.constant 896 : i32
      %dma_start3A_299 = arith.constant 0 : i32
      %dma_start3A_300 = tpu.memref_slice %arg9[%dma_start3A_298, %dma_start3A_299] : memref<1024x16xf32, #tpu.memory_space<vmem>> -> memref<128x16xf32, #tpu.memory_space<vmem>>
      %dma_start3A_301 = arith.constant 0 : i32
      %dma_start3A_302 = tpu.memref_slice %arg8[%dma_start3A_297, %dma_start3A_301] : memref<8x128xi32, #tpu.memory_space<vmem>> -> memref<1x128xi32, #tpu.memory_space<vmem>>
      %dma_start3A_303 = tpu.memref_squeeze %dma_start3A_302 : memref<1x128xi32, #tpu.memory_space<vmem>> -> memref<128xi32, #tpu.memory_space<vmem>>
      %dma_start3A_304 = arith.constant 0 : i32
      %dma_start3A_305 = arith.constant 0 : i32
      %dma_start3A_306 = tpu.memref_slice %arg10[%dma_start3A_304, %dma_start3A_305] : memref<100352x16xf32, #tpu.memory_space<vmem_shared>> -> memref<100352x16xf32, #tpu.memory_space<vmem_shared>>
      tpu.enqueue_indirect_dma source(%dma_start3A_300 : memref<128x16xf32, #tpu.memory_space<vmem>>) target(%dma_start3A_306 : memref<100352x16xf32, #tpu.memory_space<vmem_shared>>) offsets(%dma_start3A_303 : memref<128xi32, #tpu.memory_space<vmem>>) semaphore(%arg12 : memref<!tpu.dma_semaphore, #tpu.memory_space<semaphore_mem>>) {add = true}
      %dma_wait3A_307 = arith.constant 0 : i32
      %dma_wait3A_308 = arith.constant 0 : i32
      %dma_wait3A_309 = arith.constant 0 : i32
      %dma_wait3A_310 = tpu.memref_slice %arg9[%dma_wait3A_308, %dma_wait3A_309] : memref<1024x16xf32, #tpu.memory_space<vmem>> -> memref<128x16xf32, #tpu.memory_space<vmem>>
      %dma_wait3A_311 = arith.constant 0 : i32
      %dma_wait3A_312 = tpu.memref_slice %arg8[%dma_wait3A_307, %dma_wait3A_311] : memref<8x128xi32, #tpu.memory_space<vmem>> -> memref<1x128xi32, #tpu.memory_space<vmem>>
      %dma_wait3A_313 = tpu.memref_squeeze %dma_wait3A_312 : memref<1x128xi32, #tpu.memory_space<vmem>> -> memref<128xi32, #tpu.memory_space<vmem>>
      %dma_wait3A_314 = arith.constant 0 : i32
      %dma_wait3A_315 = arith.constant 0 : i32
      %dma_wait3A_316 = tpu.memref_slice %arg10[%dma_wait3A_314, %dma_wait3A_315] : memref<100352x16xf32, #tpu.memory_space<vmem_shared>> -> memref<100352x16xf32, #tpu.memory_space<vmem_shared>>
      tpu.wait_indirect_dma semaphore(%arg12 : memref<!tpu.dma_semaphore, #tpu.memory_space<semaphore_mem>>) src(%dma_wait3A_310 : memref<128x16xf32, #tpu.memory_space<vmem>>) dst(%dma_wait3A_316 : memref<100352x16xf32, #tpu.memory_space<vmem_shared>>)
      %dma_wait3A_317 = arith.constant 1 : i32
      %dma_wait3A_318 = arith.constant 128 : i32
      %dma_wait3A_319 = arith.constant 0 : i32
      %dma_wait3A_320 = tpu.memref_slice %arg9[%dma_wait3A_318, %dma_wait3A_319] : memref<1024x16xf32, #tpu.memory_space<vmem>> -> memref<128x16xf32, #tpu.memory_space<vmem>>
      %dma_wait3A_321 = arith.constant 0 : i32
      %dma_wait3A_322 = tpu.memref_slice %arg8[%dma_wait3A_317, %dma_wait3A_321] : memref<8x128xi32, #tpu.memory_space<vmem>> -> memref<1x128xi32, #tpu.memory_space<vmem>>
      %dma_wait3A_323 = tpu.memref_squeeze %dma_wait3A_322 : memref<1x128xi32, #tpu.memory_space<vmem>> -> memref<128xi32, #tpu.memory_space<vmem>>
      %dma_wait3A_324 = arith.constant 0 : i32
      %dma_wait3A_325 = arith.constant 0 : i32
      %dma_wait3A_326 = tpu.memref_slice %arg10[%dma_wait3A_324, %dma_wait3A_325] : memref<100352x16xf32, #tpu.memory_space<vmem_shared>> -> memref<100352x16xf32, #tpu.memory_space<vmem_shared>>
      tpu.wait_indirect_dma semaphore(%arg12 : memref<!tpu.dma_semaphore, #tpu.memory_space<semaphore_mem>>) src(%dma_wait3A_320 : memref<128x16xf32, #tpu.memory_space<vmem>>) dst(%dma_wait3A_326 : memref<100352x16xf32, #tpu.memory_space<vmem_shared>>)
      %dma_wait3A_327 = arith.constant 2 : i32
      %dma_wait3A_328 = arith.constant 256 : i32
      %dma_wait3A_329 = arith.constant 0 : i32
      %dma_wait3A_330 = tpu.memref_slice %arg9[%dma_wait3A_328, %dma_wait3A_329] : memref<1024x16xf32, #tpu.memory_space<vmem>> -> memref<128x16xf32, #tpu.memory_space<vmem>>
      %dma_wait3A_331 = arith.constant 0 : i32
      %dma_wait3A_332 = tpu.memref_slice %arg8[%dma_wait3A_327, %dma_wait3A_331] : memref<8x128xi32, #tpu.memory_space<vmem>> -> memref<1x128xi32, #tpu.memory_space<vmem>>
      %dma_wait3A_333 = tpu.memref_squeeze %dma_wait3A_332 : memref<1x128xi32, #tpu.memory_space<vmem>> -> memref<128xi32, #tpu.memory_space<vmem>>
      %dma_wait3A_334 = arith.constant 0 : i32
      %dma_wait3A_335 = arith.constant 0 : i32
      %dma_wait3A_336 = tpu.memref_slice %arg10[%dma_wait3A_334, %dma_wait3A_335] : memref<100352x16xf32, #tpu.memory_space<vmem_shared>> -> memref<100352x16xf32, #tpu.memory_space<vmem_shared>>
      tpu.wait_indirect_dma semaphore(%arg12 : memref<!tpu.dma_semaphore, #tpu.memory_space<semaphore_mem>>) src(%dma_wait3A_330 : memref<128x16xf32, #tpu.memory_space<vmem>>) dst(%dma_wait3A_336 : memref<100352x16xf32, #tpu.memory_space<vmem_shared>>)
      %dma_wait3A_337 = arith.constant 3 : i32
      %dma_wait3A_338 = arith.constant 384 : i32
      %dma_wait3A_339 = arith.constant 0 : i32
      %dma_wait3A_340 = tpu.memref_slice %arg9[%dma_wait3A_338, %dma_wait3A_339] : memref<1024x16xf32, #tpu.memory_space<vmem>> -> memref<128x16xf32, #tpu.memory_space<vmem>>
      %dma_wait3A_341 = arith.constant 0 : i32
      %dma_wait3A_342 = tpu.memref_slice %arg8[%dma_wait3A_337, %dma_wait3A_341] : memref<8x128xi32, #tpu.memory_space<vmem>> -> memref<1x128xi32, #tpu.memory_space<vmem>>
      %dma_wait3A_343 = tpu.memref_squeeze %dma_wait3A_342 : memref<1x128xi32, #tpu.memory_space<vmem>> -> memref<128xi32, #tpu.memory_space<vmem>>
      %dma_wait3A_344 = arith.constant 0 : i32
      %dma_wait3A_345 = arith.constant 0 : i32
      %dma_wait3A_346 = tpu.memref_slice %arg10[%dma_wait3A_344, %dma_wait3A_345] : memref<100352x16xf32, #tpu.memory_space<vmem_shared>> -> memref<100352x16xf32, #tpu.memory_space<vmem_shared>>
      tpu.wait_indirect_dma semaphore(%arg12 : memref<!tpu.dma_semaphore, #tpu.memory_space<semaphore_mem>>) src(%dma_wait3A_340 : memref<128x16xf32, #tpu.memory_space<vmem>>) dst(%dma_wait3A_346 : memref<100352x16xf32, #tpu.memory_space<vmem_shared>>)
      %dma_wait3A_347 = arith.constant 4 : i32
      %dma_wait3A_348 = arith.constant 512 : i32
      %dma_wait3A_349 = arith.constant 0 : i32
      %dma_wait3A_350 = tpu.memref_slice %arg9[%dma_wait3A_348, %dma_wait3A_349] : memref<1024x16xf32, #tpu.memory_space<vmem>> -> memref<128x16xf32, #tpu.memory_space<vmem>>
      %dma_wait3A_351 = arith.constant 0 : i32
      %dma_wait3A_352 = tpu.memref_slice %arg8[%dma_wait3A_347, %dma_wait3A_351] : memref<8x128xi32, #tpu.memory_space<vmem>> -> memref<1x128xi32, #tpu.memory_space<vmem>>
      %dma_wait3A_353 = tpu.memref_squeeze %dma_wait3A_352 : memref<1x128xi32, #tpu.memory_space<vmem>> -> memref<128xi32, #tpu.memory_space<vmem>>
      %dma_wait3A_354 = arith.constant 0 : i32
      %dma_wait3A_355 = arith.constant 0 : i32
      %dma_wait3A_356 = tpu.memref_slice %arg10[%dma_wait3A_354, %dma_wait3A_355] : memref<100352x16xf32, #tpu.memory_space<vmem_shared>> -> memref<100352x16xf32, #tpu.memory_space<vmem_shared>>
      tpu.wait_indirect_dma semaphore(%arg12 : memref<!tpu.dma_semaphore, #tpu.memory_space<semaphore_mem>>) src(%dma_wait3A_350 : memref<128x16xf32, #tpu.memory_space<vmem>>) dst(%dma_wait3A_356 : memref<100352x16xf32, #tpu.memory_space<vmem_shared>>)
      %dma_wait3A_357 = arith.constant 5 : i32
      %dma_wait3A_358 = arith.constant 640 : i32
      %dma_wait3A_359 = arith.constant 0 : i32
      %dma_wait3A_360 = tpu.memref_slice %arg9[%dma_wait3A_358, %dma_wait3A_359] : memref<1024x16xf32, #tpu.memory_space<vmem>> -> memref<128x16xf32, #tpu.memory_space<vmem>>
      %dma_wait3A_361 = arith.constant 0 : i32
      %dma_wait3A_362 = tpu.memref_slice %arg8[%dma_wait3A_357, %dma_wait3A_361] : memref<8x128xi32, #tpu.memory_space<vmem>> -> memref<1x128xi32, #tpu.memory_space<vmem>>
      %dma_wait3A_363 = tpu.memref_squeeze %dma_wait3A_362 : memref<1x128xi32, #tpu.memory_space<vmem>> -> memref<128xi32, #tpu.memory_space<vmem>>
      %dma_wait3A_364 = arith.constant 0 : i32
      %dma_wait3A_365 = arith.constant 0 : i32
      %dma_wait3A_366 = tpu.memref_slice %arg10[%dma_wait3A_364, %dma_wait3A_365] : memref<100352x16xf32, #tpu.memory_space<vmem_shared>> -> memref<100352x16xf32, #tpu.memory_space<vmem_shared>>
      tpu.wait_indirect_dma semaphore(%arg12 : memref<!tpu.dma_semaphore, #tpu.memory_space<semaphore_mem>>) src(%dma_wait3A_360 : memref<128x16xf32, #tpu.memory_space<vmem>>) dst(%dma_wait3A_366 : memref<100352x16xf32, #tpu.memory_space<vmem_shared>>)
      %dma_wait3A_367 = arith.constant 6 : i32
      %dma_wait3A_368 = arith.constant 768 : i32
      %dma_wait3A_369 = arith.constant 0 : i32
      %dma_wait3A_370 = tpu.memref_slice %arg9[%dma_wait3A_368, %dma_wait3A_369] : memref<1024x16xf32, #tpu.memory_space<vmem>> -> memref<128x16xf32, #tpu.memory_space<vmem>>
      %dma_wait3A_371 = arith.constant 0 : i32
      %dma_wait3A_372 = tpu.memref_slice %arg8[%dma_wait3A_367, %dma_wait3A_371] : memref<8x128xi32, #tpu.memory_space<vmem>> -> memref<1x128xi32, #tpu.memory_space<vmem>>
      %dma_wait3A_373 = tpu.memref_squeeze %dma_wait3A_372 : memref<1x128xi32, #tpu.memory_space<vmem>> -> memref<128xi32, #tpu.memory_space<vmem>>
      %dma_wait3A_374 = arith.constant 0 : i32
      %dma_wait3A_375 = arith.constant 0 : i32
      %dma_wait3A_376 = tpu.memref_slice %arg10[%dma_wait3A_374, %dma_wait3A_375] : memref<100352x16xf32, #tpu.memory_space<vmem_shared>> -> memref<100352x16xf32, #tpu.memory_space<vmem_shared>>
      tpu.wait_indirect_dma semaphore(%arg12 : memref<!tpu.dma_semaphore, #tpu.memory_space<semaphore_mem>>) src(%dma_wait3A_370 : memref<128x16xf32, #tpu.memory_space<vmem>>) dst(%dma_wait3A_376 : memref<100352x16xf32, #tpu.memory_space<vmem_shared>>)
      %dma_wait3A_377 = arith.constant 7 : i32
      %dma_wait3A_378 = arith.constant 896 : i32
      %dma_wait3A_379 = arith.constant 0 : i32
      %dma_wait3A_380 = tpu.memref_slice %arg9[%dma_wait3A_378, %dma_wait3A_379] : memref<1024x16xf32, #tpu.memory_space<vmem>> -> memref<128x16xf32, #tpu.memory_space<vmem>>
      %dma_wait3A_381 = arith.constant 0 : i32
      %dma_wait3A_382 = tpu.memref_slice %arg8[%dma_wait3A_377, %dma_wait3A_381] : memref<8x128xi32, #tpu.memory_space<vmem>> -> memref<1x128xi32, #tpu.memory_space<vmem>>
      %dma_wait3A_383 = tpu.memref_squeeze %dma_wait3A_382 : memref<1x128xi32, #tpu.memory_space<vmem>> -> memref<128xi32, #tpu.memory_space<vmem>>
      %dma_wait3A_384 = arith.constant 0 : i32
      %dma_wait3A_385 = arith.constant 0 : i32
      %dma_wait3A_386 = tpu.memref_slice %arg10[%dma_wait3A_384, %dma_wait3A_385] : memref<100352x16xf32, #tpu.memory_space<vmem_shared>> -> memref<100352x16xf32, #tpu.memory_space<vmem_shared>>
      tpu.wait_indirect_dma semaphore(%arg12 : memref<!tpu.dma_semaphore, #tpu.memory_space<semaphore_mem>>) src(%dma_wait3A_380 : memref<128x16xf32, #tpu.memory_space<vmem>>) dst(%dma_wait3A_386 : memref<100352x16xf32, #tpu.memory_space<vmem_shared>>)
    }
    %while3A_31 = arith.constant 1 : i32
    scf.for %while3A_55 = %while3A_29 to %while3A_25 step %while3A_31  : i32 {
      %mul3A_56 = arith.constant 8 : i32
      %mul3A_57 = arith.muli %while3A_55, %mul3A_56 : i32
      %add3A_58 = arith.addi %mul3A_20, %mul3A_57 : i32
      %eq3A_59 = arith.constant 0 : i32
      %eq3A_60 = arith.cmpi eq, %arg0, %eq3A_59 : i32
      %convert_element_type3A_61 = arith.extui %eq3A_60 : i1 to i32
      %cond3A_62 = arith.constant 0 : i32
      %cond3A_63 = arith.cmpi ne, %convert_element_type3A_61, %cond3A_62 : i32
      scf.if %cond3A_63 {
        "tpu.region"() ({
          %run_scoped3A = tpu.sem_alloc : memref<!tpu.dma_semaphore, #tpu.memory_space<semaphore_mem>>
          %dma_start3A_387 = arith.constant 0 : i32
          %dma_start3A_388 = arith.constant 0 : i32
          %dma_start3A_389 = tpu.memref_slice %arg7[%dma_start3A_387, %dma_start3A_388] : memref<8x128xi32, #tpu.memory_space<vmem>> -> memref<8x128xi32, #tpu.memory_space<vmem>>
          %dma_start3A_390 = arith.constant 0 : i32
          %dma_start3A_391 = tpu.memref_slice %arg2[%add3A_58, %dma_start3A_390] : memref<12500x128xi32, #tpu.memory_space<hbm>> -> memref<8x128xi32, #tpu.memory_space<hbm>>
          %dma_start3A_392 = arith.constant 0 : i32
          %dma_start3A_393 = arith.constant 0 : i32
          %dma_start3A_394 = tpu.memref_slice %arg7[%dma_start3A_392, %dma_start3A_393] : memref<8x128xi32, #tpu.memory_space<vmem>> -> memref<8x128xi32, #tpu.memory_space<vmem>>
          %dma_start3A_395 = arith.constant 0 : i32
          %dma_start3A_396 = tpu.memref_slice %arg2[%add3A_58, %dma_start3A_395] : memref<12500x128xi32, #tpu.memory_space<hbm>> -> memref<8x128xi32, #tpu.memory_space<hbm>>
          tpu.enqueue_dma source(%dma_start3A_396 : memref<8x128xi32, #tpu.memory_space<hbm>>) target(%dma_start3A_394 : memref<8x128xi32, #tpu.memory_space<vmem>>) target_semaphore(%run_scoped3A : memref<!tpu.dma_semaphore, #tpu.memory_space<semaphore_mem>>)
          %dma_wait3A_397 = arith.constant 0 : i32
          %dma_wait3A_398 = arith.constant 0 : i32
          %dma_wait3A_399 = tpu.memref_slice %arg7[%dma_wait3A_397, %dma_wait3A_398] : memref<8x128xi32, #tpu.memory_space<vmem>> -> memref<8x128xi32, #tpu.memory_space<vmem>>
          %dma_wait3A_400 = arith.constant 0 : i32
          %dma_wait3A_401 = tpu.memref_slice %arg2[%add3A_58, %dma_wait3A_400] : memref<12500x128xi32, #tpu.memory_space<hbm>> -> memref<8x128xi32, #tpu.memory_space<hbm>>
          %dma_wait3A_402 = arith.constant 0 : i32
          %dma_wait3A_403 = arith.constant 0 : i32
          %dma_wait3A_404 = tpu.memref_slice %arg7[%dma_wait3A_402, %dma_wait3A_403] : memref<8x128xi32, #tpu.memory_space<vmem>> -> memref<8x128xi32, #tpu.memory_space<vmem>>
          %dma_wait3A_405 = arith.constant 0 : i32
          %dma_wait3A_406 = tpu.memref_slice %arg2[%add3A_58, %dma_wait3A_405] : memref<12500x128xi32, #tpu.memory_space<hbm>> -> memref<8x128xi32, #tpu.memory_space<hbm>>
          tpu.wait_dma2 semaphore(%run_scoped3A : memref<!tpu.dma_semaphore, #tpu.memory_space<semaphore_mem>>) src(%dma_wait3A_406 : memref<8x128xi32, #tpu.memory_space<hbm>>) dst(%dma_wait3A_404 : memref<8x128xi32, #tpu.memory_space<vmem>>)
          tpu.yield
        }) : () -> ()
        "tpu.region"() ({
          %run_scoped3A = tpu.sem_alloc : memref<!tpu.dma_semaphore, #tpu.memory_space<semaphore_mem>>
          %dma_start3A_387 = arith.constant 0 : i32
          %dma_start3A_388 = arith.constant 0 : i32
          %dma_start3A_389 = tpu.memref_slice %arg8[%dma_start3A_387, %dma_start3A_388] : memref<8x128xi32, #tpu.memory_space<vmem>> -> memref<8x128xi32, #tpu.memory_space<vmem>>
          %dma_start3A_390 = arith.constant 0 : i32
          %dma_start3A_391 = tpu.memref_slice %arg3[%add3A_58, %dma_start3A_390] : memref<12500x128xi32, #tpu.memory_space<hbm>> -> memref<8x128xi32, #tpu.memory_space<hbm>>
          %dma_start3A_392 = arith.constant 0 : i32
          %dma_start3A_393 = arith.constant 0 : i32
          %dma_start3A_394 = tpu.memref_slice %arg8[%dma_start3A_392, %dma_start3A_393] : memref<8x128xi32, #tpu.memory_space<vmem>> -> memref<8x128xi32, #tpu.memory_space<vmem>>
          %dma_start3A_395 = arith.constant 0 : i32
          %dma_start3A_396 = tpu.memref_slice %arg3[%add3A_58, %dma_start3A_395] : memref<12500x128xi32, #tpu.memory_space<hbm>> -> memref<8x128xi32, #tpu.memory_space<hbm>>
          tpu.enqueue_dma source(%dma_start3A_396 : memref<8x128xi32, #tpu.memory_space<hbm>>) target(%dma_start3A_394 : memref<8x128xi32, #tpu.memory_space<vmem>>) target_semaphore(%run_scoped3A : memref<!tpu.dma_semaphore, #tpu.memory_space<semaphore_mem>>)
          %dma_wait3A_397 = arith.constant 0 : i32
          %dma_wait3A_398 = arith.constant 0 : i32
          %dma_wait3A_399 = tpu.memref_slice %arg8[%dma_wait3A_397, %dma_wait3A_398] : memref<8x128xi32, #tpu.memory_space<vmem>> -> memref<8x128xi32, #tpu.memory_space<vmem>>
          %dma_wait3A_400 = arith.constant 0 : i32
          %dma_wait3A_401 = tpu.memref_slice %arg3[%add3A_58, %dma_wait3A_400] : memref<12500x128xi32, #tpu.memory_space<hbm>> -> memref<8x128xi32, #tpu.memory_space<hbm>>
          %dma_wait3A_402 = arith.constant 0 : i32
          %dma_wait3A_403 = arith.constant 0 : i32
          %dma_wait3A_404 = tpu.memref_slice %arg8[%dma_wait3A_402, %dma_wait3A_403] : memref<8x128xi32, #tpu.memory_space<vmem>> -> memref<8x128xi32, #tpu.memory_space<vmem>>
          %dma_wait3A_405 = arith.constant 0 : i32
          %dma_wait3A_406 = tpu.memref_slice %arg3[%add3A_58, %dma_wait3A_405] : memref<12500x128xi32, #tpu.memory_space<hbm>> -> memref<8x128xi32, #tpu.memory_space<hbm>>
          tpu.wait_dma2 semaphore(%run_scoped3A : memref<!tpu.dma_semaphore, #tpu.memory_space<semaphore_mem>>) src(%dma_wait3A_406 : memref<8x128xi32, #tpu.memory_space<hbm>>) dst(%dma_wait3A_404 : memref<8x128xi32, #tpu.memory_space<vmem>>)
          tpu.yield
        }) : () -> ()
      } else {
      }
      %eq3A_64 = arith.constant 1 : i32
      %eq3A_65 = arith.cmpi eq, %arg0, %eq3A_64 : i32
      %convert_element_type3A_66 = arith.extui %eq3A_65 : i1 to i32
      %cond3A_67 = arith.constant 0 : i32
      %cond3A_68 = arith.cmpi ne, %convert_element_type3A_66, %cond3A_67 : i32
      scf.if %cond3A_68 {
        "tpu.region"() ({
          %run_scoped3A = tpu.sem_alloc : memref<!tpu.dma_semaphore, #tpu.memory_space<semaphore_mem>>
          %dma_start3A_387 = arith.constant 0 : i32
          %dma_start3A_388 = arith.constant 0 : i32
          %dma_start3A_389 = tpu.memref_slice %arg7[%dma_start3A_387, %dma_start3A_388] : memref<8x128xi32, #tpu.memory_space<vmem>> -> memref<8x128xi32, #tpu.memory_space<vmem>>
          %dma_start3A_390 = arith.constant 0 : i32
          %dma_start3A_391 = tpu.memref_slice %arg4[%add3A_58, %dma_start3A_390] : memref<12500x128xi32, #tpu.memory_space<hbm>> -> memref<8x128xi32, #tpu.memory_space<hbm>>
          %dma_start3A_392 = arith.constant 0 : i32
          %dma_start3A_393 = arith.constant 0 : i32
          %dma_start3A_394 = tpu.memref_slice %arg7[%dma_start3A_392, %dma_start3A_393] : memref<8x128xi32, #tpu.memory_space<vmem>> -> memref<8x128xi32, #tpu.memory_space<vmem>>
          %dma_start3A_395 = arith.constant 0 : i32
          %dma_start3A_396 = tpu.memref_slice %arg4[%add3A_58, %dma_start3A_395] : memref<12500x128xi32, #tpu.memory_space<hbm>> -> memref<8x128xi32, #tpu.memory_space<hbm>>
          tpu.enqueue_dma source(%dma_start3A_396 : memref<8x128xi32, #tpu.memory_space<hbm>>) target(%dma_start3A_394 : memref<8x128xi32, #tpu.memory_space<vmem>>) target_semaphore(%run_scoped3A : memref<!tpu.dma_semaphore, #tpu.memory_space<semaphore_mem>>)
          %dma_wait3A_397 = arith.constant 0 : i32
          %dma_wait3A_398 = arith.constant 0 : i32
          %dma_wait3A_399 = tpu.memref_slice %arg7[%dma_wait3A_397, %dma_wait3A_398] : memref<8x128xi32, #tpu.memory_space<vmem>> -> memref<8x128xi32, #tpu.memory_space<vmem>>
          %dma_wait3A_400 = arith.constant 0 : i32
          %dma_wait3A_401 = tpu.memref_slice %arg4[%add3A_58, %dma_wait3A_400] : memref<12500x128xi32, #tpu.memory_space<hbm>> -> memref<8x128xi32, #tpu.memory_space<hbm>>
          %dma_wait3A_402 = arith.constant 0 : i32
          %dma_wait3A_403 = arith.constant 0 : i32
          %dma_wait3A_404 = tpu.memref_slice %arg7[%dma_wait3A_402, %dma_wait3A_403] : memref<8x128xi32, #tpu.memory_space<vmem>> -> memref<8x128xi32, #tpu.memory_space<vmem>>
          %dma_wait3A_405 = arith.constant 0 : i32
          %dma_wait3A_406 = tpu.memref_slice %arg4[%add3A_58, %dma_wait3A_405] : memref<12500x128xi32, #tpu.memory_space<hbm>> -> memref<8x128xi32, #tpu.memory_space<hbm>>
          tpu.wait_dma2 semaphore(%run_scoped3A : memref<!tpu.dma_semaphore, #tpu.memory_space<semaphore_mem>>) src(%dma_wait3A_406 : memref<8x128xi32, #tpu.memory_space<hbm>>) dst(%dma_wait3A_404 : memref<8x128xi32, #tpu.memory_space<vmem>>)
          tpu.yield
        }) : () -> ()
        "tpu.region"() ({
          %run_scoped3A = tpu.sem_alloc : memref<!tpu.dma_semaphore, #tpu.memory_space<semaphore_mem>>
          %dma_start3A_387 = arith.constant 0 : i32
          %dma_start3A_388 = arith.constant 0 : i32
          %dma_start3A_389 = tpu.memref_slice %arg8[%dma_start3A_387, %dma_start3A_388] : memref<8x128xi32, #tpu.memory_space<vmem>> -> memref<8x128xi32, #tpu.memory_space<vmem>>
          %dma_start3A_390 = arith.constant 0 : i32
          %dma_start3A_391 = tpu.memref_slice %arg2[%add3A_58, %dma_start3A_390] : memref<12500x128xi32, #tpu.memory_space<hbm>> -> memref<8x128xi32, #tpu.memory_space<hbm>>
          %dma_start3A_392 = arith.constant 0 : i32
          %dma_start3A_393 = arith.constant 0 : i32
          %dma_start3A_394 = tpu.memref_slice %arg8[%dma_start3A_392, %dma_start3A_393] : memref<8x128xi32, #tpu.memory_space<vmem>> -> memref<8x128xi32, #tpu.memory_space<vmem>>
          %dma_start3A_395 = arith.constant 0 : i32
          %dma_start3A_396 = tpu.memref_slice %arg2[%add3A_58, %dma_start3A_395] : memref<12500x128xi32, #tpu.memory_space<hbm>> -> memref<8x128xi32, #tpu.memory_space<hbm>>
          tpu.enqueue_dma source(%dma_start3A_396 : memref<8x128xi32, #tpu.memory_space<hbm>>) target(%dma_start3A_394 : memref<8x128xi32, #tpu.memory_space<vmem>>) target_semaphore(%run_scoped3A : memref<!tpu.dma_semaphore, #tpu.memory_space<semaphore_mem>>)
          %dma_wait3A_397 = arith.constant 0 : i32
          %dma_wait3A_398 = arith.constant 0 : i32
          %dma_wait3A_399 = tpu.memref_slice %arg8[%dma_wait3A_397, %dma_wait3A_398] : memref<8x128xi32, #tpu.memory_space<vmem>> -> memref<8x128xi32, #tpu.memory_space<vmem>>
          %dma_wait3A_400 = arith.constant 0 : i32
          %dma_wait3A_401 = tpu.memref_slice %arg2[%add3A_58, %dma_wait3A_400] : memref<12500x128xi32, #tpu.memory_space<hbm>> -> memref<8x128xi32, #tpu.memory_space<hbm>>
          %dma_wait3A_402 = arith.constant 0 : i32
          %dma_wait3A_403 = arith.constant 0 : i32
          %dma_wait3A_404 = tpu.memref_slice %arg8[%dma_wait3A_402, %dma_wait3A_403] : memref<8x128xi32, #tpu.memory_space<vmem>> -> memref<8x128xi32, #tpu.memory_space<vmem>>
          %dma_wait3A_405 = arith.constant 0 : i32
          %dma_wait3A_406 = tpu.memref_slice %arg2[%add3A_58, %dma_wait3A_405] : memref<12500x128xi32, #tpu.memory_space<hbm>> -> memref<8x128xi32, #tpu.memory_space<hbm>>
          tpu.wait_dma2 semaphore(%run_scoped3A : memref<!tpu.dma_semaphore, #tpu.memory_space<semaphore_mem>>) src(%dma_wait3A_406 : memref<8x128xi32, #tpu.memory_space<hbm>>) dst(%dma_wait3A_404 : memref<8x128xi32, #tpu.memory_space<vmem>>)
          tpu.yield
        }) : () -> ()
      } else {
      }
      %dma_start3A = arith.constant 0 : i32
      %dma_start3A_69 = arith.constant 0 : i32
      %dma_start3A_70 = arith.constant 0 : i32
      %dma_start3A_71 = tpu.memref_slice %arg9[%dma_start3A_69, %dma_start3A_70] : memref<1024x16xf32, #tpu.memory_space<vmem>> -> memref<128x16xf32, #tpu.memory_space<vmem>>
      %dma_start3A_72 = arith.constant 0 : i32
      %dma_start3A_73 = tpu.memref_slice %arg7[%dma_start3A, %dma_start3A_72] : memref<8x128xi32, #tpu.memory_space<vmem>> -> memref<1x128xi32, #tpu.memory_space<vmem>>
      %dma_start3A_74 = tpu.memref_squeeze %dma_start3A_73 : memref<1x128xi32, #tpu.memory_space<vmem>> -> memref<128xi32, #tpu.memory_space<vmem>>
      %dma_start3A_75 = arith.constant 0 : i32
      %dma_start3A_76 = arith.constant 0 : i32
      %dma_start3A_77 = tpu.memref_slice %arg5[%dma_start3A_75, %dma_start3A_76] : memref<200000x16xf32, #tpu.memory_space<hbm>> -> memref<200000x16xf32, #tpu.memory_space<hbm>>
      tpu.enqueue_indirect_dma source(%dma_start3A_77 : memref<200000x16xf32, #tpu.memory_space<hbm>>) target(%dma_start3A_71 : memref<128x16xf32, #tpu.memory_space<vmem>>) offsets(%dma_start3A_74 : memref<128xi32, #tpu.memory_space<vmem>>) semaphore(%arg11 : memref<!tpu.dma_semaphore, #tpu.memory_space<semaphore_mem>>)
      %dma_start3A_78 = arith.constant 1 : i32
      %dma_start3A_79 = arith.constant 128 : i32
      %dma_start3A_80 = arith.constant 0 : i32
      %dma_start3A_81 = tpu.memref_slice %arg9[%dma_start3A_79, %dma_start3A_80] : memref<1024x16xf32, #tpu.memory_space<vmem>> -> memref<128x16xf32, #tpu.memory_space<vmem>>
      %dma_start3A_82 = arith.constant 0 : i32
      %dma_start3A_83 = tpu.memref_slice %arg7[%dma_start3A_78, %dma_start3A_82] : memref<8x128xi32, #tpu.memory_space<vmem>> -> memref<1x128xi32, #tpu.memory_space<vmem>>
      %dma_start3A_84 = tpu.memref_squeeze %dma_start3A_83 : memref<1x128xi32, #tpu.memory_space<vmem>> -> memref<128xi32, #tpu.memory_space<vmem>>
      %dma_start3A_85 = arith.constant 0 : i32
      %dma_start3A_86 = arith.constant 0 : i32
      %dma_start3A_87 = tpu.memref_slice %arg5[%dma_start3A_85, %dma_start3A_86] : memref<200000x16xf32, #tpu.memory_space<hbm>> -> memref<200000x16xf32, #tpu.memory_space<hbm>>
      tpu.enqueue_indirect_dma source(%dma_start3A_87 : memref<200000x16xf32, #tpu.memory_space<hbm>>) target(%dma_start3A_81 : memref<128x16xf32, #tpu.memory_space<vmem>>) offsets(%dma_start3A_84 : memref<128xi32, #tpu.memory_space<vmem>>) semaphore(%arg11 : memref<!tpu.dma_semaphore, #tpu.memory_space<semaphore_mem>>)
      %dma_start3A_88 = arith.constant 2 : i32
      %dma_start3A_89 = arith.constant 256 : i32
      %dma_start3A_90 = arith.constant 0 : i32
      %dma_start3A_91 = tpu.memref_slice %arg9[%dma_start3A_89, %dma_start3A_90] : memref<1024x16xf32, #tpu.memory_space<vmem>> -> memref<128x16xf32, #tpu.memory_space<vmem>>
      %dma_start3A_92 = arith.constant 0 : i32
      %dma_start3A_93 = tpu.memref_slice %arg7[%dma_start3A_88, %dma_start3A_92] : memref<8x128xi32, #tpu.memory_space<vmem>> -> memref<1x128xi32, #tpu.memory_space<vmem>>
      %dma_start3A_94 = tpu.memref_squeeze %dma_start3A_93 : memref<1x128xi32, #tpu.memory_space<vmem>> -> memref<128xi32, #tpu.memory_space<vmem>>
      %dma_start3A_95 = arith.constant 0 : i32
      %dma_start3A_96 = arith.constant 0 : i32
      %dma_start3A_97 = tpu.memref_slice %arg5[%dma_start3A_95, %dma_start3A_96] : memref<200000x16xf32, #tpu.memory_space<hbm>> -> memref<200000x16xf32, #tpu.memory_space<hbm>>
      tpu.enqueue_indirect_dma source(%dma_start3A_97 : memref<200000x16xf32, #tpu.memory_space<hbm>>) target(%dma_start3A_91 : memref<128x16xf32, #tpu.memory_space<vmem>>) offsets(%dma_start3A_94 : memref<128xi32, #tpu.memory_space<vmem>>) semaphore(%arg11 : memref<!tpu.dma_semaphore, #tpu.memory_space<semaphore_mem>>)
      %dma_start3A_98 = arith.constant 3 : i32
      %dma_start3A_99 = arith.constant 384 : i32
      %dma_start3A_100 = arith.constant 0 : i32
      %dma_start3A_101 = tpu.memref_slice %arg9[%dma_start3A_99, %dma_start3A_100] : memref<1024x16xf32, #tpu.memory_space<vmem>> -> memref<128x16xf32, #tpu.memory_space<vmem>>
      %dma_start3A_102 = arith.constant 0 : i32
      %dma_start3A_103 = tpu.memref_slice %arg7[%dma_start3A_98, %dma_start3A_102] : memref<8x128xi32, #tpu.memory_space<vmem>> -> memref<1x128xi32, #tpu.memory_space<vmem>>
      %dma_start3A_104 = tpu.memref_squeeze %dma_start3A_103 : memref<1x128xi32, #tpu.memory_space<vmem>> -> memref<128xi32, #tpu.memory_space<vmem>>
      %dma_start3A_105 = arith.constant 0 : i32
      %dma_start3A_106 = arith.constant 0 : i32
      %dma_start3A_107 = tpu.memref_slice %arg5[%dma_start3A_105, %dma_start3A_106] : memref<200000x16xf32, #tpu.memory_space<hbm>> -> memref<200000x16xf32, #tpu.memory_space<hbm>>
      tpu.enqueue_indirect_dma source(%dma_start3A_107 : memref<200000x16xf32, #tpu.memory_space<hbm>>) target(%dma_start3A_101 : memref<128x16xf32, #tpu.memory_space<vmem>>) offsets(%dma_start3A_104 : memref<128xi32, #tpu.memory_space<vmem>>) semaphore(%arg11 : memref<!tpu.dma_semaphore, #tpu.memory_space<semaphore_mem>>)
      %dma_start3A_108 = arith.constant 4 : i32
      %dma_start3A_109 = arith.constant 512 : i32
      %dma_start3A_110 = arith.constant 0 : i32
      %dma_start3A_111 = tpu.memref_slice %arg9[%dma_start3A_109, %dma_start3A_110] : memref<1024x16xf32, #tpu.memory_space<vmem>> -> memref<128x16xf32, #tpu.memory_space<vmem>>
      %dma_start3A_112 = arith.constant 0 : i32
      %dma_start3A_113 = tpu.memref_slice %arg7[%dma_start3A_108, %dma_start3A_112] : memref<8x128xi32, #tpu.memory_space<vmem>> -> memref<1x128xi32, #tpu.memory_space<vmem>>
      %dma_start3A_114 = tpu.memref_squeeze %dma_start3A_113 : memref<1x128xi32, #tpu.memory_space<vmem>> -> memref<128xi32, #tpu.memory_space<vmem>>
      %dma_start3A_115 = arith.constant 0 : i32
      %dma_start3A_116 = arith.constant 0 : i32
      %dma_start3A_117 = tpu.memref_slice %arg5[%dma_start3A_115, %dma_start3A_116] : memref<200000x16xf32, #tpu.memory_space<hbm>> -> memref<200000x16xf32, #tpu.memory_space<hbm>>
      tpu.enqueue_indirect_dma source(%dma_start3A_117 : memref<200000x16xf32, #tpu.memory_space<hbm>>) target(%dma_start3A_111 : memref<128x16xf32, #tpu.memory_space<vmem>>) offsets(%dma_start3A_114 : memref<128xi32, #tpu.memory_space<vmem>>) semaphore(%arg11 : memref<!tpu.dma_semaphore, #tpu.memory_space<semaphore_mem>>)
      %dma_start3A_118 = arith.constant 5 : i32
      %dma_start3A_119 = arith.constant 640 : i32
      %dma_start3A_120 = arith.constant 0 : i32
      %dma_start3A_121 = tpu.memref_slice %arg9[%dma_start3A_119, %dma_start3A_120] : memref<1024x16xf32, #tpu.memory_space<vmem>> -> memref<128x16xf32, #tpu.memory_space<vmem>>
      %dma_start3A_122 = arith.constant 0 : i32
      %dma_start3A_123 = tpu.memref_slice %arg7[%dma_start3A_118, %dma_start3A_122] : memref<8x128xi32, #tpu.memory_space<vmem>> -> memref<1x128xi32, #tpu.memory_space<vmem>>
      %dma_start3A_124 = tpu.memref_squeeze %dma_start3A_123 : memref<1x128xi32, #tpu.memory_space<vmem>> -> memref<128xi32, #tpu.memory_space<vmem>>
      %dma_start3A_125 = arith.constant 0 : i32
      %dma_start3A_126 = arith.constant 0 : i32
      %dma_start3A_127 = tpu.memref_slice %arg5[%dma_start3A_125, %dma_start3A_126] : memref<200000x16xf32, #tpu.memory_space<hbm>> -> memref<200000x16xf32, #tpu.memory_space<hbm>>
      tpu.enqueue_indirect_dma source(%dma_start3A_127 : memref<200000x16xf32, #tpu.memory_space<hbm>>) target(%dma_start3A_121 : memref<128x16xf32, #tpu.memory_space<vmem>>) offsets(%dma_start3A_124 : memref<128xi32, #tpu.memory_space<vmem>>) semaphore(%arg11 : memref<!tpu.dma_semaphore, #tpu.memory_space<semaphore_mem>>)
      %dma_start3A_128 = arith.constant 6 : i32
      %dma_start3A_129 = arith.constant 768 : i32
      %dma_start3A_130 = arith.constant 0 : i32
      %dma_start3A_131 = tpu.memref_slice %arg9[%dma_start3A_129, %dma_start3A_130] : memref<1024x16xf32, #tpu.memory_space<vmem>> -> memref<128x16xf32, #tpu.memory_space<vmem>>
      %dma_start3A_132 = arith.constant 0 : i32
      %dma_start3A_133 = tpu.memref_slice %arg7[%dma_start3A_128, %dma_start3A_132] : memref<8x128xi32, #tpu.memory_space<vmem>> -> memref<1x128xi32, #tpu.memory_space<vmem>>
      %dma_start3A_134 = tpu.memref_squeeze %dma_start3A_133 : memref<1x128xi32, #tpu.memory_space<vmem>> -> memref<128xi32, #tpu.memory_space<vmem>>
      %dma_start3A_135 = arith.constant 0 : i32
      %dma_start3A_136 = arith.constant 0 : i32
      %dma_start3A_137 = tpu.memref_slice %arg5[%dma_start3A_135, %dma_start3A_136] : memref<200000x16xf32, #tpu.memory_space<hbm>> -> memref<200000x16xf32, #tpu.memory_space<hbm>>
      tpu.enqueue_indirect_dma source(%dma_start3A_137 : memref<200000x16xf32, #tpu.memory_space<hbm>>) target(%dma_start3A_131 : memref<128x16xf32, #tpu.memory_space<vmem>>) offsets(%dma_start3A_134 : memref<128xi32, #tpu.memory_space<vmem>>) semaphore(%arg11 : memref<!tpu.dma_semaphore, #tpu.memory_space<semaphore_mem>>)
      %dma_start3A_138 = arith.constant 7 : i32
      %dma_start3A_139 = arith.constant 896 : i32
      %dma_start3A_140 = arith.constant 0 : i32
      %dma_start3A_141 = tpu.memref_slice %arg9[%dma_start3A_139, %dma_start3A_140] : memref<1024x16xf32, #tpu.memory_space<vmem>> -> memref<128x16xf32, #tpu.memory_space<vmem>>
      %dma_start3A_142 = arith.constant 0 : i32
      %dma_start3A_143 = tpu.memref_slice %arg7[%dma_start3A_138, %dma_start3A_142] : memref<8x128xi32, #tpu.memory_space<vmem>> -> memref<1x128xi32, #tpu.memory_space<vmem>>
      %dma_start3A_144 = tpu.memref_squeeze %dma_start3A_143 : memref<1x128xi32, #tpu.memory_space<vmem>> -> memref<128xi32, #tpu.memory_space<vmem>>
      %dma_start3A_145 = arith.constant 0 : i32
      %dma_start3A_146 = arith.constant 0 : i32
      %dma_start3A_147 = tpu.memref_slice %arg5[%dma_start3A_145, %dma_start3A_146] : memref<200000x16xf32, #tpu.memory_space<hbm>> -> memref<200000x16xf32, #tpu.memory_space<hbm>>
      tpu.enqueue_indirect_dma source(%dma_start3A_147 : memref<200000x16xf32, #tpu.memory_space<hbm>>) target(%dma_start3A_141 : memref<128x16xf32, #tpu.memory_space<vmem>>) offsets(%dma_start3A_144 : memref<128xi32, #tpu.memory_space<vmem>>) semaphore(%arg11 : memref<!tpu.dma_semaphore, #tpu.memory_space<semaphore_mem>>)
      %dma_wait3A = arith.constant 0 : i32
      %dma_wait3A_148 = arith.constant 0 : i32
      %dma_wait3A_149 = arith.constant 0 : i32
      %dma_wait3A_150 = tpu.memref_slice %arg9[%dma_wait3A_148, %dma_wait3A_149] : memref<1024x16xf32, #tpu.memory_space<vmem>> -> memref<128x16xf32, #tpu.memory_space<vmem>>
      %dma_wait3A_151 = arith.constant 0 : i32
      %dma_wait3A_152 = tpu.memref_slice %arg7[%dma_wait3A, %dma_wait3A_151] : memref<8x128xi32, #tpu.memory_space<vmem>> -> memref<1x128xi32, #tpu.memory_space<vmem>>
      %dma_wait3A_153 = tpu.memref_squeeze %dma_wait3A_152 : memref<1x128xi32, #tpu.memory_space<vmem>> -> memref<128xi32, #tpu.memory_space<vmem>>
      %dma_wait3A_154 = arith.constant 0 : i32
      %dma_wait3A_155 = arith.constant 0 : i32
      %dma_wait3A_156 = tpu.memref_slice %arg5[%dma_wait3A_154, %dma_wait3A_155] : memref<200000x16xf32, #tpu.memory_space<hbm>> -> memref<200000x16xf32, #tpu.memory_space<hbm>>
      tpu.wait_indirect_dma semaphore(%arg11 : memref<!tpu.dma_semaphore, #tpu.memory_space<semaphore_mem>>) src(%dma_wait3A_156 : memref<200000x16xf32, #tpu.memory_space<hbm>>) dst(%dma_wait3A_150 : memref<128x16xf32, #tpu.memory_space<vmem>>)
      %dma_wait3A_157 = arith.constant 1 : i32
      %dma_wait3A_158 = arith.constant 128 : i32
      %dma_wait3A_159 = arith.constant 0 : i32
      %dma_wait3A_160 = tpu.memref_slice %arg9[%dma_wait3A_158, %dma_wait3A_159] : memref<1024x16xf32, #tpu.memory_space<vmem>> -> memref<128x16xf32, #tpu.memory_space<vmem>>
      %dma_wait3A_161 = arith.constant 0 : i32
      %dma_wait3A_162 = tpu.memref_slice %arg7[%dma_wait3A_157, %dma_wait3A_161] : memref<8x128xi32, #tpu.memory_space<vmem>> -> memref<1x128xi32, #tpu.memory_space<vmem>>
      %dma_wait3A_163 = tpu.memref_squeeze %dma_wait3A_162 : memref<1x128xi32, #tpu.memory_space<vmem>> -> memref<128xi32, #tpu.memory_space<vmem>>
      %dma_wait3A_164 = arith.constant 0 : i32
      %dma_wait3A_165 = arith.constant 0 : i32
      %dma_wait3A_166 = tpu.memref_slice %arg5[%dma_wait3A_164, %dma_wait3A_165] : memref<200000x16xf32, #tpu.memory_space<hbm>> -> memref<200000x16xf32, #tpu.memory_space<hbm>>
      tpu.wait_indirect_dma semaphore(%arg11 : memref<!tpu.dma_semaphore, #tpu.memory_space<semaphore_mem>>) src(%dma_wait3A_166 : memref<200000x16xf32, #tpu.memory_space<hbm>>) dst(%dma_wait3A_160 : memref<128x16xf32, #tpu.memory_space<vmem>>)
      %dma_wait3A_167 = arith.constant 2 : i32
      %dma_wait3A_168 = arith.constant 256 : i32
      %dma_wait3A_169 = arith.constant 0 : i32
      %dma_wait3A_170 = tpu.memref_slice %arg9[%dma_wait3A_168, %dma_wait3A_169] : memref<1024x16xf32, #tpu.memory_space<vmem>> -> memref<128x16xf32, #tpu.memory_space<vmem>>
      %dma_wait3A_171 = arith.constant 0 : i32
      %dma_wait3A_172 = tpu.memref_slice %arg7[%dma_wait3A_167, %dma_wait3A_171] : memref<8x128xi32, #tpu.memory_space<vmem>> -> memref<1x128xi32, #tpu.memory_space<vmem>>
      %dma_wait3A_173 = tpu.memref_squeeze %dma_wait3A_172 : memref<1x128xi32, #tpu.memory_space<vmem>> -> memref<128xi32, #tpu.memory_space<vmem>>
      %dma_wait3A_174 = arith.constant 0 : i32
      %dma_wait3A_175 = arith.constant 0 : i32
      %dma_wait3A_176 = tpu.memref_slice %arg5[%dma_wait3A_174, %dma_wait3A_175] : memref<200000x16xf32, #tpu.memory_space<hbm>> -> memref<200000x16xf32, #tpu.memory_space<hbm>>
      tpu.wait_indirect_dma semaphore(%arg11 : memref<!tpu.dma_semaphore, #tpu.memory_space<semaphore_mem>>) src(%dma_wait3A_176 : memref<200000x16xf32, #tpu.memory_space<hbm>>) dst(%dma_wait3A_170 : memref<128x16xf32, #tpu.memory_space<vmem>>)
      %dma_wait3A_177 = arith.constant 3 : i32
      %dma_wait3A_178 = arith.constant 384 : i32
      %dma_wait3A_179 = arith.constant 0 : i32
      %dma_wait3A_180 = tpu.memref_slice %arg9[%dma_wait3A_178, %dma_wait3A_179] : memref<1024x16xf32, #tpu.memory_space<vmem>> -> memref<128x16xf32, #tpu.memory_space<vmem>>
      %dma_wait3A_181 = arith.constant 0 : i32
      %dma_wait3A_182 = tpu.memref_slice %arg7[%dma_wait3A_177, %dma_wait3A_181] : memref<8x128xi32, #tpu.memory_space<vmem>> -> memref<1x128xi32, #tpu.memory_space<vmem>>
      %dma_wait3A_183 = tpu.memref_squeeze %dma_wait3A_182 : memref<1x128xi32, #tpu.memory_space<vmem>> -> memref<128xi32, #tpu.memory_space<vmem>>
      %dma_wait3A_184 = arith.constant 0 : i32
      %dma_wait3A_185 = arith.constant 0 : i32
      %dma_wait3A_186 = tpu.memref_slice %arg5[%dma_wait3A_184, %dma_wait3A_185] : memref<200000x16xf32, #tpu.memory_space<hbm>> -> memref<200000x16xf32, #tpu.memory_space<hbm>>
      tpu.wait_indirect_dma semaphore(%arg11 : memref<!tpu.dma_semaphore, #tpu.memory_space<semaphore_mem>>) src(%dma_wait3A_186 : memref<200000x16xf32, #tpu.memory_space<hbm>>) dst(%dma_wait3A_180 : memref<128x16xf32, #tpu.memory_space<vmem>>)
      %dma_wait3A_187 = arith.constant 4 : i32
      %dma_wait3A_188 = arith.constant 512 : i32
      %dma_wait3A_189 = arith.constant 0 : i32
      %dma_wait3A_190 = tpu.memref_slice %arg9[%dma_wait3A_188, %dma_wait3A_189] : memref<1024x16xf32, #tpu.memory_space<vmem>> -> memref<128x16xf32, #tpu.memory_space<vmem>>
      %dma_wait3A_191 = arith.constant 0 : i32
      %dma_wait3A_192 = tpu.memref_slice %arg7[%dma_wait3A_187, %dma_wait3A_191] : memref<8x128xi32, #tpu.memory_space<vmem>> -> memref<1x128xi32, #tpu.memory_space<vmem>>
      %dma_wait3A_193 = tpu.memref_squeeze %dma_wait3A_192 : memref<1x128xi32, #tpu.memory_space<vmem>> -> memref<128xi32, #tpu.memory_space<vmem>>
      %dma_wait3A_194 = arith.constant 0 : i32
      %dma_wait3A_195 = arith.constant 0 : i32
      %dma_wait3A_196 = tpu.memref_slice %arg5[%dma_wait3A_194, %dma_wait3A_195] : memref<200000x16xf32, #tpu.memory_space<hbm>> -> memref<200000x16xf32, #tpu.memory_space<hbm>>
      tpu.wait_indirect_dma semaphore(%arg11 : memref<!tpu.dma_semaphore, #tpu.memory_space<semaphore_mem>>) src(%dma_wait3A_196 : memref<200000x16xf32, #tpu.memory_space<hbm>>) dst(%dma_wait3A_190 : memref<128x16xf32, #tpu.memory_space<vmem>>)
      %dma_wait3A_197 = arith.constant 5 : i32
      %dma_wait3A_198 = arith.constant 640 : i32
      %dma_wait3A_199 = arith.constant 0 : i32
      %dma_wait3A_200 = tpu.memref_slice %arg9[%dma_wait3A_198, %dma_wait3A_199] : memref<1024x16xf32, #tpu.memory_space<vmem>> -> memref<128x16xf32, #tpu.memory_space<vmem>>
      %dma_wait3A_201 = arith.constant 0 : i32
      %dma_wait3A_202 = tpu.memref_slice %arg7[%dma_wait3A_197, %dma_wait3A_201] : memref<8x128xi32, #tpu.memory_space<vmem>> -> memref<1x128xi32, #tpu.memory_space<vmem>>
      %dma_wait3A_203 = tpu.memref_squeeze %dma_wait3A_202 : memref<1x128xi32, #tpu.memory_space<vmem>> -> memref<128xi32, #tpu.memory_space<vmem>>
      %dma_wait3A_204 = arith.constant 0 : i32
      %dma_wait3A_205 = arith.constant 0 : i32
      %dma_wait3A_206 = tpu.memref_slice %arg5[%dma_wait3A_204, %dma_wait3A_205] : memref<200000x16xf32, #tpu.memory_space<hbm>> -> memref<200000x16xf32, #tpu.memory_space<hbm>>
      tpu.wait_indirect_dma semaphore(%arg11 : memref<!tpu.dma_semaphore, #tpu.memory_space<semaphore_mem>>) src(%dma_wait3A_206 : memref<200000x16xf32, #tpu.memory_space<hbm>>) dst(%dma_wait3A_200 : memref<128x16xf32, #tpu.memory_space<vmem>>)
      %dma_wait3A_207 = arith.constant 6 : i32
      %dma_wait3A_208 = arith.constant 768 : i32
      %dma_wait3A_209 = arith.constant 0 : i32
      %dma_wait3A_210 = tpu.memref_slice %arg9[%dma_wait3A_208, %dma_wait3A_209] : memref<1024x16xf32, #tpu.memory_space<vmem>> -> memref<128x16xf32, #tpu.memory_space<vmem>>
      %dma_wait3A_211 = arith.constant 0 : i32
      %dma_wait3A_212 = tpu.memref_slice %arg7[%dma_wait3A_207, %dma_wait3A_211] : memref<8x128xi32, #tpu.memory_space<vmem>> -> memref<1x128xi32, #tpu.memory_space<vmem>>
      %dma_wait3A_213 = tpu.memref_squeeze %dma_wait3A_212 : memref<1x128xi32, #tpu.memory_space<vmem>> -> memref<128xi32, #tpu.memory_space<vmem>>
      %dma_wait3A_214 = arith.constant 0 : i32
      %dma_wait3A_215 = arith.constant 0 : i32
      %dma_wait3A_216 = tpu.memref_slice %arg5[%dma_wait3A_214, %dma_wait3A_215] : memref<200000x16xf32, #tpu.memory_space<hbm>> -> memref<200000x16xf32, #tpu.memory_space<hbm>>
      tpu.wait_indirect_dma semaphore(%arg11 : memref<!tpu.dma_semaphore, #tpu.memory_space<semaphore_mem>>) src(%dma_wait3A_216 : memref<200000x16xf32, #tpu.memory_space<hbm>>) dst(%dma_wait3A_210 : memref<128x16xf32, #tpu.memory_space<vmem>>)
      %dma_wait3A_217 = arith.constant 7 : i32
      %dma_wait3A_218 = arith.constant 896 : i32
      %dma_wait3A_219 = arith.constant 0 : i32
      %dma_wait3A_220 = tpu.memref_slice %arg9[%dma_wait3A_218, %dma_wait3A_219] : memref<1024x16xf32, #tpu.memory_space<vmem>> -> memref<128x16xf32, #tpu.memory_space<vmem>>
      %dma_wait3A_221 = arith.constant 0 : i32
      %dma_wait3A_222 = tpu.memref_slice %arg7[%dma_wait3A_217, %dma_wait3A_221] : memref<8x128xi32, #tpu.memory_space<vmem>> -> memref<1x128xi32, #tpu.memory_space<vmem>>
      %dma_wait3A_223 = tpu.memref_squeeze %dma_wait3A_222 : memref<1x128xi32, #tpu.memory_space<vmem>> -> memref<128xi32, #tpu.memory_space<vmem>>
      %dma_wait3A_224 = arith.constant 0 : i32
      %dma_wait3A_225 = arith.constant 0 : i32
      %dma_wait3A_226 = tpu.memref_slice %arg5[%dma_wait3A_224, %dma_wait3A_225] : memref<200000x16xf32, #tpu.memory_space<hbm>> -> memref<200000x16xf32, #tpu.memory_space<hbm>>
      tpu.wait_indirect_dma semaphore(%arg11 : memref<!tpu.dma_semaphore, #tpu.memory_space<semaphore_mem>>) src(%dma_wait3A_226 : memref<200000x16xf32, #tpu.memory_space<hbm>>) dst(%dma_wait3A_220 : memref<128x16xf32, #tpu.memory_space<vmem>>)
      %dma_start3A_227 = arith.constant 0 : i32
      %dma_start3A_228 = arith.constant 0 : i32
      %dma_start3A_229 = arith.constant 0 : i32
      %dma_start3A_230 = tpu.memref_slice %arg9[%dma_start3A_228, %dma_start3A_229] : memref<1024x16xf32, #tpu.memory_space<vmem>> -> memref<128x16xf32, #tpu.memory_space<vmem>>
      %dma_start3A_231 = arith.constant 0 : i32
      %dma_start3A_232 = tpu.memref_slice %arg8[%dma_start3A_227, %dma_start3A_231] : memref<8x128xi32, #tpu.memory_space<vmem>> -> memref<1x128xi32, #tpu.memory_space<vmem>>
      %dma_start3A_233 = tpu.memref_squeeze %dma_start3A_232 : memref<1x128xi32, #tpu.memory_space<vmem>> -> memref<128xi32, #tpu.memory_space<vmem>>
      %dma_start3A_234 = arith.constant 0 : i32
      %dma_start3A_235 = arith.constant 0 : i32
      %dma_start3A_236 = tpu.memref_slice %arg10[%dma_start3A_234, %dma_start3A_235] : memref<100352x16xf32, #tpu.memory_space<vmem_shared>> -> memref<100352x16xf32, #tpu.memory_space<vmem_shared>>
      tpu.enqueue_indirect_dma source(%dma_start3A_230 : memref<128x16xf32, #tpu.memory_space<vmem>>) target(%dma_start3A_236 : memref<100352x16xf32, #tpu.memory_space<vmem_shared>>) offsets(%dma_start3A_233 : memref<128xi32, #tpu.memory_space<vmem>>) semaphore(%arg12 : memref<!tpu.dma_semaphore, #tpu.memory_space<semaphore_mem>>) {add = true}
      %dma_start3A_237 = arith.constant 1 : i32
      %dma_start3A_238 = arith.constant 128 : i32
      %dma_start3A_239 = arith.constant 0 : i32
      %dma_start3A_240 = tpu.memref_slice %arg9[%dma_start3A_238, %dma_start3A_239] : memref<1024x16xf32, #tpu.memory_space<vmem>> -> memref<128x16xf32, #tpu.memory_space<vmem>>
      %dma_start3A_241 = arith.constant 0 : i32
      %dma_start3A_242 = tpu.memref_slice %arg8[%dma_start3A_237, %dma_start3A_241] : memref<8x128xi32, #tpu.memory_space<vmem>> -> memref<1x128xi32, #tpu.memory_space<vmem>>
      %dma_start3A_243 = tpu.memref_squeeze %dma_start3A_242 : memref<1x128xi32, #tpu.memory_space<vmem>> -> memref<128xi32, #tpu.memory_space<vmem>>
      %dma_start3A_244 = arith.constant 0 : i32
      %dma_start3A_245 = arith.constant 0 : i32
      %dma_start3A_246 = tpu.memref_slice %arg10[%dma_start3A_244, %dma_start3A_245] : memref<100352x16xf32, #tpu.memory_space<vmem_shared>> -> memref<100352x16xf32, #tpu.memory_space<vmem_shared>>
      tpu.enqueue_indirect_dma source(%dma_start3A_240 : memref<128x16xf32, #tpu.memory_space<vmem>>) target(%dma_start3A_246 : memref<100352x16xf32, #tpu.memory_space<vmem_shared>>) offsets(%dma_start3A_243 : memref<128xi32, #tpu.memory_space<vmem>>) semaphore(%arg12 : memref<!tpu.dma_semaphore, #tpu.memory_space<semaphore_mem>>) {add = true}
      %dma_start3A_247 = arith.constant 2 : i32
      %dma_start3A_248 = arith.constant 256 : i32
      %dma_start3A_249 = arith.constant 0 : i32
      %dma_start3A_250 = tpu.memref_slice %arg9[%dma_start3A_248, %dma_start3A_249] : memref<1024x16xf32, #tpu.memory_space<vmem>> -> memref<128x16xf32, #tpu.memory_space<vmem>>
      %dma_start3A_251 = arith.constant 0 : i32
      %dma_start3A_252 = tpu.memref_slice %arg8[%dma_start3A_247, %dma_start3A_251] : memref<8x128xi32, #tpu.memory_space<vmem>> -> memref<1x128xi32, #tpu.memory_space<vmem>>
      %dma_start3A_253 = tpu.memref_squeeze %dma_start3A_252 : memref<1x128xi32, #tpu.memory_space<vmem>> -> memref<128xi32, #tpu.memory_space<vmem>>
      %dma_start3A_254 = arith.constant 0 : i32
      %dma_start3A_255 = arith.constant 0 : i32
      %dma_start3A_256 = tpu.memref_slice %arg10[%dma_start3A_254, %dma_start3A_255] : memref<100352x16xf32, #tpu.memory_space<vmem_shared>> -> memref<100352x16xf32, #tpu.memory_space<vmem_shared>>
      tpu.enqueue_indirect_dma source(%dma_start3A_250 : memref<128x16xf32, #tpu.memory_space<vmem>>) target(%dma_start3A_256 : memref<100352x16xf32, #tpu.memory_space<vmem_shared>>) offsets(%dma_start3A_253 : memref<128xi32, #tpu.memory_space<vmem>>) semaphore(%arg12 : memref<!tpu.dma_semaphore, #tpu.memory_space<semaphore_mem>>) {add = true}
      %dma_start3A_257 = arith.constant 3 : i32
      %dma_start3A_258 = arith.constant 384 : i32
      %dma_start3A_259 = arith.constant 0 : i32
      %dma_start3A_260 = tpu.memref_slice %arg9[%dma_start3A_258, %dma_start3A_259] : memref<1024x16xf32, #tpu.memory_space<vmem>> -> memref<128x16xf32, #tpu.memory_space<vmem>>
      %dma_start3A_261 = arith.constant 0 : i32
      %dma_start3A_262 = tpu.memref_slice %arg8[%dma_start3A_257, %dma_start3A_261] : memref<8x128xi32, #tpu.memory_space<vmem>> -> memref<1x128xi32, #tpu.memory_space<vmem>>
      %dma_start3A_263 = tpu.memref_squeeze %dma_start3A_262 : memref<1x128xi32, #tpu.memory_space<vmem>> -> memref<128xi32, #tpu.memory_space<vmem>>
      %dma_start3A_264 = arith.constant 0 : i32
      %dma_start3A_265 = arith.constant 0 : i32
      %dma_start3A_266 = tpu.memref_slice %arg10[%dma_start3A_264, %dma_start3A_265] : memref<100352x16xf32, #tpu.memory_space<vmem_shared>> -> memref<100352x16xf32, #tpu.memory_space<vmem_shared>>
      tpu.enqueue_indirect_dma source(%dma_start3A_260 : memref<128x16xf32, #tpu.memory_space<vmem>>) target(%dma_start3A_266 : memref<100352x16xf32, #tpu.memory_space<vmem_shared>>) offsets(%dma_start3A_263 : memref<128xi32, #tpu.memory_space<vmem>>) semaphore(%arg12 : memref<!tpu.dma_semaphore, #tpu.memory_space<semaphore_mem>>) {add = true}
      %dma_start3A_267 = arith.constant 4 : i32
      %dma_start3A_268 = arith.constant 512 : i32
      %dma_start3A_269 = arith.constant 0 : i32
      %dma_start3A_270 = tpu.memref_slice %arg9[%dma_start3A_268, %dma_start3A_269] : memref<1024x16xf32, #tpu.memory_space<vmem>> -> memref<128x16xf32, #tpu.memory_space<vmem>>
      %dma_start3A_271 = arith.constant 0 : i32
      %dma_start3A_272 = tpu.memref_slice %arg8[%dma_start3A_267, %dma_start3A_271] : memref<8x128xi32, #tpu.memory_space<vmem>> -> memref<1x128xi32, #tpu.memory_space<vmem>>
      %dma_start3A_273 = tpu.memref_squeeze %dma_start3A_272 : memref<1x128xi32, #tpu.memory_space<vmem>> -> memref<128xi32, #tpu.memory_space<vmem>>
      %dma_start3A_274 = arith.constant 0 : i32
      %dma_start3A_275 = arith.constant 0 : i32
      %dma_start3A_276 = tpu.memref_slice %arg10[%dma_start3A_274, %dma_start3A_275] : memref<100352x16xf32, #tpu.memory_space<vmem_shared>> -> memref<100352x16xf32, #tpu.memory_space<vmem_shared>>
      tpu.enqueue_indirect_dma source(%dma_start3A_270 : memref<128x16xf32, #tpu.memory_space<vmem>>) target(%dma_start3A_276 : memref<100352x16xf32, #tpu.memory_space<vmem_shared>>) offsets(%dma_start3A_273 : memref<128xi32, #tpu.memory_space<vmem>>) semaphore(%arg12 : memref<!tpu.dma_semaphore, #tpu.memory_space<semaphore_mem>>) {add = true}
      %dma_start3A_277 = arith.constant 5 : i32
      %dma_start3A_278 = arith.constant 640 : i32
      %dma_start3A_279 = arith.constant 0 : i32
      %dma_start3A_280 = tpu.memref_slice %arg9[%dma_start3A_278, %dma_start3A_279] : memref<1024x16xf32, #tpu.memory_space<vmem>> -> memref<128x16xf32, #tpu.memory_space<vmem>>
      %dma_start3A_281 = arith.constant 0 : i32
      %dma_start3A_282 = tpu.memref_slice %arg8[%dma_start3A_277, %dma_start3A_281] : memref<8x128xi32, #tpu.memory_space<vmem>> -> memref<1x128xi32, #tpu.memory_space<vmem>>
      %dma_start3A_283 = tpu.memref_squeeze %dma_start3A_282 : memref<1x128xi32, #tpu.memory_space<vmem>> -> memref<128xi32, #tpu.memory_space<vmem>>
      %dma_start3A_284 = arith.constant 0 : i32
      %dma_start3A_285 = arith.constant 0 : i32
      %dma_start3A_286 = tpu.memref_slice %arg10[%dma_start3A_284, %dma_start3A_285] : memref<100352x16xf32, #tpu.memory_space<vmem_shared>> -> memref<100352x16xf32, #tpu.memory_space<vmem_shared>>
      tpu.enqueue_indirect_dma source(%dma_start3A_280 : memref<128x16xf32, #tpu.memory_space<vmem>>) target(%dma_start3A_286 : memref<100352x16xf32, #tpu.memory_space<vmem_shared>>) offsets(%dma_start3A_283 : memref<128xi32, #tpu.memory_space<vmem>>) semaphore(%arg12 : memref<!tpu.dma_semaphore, #tpu.memory_space<semaphore_mem>>) {add = true}
      %dma_start3A_287 = arith.constant 6 : i32
      %dma_start3A_288 = arith.constant 768 : i32
      %dma_start3A_289 = arith.constant 0 : i32
      %dma_start3A_290 = tpu.memref_slice %arg9[%dma_start3A_288, %dma_start3A_289] : memref<1024x16xf32, #tpu.memory_space<vmem>> -> memref<128x16xf32, #tpu.memory_space<vmem>>
      %dma_start3A_291 = arith.constant 0 : i32
      %dma_start3A_292 = tpu.memref_slice %arg8[%dma_start3A_287, %dma_start3A_291] : memref<8x128xi32, #tpu.memory_space<vmem>> -> memref<1x128xi32, #tpu.memory_space<vmem>>
      %dma_start3A_293 = tpu.memref_squeeze %dma_start3A_292 : memref<1x128xi32, #tpu.memory_space<vmem>> -> memref<128xi32, #tpu.memory_space<vmem>>
      %dma_start3A_294 = arith.constant 0 : i32
      %dma_start3A_295 = arith.constant 0 : i32
      %dma_start3A_296 = tpu.memref_slice %arg10[%dma_start3A_294, %dma_start3A_295] : memref<100352x16xf32, #tpu.memory_space<vmem_shared>> -> memref<100352x16xf32, #tpu.memory_space<vmem_shared>>
      tpu.enqueue_indirect_dma source(%dma_start3A_290 : memref<128x16xf32, #tpu.memory_space<vmem>>) target(%dma_start3A_296 : memref<100352x16xf32, #tpu.memory_space<vmem_shared>>) offsets(%dma_start3A_293 : memref<128xi32, #tpu.memory_space<vmem>>) semaphore(%arg12 : memref<!tpu.dma_semaphore, #tpu.memory_space<semaphore_mem>>) {add = true}
      %dma_start3A_297 = arith.constant 7 : i32
      %dma_start3A_298 = arith.constant 896 : i32
      %dma_start3A_299 = arith.constant 0 : i32
      %dma_start3A_300 = tpu.memref_slice %arg9[%dma_start3A_298, %dma_start3A_299] : memref<1024x16xf32, #tpu.memory_space<vmem>> -> memref<128x16xf32, #tpu.memory_space<vmem>>
      %dma_start3A_301 = arith.constant 0 : i32
      %dma_start3A_302 = tpu.memref_slice %arg8[%dma_start3A_297, %dma_start3A_301] : memref<8x128xi32, #tpu.memory_space<vmem>> -> memref<1x128xi32, #tpu.memory_space<vmem>>
      %dma_start3A_303 = tpu.memref_squeeze %dma_start3A_302 : memref<1x128xi32, #tpu.memory_space<vmem>> -> memref<128xi32, #tpu.memory_space<vmem>>
      %dma_start3A_304 = arith.constant 0 : i32
      %dma_start3A_305 = arith.constant 0 : i32
      %dma_start3A_306 = tpu.memref_slice %arg10[%dma_start3A_304, %dma_start3A_305] : memref<100352x16xf32, #tpu.memory_space<vmem_shared>> -> memref<100352x16xf32, #tpu.memory_space<vmem_shared>>
      tpu.enqueue_indirect_dma source(%dma_start3A_300 : memref<128x16xf32, #tpu.memory_space<vmem>>) target(%dma_start3A_306 : memref<100352x16xf32, #tpu.memory_space<vmem_shared>>) offsets(%dma_start3A_303 : memref<128xi32, #tpu.memory_space<vmem>>) semaphore(%arg12 : memref<!tpu.dma_semaphore, #tpu.memory_space<semaphore_mem>>) {add = true}
      %dma_wait3A_307 = arith.constant 0 : i32
      %dma_wait3A_308 = arith.constant 0 : i32
      %dma_wait3A_309 = arith.constant 0 : i32
      %dma_wait3A_310 = tpu.memref_slice %arg9[%dma_wait3A_308, %dma_wait3A_309] : memref<1024x16xf32, #tpu.memory_space<vmem>> -> memref<128x16xf32, #tpu.memory_space<vmem>>
      %dma_wait3A_311 = arith.constant 0 : i32
      %dma_wait3A_312 = tpu.memref_slice %arg8[%dma_wait3A_307, %dma_wait3A_311] : memref<8x128xi32, #tpu.memory_space<vmem>> -> memref<1x128xi32, #tpu.memory_space<vmem>>
      %dma_wait3A_313 = tpu.memref_squeeze %dma_wait3A_312 : memref<1x128xi32, #tpu.memory_space<vmem>> -> memref<128xi32, #tpu.memory_space<vmem>>
      %dma_wait3A_314 = arith.constant 0 : i32
      %dma_wait3A_315 = arith.constant 0 : i32
      %dma_wait3A_316 = tpu.memref_slice %arg10[%dma_wait3A_314, %dma_wait3A_315] : memref<100352x16xf32, #tpu.memory_space<vmem_shared>> -> memref<100352x16xf32, #tpu.memory_space<vmem_shared>>
      tpu.wait_indirect_dma semaphore(%arg12 : memref<!tpu.dma_semaphore, #tpu.memory_space<semaphore_mem>>) src(%dma_wait3A_310 : memref<128x16xf32, #tpu.memory_space<vmem>>) dst(%dma_wait3A_316 : memref<100352x16xf32, #tpu.memory_space<vmem_shared>>)
      %dma_wait3A_317 = arith.constant 1 : i32
      %dma_wait3A_318 = arith.constant 128 : i32
      %dma_wait3A_319 = arith.constant 0 : i32
      %dma_wait3A_320 = tpu.memref_slice %arg9[%dma_wait3A_318, %dma_wait3A_319] : memref<1024x16xf32, #tpu.memory_space<vmem>> -> memref<128x16xf32, #tpu.memory_space<vmem>>
      %dma_wait3A_321 = arith.constant 0 : i32
      %dma_wait3A_322 = tpu.memref_slice %arg8[%dma_wait3A_317, %dma_wait3A_321] : memref<8x128xi32, #tpu.memory_space<vmem>> -> memref<1x128xi32, #tpu.memory_space<vmem>>
      %dma_wait3A_323 = tpu.memref_squeeze %dma_wait3A_322 : memref<1x128xi32, #tpu.memory_space<vmem>> -> memref<128xi32, #tpu.memory_space<vmem>>
      %dma_wait3A_324 = arith.constant 0 : i32
      %dma_wait3A_325 = arith.constant 0 : i32
      %dma_wait3A_326 = tpu.memref_slice %arg10[%dma_wait3A_324, %dma_wait3A_325] : memref<100352x16xf32, #tpu.memory_space<vmem_shared>> -> memref<100352x16xf32, #tpu.memory_space<vmem_shared>>
      tpu.wait_indirect_dma semaphore(%arg12 : memref<!tpu.dma_semaphore, #tpu.memory_space<semaphore_mem>>) src(%dma_wait3A_320 : memref<128x16xf32, #tpu.memory_space<vmem>>) dst(%dma_wait3A_326 : memref<100352x16xf32, #tpu.memory_space<vmem_shared>>)
      %dma_wait3A_327 = arith.constant 2 : i32
      %dma_wait3A_328 = arith.constant 256 : i32
      %dma_wait3A_329 = arith.constant 0 : i32
      %dma_wait3A_330 = tpu.memref_slice %arg9[%dma_wait3A_328, %dma_wait3A_329] : memref<1024x16xf32, #tpu.memory_space<vmem>> -> memref<128x16xf32, #tpu.memory_space<vmem>>
      %dma_wait3A_331 = arith.constant 0 : i32
      %dma_wait3A_332 = tpu.memref_slice %arg8[%dma_wait3A_327, %dma_wait3A_331] : memref<8x128xi32, #tpu.memory_space<vmem>> -> memref<1x128xi32, #tpu.memory_space<vmem>>
      %dma_wait3A_333 = tpu.memref_squeeze %dma_wait3A_332 : memref<1x128xi32, #tpu.memory_space<vmem>> -> memref<128xi32, #tpu.memory_space<vmem>>
      %dma_wait3A_334 = arith.constant 0 : i32
      %dma_wait3A_335 = arith.constant 0 : i32
      %dma_wait3A_336 = tpu.memref_slice %arg10[%dma_wait3A_334, %dma_wait3A_335] : memref<100352x16xf32, #tpu.memory_space<vmem_shared>> -> memref<100352x16xf32, #tpu.memory_space<vmem_shared>>
      tpu.wait_indirect_dma semaphore(%arg12 : memref<!tpu.dma_semaphore, #tpu.memory_space<semaphore_mem>>) src(%dma_wait3A_330 : memref<128x16xf32, #tpu.memory_space<vmem>>) dst(%dma_wait3A_336 : memref<100352x16xf32, #tpu.memory_space<vmem_shared>>)
      %dma_wait3A_337 = arith.constant 3 : i32
      %dma_wait3A_338 = arith.constant 384 : i32
      %dma_wait3A_339 = arith.constant 0 : i32
      %dma_wait3A_340 = tpu.memref_slice %arg9[%dma_wait3A_338, %dma_wait3A_339] : memref<1024x16xf32, #tpu.memory_space<vmem>> -> memref<128x16xf32, #tpu.memory_space<vmem>>
      %dma_wait3A_341 = arith.constant 0 : i32
      %dma_wait3A_342 = tpu.memref_slice %arg8[%dma_wait3A_337, %dma_wait3A_341] : memref<8x128xi32, #tpu.memory_space<vmem>> -> memref<1x128xi32, #tpu.memory_space<vmem>>
      %dma_wait3A_343 = tpu.memref_squeeze %dma_wait3A_342 : memref<1x128xi32, #tpu.memory_space<vmem>> -> memref<128xi32, #tpu.memory_space<vmem>>
      %dma_wait3A_344 = arith.constant 0 : i32
      %dma_wait3A_345 = arith.constant 0 : i32
      %dma_wait3A_346 = tpu.memref_slice %arg10[%dma_wait3A_344, %dma_wait3A_345] : memref<100352x16xf32, #tpu.memory_space<vmem_shared>> -> memref<100352x16xf32, #tpu.memory_space<vmem_shared>>
      tpu.wait_indirect_dma semaphore(%arg12 : memref<!tpu.dma_semaphore, #tpu.memory_space<semaphore_mem>>) src(%dma_wait3A_340 : memref<128x16xf32, #tpu.memory_space<vmem>>) dst(%dma_wait3A_346 : memref<100352x16xf32, #tpu.memory_space<vmem_shared>>)
      %dma_wait3A_347 = arith.constant 4 : i32
      %dma_wait3A_348 = arith.constant 512 : i32
      %dma_wait3A_349 = arith.constant 0 : i32
      %dma_wait3A_350 = tpu.memref_slice %arg9[%dma_wait3A_348, %dma_wait3A_349] : memref<1024x16xf32, #tpu.memory_space<vmem>> -> memref<128x16xf32, #tpu.memory_space<vmem>>
      %dma_wait3A_351 = arith.constant 0 : i32
      %dma_wait3A_352 = tpu.memref_slice %arg8[%dma_wait3A_347, %dma_wait3A_351] : memref<8x128xi32, #tpu.memory_space<vmem>> -> memref<1x128xi32, #tpu.memory_space<vmem>>
      %dma_wait3A_353 = tpu.memref_squeeze %dma_wait3A_352 : memref<1x128xi32, #tpu.memory_space<vmem>> -> memref<128xi32, #tpu.memory_space<vmem>>
      %dma_wait3A_354 = arith.constant 0 : i32
      %dma_wait3A_355 = arith.constant 0 : i32
      %dma_wait3A_356 = tpu.memref_slice %arg10[%dma_wait3A_354, %dma_wait3A_355] : memref<100352x16xf32, #tpu.memory_space<vmem_shared>> -> memref<100352x16xf32, #tpu.memory_space<vmem_shared>>
      tpu.wait_indirect_dma semaphore(%arg12 : memref<!tpu.dma_semaphore, #tpu.memory_space<semaphore_mem>>) src(%dma_wait3A_350 : memref<128x16xf32, #tpu.memory_space<vmem>>) dst(%dma_wait3A_356 : memref<100352x16xf32, #tpu.memory_space<vmem_shared>>)
      %dma_wait3A_357 = arith.constant 5 : i32
      %dma_wait3A_358 = arith.constant 640 : i32
      %dma_wait3A_359 = arith.constant 0 : i32
      %dma_wait3A_360 = tpu.memref_slice %arg9[%dma_wait3A_358, %dma_wait3A_359] : memref<1024x16xf32, #tpu.memory_space<vmem>> -> memref<128x16xf32, #tpu.memory_space<vmem>>
      %dma_wait3A_361 = arith.constant 0 : i32
      %dma_wait3A_362 = tpu.memref_slice %arg8[%dma_wait3A_357, %dma_wait3A_361] : memref<8x128xi32, #tpu.memory_space<vmem>> -> memref<1x128xi32, #tpu.memory_space<vmem>>
      %dma_wait3A_363 = tpu.memref_squeeze %dma_wait3A_362 : memref<1x128xi32, #tpu.memory_space<vmem>> -> memref<128xi32, #tpu.memory_space<vmem>>
      %dma_wait3A_364 = arith.constant 0 : i32
      %dma_wait3A_365 = arith.constant 0 : i32
      %dma_wait3A_366 = tpu.memref_slice %arg10[%dma_wait3A_364, %dma_wait3A_365] : memref<100352x16xf32, #tpu.memory_space<vmem_shared>> -> memref<100352x16xf32, #tpu.memory_space<vmem_shared>>
      tpu.wait_indirect_dma semaphore(%arg12 : memref<!tpu.dma_semaphore, #tpu.memory_space<semaphore_mem>>) src(%dma_wait3A_360 : memref<128x16xf32, #tpu.memory_space<vmem>>) dst(%dma_wait3A_366 : memref<100352x16xf32, #tpu.memory_space<vmem_shared>>)
      %dma_wait3A_367 = arith.constant 6 : i32
      %dma_wait3A_368 = arith.constant 768 : i32
      %dma_wait3A_369 = arith.constant 0 : i32
      %dma_wait3A_370 = tpu.memref_slice %arg9[%dma_wait3A_368, %dma_wait3A_369] : memref<1024x16xf32, #tpu.memory_space<vmem>> -> memref<128x16xf32, #tpu.memory_space<vmem>>
      %dma_wait3A_371 = arith.constant 0 : i32
      %dma_wait3A_372 = tpu.memref_slice %arg8[%dma_wait3A_367, %dma_wait3A_371] : memref<8x128xi32, #tpu.memory_space<vmem>> -> memref<1x128xi32, #tpu.memory_space<vmem>>
      %dma_wait3A_373 = tpu.memref_squeeze %dma_wait3A_372 : memref<1x128xi32, #tpu.memory_space<vmem>> -> memref<128xi32, #tpu.memory_space<vmem>>
      %dma_wait3A_374 = arith.constant 0 : i32
      %dma_wait3A_375 = arith.constant 0 : i32
      %dma_wait3A_376 = tpu.memref_slice %arg10[%dma_wait3A_374, %dma_wait3A_375] : memref<100352x16xf32, #tpu.memory_space<vmem_shared>> -> memref<100352x16xf32, #tpu.memory_space<vmem_shared>>
      tpu.wait_indirect_dma semaphore(%arg12 : memref<!tpu.dma_semaphore, #tpu.memory_space<semaphore_mem>>) src(%dma_wait3A_370 : memref<128x16xf32, #tpu.memory_space<vmem>>) dst(%dma_wait3A_376 : memref<100352x16xf32, #tpu.memory_space<vmem_shared>>)
      %dma_wait3A_377 = arith.constant 7 : i32
      %dma_wait3A_378 = arith.constant 896 : i32
      %dma_wait3A_379 = arith.constant 0 : i32
      %dma_wait3A_380 = tpu.memref_slice %arg9[%dma_wait3A_378, %dma_wait3A_379] : memref<1024x16xf32, #tpu.memory_space<vmem>> -> memref<128x16xf32, #tpu.memory_space<vmem>>
      %dma_wait3A_381 = arith.constant 0 : i32
      %dma_wait3A_382 = tpu.memref_slice %arg8[%dma_wait3A_377, %dma_wait3A_381] : memref<8x128xi32, #tpu.memory_space<vmem>> -> memref<1x128xi32, #tpu.memory_space<vmem>>
      %dma_wait3A_383 = tpu.memref_squeeze %dma_wait3A_382 : memref<1x128xi32, #tpu.memory_space<vmem>> -> memref<128xi32, #tpu.memory_space<vmem>>
      %dma_wait3A_384 = arith.constant 0 : i32
      %dma_wait3A_385 = arith.constant 0 : i32
      %dma_wait3A_386 = tpu.memref_slice %arg10[%dma_wait3A_384, %dma_wait3A_385] : memref<100352x16xf32, #tpu.memory_space<vmem_shared>> -> memref<100352x16xf32, #tpu.memory_space<vmem_shared>>
      tpu.wait_indirect_dma semaphore(%arg12 : memref<!tpu.dma_semaphore, #tpu.memory_space<semaphore_mem>>) src(%dma_wait3A_380 : memref<128x16xf32, #tpu.memory_space<vmem>>) dst(%dma_wait3A_386 : memref<100352x16xf32, #tpu.memory_space<vmem_shared>>)
    }
    %eq3A_32 = arith.constant 15 : i32
    %eq3A_33 = arith.cmpi eq, %arg1, %eq3A_32 : i32
    %convert_element_type3A = arith.extui %eq3A_33 : i1 to i32
    %cond3A = arith.constant 0 : i32
    %cond3A_34 = arith.cmpi ne, %convert_element_type3A, %cond3A : i32
    scf.if %cond3A_34 {
      %add3A_55 = arith.constant 736 : i32
      %add3A_56 = arith.addi %mul3A_20, %add3A_55 : i32
      %eq3A_57 = arith.constant 0 : i32
      %eq3A_58 = arith.cmpi eq, %arg0, %eq3A_57 : i32
      %convert_element_type3A_59 = arith.extui %eq3A_58 : i1 to i32
      %cond3A_60 = arith.constant 0 : i32
      %cond3A_61 = arith.cmpi ne, %convert_element_type3A_59, %cond3A_60 : i32
      scf.if %cond3A_61 {
        "tpu.region"() ({
          %run_scoped3A = tpu.sem_alloc : memref<!tpu.dma_semaphore, #tpu.memory_space<semaphore_mem>>
          %dma_start3A_225 = arith.constant 0 : i32
          %dma_start3A_226 = arith.constant 0 : i32
          %dma_start3A_227 = tpu.memref_slice %arg7[%dma_start3A_225, %dma_start3A_226] : memref<8x128xi32, #tpu.memory_space<vmem>> -> memref<4x128xi32, #tpu.memory_space<vmem>>
          %dma_start3A_228 = arith.constant 0 : i32
          %dma_start3A_229 = tpu.memref_slice %arg2[%add3A_56, %dma_start3A_228] : memref<12500x128xi32, #tpu.memory_space<hbm>> -> memref<4x128xi32, #tpu.memory_space<hbm>>
          %dma_start3A_230 = arith.constant 0 : i32
          %dma_start3A_231 = arith.constant 0 : i32
          %dma_start3A_232 = tpu.memref_slice %arg7[%dma_start3A_230, %dma_start3A_231] : memref<8x128xi32, #tpu.memory_space<vmem>> -> memref<4x128xi32, #tpu.memory_space<vmem>>
          %dma_start3A_233 = arith.constant 0 : i32
          %dma_start3A_234 = tpu.memref_slice %arg2[%add3A_56, %dma_start3A_233] : memref<12500x128xi32, #tpu.memory_space<hbm>> -> memref<4x128xi32, #tpu.memory_space<hbm>>
          tpu.enqueue_dma source(%dma_start3A_234 : memref<4x128xi32, #tpu.memory_space<hbm>>) target(%dma_start3A_232 : memref<4x128xi32, #tpu.memory_space<vmem>>) target_semaphore(%run_scoped3A : memref<!tpu.dma_semaphore, #tpu.memory_space<semaphore_mem>>)
          %dma_wait3A_235 = arith.constant 0 : i32
          %dma_wait3A_236 = arith.constant 0 : i32
          %dma_wait3A_237 = tpu.memref_slice %arg7[%dma_wait3A_235, %dma_wait3A_236] : memref<8x128xi32, #tpu.memory_space<vmem>> -> memref<4x128xi32, #tpu.memory_space<vmem>>
          %dma_wait3A_238 = arith.constant 0 : i32
          %dma_wait3A_239 = tpu.memref_slice %arg2[%add3A_56, %dma_wait3A_238] : memref<12500x128xi32, #tpu.memory_space<hbm>> -> memref<4x128xi32, #tpu.memory_space<hbm>>
          %dma_wait3A_240 = arith.constant 0 : i32
          %dma_wait3A_241 = arith.constant 0 : i32
          %dma_wait3A_242 = tpu.memref_slice %arg7[%dma_wait3A_240, %dma_wait3A_241] : memref<8x128xi32, #tpu.memory_space<vmem>> -> memref<4x128xi32, #tpu.memory_space<vmem>>
          %dma_wait3A_243 = arith.constant 0 : i32
          %dma_wait3A_244 = tpu.memref_slice %arg2[%add3A_56, %dma_wait3A_243] : memref<12500x128xi32, #tpu.memory_space<hbm>> -> memref<4x128xi32, #tpu.memory_space<hbm>>
          tpu.wait_dma2 semaphore(%run_scoped3A : memref<!tpu.dma_semaphore, #tpu.memory_space<semaphore_mem>>) src(%dma_wait3A_244 : memref<4x128xi32, #tpu.memory_space<hbm>>) dst(%dma_wait3A_242 : memref<4x128xi32, #tpu.memory_space<vmem>>)
          tpu.yield
        }) : () -> ()
        "tpu.region"() ({
          %run_scoped3A = tpu.sem_alloc : memref<!tpu.dma_semaphore, #tpu.memory_space<semaphore_mem>>
          %dma_start3A_225 = arith.constant 0 : i32
          %dma_start3A_226 = arith.constant 0 : i32
          %dma_start3A_227 = tpu.memref_slice %arg8[%dma_start3A_225, %dma_start3A_226] : memref<8x128xi32, #tpu.memory_space<vmem>> -> memref<4x128xi32, #tpu.memory_space<vmem>>
          %dma_start3A_228 = arith.constant 0 : i32
          %dma_start3A_229 = tpu.memref_slice %arg3[%add3A_56, %dma_start3A_228] : memref<12500x128xi32, #tpu.memory_space<hbm>> -> memref<4x128xi32, #tpu.memory_space<hbm>>
          %dma_start3A_230 = arith.constant 0 : i32
          %dma_start3A_231 = arith.constant 0 : i32
          %dma_start3A_232 = tpu.memref_slice %arg8[%dma_start3A_230, %dma_start3A_231] : memref<8x128xi32, #tpu.memory_space<vmem>> -> memref<4x128xi32, #tpu.memory_space<vmem>>
          %dma_start3A_233 = arith.constant 0 : i32
          %dma_start3A_234 = tpu.memref_slice %arg3[%add3A_56, %dma_start3A_233] : memref<12500x128xi32, #tpu.memory_space<hbm>> -> memref<4x128xi32, #tpu.memory_space<hbm>>
          tpu.enqueue_dma source(%dma_start3A_234 : memref<4x128xi32, #tpu.memory_space<hbm>>) target(%dma_start3A_232 : memref<4x128xi32, #tpu.memory_space<vmem>>) target_semaphore(%run_scoped3A : memref<!tpu.dma_semaphore, #tpu.memory_space<semaphore_mem>>)
          %dma_wait3A_235 = arith.constant 0 : i32
          %dma_wait3A_236 = arith.constant 0 : i32
          %dma_wait3A_237 = tpu.memref_slice %arg8[%dma_wait3A_235, %dma_wait3A_236] : memref<8x128xi32, #tpu.memory_space<vmem>> -> memref<4x128xi32, #tpu.memory_space<vmem>>
          %dma_wait3A_238 = arith.constant 0 : i32
          %dma_wait3A_239 = tpu.memref_slice %arg3[%add3A_56, %dma_wait3A_238] : memref<12500x128xi32, #tpu.memory_space<hbm>> -> memref<4x128xi32, #tpu.memory_space<hbm>>
          %dma_wait3A_240 = arith.constant 0 : i32
          %dma_wait3A_241 = arith.constant 0 : i32
          %dma_wait3A_242 = tpu.memref_slice %arg8[%dma_wait3A_240, %dma_wait3A_241] : memref<8x128xi32, #tpu.memory_space<vmem>> -> memref<4x128xi32, #tpu.memory_space<vmem>>
          %dma_wait3A_243 = arith.constant 0 : i32
          %dma_wait3A_244 = tpu.memref_slice %arg3[%add3A_56, %dma_wait3A_243] : memref<12500x128xi32, #tpu.memory_space<hbm>> -> memref<4x128xi32, #tpu.memory_space<hbm>>
          tpu.wait_dma2 semaphore(%run_scoped3A : memref<!tpu.dma_semaphore, #tpu.memory_space<semaphore_mem>>) src(%dma_wait3A_244 : memref<4x128xi32, #tpu.memory_space<hbm>>) dst(%dma_wait3A_242 : memref<4x128xi32, #tpu.memory_space<vmem>>)
          tpu.yield
        }) : () -> ()
      } else {
      }
      %eq3A_62 = arith.constant 1 : i32
      %eq3A_63 = arith.cmpi eq, %arg0, %eq3A_62 : i32
      %convert_element_type3A_64 = arith.extui %eq3A_63 : i1 to i32
      %cond3A_65 = arith.constant 0 : i32
      %cond3A_66 = arith.cmpi ne, %convert_element_type3A_64, %cond3A_65 : i32
      scf.if %cond3A_66 {
        "tpu.region"() ({
          %run_scoped3A = tpu.sem_alloc : memref<!tpu.dma_semaphore, #tpu.memory_space<semaphore_mem>>
          %dma_start3A_225 = arith.constant 0 : i32
          %dma_start3A_226 = arith.constant 0 : i32
          %dma_start3A_227 = tpu.memref_slice %arg7[%dma_start3A_225, %dma_start3A_226] : memref<8x128xi32, #tpu.memory_space<vmem>> -> memref<4x128xi32, #tpu.memory_space<vmem>>
          %dma_start3A_228 = arith.constant 0 : i32
          %dma_start3A_229 = tpu.memref_slice %arg4[%add3A_56, %dma_start3A_228] : memref<12500x128xi32, #tpu.memory_space<hbm>> -> memref<4x128xi32, #tpu.memory_space<hbm>>
          %dma_start3A_230 = arith.constant 0 : i32
          %dma_start3A_231 = arith.constant 0 : i32
          %dma_start3A_232 = tpu.memref_slice %arg7[%dma_start3A_230, %dma_start3A_231] : memref<8x128xi32, #tpu.memory_space<vmem>> -> memref<4x128xi32, #tpu.memory_space<vmem>>
          %dma_start3A_233 = arith.constant 0 : i32
          %dma_start3A_234 = tpu.memref_slice %arg4[%add3A_56, %dma_start3A_233] : memref<12500x128xi32, #tpu.memory_space<hbm>> -> memref<4x128xi32, #tpu.memory_space<hbm>>
          tpu.enqueue_dma source(%dma_start3A_234 : memref<4x128xi32, #tpu.memory_space<hbm>>) target(%dma_start3A_232 : memref<4x128xi32, #tpu.memory_space<vmem>>) target_semaphore(%run_scoped3A : memref<!tpu.dma_semaphore, #tpu.memory_space<semaphore_mem>>)
          %dma_wait3A_235 = arith.constant 0 : i32
          %dma_wait3A_236 = arith.constant 0 : i32
          %dma_wait3A_237 = tpu.memref_slice %arg7[%dma_wait3A_235, %dma_wait3A_236] : memref<8x128xi32, #tpu.memory_space<vmem>> -> memref<4x128xi32, #tpu.memory_space<vmem>>
          %dma_wait3A_238 = arith.constant 0 : i32
          %dma_wait3A_239 = tpu.memref_slice %arg4[%add3A_56, %dma_wait3A_238] : memref<12500x128xi32, #tpu.memory_space<hbm>> -> memref<4x128xi32, #tpu.memory_space<hbm>>
          %dma_wait3A_240 = arith.constant 0 : i32
          %dma_wait3A_241 = arith.constant 0 : i32
          %dma_wait3A_242 = tpu.memref_slice %arg7[%dma_wait3A_240, %dma_wait3A_241] : memref<8x128xi32, #tpu.memory_space<vmem>> -> memref<4x128xi32, #tpu.memory_space<vmem>>
          %dma_wait3A_243 = arith.constant 0 : i32
          %dma_wait3A_244 = tpu.memref_slice %arg4[%add3A_56, %dma_wait3A_243] : memref<12500x128xi32, #tpu.memory_space<hbm>> -> memref<4x128xi32, #tpu.memory_space<hbm>>
          tpu.wait_dma2 semaphore(%run_scoped3A : memref<!tpu.dma_semaphore, #tpu.memory_space<semaphore_mem>>) src(%dma_wait3A_244 : memref<4x128xi32, #tpu.memory_space<hbm>>) dst(%dma_wait3A_242 : memref<4x128xi32, #tpu.memory_space<vmem>>)
          tpu.yield
        }) : () -> ()
        "tpu.region"() ({
          %run_scoped3A = tpu.sem_alloc : memref<!tpu.dma_semaphore, #tpu.memory_space<semaphore_mem>>
          %dma_start3A_225 = arith.constant 0 : i32
          %dma_start3A_226 = arith.constant 0 : i32
          %dma_start3A_227 = tpu.memref_slice %arg8[%dma_start3A_225, %dma_start3A_226] : memref<8x128xi32, #tpu.memory_space<vmem>> -> memref<4x128xi32, #tpu.memory_space<vmem>>
          %dma_start3A_228 = arith.constant 0 : i32
          %dma_start3A_229 = tpu.memref_slice %arg2[%add3A_56, %dma_start3A_228] : memref<12500x128xi32, #tpu.memory_space<hbm>> -> memref<4x128xi32, #tpu.memory_space<hbm>>
          %dma_start3A_230 = arith.constant 0 : i32
          %dma_start3A_231 = arith.constant 0 : i32
          %dma_start3A_232 = tpu.memref_slice %arg8[%dma_start3A_230, %dma_start3A_231] : memref<8x128xi32, #tpu.memory_space<vmem>> -> memref<4x128xi32, #tpu.memory_space<vmem>>
          %dma_start3A_233 = arith.constant 0 : i32
          %dma_start3A_234 = tpu.memref_slice %arg2[%add3A_56, %dma_start3A_233] : memref<12500x128xi32, #tpu.memory_space<hbm>> -> memref<4x128xi32, #tpu.memory_space<hbm>>
          tpu.enqueue_dma source(%dma_start3A_234 : memref<4x128xi32, #tpu.memory_space<hbm>>) target(%dma_start3A_232 : memref<4x128xi32, #tpu.memory_space<vmem>>) target_semaphore(%run_scoped3A : memref<!tpu.dma_semaphore, #tpu.memory_space<semaphore_mem>>)
          %dma_wait3A_235 = arith.constant 0 : i32
          %dma_wait3A_236 = arith.constant 0 : i32
          %dma_wait3A_237 = tpu.memref_slice %arg8[%dma_wait3A_235, %dma_wait3A_236] : memref<8x128xi32, #tpu.memory_space<vmem>> -> memref<4x128xi32, #tpu.memory_space<vmem>>
          %dma_wait3A_238 = arith.constant 0 : i32
          %dma_wait3A_239 = tpu.memref_slice %arg2[%add3A_56, %dma_wait3A_238] : memref<12500x128xi32, #tpu.memory_space<hbm>> -> memref<4x128xi32, #tpu.memory_space<hbm>>
          %dma_wait3A_240 = arith.constant 0 : i32
          %dma_wait3A_241 = arith.constant 0 : i32
          %dma_wait3A_242 = tpu.memref_slice %arg8[%dma_wait3A_240, %dma_wait3A_241] : memref<8x128xi32, #tpu.memory_space<vmem>> -> memref<4x128xi32, #tpu.memory_space<vmem>>
          %dma_wait3A_243 = arith.constant 0 : i32
          %dma_wait3A_244 = tpu.memref_slice %arg2[%add3A_56, %dma_wait3A_243] : memref<12500x128xi32, #tpu.memory_space<hbm>> -> memref<4x128xi32, #tpu.memory_space<hbm>>
          tpu.wait_dma2 semaphore(%run_scoped3A : memref<!tpu.dma_semaphore, #tpu.memory_space<semaphore_mem>>) src(%dma_wait3A_244 : memref<4x128xi32, #tpu.memory_space<hbm>>) dst(%dma_wait3A_242 : memref<4x128xi32, #tpu.memory_space<vmem>>)
          tpu.yield
        }) : () -> ()
      } else {
      }
      %dma_start3A = arith.constant 0 : i32
      %dma_start3A_67 = arith.constant 0 : i32
      %dma_start3A_68 = arith.constant 0 : i32
      %dma_start3A_69 = tpu.memref_slice %arg9[%dma_start3A_67, %dma_start3A_68] : memref<1024x16xf32, #tpu.memory_space<vmem>> -> memref<128x16xf32, #tpu.memory_space<vmem>>
      %dma_start3A_70 = arith.constant 0 : i32
      %dma_start3A_71 = tpu.memref_slice %arg7[%dma_start3A, %dma_start3A_70] : memref<8x128xi32, #tpu.memory_space<vmem>> -> memref<1x128xi32, #tpu.memory_space<vmem>>
      %dma_start3A_72 = tpu.memref_squeeze %dma_start3A_71 : memref<1x128xi32, #tpu.memory_space<vmem>> -> memref<128xi32, #tpu.memory_space<vmem>>
      %dma_start3A_73 = arith.constant 0 : i32
      %dma_start3A_74 = arith.constant 0 : i32
      %dma_start3A_75 = tpu.memref_slice %arg5[%dma_start3A_73, %dma_start3A_74] : memref<200000x16xf32, #tpu.memory_space<hbm>> -> memref<200000x16xf32, #tpu.memory_space<hbm>>
      tpu.enqueue_indirect_dma source(%dma_start3A_75 : memref<200000x16xf32, #tpu.memory_space<hbm>>) target(%dma_start3A_69 : memref<128x16xf32, #tpu.memory_space<vmem>>) offsets(%dma_start3A_72 : memref<128xi32, #tpu.memory_space<vmem>>) semaphore(%arg11 : memref<!tpu.dma_semaphore, #tpu.memory_space<semaphore_mem>>)
      %dma_start3A_76 = arith.constant 1 : i32
      %dma_start3A_77 = arith.constant 128 : i32
      %dma_start3A_78 = arith.constant 0 : i32
      %dma_start3A_79 = tpu.memref_slice %arg9[%dma_start3A_77, %dma_start3A_78] : memref<1024x16xf32, #tpu.memory_space<vmem>> -> memref<128x16xf32, #tpu.memory_space<vmem>>
      %dma_start3A_80 = arith.constant 0 : i32
      %dma_start3A_81 = tpu.memref_slice %arg7[%dma_start3A_76, %dma_start3A_80] : memref<8x128xi32, #tpu.memory_space<vmem>> -> memref<1x128xi32, #tpu.memory_space<vmem>>
      %dma_start3A_82 = tpu.memref_squeeze %dma_start3A_81 : memref<1x128xi32, #tpu.memory_space<vmem>> -> memref<128xi32, #tpu.memory_space<vmem>>
      %dma_start3A_83 = arith.constant 0 : i32
      %dma_start3A_84 = arith.constant 0 : i32
      %dma_start3A_85 = tpu.memref_slice %arg5[%dma_start3A_83, %dma_start3A_84] : memref<200000x16xf32, #tpu.memory_space<hbm>> -> memref<200000x16xf32, #tpu.memory_space<hbm>>
      tpu.enqueue_indirect_dma source(%dma_start3A_85 : memref<200000x16xf32, #tpu.memory_space<hbm>>) target(%dma_start3A_79 : memref<128x16xf32, #tpu.memory_space<vmem>>) offsets(%dma_start3A_82 : memref<128xi32, #tpu.memory_space<vmem>>) semaphore(%arg11 : memref<!tpu.dma_semaphore, #tpu.memory_space<semaphore_mem>>)
      %dma_start3A_86 = arith.constant 2 : i32
      %dma_start3A_87 = arith.constant 256 : i32
      %dma_start3A_88 = arith.constant 0 : i32
      %dma_start3A_89 = tpu.memref_slice %arg9[%dma_start3A_87, %dma_start3A_88] : memref<1024x16xf32, #tpu.memory_space<vmem>> -> memref<128x16xf32, #tpu.memory_space<vmem>>
      %dma_start3A_90 = arith.constant 0 : i32
      %dma_start3A_91 = tpu.memref_slice %arg7[%dma_start3A_86, %dma_start3A_90] : memref<8x128xi32, #tpu.memory_space<vmem>> -> memref<1x128xi32, #tpu.memory_space<vmem>>
      %dma_start3A_92 = tpu.memref_squeeze %dma_start3A_91 : memref<1x128xi32, #tpu.memory_space<vmem>> -> memref<128xi32, #tpu.memory_space<vmem>>
      %dma_start3A_93 = arith.constant 0 : i32
      %dma_start3A_94 = arith.constant 0 : i32
      %dma_start3A_95 = tpu.memref_slice %arg5[%dma_start3A_93, %dma_start3A_94] : memref<200000x16xf32, #tpu.memory_space<hbm>> -> memref<200000x16xf32, #tpu.memory_space<hbm>>
      tpu.enqueue_indirect_dma source(%dma_start3A_95 : memref<200000x16xf32, #tpu.memory_space<hbm>>) target(%dma_start3A_89 : memref<128x16xf32, #tpu.memory_space<vmem>>) offsets(%dma_start3A_92 : memref<128xi32, #tpu.memory_space<vmem>>) semaphore(%arg11 : memref<!tpu.dma_semaphore, #tpu.memory_space<semaphore_mem>>)
      %dma_start3A_96 = arith.constant 3 : i32
      %dma_start3A_97 = arith.constant 384 : i32
      %dma_start3A_98 = arith.constant 0 : i32
      %dma_start3A_99 = tpu.memref_slice %arg9[%dma_start3A_97, %dma_start3A_98] : memref<1024x16xf32, #tpu.memory_space<vmem>> -> memref<128x16xf32, #tpu.memory_space<vmem>>
      %dma_start3A_100 = arith.constant 0 : i32
      %dma_start3A_101 = tpu.memref_slice %arg7[%dma_start3A_96, %dma_start3A_100] : memref<8x128xi32, #tpu.memory_space<vmem>> -> memref<1x128xi32, #tpu.memory_space<vmem>>
      %dma_start3A_102 = tpu.memref_squeeze %dma_start3A_101 : memref<1x128xi32, #tpu.memory_space<vmem>> -> memref<128xi32, #tpu.memory_space<vmem>>
      %dma_start3A_103 = arith.constant 0 : i32
      %dma_start3A_104 = arith.constant 0 : i32
      %dma_start3A_105 = tpu.memref_slice %arg5[%dma_start3A_103, %dma_start3A_104] : memref<200000x16xf32, #tpu.memory_space<hbm>> -> memref<200000x16xf32, #tpu.memory_space<hbm>>
      tpu.enqueue_indirect_dma source(%dma_start3A_105 : memref<200000x16xf32, #tpu.memory_space<hbm>>) target(%dma_start3A_99 : memref<128x16xf32, #tpu.memory_space<vmem>>) offsets(%dma_start3A_102 : memref<128xi32, #tpu.memory_space<vmem>>) semaphore(%arg11 : memref<!tpu.dma_semaphore, #tpu.memory_space<semaphore_mem>>)
      %dma_wait3A = arith.constant 0 : i32
      %dma_wait3A_106 = arith.constant 0 : i32
      %dma_wait3A_107 = arith.constant 0 : i32
      %dma_wait3A_108 = tpu.memref_slice %arg9[%dma_wait3A_106, %dma_wait3A_107] : memref<1024x16xf32, #tpu.memory_space<vmem>> -> memref<128x16xf32, #tpu.memory_space<vmem>>
      %dma_wait3A_109 = arith.constant 0 : i32
      %dma_wait3A_110 = tpu.memref_slice %arg7[%dma_wait3A, %dma_wait3A_109] : memref<8x128xi32, #tpu.memory_space<vmem>> -> memref<1x128xi32, #tpu.memory_space<vmem>>
      %dma_wait3A_111 = tpu.memref_squeeze %dma_wait3A_110 : memref<1x128xi32, #tpu.memory_space<vmem>> -> memref<128xi32, #tpu.memory_space<vmem>>
      %dma_wait3A_112 = arith.constant 0 : i32
      %dma_wait3A_113 = arith.constant 0 : i32
      %dma_wait3A_114 = tpu.memref_slice %arg5[%dma_wait3A_112, %dma_wait3A_113] : memref<200000x16xf32, #tpu.memory_space<hbm>> -> memref<200000x16xf32, #tpu.memory_space<hbm>>
      tpu.wait_indirect_dma semaphore(%arg11 : memref<!tpu.dma_semaphore, #tpu.memory_space<semaphore_mem>>) src(%dma_wait3A_114 : memref<200000x16xf32, #tpu.memory_space<hbm>>) dst(%dma_wait3A_108 : memref<128x16xf32, #tpu.memory_space<vmem>>)
      %dma_wait3A_115 = arith.constant 1 : i32
      %dma_wait3A_116 = arith.constant 128 : i32
      %dma_wait3A_117 = arith.constant 0 : i32
      %dma_wait3A_118 = tpu.memref_slice %arg9[%dma_wait3A_116, %dma_wait3A_117] : memref<1024x16xf32, #tpu.memory_space<vmem>> -> memref<128x16xf32, #tpu.memory_space<vmem>>
      %dma_wait3A_119 = arith.constant 0 : i32
      %dma_wait3A_120 = tpu.memref_slice %arg7[%dma_wait3A_115, %dma_wait3A_119] : memref<8x128xi32, #tpu.memory_space<vmem>> -> memref<1x128xi32, #tpu.memory_space<vmem>>
      %dma_wait3A_121 = tpu.memref_squeeze %dma_wait3A_120 : memref<1x128xi32, #tpu.memory_space<vmem>> -> memref<128xi32, #tpu.memory_space<vmem>>
      %dma_wait3A_122 = arith.constant 0 : i32
      %dma_wait3A_123 = arith.constant 0 : i32
      %dma_wait3A_124 = tpu.memref_slice %arg5[%dma_wait3A_122, %dma_wait3A_123] : memref<200000x16xf32, #tpu.memory_space<hbm>> -> memref<200000x16xf32, #tpu.memory_space<hbm>>
      tpu.wait_indirect_dma semaphore(%arg11 : memref<!tpu.dma_semaphore, #tpu.memory_space<semaphore_mem>>) src(%dma_wait3A_124 : memref<200000x16xf32, #tpu.memory_space<hbm>>) dst(%dma_wait3A_118 : memref<128x16xf32, #tpu.memory_space<vmem>>)
      %dma_wait3A_125 = arith.constant 2 : i32
      %dma_wait3A_126 = arith.constant 256 : i32
      %dma_wait3A_127 = arith.constant 0 : i32
      %dma_wait3A_128 = tpu.memref_slice %arg9[%dma_wait3A_126, %dma_wait3A_127] : memref<1024x16xf32, #tpu.memory_space<vmem>> -> memref<128x16xf32, #tpu.memory_space<vmem>>
      %dma_wait3A_129 = arith.constant 0 : i32
      %dma_wait3A_130 = tpu.memref_slice %arg7[%dma_wait3A_125, %dma_wait3A_129] : memref<8x128xi32, #tpu.memory_space<vmem>> -> memref<1x128xi32, #tpu.memory_space<vmem>>
      %dma_wait3A_131 = tpu.memref_squeeze %dma_wait3A_130 : memref<1x128xi32, #tpu.memory_space<vmem>> -> memref<128xi32, #tpu.memory_space<vmem>>
      %dma_wait3A_132 = arith.constant 0 : i32
      %dma_wait3A_133 = arith.constant 0 : i32
      %dma_wait3A_134 = tpu.memref_slice %arg5[%dma_wait3A_132, %dma_wait3A_133] : memref<200000x16xf32, #tpu.memory_space<hbm>> -> memref<200000x16xf32, #tpu.memory_space<hbm>>
      tpu.wait_indirect_dma semaphore(%arg11 : memref<!tpu.dma_semaphore, #tpu.memory_space<semaphore_mem>>) src(%dma_wait3A_134 : memref<200000x16xf32, #tpu.memory_space<hbm>>) dst(%dma_wait3A_128 : memref<128x16xf32, #tpu.memory_space<vmem>>)
      %dma_wait3A_135 = arith.constant 3 : i32
      %dma_wait3A_136 = arith.constant 384 : i32
      %dma_wait3A_137 = arith.constant 0 : i32
      %dma_wait3A_138 = tpu.memref_slice %arg9[%dma_wait3A_136, %dma_wait3A_137] : memref<1024x16xf32, #tpu.memory_space<vmem>> -> memref<128x16xf32, #tpu.memory_space<vmem>>
      %dma_wait3A_139 = arith.constant 0 : i32
      %dma_wait3A_140 = tpu.memref_slice %arg7[%dma_wait3A_135, %dma_wait3A_139] : memref<8x128xi32, #tpu.memory_space<vmem>> -> memref<1x128xi32, #tpu.memory_space<vmem>>
      %dma_wait3A_141 = tpu.memref_squeeze %dma_wait3A_140 : memref<1x128xi32, #tpu.memory_space<vmem>> -> memref<128xi32, #tpu.memory_space<vmem>>
      %dma_wait3A_142 = arith.constant 0 : i32
      %dma_wait3A_143 = arith.constant 0 : i32
      %dma_wait3A_144 = tpu.memref_slice %arg5[%dma_wait3A_142, %dma_wait3A_143] : memref<200000x16xf32, #tpu.memory_space<hbm>> -> memref<200000x16xf32, #tpu.memory_space<hbm>>
      tpu.wait_indirect_dma semaphore(%arg11 : memref<!tpu.dma_semaphore, #tpu.memory_space<semaphore_mem>>) src(%dma_wait3A_144 : memref<200000x16xf32, #tpu.memory_space<hbm>>) dst(%dma_wait3A_138 : memref<128x16xf32, #tpu.memory_space<vmem>>)
      %dma_start3A_145 = arith.constant 0 : i32
      %dma_start3A_146 = arith.constant 0 : i32
      %dma_start3A_147 = arith.constant 0 : i32
      %dma_start3A_148 = tpu.memref_slice %arg9[%dma_start3A_146, %dma_start3A_147] : memref<1024x16xf32, #tpu.memory_space<vmem>> -> memref<128x16xf32, #tpu.memory_space<vmem>>
      %dma_start3A_149 = arith.constant 0 : i32
      %dma_start3A_150 = tpu.memref_slice %arg8[%dma_start3A_145, %dma_start3A_149] : memref<8x128xi32, #tpu.memory_space<vmem>> -> memref<1x128xi32, #tpu.memory_space<vmem>>
      %dma_start3A_151 = tpu.memref_squeeze %dma_start3A_150 : memref<1x128xi32, #tpu.memory_space<vmem>> -> memref<128xi32, #tpu.memory_space<vmem>>
      %dma_start3A_152 = arith.constant 0 : i32
      %dma_start3A_153 = arith.constant 0 : i32
      %dma_start3A_154 = tpu.memref_slice %arg10[%dma_start3A_152, %dma_start3A_153] : memref<100352x16xf32, #tpu.memory_space<vmem_shared>> -> memref<100352x16xf32, #tpu.memory_space<vmem_shared>>
      tpu.enqueue_indirect_dma source(%dma_start3A_148 : memref<128x16xf32, #tpu.memory_space<vmem>>) target(%dma_start3A_154 : memref<100352x16xf32, #tpu.memory_space<vmem_shared>>) offsets(%dma_start3A_151 : memref<128xi32, #tpu.memory_space<vmem>>) semaphore(%arg12 : memref<!tpu.dma_semaphore, #tpu.memory_space<semaphore_mem>>) {add = true}
      %dma_start3A_155 = arith.constant 1 : i32
      %dma_start3A_156 = arith.constant 128 : i32
      %dma_start3A_157 = arith.constant 0 : i32
      %dma_start3A_158 = tpu.memref_slice %arg9[%dma_start3A_156, %dma_start3A_157] : memref<1024x16xf32, #tpu.memory_space<vmem>> -> memref<128x16xf32, #tpu.memory_space<vmem>>
      %dma_start3A_159 = arith.constant 0 : i32
      %dma_start3A_160 = tpu.memref_slice %arg8[%dma_start3A_155, %dma_start3A_159] : memref<8x128xi32, #tpu.memory_space<vmem>> -> memref<1x128xi32, #tpu.memory_space<vmem>>
      %dma_start3A_161 = tpu.memref_squeeze %dma_start3A_160 : memref<1x128xi32, #tpu.memory_space<vmem>> -> memref<128xi32, #tpu.memory_space<vmem>>
      %dma_start3A_162 = arith.constant 0 : i32
      %dma_start3A_163 = arith.constant 0 : i32
      %dma_start3A_164 = tpu.memref_slice %arg10[%dma_start3A_162, %dma_start3A_163] : memref<100352x16xf32, #tpu.memory_space<vmem_shared>> -> memref<100352x16xf32, #tpu.memory_space<vmem_shared>>
      tpu.enqueue_indirect_dma source(%dma_start3A_158 : memref<128x16xf32, #tpu.memory_space<vmem>>) target(%dma_start3A_164 : memref<100352x16xf32, #tpu.memory_space<vmem_shared>>) offsets(%dma_start3A_161 : memref<128xi32, #tpu.memory_space<vmem>>) semaphore(%arg12 : memref<!tpu.dma_semaphore, #tpu.memory_space<semaphore_mem>>) {add = true}
      %dma_start3A_165 = arith.constant 2 : i32
      %dma_start3A_166 = arith.constant 256 : i32
      %dma_start3A_167 = arith.constant 0 : i32
      %dma_start3A_168 = tpu.memref_slice %arg9[%dma_start3A_166, %dma_start3A_167] : memref<1024x16xf32, #tpu.memory_space<vmem>> -> memref<128x16xf32, #tpu.memory_space<vmem>>
      %dma_start3A_169 = arith.constant 0 : i32
      %dma_start3A_170 = tpu.memref_slice %arg8[%dma_start3A_165, %dma_start3A_169] : memref<8x128xi32, #tpu.memory_space<vmem>> -> memref<1x128xi32, #tpu.memory_space<vmem>>
      %dma_start3A_171 = tpu.memref_squeeze %dma_start3A_170 : memref<1x128xi32, #tpu.memory_space<vmem>> -> memref<128xi32, #tpu.memory_space<vmem>>
      %dma_start3A_172 = arith.constant 0 : i32
      %dma_start3A_173 = arith.constant 0 : i32
      %dma_start3A_174 = tpu.memref_slice %arg10[%dma_start3A_172, %dma_start3A_173] : memref<100352x16xf32, #tpu.memory_space<vmem_shared>> -> memref<100352x16xf32, #tpu.memory_space<vmem_shared>>
      tpu.enqueue_indirect_dma source(%dma_start3A_168 : memref<128x16xf32, #tpu.memory_space<vmem>>) target(%dma_start3A_174 : memref<100352x16xf32, #tpu.memory_space<vmem_shared>>) offsets(%dma_start3A_171 : memref<128xi32, #tpu.memory_space<vmem>>) semaphore(%arg12 : memref<!tpu.dma_semaphore, #tpu.memory_space<semaphore_mem>>) {add = true}
      %dma_start3A_175 = arith.constant 3 : i32
      %dma_start3A_176 = arith.constant 384 : i32
      %dma_start3A_177 = arith.constant 0 : i32
      %dma_start3A_178 = tpu.memref_slice %arg9[%dma_start3A_176, %dma_start3A_177] : memref<1024x16xf32, #tpu.memory_space<vmem>> -> memref<128x16xf32, #tpu.memory_space<vmem>>
      %dma_start3A_179 = arith.constant 0 : i32
      %dma_start3A_180 = tpu.memref_slice %arg8[%dma_start3A_175, %dma_start3A_179] : memref<8x128xi32, #tpu.memory_space<vmem>> -> memref<1x128xi32, #tpu.memory_space<vmem>>
      %dma_start3A_181 = tpu.memref_squeeze %dma_start3A_180 : memref<1x128xi32, #tpu.memory_space<vmem>> -> memref<128xi32, #tpu.memory_space<vmem>>
      %dma_start3A_182 = arith.constant 0 : i32
      %dma_start3A_183 = arith.constant 0 : i32
      %dma_start3A_184 = tpu.memref_slice %arg10[%dma_start3A_182, %dma_start3A_183] : memref<100352x16xf32, #tpu.memory_space<vmem_shared>> -> memref<100352x16xf32, #tpu.memory_space<vmem_shared>>
      tpu.enqueue_indirect_dma source(%dma_start3A_178 : memref<128x16xf32, #tpu.memory_space<vmem>>) target(%dma_start3A_184 : memref<100352x16xf32, #tpu.memory_space<vmem_shared>>) offsets(%dma_start3A_181 : memref<128xi32, #tpu.memory_space<vmem>>) semaphore(%arg12 : memref<!tpu.dma_semaphore, #tpu.memory_space<semaphore_mem>>) {add = true}
      %dma_wait3A_185 = arith.constant 0 : i32
      %dma_wait3A_186 = arith.constant 0 : i32
      %dma_wait3A_187 = arith.constant 0 : i32
      %dma_wait3A_188 = tpu.memref_slice %arg9[%dma_wait3A_186, %dma_wait3A_187] : memref<1024x16xf32, #tpu.memory_space<vmem>> -> memref<128x16xf32, #tpu.memory_space<vmem>>
      %dma_wait3A_189 = arith.constant 0 : i32
      %dma_wait3A_190 = tpu.memref_slice %arg8[%dma_wait3A_185, %dma_wait3A_189] : memref<8x128xi32, #tpu.memory_space<vmem>> -> memref<1x128xi32, #tpu.memory_space<vmem>>
      %dma_wait3A_191 = tpu.memref_squeeze %dma_wait3A_190 : memref<1x128xi32, #tpu.memory_space<vmem>> -> memref<128xi32, #tpu.memory_space<vmem>>
      %dma_wait3A_192 = arith.constant 0 : i32
      %dma_wait3A_193 = arith.constant 0 : i32
      %dma_wait3A_194 = tpu.memref_slice %arg10[%dma_wait3A_192, %dma_wait3A_193] : memref<100352x16xf32, #tpu.memory_space<vmem_shared>> -> memref<100352x16xf32, #tpu.memory_space<vmem_shared>>
      tpu.wait_indirect_dma semaphore(%arg12 : memref<!tpu.dma_semaphore, #tpu.memory_space<semaphore_mem>>) src(%dma_wait3A_188 : memref<128x16xf32, #tpu.memory_space<vmem>>) dst(%dma_wait3A_194 : memref<100352x16xf32, #tpu.memory_space<vmem_shared>>)
      %dma_wait3A_195 = arith.constant 1 : i32
      %dma_wait3A_196 = arith.constant 128 : i32
      %dma_wait3A_197 = arith.constant 0 : i32
      %dma_wait3A_198 = tpu.memref_slice %arg9[%dma_wait3A_196, %dma_wait3A_197] : memref<1024x16xf32, #tpu.memory_space<vmem>> -> memref<128x16xf32, #tpu.memory_space<vmem>>
      %dma_wait3A_199 = arith.constant 0 : i32
      %dma_wait3A_200 = tpu.memref_slice %arg8[%dma_wait3A_195, %dma_wait3A_199] : memref<8x128xi32, #tpu.memory_space<vmem>> -> memref<1x128xi32, #tpu.memory_space<vmem>>
      %dma_wait3A_201 = tpu.memref_squeeze %dma_wait3A_200 : memref<1x128xi32, #tpu.memory_space<vmem>> -> memref<128xi32, #tpu.memory_space<vmem>>
      %dma_wait3A_202 = arith.constant 0 : i32
      %dma_wait3A_203 = arith.constant 0 : i32
      %dma_wait3A_204 = tpu.memref_slice %arg10[%dma_wait3A_202, %dma_wait3A_203] : memref<100352x16xf32, #tpu.memory_space<vmem_shared>> -> memref<100352x16xf32, #tpu.memory_space<vmem_shared>>
      tpu.wait_indirect_dma semaphore(%arg12 : memref<!tpu.dma_semaphore, #tpu.memory_space<semaphore_mem>>) src(%dma_wait3A_198 : memref<128x16xf32, #tpu.memory_space<vmem>>) dst(%dma_wait3A_204 : memref<100352x16xf32, #tpu.memory_space<vmem_shared>>)
      %dma_wait3A_205 = arith.constant 2 : i32
      %dma_wait3A_206 = arith.constant 256 : i32
      %dma_wait3A_207 = arith.constant 0 : i32
      %dma_wait3A_208 = tpu.memref_slice %arg9[%dma_wait3A_206, %dma_wait3A_207] : memref<1024x16xf32, #tpu.memory_space<vmem>> -> memref<128x16xf32, #tpu.memory_space<vmem>>
      %dma_wait3A_209 = arith.constant 0 : i32
      %dma_wait3A_210 = tpu.memref_slice %arg8[%dma_wait3A_205, %dma_wait3A_209] : memref<8x128xi32, #tpu.memory_space<vmem>> -> memref<1x128xi32, #tpu.memory_space<vmem>>
      %dma_wait3A_211 = tpu.memref_squeeze %dma_wait3A_210 : memref<1x128xi32, #tpu.memory_space<vmem>> -> memref<128xi32, #tpu.memory_space<vmem>>
      %dma_wait3A_212 = arith.constant 0 : i32
      %dma_wait3A_213 = arith.constant 0 : i32
      %dma_wait3A_214 = tpu.memref_slice %arg10[%dma_wait3A_212, %dma_wait3A_213] : memref<100352x16xf32, #tpu.memory_space<vmem_shared>> -> memref<100352x16xf32, #tpu.memory_space<vmem_shared>>
      tpu.wait_indirect_dma semaphore(%arg12 : memref<!tpu.dma_semaphore, #tpu.memory_space<semaphore_mem>>) src(%dma_wait3A_208 : memref<128x16xf32, #tpu.memory_space<vmem>>) dst(%dma_wait3A_214 : memref<100352x16xf32, #tpu.memory_space<vmem_shared>>)
      %dma_wait3A_215 = arith.constant 3 : i32
      %dma_wait3A_216 = arith.constant 384 : i32
      %dma_wait3A_217 = arith.constant 0 : i32
      %dma_wait3A_218 = tpu.memref_slice %arg9[%dma_wait3A_216, %dma_wait3A_217] : memref<1024x16xf32, #tpu.memory_space<vmem>> -> memref<128x16xf32, #tpu.memory_space<vmem>>
      %dma_wait3A_219 = arith.constant 0 : i32
      %dma_wait3A_220 = tpu.memref_slice %arg8[%dma_wait3A_215, %dma_wait3A_219] : memref<8x128xi32, #tpu.memory_space<vmem>> -> memref<1x128xi32, #tpu.memory_space<vmem>>
      %dma_wait3A_221 = tpu.memref_squeeze %dma_wait3A_220 : memref<1x128xi32, #tpu.memory_space<vmem>> -> memref<128xi32, #tpu.memory_space<vmem>>
      %dma_wait3A_222 = arith.constant 0 : i32
      %dma_wait3A_223 = arith.constant 0 : i32
      %dma_wait3A_224 = tpu.memref_slice %arg10[%dma_wait3A_222, %dma_wait3A_223] : memref<100352x16xf32, #tpu.memory_space<vmem_shared>> -> memref<100352x16xf32, #tpu.memory_space<vmem_shared>>
      tpu.wait_indirect_dma semaphore(%arg12 : memref<!tpu.dma_semaphore, #tpu.memory_space<semaphore_mem>>) src(%dma_wait3A_218 : memref<128x16xf32, #tpu.memory_space<vmem>>) dst(%dma_wait3A_224 : memref<100352x16xf32, #tpu.memory_space<vmem_shared>>)
    } else {
    }
    %barrier3A_35 = arith.constant 0 : index
    tpu.barrier barrier_id(%barrier3A_35)
    %mul3A_36 = arith.constant 6256 : i32
    %mul3A_37 = arith.muli %arg1, %mul3A_36 : i32
    %multiple_of3A_38 = tpu.assume_multiple %mul3A_37, 16 : i32
    %sub3A = arith.constant 1 : i32
    %sub3A_39 = arith.subi %sub3A, %arg0 : i32
    %mul3A_40 = arith.constant 100000 : i32
    %mul3A_41 = arith.muli %sub3A_39, %mul3A_40 : i32
    %mul3A_42 = arith.constant 6256 : i32
    %mul3A_43 = arith.muli %arg1, %mul3A_42 : i32
    %add3A_44 = arith.addi %mul3A_41, %mul3A_43 : i32
    %multiple_of3A_45 = tpu.assume_multiple %add3A_44, 16 : i32
    %lt3A = arith.constant 15 : i32
    %lt3A_46 = arith.cmpi slt, %arg1, %lt3A : i32
    %convert_element_type3A_47 = arith.extui %lt3A_46 : i1 to i32
    %cond3A_48 = arith.constant 0 : i32
    %cond3A_49 = arith.cmpi ne, %convert_element_type3A_47, %cond3A_48 : i32
    scf.if %cond3A_49 {
      %add3A_55 = arith.constant 0 : i32
      %add3A_56 = arith.addi %multiple_of3A_38, %add3A_55 : i32
      "tpu.region"() ({
        %run_scoped3A = tpu.sem_alloc : memref<!tpu.dma_semaphore, #tpu.memory_space<semaphore_mem>>
        %dma_start3A = arith.constant 0 : i32
        %dma_start3A_83 = tpu.memref_slice %arg10[%add3A_56, %dma_start3A] : memref<100352x16xf32, #tpu.memory_space<vmem_shared>> -> memref<1024x16xf32, #tpu.memory_space<vmem_shared>>
        %dma_start3A_84 = arith.constant 0 : i32
        %dma_start3A_85 = tpu.memref_slice %arg10[%add3A_56, %dma_start3A_84] : memref<100352x16xf32, #tpu.memory_space<vmem_shared>> -> memref<1024x16xf32, #tpu.memory_space<vmem_shared>>
        tpu.enqueue_dma source(%dma_start3A_85 : memref<1024x16xf32, #tpu.memory_space<vmem_shared>>) target(%arg9 : memref<1024x16xf32, #tpu.memory_space<vmem>>) target_semaphore(%run_scoped3A : memref<!tpu.dma_semaphore, #tpu.memory_space<semaphore_mem>>)
        %dma_wait3A = arith.constant 0 : i32
        %dma_wait3A_86 = tpu.memref_slice %arg10[%add3A_56, %dma_wait3A] : memref<100352x16xf32, #tpu.memory_space<vmem_shared>> -> memref<1024x16xf32, #tpu.memory_space<vmem_shared>>
        %dma_wait3A_87 = arith.constant 0 : i32
        %dma_wait3A_88 = tpu.memref_slice %arg10[%add3A_56, %dma_wait3A_87] : memref<100352x16xf32, #tpu.memory_space<vmem_shared>> -> memref<1024x16xf32, #tpu.memory_space<vmem_shared>>
        tpu.wait_dma2 semaphore(%run_scoped3A : memref<!tpu.dma_semaphore, #tpu.memory_space<semaphore_mem>>) src(%dma_wait3A_88 : memref<1024x16xf32, #tpu.memory_space<vmem_shared>>) dst(%arg9 : memref<1024x16xf32, #tpu.memory_space<vmem>>)
        tpu.yield
      }) : () -> ()
      %add3A_57 = arith.constant 0 : i32
      %add3A_58 = arith.addi %multiple_of3A_45, %add3A_57 : i32
      "tpu.region"() ({
        %run_scoped3A = tpu.sem_alloc : memref<!tpu.dma_semaphore, #tpu.memory_space<semaphore_mem>>
        %dma_start3A = arith.constant 0 : i32
        %dma_start3A_83 = tpu.memref_slice %arg6[%add3A_58, %dma_start3A] : memref<200000x16xf32, #tpu.memory_space<hbm>> -> memref<1024x16xf32, #tpu.memory_space<hbm>>
        %dma_start3A_84 = arith.constant 0 : i32
        %dma_start3A_85 = tpu.memref_slice %arg6[%add3A_58, %dma_start3A_84] : memref<200000x16xf32, #tpu.memory_space<hbm>> -> memref<1024x16xf32, #tpu.memory_space<hbm>>
        tpu.enqueue_dma source(%arg9 : memref<1024x16xf32, #tpu.memory_space<vmem>>) target(%dma_start3A_85 : memref<1024x16xf32, #tpu.memory_space<hbm>>) target_semaphore(%run_scoped3A : memref<!tpu.dma_semaphore, #tpu.memory_space<semaphore_mem>>)
        %dma_wait3A = arith.constant 0 : i32
        %dma_wait3A_86 = tpu.memref_slice %arg6[%add3A_58, %dma_wait3A] : memref<200000x16xf32, #tpu.memory_space<hbm>> -> memref<1024x16xf32, #tpu.memory_space<hbm>>
        %dma_wait3A_87 = arith.constant 0 : i32
        %dma_wait3A_88 = tpu.memref_slice %arg6[%add3A_58, %dma_wait3A_87] : memref<200000x16xf32, #tpu.memory_space<hbm>> -> memref<1024x16xf32, #tpu.memory_space<hbm>>
        tpu.wait_dma2 semaphore(%run_scoped3A : memref<!tpu.dma_semaphore, #tpu.memory_space<semaphore_mem>>) src(%arg9 : memref<1024x16xf32, #tpu.memory_space<vmem>>) dst(%dma_wait3A_88 : memref<1024x16xf32, #tpu.memory_space<hbm>>)
        tpu.yield
      }) : () -> ()
      %add3A_59 = arith.constant 1024 : i32
      %add3A_60 = arith.addi %multiple_of3A_38, %add3A_59 : i32
      "tpu.region"() ({
        %run_scoped3A = tpu.sem_alloc : memref<!tpu.dma_semaphore, #tpu.memory_space<semaphore_mem>>
        %dma_start3A = arith.constant 0 : i32
        %dma_start3A_83 = tpu.memref_slice %arg10[%add3A_60, %dma_start3A] : memref<100352x16xf32, #tpu.memory_space<vmem_shared>> -> memref<1024x16xf32, #tpu.memory_space<vmem_shared>>
        %dma_start3A_84 = arith.constant 0 : i32
        %dma_start3A_85 = tpu.memref_slice %arg10[%add3A_60, %dma_start3A_84] : memref<100352x16xf32, #tpu.memory_space<vmem_shared>> -> memref<1024x16xf32, #tpu.memory_space<vmem_shared>>
        tpu.enqueue_dma source(%dma_start3A_85 : memref<1024x16xf32, #tpu.memory_space<vmem_shared>>) target(%arg9 : memref<1024x16xf32, #tpu.memory_space<vmem>>) target_semaphore(%run_scoped3A : memref<!tpu.dma_semaphore, #tpu.memory_space<semaphore_mem>>)
        %dma_wait3A = arith.constant 0 : i32
        %dma_wait3A_86 = tpu.memref_slice %arg10[%add3A_60, %dma_wait3A] : memref<100352x16xf32, #tpu.memory_space<vmem_shared>> -> memref<1024x16xf32, #tpu.memory_space<vmem_shared>>
        %dma_wait3A_87 = arith.constant 0 : i32
        %dma_wait3A_88 = tpu.memref_slice %arg10[%add3A_60, %dma_wait3A_87] : memref<100352x16xf32, #tpu.memory_space<vmem_shared>> -> memref<1024x16xf32, #tpu.memory_space<vmem_shared>>
        tpu.wait_dma2 semaphore(%run_scoped3A : memref<!tpu.dma_semaphore, #tpu.memory_space<semaphore_mem>>) src(%dma_wait3A_88 : memref<1024x16xf32, #tpu.memory_space<vmem_shared>>) dst(%arg9 : memref<1024x16xf32, #tpu.memory_space<vmem>>)
        tpu.yield
      }) : () -> ()
      %add3A_61 = arith.constant 1024 : i32
      %add3A_62 = arith.addi %multiple_of3A_45, %add3A_61 : i32
      "tpu.region"() ({
        %run_scoped3A = tpu.sem_alloc : memref<!tpu.dma_semaphore, #tpu.memory_space<semaphore_mem>>
        %dma_start3A = arith.constant 0 : i32
        %dma_start3A_83 = tpu.memref_slice %arg6[%add3A_62, %dma_start3A] : memref<200000x16xf32, #tpu.memory_space<hbm>> -> memref<1024x16xf32, #tpu.memory_space<hbm>>
        %dma_start3A_84 = arith.constant 0 : i32
        %dma_start3A_85 = tpu.memref_slice %arg6[%add3A_62, %dma_start3A_84] : memref<200000x16xf32, #tpu.memory_space<hbm>> -> memref<1024x16xf32, #tpu.memory_space<hbm>>
        tpu.enqueue_dma source(%arg9 : memref<1024x16xf32, #tpu.memory_space<vmem>>) target(%dma_start3A_85 : memref<1024x16xf32, #tpu.memory_space<hbm>>) target_semaphore(%run_scoped3A : memref<!tpu.dma_semaphore, #tpu.memory_space<semaphore_mem>>)
        %dma_wait3A = arith.constant 0 : i32
        %dma_wait3A_86 = tpu.memref_slice %arg6[%add3A_62, %dma_wait3A] : memref<200000x16xf32, #tpu.memory_space<hbm>> -> memref<1024x16xf32, #tpu.memory_space<hbm>>
        %dma_wait3A_87 = arith.constant 0 : i32
        %dma_wait3A_88 = tpu.memref_slice %arg6[%add3A_62, %dma_wait3A_87] : memref<200000x16xf32, #tpu.memory_space<hbm>> -> memref<1024x16xf32, #tpu.memory_space<hbm>>
        tpu.wait_dma2 semaphore(%run_scoped3A : memref<!tpu.dma_semaphore, #tpu.memory_space<semaphore_mem>>) src(%arg9 : memref<1024x16xf32, #tpu.memory_space<vmem>>) dst(%dma_wait3A_88 : memref<1024x16xf32, #tpu.memory_space<hbm>>)
        tpu.yield
      }) : () -> ()
      %add3A_63 = arith.constant 2048 : i32
      %add3A_64 = arith.addi %multiple_of3A_38, %add3A_63 : i32
      "tpu.region"() ({
        %run_scoped3A = tpu.sem_alloc : memref<!tpu.dma_semaphore, #tpu.memory_space<semaphore_mem>>
        %dma_start3A = arith.constant 0 : i32
        %dma_start3A_83 = tpu.memref_slice %arg10[%add3A_64, %dma_start3A] : memref<100352x16xf32, #tpu.memory_space<vmem_shared>> -> memref<1024x16xf32, #tpu.memory_space<vmem_shared>>
        %dma_start3A_84 = arith.constant 0 : i32
        %dma_start3A_85 = tpu.memref_slice %arg10[%add3A_64, %dma_start3A_84] : memref<100352x16xf32, #tpu.memory_space<vmem_shared>> -> memref<1024x16xf32, #tpu.memory_space<vmem_shared>>
        tpu.enqueue_dma source(%dma_start3A_85 : memref<1024x16xf32, #tpu.memory_space<vmem_shared>>) target(%arg9 : memref<1024x16xf32, #tpu.memory_space<vmem>>) target_semaphore(%run_scoped3A : memref<!tpu.dma_semaphore, #tpu.memory_space<semaphore_mem>>)
        %dma_wait3A = arith.constant 0 : i32
        %dma_wait3A_86 = tpu.memref_slice %arg10[%add3A_64, %dma_wait3A] : memref<100352x16xf32, #tpu.memory_space<vmem_shared>> -> memref<1024x16xf32, #tpu.memory_space<vmem_shared>>
        %dma_wait3A_87 = arith.constant 0 : i32
        %dma_wait3A_88 = tpu.memref_slice %arg10[%add3A_64, %dma_wait3A_87] : memref<100352x16xf32, #tpu.memory_space<vmem_shared>> -> memref<1024x16xf32, #tpu.memory_space<vmem_shared>>
        tpu.wait_dma2 semaphore(%run_scoped3A : memref<!tpu.dma_semaphore, #tpu.memory_space<semaphore_mem>>) src(%dma_wait3A_88 : memref<1024x16xf32, #tpu.memory_space<vmem_shared>>) dst(%arg9 : memref<1024x16xf32, #tpu.memory_space<vmem>>)
        tpu.yield
      }) : () -> ()
      %add3A_65 = arith.constant 2048 : i32
      %add3A_66 = arith.addi %multiple_of3A_45, %add3A_65 : i32
      "tpu.region"() ({
        %run_scoped3A = tpu.sem_alloc : memref<!tpu.dma_semaphore, #tpu.memory_space<semaphore_mem>>
        %dma_start3A = arith.constant 0 : i32
        %dma_start3A_83 = tpu.memref_slice %arg6[%add3A_66, %dma_start3A] : memref<200000x16xf32, #tpu.memory_space<hbm>> -> memref<1024x16xf32, #tpu.memory_space<hbm>>
        %dma_start3A_84 = arith.constant 0 : i32
        %dma_start3A_85 = tpu.memref_slice %arg6[%add3A_66, %dma_start3A_84] : memref<200000x16xf32, #tpu.memory_space<hbm>> -> memref<1024x16xf32, #tpu.memory_space<hbm>>
        tpu.enqueue_dma source(%arg9 : memref<1024x16xf32, #tpu.memory_space<vmem>>) target(%dma_start3A_85 : memref<1024x16xf32, #tpu.memory_space<hbm>>) target_semaphore(%run_scoped3A : memref<!tpu.dma_semaphore, #tpu.memory_space<semaphore_mem>>)
        %dma_wait3A = arith.constant 0 : i32
        %dma_wait3A_86 = tpu.memref_slice %arg6[%add3A_66, %dma_wait3A] : memref<200000x16xf32, #tpu.memory_space<hbm>> -> memref<1024x16xf32, #tpu.memory_space<hbm>>
        %dma_wait3A_87 = arith.constant 0 : i32
        %dma_wait3A_88 = tpu.memref_slice %arg6[%add3A_66, %dma_wait3A_87] : memref<200000x16xf32, #tpu.memory_space<hbm>> -> memref<1024x16xf32, #tpu.memory_space<hbm>>
        tpu.wait_dma2 semaphore(%run_scoped3A : memref<!tpu.dma_semaphore, #tpu.memory_space<semaphore_mem>>) src(%arg9 : memref<1024x16xf32, #tpu.memory_space<vmem>>) dst(%dma_wait3A_88 : memref<1024x16xf32, #tpu.memory_space<hbm>>)
        tpu.yield
      }) : () -> ()
      %add3A_67 = arith.constant 3072 : i32
      %add3A_68 = arith.addi %multiple_of3A_38, %add3A_67 : i32
      "tpu.region"() ({
        %run_scoped3A = tpu.sem_alloc : memref<!tpu.dma_semaphore, #tpu.memory_space<semaphore_mem>>
        %dma_start3A = arith.constant 0 : i32
        %dma_start3A_83 = tpu.memref_slice %arg10[%add3A_68, %dma_start3A] : memref<100352x16xf32, #tpu.memory_space<vmem_shared>> -> memref<1024x16xf32, #tpu.memory_space<vmem_shared>>
        %dma_start3A_84 = arith.constant 0 : i32
        %dma_start3A_85 = tpu.memref_slice %arg10[%add3A_68, %dma_start3A_84] : memref<100352x16xf32, #tpu.memory_space<vmem_shared>> -> memref<1024x16xf32, #tpu.memory_space<vmem_shared>>
        tpu.enqueue_dma source(%dma_start3A_85 : memref<1024x16xf32, #tpu.memory_space<vmem_shared>>) target(%arg9 : memref<1024x16xf32, #tpu.memory_space<vmem>>) target_semaphore(%run_scoped3A : memref<!tpu.dma_semaphore, #tpu.memory_space<semaphore_mem>>)
        %dma_wait3A = arith.constant 0 : i32
        %dma_wait3A_86 = tpu.memref_slice %arg10[%add3A_68, %dma_wait3A] : memref<100352x16xf32, #tpu.memory_space<vmem_shared>> -> memref<1024x16xf32, #tpu.memory_space<vmem_shared>>
        %dma_wait3A_87 = arith.constant 0 : i32
        %dma_wait3A_88 = tpu.memref_slice %arg10[%add3A_68, %dma_wait3A_87] : memref<100352x16xf32, #tpu.memory_space<vmem_shared>> -> memref<1024x16xf32, #tpu.memory_space<vmem_shared>>
        tpu.wait_dma2 semaphore(%run_scoped3A : memref<!tpu.dma_semaphore, #tpu.memory_space<semaphore_mem>>) src(%dma_wait3A_88 : memref<1024x16xf32, #tpu.memory_space<vmem_shared>>) dst(%arg9 : memref<1024x16xf32, #tpu.memory_space<vmem>>)
        tpu.yield
      }) : () -> ()
      %add3A_69 = arith.constant 3072 : i32
      %add3A_70 = arith.addi %multiple_of3A_45, %add3A_69 : i32
      "tpu.region"() ({
        %run_scoped3A = tpu.sem_alloc : memref<!tpu.dma_semaphore, #tpu.memory_space<semaphore_mem>>
        %dma_start3A = arith.constant 0 : i32
        %dma_start3A_83 = tpu.memref_slice %arg6[%add3A_70, %dma_start3A] : memref<200000x16xf32, #tpu.memory_space<hbm>> -> memref<1024x16xf32, #tpu.memory_space<hbm>>
        %dma_start3A_84 = arith.constant 0 : i32
        %dma_start3A_85 = tpu.memref_slice %arg6[%add3A_70, %dma_start3A_84] : memref<200000x16xf32, #tpu.memory_space<hbm>> -> memref<1024x16xf32, #tpu.memory_space<hbm>>
        tpu.enqueue_dma source(%arg9 : memref<1024x16xf32, #tpu.memory_space<vmem>>) target(%dma_start3A_85 : memref<1024x16xf32, #tpu.memory_space<hbm>>) target_semaphore(%run_scoped3A : memref<!tpu.dma_semaphore, #tpu.memory_space<semaphore_mem>>)
        %dma_wait3A = arith.constant 0 : i32
        %dma_wait3A_86 = tpu.memref_slice %arg6[%add3A_70, %dma_wait3A] : memref<200000x16xf32, #tpu.memory_space<hbm>> -> memref<1024x16xf32, #tpu.memory_space<hbm>>
        %dma_wait3A_87 = arith.constant 0 : i32
        %dma_wait3A_88 = tpu.memref_slice %arg6[%add3A_70, %dma_wait3A_87] : memref<200000x16xf32, #tpu.memory_space<hbm>> -> memref<1024x16xf32, #tpu.memory_space<hbm>>
        tpu.wait_dma2 semaphore(%run_scoped3A : memref<!tpu.dma_semaphore, #tpu.memory_space<semaphore_mem>>) src(%arg9 : memref<1024x16xf32, #tpu.memory_space<vmem>>) dst(%dma_wait3A_88 : memref<1024x16xf32, #tpu.memory_space<hbm>>)
        tpu.yield
      }) : () -> ()
      %add3A_71 = arith.constant 4096 : i32
      %add3A_72 = arith.addi %multiple_of3A_38, %add3A_71 : i32
      "tpu.region"() ({
        %run_scoped3A = tpu.sem_alloc : memref<!tpu.dma_semaphore, #tpu.memory_space<semaphore_mem>>
        %dma_start3A = arith.constant 0 : i32
        %dma_start3A_83 = tpu.memref_slice %arg10[%add3A_72, %dma_start3A] : memref<100352x16xf32, #tpu.memory_space<vmem_shared>> -> memref<1024x16xf32, #tpu.memory_space<vmem_shared>>
        %dma_start3A_84 = arith.constant 0 : i32
        %dma_start3A_85 = tpu.memref_slice %arg10[%add3A_72, %dma_start3A_84] : memref<100352x16xf32, #tpu.memory_space<vmem_shared>> -> memref<1024x16xf32, #tpu.memory_space<vmem_shared>>
        tpu.enqueue_dma source(%dma_start3A_85 : memref<1024x16xf32, #tpu.memory_space<vmem_shared>>) target(%arg9 : memref<1024x16xf32, #tpu.memory_space<vmem>>) target_semaphore(%run_scoped3A : memref<!tpu.dma_semaphore, #tpu.memory_space<semaphore_mem>>)
        %dma_wait3A = arith.constant 0 : i32
        %dma_wait3A_86 = tpu.memref_slice %arg10[%add3A_72, %dma_wait3A] : memref<100352x16xf32, #tpu.memory_space<vmem_shared>> -> memref<1024x16xf32, #tpu.memory_space<vmem_shared>>
        %dma_wait3A_87 = arith.constant 0 : i32
        %dma_wait3A_88 = tpu.memref_slice %arg10[%add3A_72, %dma_wait3A_87] : memref<100352x16xf32, #tpu.memory_space<vmem_shared>> -> memref<1024x16xf32, #tpu.memory_space<vmem_shared>>
        tpu.wait_dma2 semaphore(%run_scoped3A : memref<!tpu.dma_semaphore, #tpu.memory_space<semaphore_mem>>) src(%dma_wait3A_88 : memref<1024x16xf32, #tpu.memory_space<vmem_shared>>) dst(%arg9 : memref<1024x16xf32, #tpu.memory_space<vmem>>)
        tpu.yield
      }) : () -> ()
      %add3A_73 = arith.constant 4096 : i32
      %add3A_74 = arith.addi %multiple_of3A_45, %add3A_73 : i32
      "tpu.region"() ({
        %run_scoped3A = tpu.sem_alloc : memref<!tpu.dma_semaphore, #tpu.memory_space<semaphore_mem>>
        %dma_start3A = arith.constant 0 : i32
        %dma_start3A_83 = tpu.memref_slice %arg6[%add3A_74, %dma_start3A] : memref<200000x16xf32, #tpu.memory_space<hbm>> -> memref<1024x16xf32, #tpu.memory_space<hbm>>
        %dma_start3A_84 = arith.constant 0 : i32
        %dma_start3A_85 = tpu.memref_slice %arg6[%add3A_74, %dma_start3A_84] : memref<200000x16xf32, #tpu.memory_space<hbm>> -> memref<1024x16xf32, #tpu.memory_space<hbm>>
        tpu.enqueue_dma source(%arg9 : memref<1024x16xf32, #tpu.memory_space<vmem>>) target(%dma_start3A_85 : memref<1024x16xf32, #tpu.memory_space<hbm>>) target_semaphore(%run_scoped3A : memref<!tpu.dma_semaphore, #tpu.memory_space<semaphore_mem>>)
        %dma_wait3A = arith.constant 0 : i32
        %dma_wait3A_86 = tpu.memref_slice %arg6[%add3A_74, %dma_wait3A] : memref<200000x16xf32, #tpu.memory_space<hbm>> -> memref<1024x16xf32, #tpu.memory_space<hbm>>
        %dma_wait3A_87 = arith.constant 0 : i32
        %dma_wait3A_88 = tpu.memref_slice %arg6[%add3A_74, %dma_wait3A_87] : memref<200000x16xf32, #tpu.memory_space<hbm>> -> memref<1024x16xf32, #tpu.memory_space<hbm>>
        tpu.wait_dma2 semaphore(%run_scoped3A : memref<!tpu.dma_semaphore, #tpu.memory_space<semaphore_mem>>) src(%arg9 : memref<1024x16xf32, #tpu.memory_space<vmem>>) dst(%dma_wait3A_88 : memref<1024x16xf32, #tpu.memory_space<hbm>>)
        tpu.yield
      }) : () -> ()
      %add3A_75 = arith.constant 5120 : i32
      %add3A_76 = arith.addi %multiple_of3A_38, %add3A_75 : i32
      "tpu.region"() ({
        %run_scoped3A = tpu.sem_alloc : memref<!tpu.dma_semaphore, #tpu.memory_space<semaphore_mem>>
        %dma_start3A = arith.constant 0 : i32
        %dma_start3A_83 = tpu.memref_slice %arg10[%add3A_76, %dma_start3A] : memref<100352x16xf32, #tpu.memory_space<vmem_shared>> -> memref<1024x16xf32, #tpu.memory_space<vmem_shared>>
        %dma_start3A_84 = arith.constant 0 : i32
        %dma_start3A_85 = tpu.memref_slice %arg10[%add3A_76, %dma_start3A_84] : memref<100352x16xf32, #tpu.memory_space<vmem_shared>> -> memref<1024x16xf32, #tpu.memory_space<vmem_shared>>
        tpu.enqueue_dma source(%dma_start3A_85 : memref<1024x16xf32, #tpu.memory_space<vmem_shared>>) target(%arg9 : memref<1024x16xf32, #tpu.memory_space<vmem>>) target_semaphore(%run_scoped3A : memref<!tpu.dma_semaphore, #tpu.memory_space<semaphore_mem>>)
        %dma_wait3A = arith.constant 0 : i32
        %dma_wait3A_86 = tpu.memref_slice %arg10[%add3A_76, %dma_wait3A] : memref<100352x16xf32, #tpu.memory_space<vmem_shared>> -> memref<1024x16xf32, #tpu.memory_space<vmem_shared>>
        %dma_wait3A_87 = arith.constant 0 : i32
        %dma_wait3A_88 = tpu.memref_slice %arg10[%add3A_76, %dma_wait3A_87] : memref<100352x16xf32, #tpu.memory_space<vmem_shared>> -> memref<1024x16xf32, #tpu.memory_space<vmem_shared>>
        tpu.wait_dma2 semaphore(%run_scoped3A : memref<!tpu.dma_semaphore, #tpu.memory_space<semaphore_mem>>) src(%dma_wait3A_88 : memref<1024x16xf32, #tpu.memory_space<vmem_shared>>) dst(%arg9 : memref<1024x16xf32, #tpu.memory_space<vmem>>)
        tpu.yield
      }) : () -> ()
      %add3A_77 = arith.constant 5120 : i32
      %add3A_78 = arith.addi %multiple_of3A_45, %add3A_77 : i32
      "tpu.region"() ({
        %run_scoped3A = tpu.sem_alloc : memref<!tpu.dma_semaphore, #tpu.memory_space<semaphore_mem>>
        %dma_start3A = arith.constant 0 : i32
        %dma_start3A_83 = tpu.memref_slice %arg6[%add3A_78, %dma_start3A] : memref<200000x16xf32, #tpu.memory_space<hbm>> -> memref<1024x16xf32, #tpu.memory_space<hbm>>
        %dma_start3A_84 = arith.constant 0 : i32
        %dma_start3A_85 = tpu.memref_slice %arg6[%add3A_78, %dma_start3A_84] : memref<200000x16xf32, #tpu.memory_space<hbm>> -> memref<1024x16xf32, #tpu.memory_space<hbm>>
        tpu.enqueue_dma source(%arg9 : memref<1024x16xf32, #tpu.memory_space<vmem>>) target(%dma_start3A_85 : memref<1024x16xf32, #tpu.memory_space<hbm>>) target_semaphore(%run_scoped3A : memref<!tpu.dma_semaphore, #tpu.memory_space<semaphore_mem>>)
        %dma_wait3A = arith.constant 0 : i32
        %dma_wait3A_86 = tpu.memref_slice %arg6[%add3A_78, %dma_wait3A] : memref<200000x16xf32, #tpu.memory_space<hbm>> -> memref<1024x16xf32, #tpu.memory_space<hbm>>
        %dma_wait3A_87 = arith.constant 0 : i32
        %dma_wait3A_88 = tpu.memref_slice %arg6[%add3A_78, %dma_wait3A_87] : memref<200000x16xf32, #tpu.memory_space<hbm>> -> memref<1024x16xf32, #tpu.memory_space<hbm>>
        tpu.wait_dma2 semaphore(%run_scoped3A : memref<!tpu.dma_semaphore, #tpu.memory_space<semaphore_mem>>) src(%arg9 : memref<1024x16xf32, #tpu.memory_space<vmem>>) dst(%dma_wait3A_88 : memref<1024x16xf32, #tpu.memory_space<hbm>>)
        tpu.yield
      }) : () -> ()
      %add3A_79 = arith.constant 6144 : i32
      %add3A_80 = arith.addi %multiple_of3A_38, %add3A_79 : i32
      "tpu.region"() ({
        %run_scoped3A = tpu.sem_alloc : memref<!tpu.dma_semaphore, #tpu.memory_space<semaphore_mem>>
        %dma_start3A = arith.constant 0 : i32
        %dma_start3A_83 = arith.constant 0 : i32
        %dma_start3A_84 = tpu.memref_slice %arg9[%dma_start3A, %dma_start3A_83] : memref<1024x16xf32, #tpu.memory_space<vmem>> -> memref<112x16xf32, #tpu.memory_space<vmem>>
        %dma_start3A_85 = arith.constant 0 : i32
        %dma_start3A_86 = tpu.memref_slice %arg10[%add3A_80, %dma_start3A_85] : memref<100352x16xf32, #tpu.memory_space<vmem_shared>> -> memref<112x16xf32, #tpu.memory_space<vmem_shared>>
        %dma_start3A_87 = arith.constant 0 : i32
        %dma_start3A_88 = arith.constant 0 : i32
        %dma_start3A_89 = tpu.memref_slice %arg9[%dma_start3A_87, %dma_start3A_88] : memref<1024x16xf32, #tpu.memory_space<vmem>> -> memref<112x16xf32, #tpu.memory_space<vmem>>
        %dma_start3A_90 = arith.constant 0 : i32
        %dma_start3A_91 = tpu.memref_slice %arg10[%add3A_80, %dma_start3A_90] : memref<100352x16xf32, #tpu.memory_space<vmem_shared>> -> memref<112x16xf32, #tpu.memory_space<vmem_shared>>
        tpu.enqueue_dma source(%dma_start3A_91 : memref<112x16xf32, #tpu.memory_space<vmem_shared>>) target(%dma_start3A_89 : memref<112x16xf32, #tpu.memory_space<vmem>>) target_semaphore(%run_scoped3A : memref<!tpu.dma_semaphore, #tpu.memory_space<semaphore_mem>>)
        %dma_wait3A = arith.constant 0 : i32
        %dma_wait3A_92 = arith.constant 0 : i32
        %dma_wait3A_93 = tpu.memref_slice %arg9[%dma_wait3A, %dma_wait3A_92] : memref<1024x16xf32, #tpu.memory_space<vmem>> -> memref<112x16xf32, #tpu.memory_space<vmem>>
        %dma_wait3A_94 = arith.constant 0 : i32
        %dma_wait3A_95 = tpu.memref_slice %arg10[%add3A_80, %dma_wait3A_94] : memref<100352x16xf32, #tpu.memory_space<vmem_shared>> -> memref<112x16xf32, #tpu.memory_space<vmem_shared>>
        %dma_wait3A_96 = arith.constant 0 : i32
        %dma_wait3A_97 = arith.constant 0 : i32
        %dma_wait3A_98 = tpu.memref_slice %arg9[%dma_wait3A_96, %dma_wait3A_97] : memref<1024x16xf32, #tpu.memory_space<vmem>> -> memref<112x16xf32, #tpu.memory_space<vmem>>
        %dma_wait3A_99 = arith.constant 0 : i32
        %dma_wait3A_100 = tpu.memref_slice %arg10[%add3A_80, %dma_wait3A_99] : memref<100352x16xf32, #tpu.memory_space<vmem_shared>> -> memref<112x16xf32, #tpu.memory_space<vmem_shared>>
        tpu.wait_dma2 semaphore(%run_scoped3A : memref<!tpu.dma_semaphore, #tpu.memory_space<semaphore_mem>>) src(%dma_wait3A_100 : memref<112x16xf32, #tpu.memory_space<vmem_shared>>) dst(%dma_wait3A_98 : memref<112x16xf32, #tpu.memory_space<vmem>>)
        tpu.yield
      }) : () -> ()
      %add3A_81 = arith.constant 6144 : i32
      %add3A_82 = arith.addi %multiple_of3A_45, %add3A_81 : i32
      "tpu.region"() ({
        %run_scoped3A = tpu.sem_alloc : memref<!tpu.dma_semaphore, #tpu.memory_space<semaphore_mem>>
        %dma_start3A = arith.constant 0 : i32
        %dma_start3A_83 = arith.constant 0 : i32
        %dma_start3A_84 = tpu.memref_slice %arg9[%dma_start3A, %dma_start3A_83] : memref<1024x16xf32, #tpu.memory_space<vmem>> -> memref<112x16xf32, #tpu.memory_space<vmem>>
        %dma_start3A_85 = arith.constant 0 : i32
        %dma_start3A_86 = tpu.memref_slice %arg6[%add3A_82, %dma_start3A_85] : memref<200000x16xf32, #tpu.memory_space<hbm>> -> memref<112x16xf32, #tpu.memory_space<hbm>>
        %dma_start3A_87 = arith.constant 0 : i32
        %dma_start3A_88 = tpu.memref_slice %arg6[%add3A_82, %dma_start3A_87] : memref<200000x16xf32, #tpu.memory_space<hbm>> -> memref<112x16xf32, #tpu.memory_space<hbm>>
        %dma_start3A_89 = arith.constant 0 : i32
        %dma_start3A_90 = arith.constant 0 : i32
        %dma_start3A_91 = tpu.memref_slice %arg9[%dma_start3A_89, %dma_start3A_90] : memref<1024x16xf32, #tpu.memory_space<vmem>> -> memref<112x16xf32, #tpu.memory_space<vmem>>
        tpu.enqueue_dma source(%dma_start3A_91 : memref<112x16xf32, #tpu.memory_space<vmem>>) target(%dma_start3A_88 : memref<112x16xf32, #tpu.memory_space<hbm>>) target_semaphore(%run_scoped3A : memref<!tpu.dma_semaphore, #tpu.memory_space<semaphore_mem>>)
        %dma_wait3A = arith.constant 0 : i32
        %dma_wait3A_92 = arith.constant 0 : i32
        %dma_wait3A_93 = tpu.memref_slice %arg9[%dma_wait3A, %dma_wait3A_92] : memref<1024x16xf32, #tpu.memory_space<vmem>> -> memref<112x16xf32, #tpu.memory_space<vmem>>
        %dma_wait3A_94 = arith.constant 0 : i32
        %dma_wait3A_95 = tpu.memref_slice %arg6[%add3A_82, %dma_wait3A_94] : memref<200000x16xf32, #tpu.memory_space<hbm>> -> memref<112x16xf32, #tpu.memory_space<hbm>>
        %dma_wait3A_96 = arith.constant 0 : i32
        %dma_wait3A_97 = tpu.memref_slice %arg6[%add3A_82, %dma_wait3A_96] : memref<200000x16xf32, #tpu.memory_space<hbm>> -> memref<112x16xf32, #tpu.memory_space<hbm>>
        %dma_wait3A_98 = arith.constant 0 : i32
        %dma_wait3A_99 = arith.constant 0 : i32
        %dma_wait3A_100 = tpu.memref_slice %arg9[%dma_wait3A_98, %dma_wait3A_99] : memref<1024x16xf32, #tpu.memory_space<vmem>> -> memref<112x16xf32, #tpu.memory_space<vmem>>
        tpu.wait_dma2 semaphore(%run_scoped3A : memref<!tpu.dma_semaphore, #tpu.memory_space<semaphore_mem>>) src(%dma_wait3A_100 : memref<112x16xf32, #tpu.memory_space<vmem>>) dst(%dma_wait3A_97 : memref<112x16xf32, #tpu.memory_space<hbm>>)
        tpu.yield
      }) : () -> ()
    } else {
    }
    %eq3A_50 = arith.constant 15 : i32
    %eq3A_51 = arith.cmpi eq, %arg1, %eq3A_50 : i32
    %convert_element_type3A_52 = arith.extui %eq3A_51 : i1 to i32
    %cond3A_53 = arith.constant 0 : i32
    %cond3A_54 = arith.cmpi ne, %convert_element_type3A_52, %cond3A_53 : i32
    scf.if %cond3A_54 {
      %add3A_55 = arith.constant 0 : i32
      %add3A_56 = arith.addi %multiple_of3A_38, %add3A_55 : i32
      "tpu.region"() ({
        %run_scoped3A = tpu.sem_alloc : memref<!tpu.dma_semaphore, #tpu.memory_space<semaphore_mem>>
        %dma_start3A = arith.constant 0 : i32
        %dma_start3A_83 = tpu.memref_slice %arg10[%add3A_56, %dma_start3A] : memref<100352x16xf32, #tpu.memory_space<vmem_shared>> -> memref<1024x16xf32, #tpu.memory_space<vmem_shared>>
        %dma_start3A_84 = arith.constant 0 : i32
        %dma_start3A_85 = tpu.memref_slice %arg10[%add3A_56, %dma_start3A_84] : memref<100352x16xf32, #tpu.memory_space<vmem_shared>> -> memref<1024x16xf32, #tpu.memory_space<vmem_shared>>
        tpu.enqueue_dma source(%dma_start3A_85 : memref<1024x16xf32, #tpu.memory_space<vmem_shared>>) target(%arg9 : memref<1024x16xf32, #tpu.memory_space<vmem>>) target_semaphore(%run_scoped3A : memref<!tpu.dma_semaphore, #tpu.memory_space<semaphore_mem>>)
        %dma_wait3A = arith.constant 0 : i32
        %dma_wait3A_86 = tpu.memref_slice %arg10[%add3A_56, %dma_wait3A] : memref<100352x16xf32, #tpu.memory_space<vmem_shared>> -> memref<1024x16xf32, #tpu.memory_space<vmem_shared>>
        %dma_wait3A_87 = arith.constant 0 : i32
        %dma_wait3A_88 = tpu.memref_slice %arg10[%add3A_56, %dma_wait3A_87] : memref<100352x16xf32, #tpu.memory_space<vmem_shared>> -> memref<1024x16xf32, #tpu.memory_space<vmem_shared>>
        tpu.wait_dma2 semaphore(%run_scoped3A : memref<!tpu.dma_semaphore, #tpu.memory_space<semaphore_mem>>) src(%dma_wait3A_88 : memref<1024x16xf32, #tpu.memory_space<vmem_shared>>) dst(%arg9 : memref<1024x16xf32, #tpu.memory_space<vmem>>)
        tpu.yield
      }) : () -> ()
      %add3A_57 = arith.constant 0 : i32
      %add3A_58 = arith.addi %multiple_of3A_45, %add3A_57 : i32
      "tpu.region"() ({
        %run_scoped3A = tpu.sem_alloc : memref<!tpu.dma_semaphore, #tpu.memory_space<semaphore_mem>>
        %dma_start3A = arith.constant 0 : i32
        %dma_start3A_83 = tpu.memref_slice %arg6[%add3A_58, %dma_start3A] : memref<200000x16xf32, #tpu.memory_space<hbm>> -> memref<1024x16xf32, #tpu.memory_space<hbm>>
        %dma_start3A_84 = arith.constant 0 : i32
        %dma_start3A_85 = tpu.memref_slice %arg6[%add3A_58, %dma_start3A_84] : memref<200000x16xf32, #tpu.memory_space<hbm>> -> memref<1024x16xf32, #tpu.memory_space<hbm>>
        tpu.enqueue_dma source(%arg9 : memref<1024x16xf32, #tpu.memory_space<vmem>>) target(%dma_start3A_85 : memref<1024x16xf32, #tpu.memory_space<hbm>>) target_semaphore(%run_scoped3A : memref<!tpu.dma_semaphore, #tpu.memory_space<semaphore_mem>>)
        %dma_wait3A = arith.constant 0 : i32
        %dma_wait3A_86 = tpu.memref_slice %arg6[%add3A_58, %dma_wait3A] : memref<200000x16xf32, #tpu.memory_space<hbm>> -> memref<1024x16xf32, #tpu.memory_space<hbm>>
        %dma_wait3A_87 = arith.constant 0 : i32
        %dma_wait3A_88 = tpu.memref_slice %arg6[%add3A_58, %dma_wait3A_87] : memref<200000x16xf32, #tpu.memory_space<hbm>> -> memref<1024x16xf32, #tpu.memory_space<hbm>>
        tpu.wait_dma2 semaphore(%run_scoped3A : memref<!tpu.dma_semaphore, #tpu.memory_space<semaphore_mem>>) src(%arg9 : memref<1024x16xf32, #tpu.memory_space<vmem>>) dst(%dma_wait3A_88 : memref<1024x16xf32, #tpu.memory_space<hbm>>)
        tpu.yield
      }) : () -> ()
      %add3A_59 = arith.constant 1024 : i32
      %add3A_60 = arith.addi %multiple_of3A_38, %add3A_59 : i32
      "tpu.region"() ({
        %run_scoped3A = tpu.sem_alloc : memref<!tpu.dma_semaphore, #tpu.memory_space<semaphore_mem>>
        %dma_start3A = arith.constant 0 : i32
        %dma_start3A_83 = tpu.memref_slice %arg10[%add3A_60, %dma_start3A] : memref<100352x16xf32, #tpu.memory_space<vmem_shared>> -> memref<1024x16xf32, #tpu.memory_space<vmem_shared>>
        %dma_start3A_84 = arith.constant 0 : i32
        %dma_start3A_85 = tpu.memref_slice %arg10[%add3A_60, %dma_start3A_84] : memref<100352x16xf32, #tpu.memory_space<vmem_shared>> -> memref<1024x16xf32, #tpu.memory_space<vmem_shared>>
        tpu.enqueue_dma source(%dma_start3A_85 : memref<1024x16xf32, #tpu.memory_space<vmem_shared>>) target(%arg9 : memref<1024x16xf32, #tpu.memory_space<vmem>>) target_semaphore(%run_scoped3A : memref<!tpu.dma_semaphore, #tpu.memory_space<semaphore_mem>>)
        %dma_wait3A = arith.constant 0 : i32
        %dma_wait3A_86 = tpu.memref_slice %arg10[%add3A_60, %dma_wait3A] : memref<100352x16xf32, #tpu.memory_space<vmem_shared>> -> memref<1024x16xf32, #tpu.memory_space<vmem_shared>>
        %dma_wait3A_87 = arith.constant 0 : i32
        %dma_wait3A_88 = tpu.memref_slice %arg10[%add3A_60, %dma_wait3A_87] : memref<100352x16xf32, #tpu.memory_space<vmem_shared>> -> memref<1024x16xf32, #tpu.memory_space<vmem_shared>>
        tpu.wait_dma2 semaphore(%run_scoped3A : memref<!tpu.dma_semaphore, #tpu.memory_space<semaphore_mem>>) src(%dma_wait3A_88 : memref<1024x16xf32, #tpu.memory_space<vmem_shared>>) dst(%arg9 : memref<1024x16xf32, #tpu.memory_space<vmem>>)
        tpu.yield
      }) : () -> ()
      %add3A_61 = arith.constant 1024 : i32
      %add3A_62 = arith.addi %multiple_of3A_45, %add3A_61 : i32
      "tpu.region"() ({
        %run_scoped3A = tpu.sem_alloc : memref<!tpu.dma_semaphore, #tpu.memory_space<semaphore_mem>>
        %dma_start3A = arith.constant 0 : i32
        %dma_start3A_83 = tpu.memref_slice %arg6[%add3A_62, %dma_start3A] : memref<200000x16xf32, #tpu.memory_space<hbm>> -> memref<1024x16xf32, #tpu.memory_space<hbm>>
        %dma_start3A_84 = arith.constant 0 : i32
        %dma_start3A_85 = tpu.memref_slice %arg6[%add3A_62, %dma_start3A_84] : memref<200000x16xf32, #tpu.memory_space<hbm>> -> memref<1024x16xf32, #tpu.memory_space<hbm>>
        tpu.enqueue_dma source(%arg9 : memref<1024x16xf32, #tpu.memory_space<vmem>>) target(%dma_start3A_85 : memref<1024x16xf32, #tpu.memory_space<hbm>>) target_semaphore(%run_scoped3A : memref<!tpu.dma_semaphore, #tpu.memory_space<semaphore_mem>>)
        %dma_wait3A = arith.constant 0 : i32
        %dma_wait3A_86 = tpu.memref_slice %arg6[%add3A_62, %dma_wait3A] : memref<200000x16xf32, #tpu.memory_space<hbm>> -> memref<1024x16xf32, #tpu.memory_space<hbm>>
        %dma_wait3A_87 = arith.constant 0 : i32
        %dma_wait3A_88 = tpu.memref_slice %arg6[%add3A_62, %dma_wait3A_87] : memref<200000x16xf32, #tpu.memory_space<hbm>> -> memref<1024x16xf32, #tpu.memory_space<hbm>>
        tpu.wait_dma2 semaphore(%run_scoped3A : memref<!tpu.dma_semaphore, #tpu.memory_space<semaphore_mem>>) src(%arg9 : memref<1024x16xf32, #tpu.memory_space<vmem>>) dst(%dma_wait3A_88 : memref<1024x16xf32, #tpu.memory_space<hbm>>)
        tpu.yield
      }) : () -> ()
      %add3A_63 = arith.constant 2048 : i32
      %add3A_64 = arith.addi %multiple_of3A_38, %add3A_63 : i32
      "tpu.region"() ({
        %run_scoped3A = tpu.sem_alloc : memref<!tpu.dma_semaphore, #tpu.memory_space<semaphore_mem>>
        %dma_start3A = arith.constant 0 : i32
        %dma_start3A_83 = tpu.memref_slice %arg10[%add3A_64, %dma_start3A] : memref<100352x16xf32, #tpu.memory_space<vmem_shared>> -> memref<1024x16xf32, #tpu.memory_space<vmem_shared>>
        %dma_start3A_84 = arith.constant 0 : i32
        %dma_start3A_85 = tpu.memref_slice %arg10[%add3A_64, %dma_start3A_84] : memref<100352x16xf32, #tpu.memory_space<vmem_shared>> -> memref<1024x16xf32, #tpu.memory_space<vmem_shared>>
        tpu.enqueue_dma source(%dma_start3A_85 : memref<1024x16xf32, #tpu.memory_space<vmem_shared>>) target(%arg9 : memref<1024x16xf32, #tpu.memory_space<vmem>>) target_semaphore(%run_scoped3A : memref<!tpu.dma_semaphore, #tpu.memory_space<semaphore_mem>>)
        %dma_wait3A = arith.constant 0 : i32
        %dma_wait3A_86 = tpu.memref_slice %arg10[%add3A_64, %dma_wait3A] : memref<100352x16xf32, #tpu.memory_space<vmem_shared>> -> memref<1024x16xf32, #tpu.memory_space<vmem_shared>>
        %dma_wait3A_87 = arith.constant 0 : i32
        %dma_wait3A_88 = tpu.memref_slice %arg10[%add3A_64, %dma_wait3A_87] : memref<100352x16xf32, #tpu.memory_space<vmem_shared>> -> memref<1024x16xf32, #tpu.memory_space<vmem_shared>>
        tpu.wait_dma2 semaphore(%run_scoped3A : memref<!tpu.dma_semaphore, #tpu.memory_space<semaphore_mem>>) src(%dma_wait3A_88 : memref<1024x16xf32, #tpu.memory_space<vmem_shared>>) dst(%arg9 : memref<1024x16xf32, #tpu.memory_space<vmem>>)
        tpu.yield
      }) : () -> ()
      %add3A_65 = arith.constant 2048 : i32
      %add3A_66 = arith.addi %multiple_of3A_45, %add3A_65 : i32
      "tpu.region"() ({
        %run_scoped3A = tpu.sem_alloc : memref<!tpu.dma_semaphore, #tpu.memory_space<semaphore_mem>>
        %dma_start3A = arith.constant 0 : i32
        %dma_start3A_83 = tpu.memref_slice %arg6[%add3A_66, %dma_start3A] : memref<200000x16xf32, #tpu.memory_space<hbm>> -> memref<1024x16xf32, #tpu.memory_space<hbm>>
        %dma_start3A_84 = arith.constant 0 : i32
        %dma_start3A_85 = tpu.memref_slice %arg6[%add3A_66, %dma_start3A_84] : memref<200000x16xf32, #tpu.memory_space<hbm>> -> memref<1024x16xf32, #tpu.memory_space<hbm>>
        tpu.enqueue_dma source(%arg9 : memref<1024x16xf32, #tpu.memory_space<vmem>>) target(%dma_start3A_85 : memref<1024x16xf32, #tpu.memory_space<hbm>>) target_semaphore(%run_scoped3A : memref<!tpu.dma_semaphore, #tpu.memory_space<semaphore_mem>>)
        %dma_wait3A = arith.constant 0 : i32
        %dma_wait3A_86 = tpu.memref_slice %arg6[%add3A_66, %dma_wait3A] : memref<200000x16xf32, #tpu.memory_space<hbm>> -> memref<1024x16xf32, #tpu.memory_space<hbm>>
        %dma_wait3A_87 = arith.constant 0 : i32
        %dma_wait3A_88 = tpu.memref_slice %arg6[%add3A_66, %dma_wait3A_87] : memref<200000x16xf32, #tpu.memory_space<hbm>> -> memref<1024x16xf32, #tpu.memory_space<hbm>>
        tpu.wait_dma2 semaphore(%run_scoped3A : memref<!tpu.dma_semaphore, #tpu.memory_space<semaphore_mem>>) src(%arg9 : memref<1024x16xf32, #tpu.memory_space<vmem>>) dst(%dma_wait3A_88 : memref<1024x16xf32, #tpu.memory_space<hbm>>)
        tpu.yield
      }) : () -> ()
      %add3A_67 = arith.constant 3072 : i32
      %add3A_68 = arith.addi %multiple_of3A_38, %add3A_67 : i32
      "tpu.region"() ({
        %run_scoped3A = tpu.sem_alloc : memref<!tpu.dma_semaphore, #tpu.memory_space<semaphore_mem>>
        %dma_start3A = arith.constant 0 : i32
        %dma_start3A_83 = tpu.memref_slice %arg10[%add3A_68, %dma_start3A] : memref<100352x16xf32, #tpu.memory_space<vmem_shared>> -> memref<1024x16xf32, #tpu.memory_space<vmem_shared>>
        %dma_start3A_84 = arith.constant 0 : i32
        %dma_start3A_85 = tpu.memref_slice %arg10[%add3A_68, %dma_start3A_84] : memref<100352x16xf32, #tpu.memory_space<vmem_shared>> -> memref<1024x16xf32, #tpu.memory_space<vmem_shared>>
        tpu.enqueue_dma source(%dma_start3A_85 : memref<1024x16xf32, #tpu.memory_space<vmem_shared>>) target(%arg9 : memref<1024x16xf32, #tpu.memory_space<vmem>>) target_semaphore(%run_scoped3A : memref<!tpu.dma_semaphore, #tpu.memory_space<semaphore_mem>>)
        %dma_wait3A = arith.constant 0 : i32
        %dma_wait3A_86 = tpu.memref_slice %arg10[%add3A_68, %dma_wait3A] : memref<100352x16xf32, #tpu.memory_space<vmem_shared>> -> memref<1024x16xf32, #tpu.memory_space<vmem_shared>>
        %dma_wait3A_87 = arith.constant 0 : i32
        %dma_wait3A_88 = tpu.memref_slice %arg10[%add3A_68, %dma_wait3A_87] : memref<100352x16xf32, #tpu.memory_space<vmem_shared>> -> memref<1024x16xf32, #tpu.memory_space<vmem_shared>>
        tpu.wait_dma2 semaphore(%run_scoped3A : memref<!tpu.dma_semaphore, #tpu.memory_space<semaphore_mem>>) src(%dma_wait3A_88 : memref<1024x16xf32, #tpu.memory_space<vmem_shared>>) dst(%arg9 : memref<1024x16xf32, #tpu.memory_space<vmem>>)
        tpu.yield
      }) : () -> ()
      %add3A_69 = arith.constant 3072 : i32
      %add3A_70 = arith.addi %multiple_of3A_45, %add3A_69 : i32
      "tpu.region"() ({
        %run_scoped3A = tpu.sem_alloc : memref<!tpu.dma_semaphore, #tpu.memory_space<semaphore_mem>>
        %dma_start3A = arith.constant 0 : i32
        %dma_start3A_83 = tpu.memref_slice %arg6[%add3A_70, %dma_start3A] : memref<200000x16xf32, #tpu.memory_space<hbm>> -> memref<1024x16xf32, #tpu.memory_space<hbm>>
        %dma_start3A_84 = arith.constant 0 : i32
        %dma_start3A_85 = tpu.memref_slice %arg6[%add3A_70, %dma_start3A_84] : memref<200000x16xf32, #tpu.memory_space<hbm>> -> memref<1024x16xf32, #tpu.memory_space<hbm>>
        tpu.enqueue_dma source(%arg9 : memref<1024x16xf32, #tpu.memory_space<vmem>>) target(%dma_start3A_85 : memref<1024x16xf32, #tpu.memory_space<hbm>>) target_semaphore(%run_scoped3A : memref<!tpu.dma_semaphore, #tpu.memory_space<semaphore_mem>>)
        %dma_wait3A = arith.constant 0 : i32
        %dma_wait3A_86 = tpu.memref_slice %arg6[%add3A_70, %dma_wait3A] : memref<200000x16xf32, #tpu.memory_space<hbm>> -> memref<1024x16xf32, #tpu.memory_space<hbm>>
        %dma_wait3A_87 = arith.constant 0 : i32
        %dma_wait3A_88 = tpu.memref_slice %arg6[%add3A_70, %dma_wait3A_87] : memref<200000x16xf32, #tpu.memory_space<hbm>> -> memref<1024x16xf32, #tpu.memory_space<hbm>>
        tpu.wait_dma2 semaphore(%run_scoped3A : memref<!tpu.dma_semaphore, #tpu.memory_space<semaphore_mem>>) src(%arg9 : memref<1024x16xf32, #tpu.memory_space<vmem>>) dst(%dma_wait3A_88 : memref<1024x16xf32, #tpu.memory_space<hbm>>)
        tpu.yield
      }) : () -> ()
      %add3A_71 = arith.constant 4096 : i32
      %add3A_72 = arith.addi %multiple_of3A_38, %add3A_71 : i32
      "tpu.region"() ({
        %run_scoped3A = tpu.sem_alloc : memref<!tpu.dma_semaphore, #tpu.memory_space<semaphore_mem>>
        %dma_start3A = arith.constant 0 : i32
        %dma_start3A_83 = tpu.memref_slice %arg10[%add3A_72, %dma_start3A] : memref<100352x16xf32, #tpu.memory_space<vmem_shared>> -> memref<1024x16xf32, #tpu.memory_space<vmem_shared>>
        %dma_start3A_84 = arith.constant 0 : i32
        %dma_start3A_85 = tpu.memref_slice %arg10[%add3A_72, %dma_start3A_84] : memref<100352x16xf32, #tpu.memory_space<vmem_shared>> -> memref<1024x16xf32, #tpu.memory_space<vmem_shared>>
        tpu.enqueue_dma source(%dma_start3A_85 : memref<1024x16xf32, #tpu.memory_space<vmem_shared>>) target(%arg9 : memref<1024x16xf32, #tpu.memory_space<vmem>>) target_semaphore(%run_scoped3A : memref<!tpu.dma_semaphore, #tpu.memory_space<semaphore_mem>>)
        %dma_wait3A = arith.constant 0 : i32
        %dma_wait3A_86 = tpu.memref_slice %arg10[%add3A_72, %dma_wait3A] : memref<100352x16xf32, #tpu.memory_space<vmem_shared>> -> memref<1024x16xf32, #tpu.memory_space<vmem_shared>>
        %dma_wait3A_87 = arith.constant 0 : i32
        %dma_wait3A_88 = tpu.memref_slice %arg10[%add3A_72, %dma_wait3A_87] : memref<100352x16xf32, #tpu.memory_space<vmem_shared>> -> memref<1024x16xf32, #tpu.memory_space<vmem_shared>>
        tpu.wait_dma2 semaphore(%run_scoped3A : memref<!tpu.dma_semaphore, #tpu.memory_space<semaphore_mem>>) src(%dma_wait3A_88 : memref<1024x16xf32, #tpu.memory_space<vmem_shared>>) dst(%arg9 : memref<1024x16xf32, #tpu.memory_space<vmem>>)
        tpu.yield
      }) : () -> ()
      %add3A_73 = arith.constant 4096 : i32
      %add3A_74 = arith.addi %multiple_of3A_45, %add3A_73 : i32
      "tpu.region"() ({
        %run_scoped3A = tpu.sem_alloc : memref<!tpu.dma_semaphore, #tpu.memory_space<semaphore_mem>>
        %dma_start3A = arith.constant 0 : i32
        %dma_start3A_83 = tpu.memref_slice %arg6[%add3A_74, %dma_start3A] : memref<200000x16xf32, #tpu.memory_space<hbm>> -> memref<1024x16xf32, #tpu.memory_space<hbm>>
        %dma_start3A_84 = arith.constant 0 : i32
        %dma_start3A_85 = tpu.memref_slice %arg6[%add3A_74, %dma_start3A_84] : memref<200000x16xf32, #tpu.memory_space<hbm>> -> memref<1024x16xf32, #tpu.memory_space<hbm>>
        tpu.enqueue_dma source(%arg9 : memref<1024x16xf32, #tpu.memory_space<vmem>>) target(%dma_start3A_85 : memref<1024x16xf32, #tpu.memory_space<hbm>>) target_semaphore(%run_scoped3A : memref<!tpu.dma_semaphore, #tpu.memory_space<semaphore_mem>>)
        %dma_wait3A = arith.constant 0 : i32
        %dma_wait3A_86 = tpu.memref_slice %arg6[%add3A_74, %dma_wait3A] : memref<200000x16xf32, #tpu.memory_space<hbm>> -> memref<1024x16xf32, #tpu.memory_space<hbm>>
        %dma_wait3A_87 = arith.constant 0 : i32
        %dma_wait3A_88 = tpu.memref_slice %arg6[%add3A_74, %dma_wait3A_87] : memref<200000x16xf32, #tpu.memory_space<hbm>> -> memref<1024x16xf32, #tpu.memory_space<hbm>>
        tpu.wait_dma2 semaphore(%run_scoped3A : memref<!tpu.dma_semaphore, #tpu.memory_space<semaphore_mem>>) src(%arg9 : memref<1024x16xf32, #tpu.memory_space<vmem>>) dst(%dma_wait3A_88 : memref<1024x16xf32, #tpu.memory_space<hbm>>)
        tpu.yield
      }) : () -> ()
      %add3A_75 = arith.constant 5120 : i32
      %add3A_76 = arith.addi %multiple_of3A_38, %add3A_75 : i32
      "tpu.region"() ({
        %run_scoped3A = tpu.sem_alloc : memref<!tpu.dma_semaphore, #tpu.memory_space<semaphore_mem>>
        %dma_start3A = arith.constant 0 : i32
        %dma_start3A_83 = tpu.memref_slice %arg10[%add3A_76, %dma_start3A] : memref<100352x16xf32, #tpu.memory_space<vmem_shared>> -> memref<1024x16xf32, #tpu.memory_space<vmem_shared>>
        %dma_start3A_84 = arith.constant 0 : i32
        %dma_start3A_85 = tpu.memref_slice %arg10[%add3A_76, %dma_start3A_84] : memref<100352x16xf32, #tpu.memory_space<vmem_shared>> -> memref<1024x16xf32, #tpu.memory_space<vmem_shared>>
        tpu.enqueue_dma source(%dma_start3A_85 : memref<1024x16xf32, #tpu.memory_space<vmem_shared>>) target(%arg9 : memref<1024x16xf32, #tpu.memory_space<vmem>>) target_semaphore(%run_scoped3A : memref<!tpu.dma_semaphore, #tpu.memory_space<semaphore_mem>>)
        %dma_wait3A = arith.constant 0 : i32
        %dma_wait3A_86 = tpu.memref_slice %arg10[%add3A_76, %dma_wait3A] : memref<100352x16xf32, #tpu.memory_space<vmem_shared>> -> memref<1024x16xf32, #tpu.memory_space<vmem_shared>>
        %dma_wait3A_87 = arith.constant 0 : i32
        %dma_wait3A_88 = tpu.memref_slice %arg10[%add3A_76, %dma_wait3A_87] : memref<100352x16xf32, #tpu.memory_space<vmem_shared>> -> memref<1024x16xf32, #tpu.memory_space<vmem_shared>>
        tpu.wait_dma2 semaphore(%run_scoped3A : memref<!tpu.dma_semaphore, #tpu.memory_space<semaphore_mem>>) src(%dma_wait3A_88 : memref<1024x16xf32, #tpu.memory_space<vmem_shared>>) dst(%arg9 : memref<1024x16xf32, #tpu.memory_space<vmem>>)
        tpu.yield
      }) : () -> ()
      %add3A_77 = arith.constant 5120 : i32
      %add3A_78 = arith.addi %multiple_of3A_45, %add3A_77 : i32
      "tpu.region"() ({
        %run_scoped3A = tpu.sem_alloc : memref<!tpu.dma_semaphore, #tpu.memory_space<semaphore_mem>>
        %dma_start3A = arith.constant 0 : i32
        %dma_start3A_83 = tpu.memref_slice %arg6[%add3A_78, %dma_start3A] : memref<200000x16xf32, #tpu.memory_space<hbm>> -> memref<1024x16xf32, #tpu.memory_space<hbm>>
        %dma_start3A_84 = arith.constant 0 : i32
        %dma_start3A_85 = tpu.memref_slice %arg6[%add3A_78, %dma_start3A_84] : memref<200000x16xf32, #tpu.memory_space<hbm>> -> memref<1024x16xf32, #tpu.memory_space<hbm>>
        tpu.enqueue_dma source(%arg9 : memref<1024x16xf32, #tpu.memory_space<vmem>>) target(%dma_start3A_85 : memref<1024x16xf32, #tpu.memory_space<hbm>>) target_semaphore(%run_scoped3A : memref<!tpu.dma_semaphore, #tpu.memory_space<semaphore_mem>>)
        %dma_wait3A = arith.constant 0 : i32
        %dma_wait3A_86 = tpu.memref_slice %arg6[%add3A_78, %dma_wait3A] : memref<200000x16xf32, #tpu.memory_space<hbm>> -> memref<1024x16xf32, #tpu.memory_space<hbm>>
        %dma_wait3A_87 = arith.constant 0 : i32
        %dma_wait3A_88 = tpu.memref_slice %arg6[%add3A_78, %dma_wait3A_87] : memref<200000x16xf32, #tpu.memory_space<hbm>> -> memref<1024x16xf32, #tpu.memory_space<hbm>>
        tpu.wait_dma2 semaphore(%run_scoped3A : memref<!tpu.dma_semaphore, #tpu.memory_space<semaphore_mem>>) src(%arg9 : memref<1024x16xf32, #tpu.memory_space<vmem>>) dst(%dma_wait3A_88 : memref<1024x16xf32, #tpu.memory_space<hbm>>)
        tpu.yield
      }) : () -> ()
      %add3A_79 = arith.constant 6144 : i32
      %add3A_80 = arith.addi %multiple_of3A_38, %add3A_79 : i32
      "tpu.region"() ({
        %run_scoped3A = tpu.sem_alloc : memref<!tpu.dma_semaphore, #tpu.memory_space<semaphore_mem>>
        %dma_start3A = arith.constant 0 : i32
        %dma_start3A_83 = arith.constant 0 : i32
        %dma_start3A_84 = tpu.memref_slice %arg9[%dma_start3A, %dma_start3A_83] : memref<1024x16xf32, #tpu.memory_space<vmem>> -> memref<16x16xf32, #tpu.memory_space<vmem>>
        %dma_start3A_85 = arith.constant 0 : i32
        %dma_start3A_86 = tpu.memref_slice %arg10[%add3A_80, %dma_start3A_85] : memref<100352x16xf32, #tpu.memory_space<vmem_shared>> -> memref<16x16xf32, #tpu.memory_space<vmem_shared>>
        %dma_start3A_87 = arith.constant 0 : i32
        %dma_start3A_88 = arith.constant 0 : i32
        %dma_start3A_89 = tpu.memref_slice %arg9[%dma_start3A_87, %dma_start3A_88] : memref<1024x16xf32, #tpu.memory_space<vmem>> -> memref<16x16xf32, #tpu.memory_space<vmem>>
        %dma_start3A_90 = arith.constant 0 : i32
        %dma_start3A_91 = tpu.memref_slice %arg10[%add3A_80, %dma_start3A_90] : memref<100352x16xf32, #tpu.memory_space<vmem_shared>> -> memref<16x16xf32, #tpu.memory_space<vmem_shared>>
        tpu.enqueue_dma source(%dma_start3A_91 : memref<16x16xf32, #tpu.memory_space<vmem_shared>>) target(%dma_start3A_89 : memref<16x16xf32, #tpu.memory_space<vmem>>) target_semaphore(%run_scoped3A : memref<!tpu.dma_semaphore, #tpu.memory_space<semaphore_mem>>)
        %dma_wait3A = arith.constant 0 : i32
        %dma_wait3A_92 = arith.constant 0 : i32
        %dma_wait3A_93 = tpu.memref_slice %arg9[%dma_wait3A, %dma_wait3A_92] : memref<1024x16xf32, #tpu.memory_space<vmem>> -> memref<16x16xf32, #tpu.memory_space<vmem>>
        %dma_wait3A_94 = arith.constant 0 : i32
        %dma_wait3A_95 = tpu.memref_slice %arg10[%add3A_80, %dma_wait3A_94] : memref<100352x16xf32, #tpu.memory_space<vmem_shared>> -> memref<16x16xf32, #tpu.memory_space<vmem_shared>>
        %dma_wait3A_96 = arith.constant 0 : i32
        %dma_wait3A_97 = arith.constant 0 : i32
        %dma_wait3A_98 = tpu.memref_slice %arg9[%dma_wait3A_96, %dma_wait3A_97] : memref<1024x16xf32, #tpu.memory_space<vmem>> -> memref<16x16xf32, #tpu.memory_space<vmem>>
        %dma_wait3A_99 = arith.constant 0 : i32
        %dma_wait3A_100 = tpu.memref_slice %arg10[%add3A_80, %dma_wait3A_99] : memref<100352x16xf32, #tpu.memory_space<vmem_shared>> -> memref<16x16xf32, #tpu.memory_space<vmem_shared>>
        tpu.wait_dma2 semaphore(%run_scoped3A : memref<!tpu.dma_semaphore, #tpu.memory_space<semaphore_mem>>) src(%dma_wait3A_100 : memref<16x16xf32, #tpu.memory_space<vmem_shared>>) dst(%dma_wait3A_98 : memref<16x16xf32, #tpu.memory_space<vmem>>)
        tpu.yield
      }) : () -> ()
      %add3A_81 = arith.constant 6144 : i32
      %add3A_82 = arith.addi %multiple_of3A_45, %add3A_81 : i32
      "tpu.region"() ({
        %run_scoped3A = tpu.sem_alloc : memref<!tpu.dma_semaphore, #tpu.memory_space<semaphore_mem>>
        %dma_start3A = arith.constant 0 : i32
        %dma_start3A_83 = arith.constant 0 : i32
        %dma_start3A_84 = tpu.memref_slice %arg9[%dma_start3A, %dma_start3A_83] : memref<1024x16xf32, #tpu.memory_space<vmem>> -> memref<16x16xf32, #tpu.memory_space<vmem>>
        %dma_start3A_85 = arith.constant 0 : i32
        %dma_start3A_86 = tpu.memref_slice %arg6[%add3A_82, %dma_start3A_85] : memref<200000x16xf32, #tpu.memory_space<hbm>> -> memref<16x16xf32, #tpu.memory_space<hbm>>
        %dma_start3A_87 = arith.constant 0 : i32
        %dma_start3A_88 = tpu.memref_slice %arg6[%add3A_82, %dma_start3A_87] : memref<200000x16xf32, #tpu.memory_space<hbm>> -> memref<16x16xf32, #tpu.memory_space<hbm>>
        %dma_start3A_89 = arith.constant 0 : i32
        %dma_start3A_90 = arith.constant 0 : i32
        %dma_start3A_91 = tpu.memref_slice %arg9[%dma_start3A_89, %dma_start3A_90] : memref<1024x16xf32, #tpu.memory_space<vmem>> -> memref<16x16xf32, #tpu.memory_space<vmem>>
        tpu.enqueue_dma source(%dma_start3A_91 : memref<16x16xf32, #tpu.memory_space<vmem>>) target(%dma_start3A_88 : memref<16x16xf32, #tpu.memory_space<hbm>>) target_semaphore(%run_scoped3A : memref<!tpu.dma_semaphore, #tpu.memory_space<semaphore_mem>>)
        %dma_wait3A = arith.constant 0 : i32
        %dma_wait3A_92 = arith.constant 0 : i32
        %dma_wait3A_93 = tpu.memref_slice %arg9[%dma_wait3A, %dma_wait3A_92] : memref<1024x16xf32, #tpu.memory_space<vmem>> -> memref<16x16xf32, #tpu.memory_space<vmem>>
        %dma_wait3A_94 = arith.constant 0 : i32
        %dma_wait3A_95 = tpu.memref_slice %arg6[%add3A_82, %dma_wait3A_94] : memref<200000x16xf32, #tpu.memory_space<hbm>> -> memref<16x16xf32, #tpu.memory_space<hbm>>
        %dma_wait3A_96 = arith.constant 0 : i32
        %dma_wait3A_97 = tpu.memref_slice %arg6[%add3A_82, %dma_wait3A_96] : memref<200000x16xf32, #tpu.memory_space<hbm>> -> memref<16x16xf32, #tpu.memory_space<hbm>>
        %dma_wait3A_98 = arith.constant 0 : i32
        %dma_wait3A_99 = arith.constant 0 : i32
        %dma_wait3A_100 = tpu.memref_slice %arg9[%dma_wait3A_98, %dma_wait3A_99] : memref<1024x16xf32, #tpu.memory_space<vmem>> -> memref<16x16xf32, #tpu.memory_space<vmem>>
        tpu.wait_dma2 semaphore(%run_scoped3A : memref<!tpu.dma_semaphore, #tpu.memory_space<semaphore_mem>>) src(%dma_wait3A_100 : memref<16x16xf32, #tpu.memory_space<vmem>>) dst(%dma_wait3A_97 : memref<16x16xf32, #tpu.memory_space<hbm>>)
        tpu.yield
      }) : () -> ()
    } else {
    }
    return
  }
}

module attributes {stable_mosaic.version = 14 : i64} {
  func.func @_scale_body(%arg0: i32, %arg1: memref<5000x128xf32, #tpu.memory_space<vmem>>, %arg2: memref<5000x8xf32, #tpu.memory_space<vmem>>, %arg3: memref<8x128xf32, #tpu.memory_space<vmem>>, %arg4: memref<5000x128xf32, #tpu.memory_space<vmem>>) attributes {dimension_semantics = [#tpu.dimension_semantics<arbitrary>], iteration_bounds = array<i64: 5>, scalar_prefetch = 0 : i64, scratch_operands = 0 : i64, tpu.core_type = #tpu.core_type<tc>, window_params = [{transform_indices = @transform_0, window_bounds = array<i64: 5000, 128>}, {transform_indices = @transform_1, window_bounds = array<i64: 5000, 8>}, {pipeline_mode = #tpu.pipeline_mode<synchronous>, transform_indices = @transform_2, window_bounds = array<i64: 8, 128>}, {transform_indices = @transform_3, window_bounds = array<i64: 5000, 128>}]} {
    %get3A = arith.constant 0 : index
    %get3A_0 = arith.constant 0 : index
    %get3A_1 = vector.load %arg2[%get3A, %get3A_0] : memref<5000x8xf32, #tpu.memory_space<vmem>>, vector<5000x8xf32>
    %get3A_2 = arith.constant 0 : index
    %get3A_3 = arith.constant 0 : index
    %get3A_4 = vector.load %arg3[%get3A_2, %get3A_3] : memref<8x128xf32, #tpu.memory_space<vmem>>, vector<8x128xf32>
    %dot_general3A = arith.constant dense<0.000000e+00> : vector<5000x128xf32>
    %dot_general3A_5 = tpu.matmul %get3A_1, %get3A_4, %dot_general3A {dimension_numbers = #tpu.dot_dimension_numbers<[1], [0], [0], [1], [0, 0, 1, 1], [], []>, transpose_lhs_hint = false} : vector<5000x8xf32>, vector<8x128xf32>, vector<5000x128xf32> -> vector<5000x128xf32>
    %add3A = arith.constant 1.000000e+00 : f32
    %add3A_6 = vector.broadcast %add3A : f32 to vector<5000x128xf32>
    %add3A_7 = arith.addf %dot_general3A_5, %add3A_6 : vector<5000x128xf32>
    %get3A_8 = arith.constant 0 : index
    %get3A_9 = arith.constant 0 : index
    %get3A_10 = vector.load %arg1[%get3A_8, %get3A_9] : memref<5000x128xf32, #tpu.memory_space<vmem>>, vector<5000x128xf32>
    %rsqrt3A = math.rsqrt %add3A_7 : vector<5000x128xf32>
    %mul3A = arith.mulf %get3A_10, %rsqrt3A : vector<5000x128xf32>
    %swap3A = arith.constant 0 : index
    %swap3A_11 = arith.constant 0 : index
    %swap3A_12 = vector.load %arg4[%swap3A, %swap3A_11] : memref<5000x128xf32, #tpu.memory_space<vmem>>, vector<5000x128xf32>
    tpu.vector_store %arg4[%swap3A, %swap3A_11], %mul3A {strides = array<i32>} : memref<5000x128xf32, #tpu.memory_space<vmem>>, vector<5000x128xf32>,
    return
  }
  func.func @transform_0(%arg0: i32) -> (i32, i32) {
    %c0_i32 = arith.constant 0 : i32
    %c0_i32_0 = arith.constant 0 : i32
    return %arg0, %c0_i32 : i32, i32
  }
  func.func @transform_1(%arg0: i32) -> (i32, i32) {
    %c0_i32 = arith.constant 0 : i32
    %c0_i32_0 = arith.constant 0 : i32
    return %arg0, %c0_i32 : i32, i32
  }
  func.func @transform_2(%arg0: i32) -> (i32, i32) {
    %c0_i32 = arith.constant 0 : i32
    %c0_i32_0 = arith.constant 0 : i32
    %c0_i32_1 = arith.constant 0 : i32
    return %c0_i32, %c0_i32_0 : i32, i32
  }
  func.func @transform_3(%arg0: i32) -> (i32, i32) {
    %c0_i32 = arith.constant 0 : i32
    %c0_i32_0 = arith.constant 0 : i32
    return %arg0, %c0_i32 : i32, i32
  }
}

module attributes {stable_mosaic.version = 14 : i64} {
  func.func @_final_body(%arg0: i32, %arg1: memref<5000x128xf32, #tpu.memory_space<vmem>>, %arg2: memref<5000x128xf32, #tpu.memory_space<vmem>>, %arg3: memref<5000x8xf32, #tpu.memory_space<vmem>>, %arg4: memref<8x128xf32, #tpu.memory_space<vmem>>, %arg5: memref<128x128xf32, #tpu.memory_space<vmem>>, %arg6: memref<1x128xf32, #tpu.memory_space<vmem>>, %arg7: memref<5000x128xf32, #tpu.memory_space<vmem>>) attributes {dimension_semantics = [#tpu.dimension_semantics<arbitrary>], iteration_bounds = array<i64: 5>, scalar_prefetch = 0 : i64, scratch_operands = 0 : i64, tpu.core_type = #tpu.core_type<tc>, window_params = [{transform_indices = @transform_0, window_bounds = array<i64: 5000, 128>}, {transform_indices = @transform_1, window_bounds = array<i64: 5000, 128>}, {transform_indices = @transform_2, window_bounds = array<i64: 5000, 8>}, {pipeline_mode = #tpu.pipeline_mode<synchronous>, transform_indices = @transform_3, window_bounds = array<i64: 8, 128>}, {pipeline_mode = #tpu.pipeline_mode<synchronous>, transform_indices = @transform_4, window_bounds = array<i64: 128, 128>}, {pipeline_mode = #tpu.pipeline_mode<synchronous>, transform_indices = @transform_5, window_bounds = array<i64: 1, 128>}, {transform_indices = @transform_6, window_bounds = array<i64: 5000, 128>}]} {
    %get3A = arith.constant 0 : index
    %get3A_0 = arith.constant 0 : index
    %get3A_1 = vector.load %arg3[%get3A, %get3A_0] : memref<5000x8xf32, #tpu.memory_space<vmem>>, vector<5000x8xf32>
    %get3A_2 = arith.constant 0 : index
    %get3A_3 = arith.constant 0 : index
    %get3A_4 = vector.load %arg4[%get3A_2, %get3A_3] : memref<8x128xf32, #tpu.memory_space<vmem>>, vector<8x128xf32>
    %dot_general3A = arith.constant dense<0.000000e+00> : vector<5000x128xf32>
    %dot_general3A_5 = tpu.matmul %get3A_1, %get3A_4, %dot_general3A {dimension_numbers = #tpu.dot_dimension_numbers<[1], [0], [0], [1], [0, 0, 1, 1], [], []>, transpose_lhs_hint = false} : vector<5000x8xf32>, vector<8x128xf32>, vector<5000x128xf32> -> vector<5000x128xf32>
    %add3A = arith.constant 1.000000e+00 : f32
    %add3A_6 = vector.broadcast %add3A : f32 to vector<5000x128xf32>
    %add3A_7 = arith.addf %dot_general3A_5, %add3A_6 : vector<5000x128xf32>
    %get3A_8 = arith.constant 0 : index
    %get3A_9 = arith.constant 0 : index
    %get3A_10 = vector.load %arg1[%get3A_8, %get3A_9] : memref<5000x128xf32, #tpu.memory_space<vmem>>, vector<5000x128xf32>
    %get3A_11 = arith.constant 0 : index
    %get3A_12 = arith.constant 0 : index
    %get3A_13 = vector.load %arg2[%get3A_11, %get3A_12] : memref<5000x128xf32, #tpu.memory_space<vmem>>, vector<5000x128xf32>
    %rsqrt3A = math.rsqrt %add3A_7 : vector<5000x128xf32>
    %mul3A = arith.mulf %get3A_13, %rsqrt3A : vector<5000x128xf32>
    %div3A = arith.divf %get3A_10, %add3A_7 : vector<5000x128xf32>
    %add3A_14 = arith.addf %mul3A, %div3A : vector<5000x128xf32>
    %get3A_15 = arith.constant 0 : index
    %get3A_16 = arith.constant 0 : index
    %get3A_17 = vector.load %arg5[%get3A_15, %get3A_16] : memref<128x128xf32, #tpu.memory_space<vmem>>, vector<128x128xf32>
    %dot_general3A_18 = arith.constant dense<0.000000e+00> : vector<5000x128xf32>
    %dot_general3A_19 = tpu.matmul %add3A_14, %get3A_17, %dot_general3A_18 {dimension_numbers = #tpu.dot_dimension_numbers<[1], [0], [0], [1], [0, 0, 1, 1], [], []>, transpose_lhs_hint = false} : vector<5000x128xf32>, vector<128x128xf32>, vector<5000x128xf32> -> vector<5000x128xf32>
    %get3A_20 = arith.constant 0 : index
    %get3A_21 = arith.constant 0 : index
    %get3A_22 = vector.load %arg6[%get3A_20, %get3A_21] : memref<1x128xf32, #tpu.memory_space<vmem>>, vector<1x128xf32>
    %add3A_23 = vector.broadcast %get3A_22 : vector<1x128xf32> to vector<5000x128xf32>
    %add3A_24 = arith.addf %dot_general3A_19, %add3A_23 : vector<5000x128xf32>
    %gt3A = arith.constant 0.000000e+00 : f32
    %gt3A_25 = vector.broadcast %gt3A : f32 to vector<5000x128xf32>
    %gt3A_26 = arith.cmpf ogt, %add3A_24, %gt3A_25 : vector<5000x128xf32>
    %mul3A_27 = arith.constant 0.00999999977 : f32
    %mul3A_28 = vector.broadcast %mul3A_27 : f32 to vector<5000x128xf32>
    %mul3A_29 = arith.mulf %add3A_24, %mul3A_28 : vector<5000x128xf32>
    %select_n3A = arith.select %gt3A_26, %add3A_24, %mul3A_29 : vector<5000x128xi1>, vector<5000x128xf32>
    %add3A_30 = arith.addf %get3A_10, %select_n3A : vector<5000x128xf32>
    %mul3A_31 = arith.constant 5.000000e-01 : f32
    %mul3A_32 = vector.broadcast %mul3A_31 : f32 to vector<5000x128xf32>
    %mul3A_33 = arith.mulf %mul3A_32, %add3A_30 : vector<5000x128xf32>
    %swap3A = arith.constant 0 : index
    %swap3A_34 = arith.constant 0 : index
    %swap3A_35 = vector.load %arg7[%swap3A, %swap3A_34] : memref<5000x128xf32, #tpu.memory_space<vmem>>, vector<5000x128xf32>
    tpu.vector_store %arg7[%swap3A, %swap3A_34], %mul3A_33 {strides = array<i32>} : memref<5000x128xf32, #tpu.memory_space<vmem>>, vector<5000x128xf32>,
    return
  }
  func.func @transform_0(%arg0: i32) -> (i32, i32) {
    %c0_i32 = arith.constant 0 : i32
    %c0_i32_0 = arith.constant 0 : i32
    return %arg0, %c0_i32 : i32, i32
  }
  func.func @transform_1(%arg0: i32) -> (i32, i32) {
    %c0_i32 = arith.constant 0 : i32
    %c0_i32_0 = arith.constant 0 : i32
    return %arg0, %c0_i32 : i32, i32
  }
  func.func @transform_2(%arg0: i32) -> (i32, i32) {
    %c0_i32 = arith.constant 0 : i32
    %c0_i32_0 = arith.constant 0 : i32
    return %arg0, %c0_i32 : i32, i32
  }
  func.func @transform_3(%arg0: i32) -> (i32, i32) {
    %c0_i32 = arith.constant 0 : i32
    %c0_i32_0 = arith.constant 0 : i32
    %c0_i32_1 = arith.constant 0 : i32
    return %c0_i32, %c0_i32_0 : i32, i32
  }
  func.func @transform_4(%arg0: i32) -> (i32, i32) {
    %c0_i32 = arith.constant 0 : i32
    %c0_i32_0 = arith.constant 0 : i32
    %c0_i32_1 = arith.constant 0 : i32
    return %c0_i32, %c0_i32_0 : i32, i32
  }
  func.func @transform_5(%arg0: i32) -> (i32, i32) {
    %c0_i32 = arith.constant 0 : i32
    %c0_i32_0 = arith.constant 0 : i32
    %c0_i32_1 = arith.constant 0 : i32
    return %c0_i32, %c0_i32_0 : i32, i32
  }
  func.func @transform_6(%arg0: i32) -> (i32, i32) {
    %c0_i32 = arith.constant 0 : i32
    %c0_i32_0 = arith.constant 0 : i32
    return %arg0, %c0_i32 : i32, i32
  }
}

</mosaic_0001>

<sc_bundles>
// kernel: kernel.6.cloned.1.call-start
scs
__scs_entry_jumppad:
0x0: {  	(pc) =	sbr.rel $0x88, $3  }
0x1: {  	(tag) =	ssettag $0x0;
	lr =	simm.s32 $0x1  }
0x2: {  	[smem:$0x3F9C] =	sst lr;
	_ =	strace $0xD0000000  }
0x3: {  	_ = 	snop  }
0x4: {  	_ = 	snop  }
0x5: {  	_ = 	snop  }
0x6: {  	_ = 	snop  }
0x7: {  	_ = 	snop  }
__scs_overlays_trampoline_lowered:
0x8: {  	[smem:$0x3FAB] =	sst s0  }
0x9: {  	[smem:$0x3FAC] =	sst s1  }
0xa: {  	[smem:$0x3FAD] =	sst s2  }
0xb: {  	[smem:$0x3FAE] =	sst s3  }
0xc: {  	[smem:$0x3FAF] =	sst s4  }
0xd: {  	[smem:$0x3FB0] =	sst s5  }
0xe: {  	[smem:$0x3FB1] =	sst s6  }
0xf: {  	[smem:$0x3FB2] =	sst s7  }
0x10: {  	[smem:$0x3FB3] =	sst s8  }
0x11: {  	[smem:$0x3FB4] =	sst s9;
	s0 =	simm.s32 @!p0 $0x0  }
0x12: {  	s1 =	sld [smem:$0x3F9A];
	s0 =	simm.s32 @p0 $0x1  }
0x13: {  	[smem:$0x3FB5] =	sst s0;
	s0 =	simm.s32 @!p1 $0x0  }
0x14: {  	s2 =	sld [smem:$0x3F99];
	s0 =	simm.s32 @p1 $0x1  }
0x15: {  	[smem:$0x3FB6] =	sst s0;
	s0 =	simm.s32 @!p2 $0x0  }
0x16: {  	s3 =	sld [smem:$0x3FDB];
	s0 =	simm.s32 @p2 $0x1  }
0x17: {  	s4 =	simm.s32 $0x1BF5;
	[smem:$0x3FB8] =	sst s0  }
0x18: {  	s0 =	sld [smem:$0x3F9B];
	_ =	swait.ge [sflag:s4], $0x0  }
0x19: {  	s7 =	sld [smem:$0x3F9C]  }
0x1a: {  	s8 =	sadd.s32 $0xFFFFE003, lr  }
0x1b: {  	s9 =	sadd.s32 $0xFFFFFEF7, lr;
	s5 =	simm.s32 $0xFFFFFFFF;
	p2 =	slt.u32 s8, $0xFFFFF086  }
0x1c: {  	p1 =	slt.u32 s9, $0xF7A;
	s5 =	simm.s32 @!p2 $0x0  }
0x1d: {  	s5 =	simm.s32 @p1 $0x1;
	p0 =	seq.s32 s7, s2  }
0x1e: {  	s7 =	smul.u32 @!p0 $0xF7A, s2;
	p2 =	seq.s32 @!p0 s5, $0x0  }
0x1f: {  	s9 =	smul.u32 $0xF7A, s1;
	s8 =	simm.s32 @!p0 $0x1BF5;
	p2 =	por !p2, p0  }
0x20: {  	[sflag:s8] =	ssyncset.s32 @!p0 $0xFFFFF086;
	s6 =	sadd.s32 @!p0 s3, s7;
	s7 =	simm.s32 @!p0 $0x108  }
0x21: {  	s3 =	sadd.s32 s3, s9;
	s6 =	sadd.s32 @!p0 $0x88, s6;
	s7 =	simm.s32 @p2 $0x1082  }
0x22: {  	[simem:s7], [sflag:s8] =	dma.local @!p0 [hbm:s6], $0xF7A  }
0x23: {  	s9 =	sor.u32 $0xD0000000, s2;
	s6 =	simm.s32 $0x108;
	_ =	swait.ge @!p0 [sflag:s8], $0x0  }
0x24: {  	s3 =	sadd.s32 $0x88, s3;
	s6 =	simm.s32 @!p1 $0x1082;
	[sflag:s4] =	ssyncset.s32 $0xFFFFF086  }
0x25: {  	[simem:s6], [sflag:s4] =	dma.local [hbm:s3], $0xF7A  }
0x26: {  	[smem:$0x3F9C] =	sst s1;
	(tag) =	ssettag s2;
	_ =	strace s9  }
0x27: {  	s1 =	sld [smem:$0x3FAC]  }
0x28: {  	s2 =	sld [smem:$0x3FAD]  }
0x29: {  	s4 =	sld [smem:$0x3FAF]  }
0x2a: {  	p0 =	seq.s32 s5, $0x0;
	s5 =	sld [smem:$0x3FB0]  }
0x2b: {  	s6 =	sld [smem:$0x3FB1]  }
0x2c: {  	s7 =	sld [smem:$0x3FB2]  }
0x2d: {  	s3 =	simm.s32 $0x108;
	s8 =	sld [smem:$0x3FB3]  }
0x2e: {  	s3 =	simm.s32 @!p0 $0x1082;
	s9 =	sld [smem:$0x3FB4]  }
0x2f: {  	lr =	sadd.s32 s0, s3;
	s0 =	sld [smem:$0x3FAB]  }
0x30: {  	s3 =	sld [smem:$0x3FAE]  }
0x31: {  	[smem:$0x3FB7] =	sst s10  }
0x32: {  	s10 =	sld [smem:$0x3FB5];
	_ =	sdelay $0x3  }
0x33: {  	p0 =	seq.s32 s10, $0x1;
	s10 =	sld [smem:$0x3FB7];
	_ =	sdelay $0x3  }
0x34: {  	[smem:$0x3FB7] =	sst s10  }
0x35: {  	s10 =	sld [smem:$0x3FB6];
	_ =	sdelay $0x3  }
0x36: {  	p1 =	seq.s32 s10, $0x1;
	s10 =	sld [smem:$0x3FB7];
	_ =	sdelay $0x3  }
0x37: {  	[smem:$0x3FB7] =	sst s10  }
0x38: {  	s10 =	sld [smem:$0x3FB8]  }
0x39: {  	_ = 	snop;
	(pc) =	sbr.ind lr, $3  }
0x3a: {  	_ = 	snop  }
0x3b: {  	_ = 	snop  }
0x3c: {  	p2 =	seq.s32 s10, $0x1;
	s10 =	sld [smem:$0x3FB7]  }
0x3d: {  	_ =	shalt  }
0x3e: {  	_ =	shalt  }
0x3f: {  	_ =	shalt  }
0x40: {  	_ =	shalt  }
0x41: {  	_ =	shalt  }
0x42: {  	_ =	shalt  }
0x43: {  	_ =	shalt  }
0x44: {  	_ =	shalt  }
0x45: {  	_ =	shalt  }
0x46: {  	_ =	shalt  }
0x47: {  	_ =	shalt  }
0x48: {  	_ =	shalt  }
0x49: {  	_ =	shalt  }
0x4a: {  	_ =	shalt  }
0x4b: {  	_ =	shalt  }
0x4c: {  	_ =	shalt  }
0x4d: {  	_ =	shalt  }
0x4e: {  	_ =	shalt  }
0x4f: {  	_ =	shalt  }
0x50: {  	_ =	shalt  }
0x51: {  	_ =	shalt  }
0x52: {  	_ =	shalt  }
0x53: {  	_ =	shalt  }
0x54: {  	_ =	shalt  }
0x55: {  	_ =	shalt  }
0x56: {  	_ =	shalt  }
0x57: {  	_ =	shalt  }
0x58: {  	_ =	shalt  }
0x59: {  	_ =	shalt  }
0x5a: {  	_ =	shalt  }
0x5b: {  	_ =	shalt  }
0x5c: {  	_ =	shalt  }
0x5d: {  	_ =	shalt  }
0x5e: {  	_ =	shalt  }
0x5f: {  	_ =	shalt  }
0x60: {  	_ =	shalt  }
0x61: {  	_ =	shalt  }
0x62: {  	_ =	shalt  }
0x63: {  	_ =	shalt  }
0x64: {  	_ =	shalt  }
0x65: {  	_ =	shalt  }
0x66: {  	_ =	shalt  }
0x67: {  	_ =	shalt  }
0x68: {  	_ =	shalt  }
0x69: {  	_ =	shalt  }
0x6a: {  	_ =	shalt  }
0x6b: {  	_ =	shalt  }
0x6c: {  	_ =	shalt  }
0x6d: {  	_ =	shalt  }
0x6e: {  	_ =	shalt  }
0x6f: {  	_ =	shalt  }
0x70: {  	_ =	shalt  }
0x71: {  	_ =	shalt  }
0x72: {  	_ =	shalt  }
0x73: {  	_ =	shalt  }
0x74: {  	_ =	shalt  }
0x75: {  	_ =	shalt  }
0x76: {  	_ =	shalt  }
0x77: {  	_ =	shalt  }
0x78: {  	_ =	shalt  }
0x79: {  	_ =	shalt  }
0x7a: {  	_ =	shalt  }
0x7b: {  	_ =	shalt  }
0x7c: {  	_ =	shalt  }
0x7d: {  	_ =	shalt  }
0x7e: {  	_ =	shalt  }
0x7f: {  	_ =	shalt  }
0x80: {  	_ =	shalt  }
0x81: {  	_ =	shalt  }
0x82: {  	_ =	shalt  }
0x83: {  	_ =	shalt  }
0x84: {  	_ =	shalt  }
0x85: {  	_ =	shalt  }
0x86: {  	_ =	shalt  }
0x87: {  	_ =	shalt  }
.Lfunc_end0:
.L_simem_size_0:
called_computation_lowered:
.L_overlay_start_0:
0x88: {  	s2 =	sld [smem:$0x3FD9]  }
0x89: {  	s3 =	sld [smem:$0x3FFE];
	_ =	sdelay $0x1  }
0x8a: {  	s1 =	srdreg.scid  }
0x8b: {  	s0 =	sand.u32 $0x1, s1  }
0x8c: {  	s16 =	sshll.u32 s0, $0xA;
	s2 =	sadd.s32 s3, s2  }
0x8d: {  	s2 =	sadd.s32 s2, s16  }
0x8e: {  	[smem:$0x3FC3] =	sst s2  }
0x8f: {  	_ = 	snop  }
0x90: {  	(tm) =	ssettm $0x1  }
0x91: {  	s17 =	sld [smem:$0x3FFB];
	_ =	sdelay $0x3  }
0x92: {  	_ =	strace s17  }
0x93: {  	s2 =	sld [smem:$0x3FFC];
	_ =	sdelay $0x3  }
0x94: {  	_ =	strace s2  }
0x95: {  	s2 =	sld [smem:$0x3FFD];
	_ =	sdelay $0x3  }
0x96: {  	_ =	strace s2  }
0x97: {  	_ =	strace $0x8FFFFFFF  }
0x98: {  	s18 =	sld [smem:$0x3FDB];
	_ =	sdelay $0x1  }
0x99: {  	s19 =	simm.s32 $_scs_section_size  }
0x9a: {  	s4 =	simm.s32 $_size__tile_overlayer_lowered;
	s5 =	simm.s32 $_tile_overlayer_lowered  }
0x9b: {  	s22 =	simm.s32 $0x1BFF;
	s21 =	sshll.u32 s5, $0x1;
	s2 =	sadd.s32 s19, s18  }
0x9c: {  	s6 =	simm.s32 $0x0;
	s20 =	sshll.u32 s4, $0x1;
	s4 =	sadd.s32 s21, s2  }
0x9d: {  	[timem:s6], [sflag:s22] =	dma.local [hbm:s4], s20  }
0x9e: {  	_ =	swait.ge [sflag:s22], s20  }
0x9f: {  	s3 =	ssub.s32 $0x0, s20;
	[sflag:s22] =	ssyncset.done $0x0  }
0xa0: {  	[sflag:s22] =	ssyncadd.s32 s3;
	_ =	sdelay $0x1  }
0xa1: {  	s23 =	simm.s32 $0x1B8B  }
0xa2: {  	_ =	swait.ge [sflag:s23], $0x1  }
0xa3: {  	[sflag:s23] =	ssyncset.done $0x0  }
0xa4: {  	s25 =	simm.s32 $0x1B8E;
	s24 =	sld [smem:$0x3FFE];
	[sflag:s23] =	ssyncadd.s32 $0xFFFFFFFF  }
0xa5: {  	s26 =	simm.s32 $execute0_lowered;
	[smem:$0x3FD2] =	sst s25  }
0xa6: {  	s4 =	sshll.u32 s26, $0x1;
	_ =	strace $0x80000046;
	[dreg:$0x1] =	wrdreg $0xFFFFFFFF  }
0xa7: {  	s28 =	simm.s32 $_size_execute0_lowered;
	s2 =	sadd.s32 s2, s4;
	[dreg:$0x0] =	wrdreg $0x0  }
0xa8: {  	s4 =	sshll.u32 s28, $0x1;
	[dreg:$0x2] =	wrdreg s2  }
0xa9: {  	[dreg:$0x3] =	wrdreg s4  }
0xaa: {  	[dreg:$0x4] =	wrdreg $0xC0  }
0xab: {  	_ =	task [dreg:s6], $0x5FFFF  }
0xac: {  	[dreg:$0x1] =	wrdreg $0xFFFFFFFF  }
0xad: {  	[dreg:$0x0] =	wrdreg $0x60  }
0xae: {  	[dreg:$0x2] =	wrdreg s24  }
0xaf: {  	[dreg:$0x3] =	wrdreg $0x21000  }
0xb0: {  	[dreg:$0x4] =	wrdreg $0x9  }
0xb1: {  	_ =	task.clear_ibuf [dreg:s6], $0x5FFFF;
	_ =	strace $0x90000046  }
0xb2: {  	s29 =	simm.s32 $0x9;
	_ =	strace $0x80000048  }
0xb3: {  	_ =	swait.ge [sflag:s29], $0x1  }
0xb4: {  	[sflag:s29] =	ssyncadd.s32 $0xFFFFFFFF  }
0xb5: {  	_ =	strace $0x90000048  }
0xb6: {  	_ =	sfence  }
0xb7: {  	s30 =	sld [smem:$0x0];
	_ =	sdelay $0x2  }
0xb8: {  	s31 =	sshll.u32 s1, $0xD;
	s1 =	sshrl.u32 s1, $0x2  }
0xb9: {  	s3 =	sand.u32 $0x4000, s31;
	s1 =	sadd.s32 s1, s30  }
0xba: {  	s0 =	sor.u32 s3, s0;
	s1 =	sshll.u32 s1, $0x11  }
0xbb: {  	s0 =	sor.u32 s1, s0  }
0xbc: {  	s0 =	sadd.s32 $0x8F2B, s0  }
0xbd: {  	[sflag:s0] =	ssyncadd.remote.s32 $0x1  }
0xbe: {  	_ =	sfence.sel $0xFFFF  }
0xbf: {  	[dreg:$0x0] =	wrdreg $0xFFFFFFFF;
	(pc) =	sbr.abs _section_cstart, $3  }
0xc0: {  	[dreg:$0x1] =	wrdreg $0xFFFFFFFF  }
0xc1: {  	_ =	task.clear_ibuf [dreg:s6], $0x2FFFF;
	_ =	strace $0x9FFFFFFF  }
0xc2: {  	(tm) =	ssettm $0x7FFFFFFF  }
0xc3: {  	_ =	shalt  }
tec
execute0_lowered:
.L_overlay_start_1:
0x0: {  	(tag) =	ssettag $0x1  }
0x1: {  	s0 =	rddreg [dreg:$0x0]  }
0x2: {  	s1 =	rddreg [dreg:$0x1];
	s2 =	srdreg.scid  }
0x3: {  	s3 =	simm.s32 $0x0;
	s26 =	stileid.u32;
	s12 =	simm.s32 $0x2  }
0x4: {  	s13 =	simm.s32 $0x80;
	s14 =	simm.s32 $0x800;
	s15 =	simm.s32 $0x100  }
0x5: {  	s16 =	simm.s32 $0x180;
	s17 =	simm.s32 $0x200;
	s18 =	simm.s32 $0x280  }
0x6: {  	s19 =	simm.s32 $0x300;
	s20 =	simm.s32 $0x380;
	s21 =	simm.s32 $0x400  }
0x7: {  	s22 =	simm.s32 $0x480;
	s28 =	simm.s32 $0x700;
	s29 =	simm.s32 $0x780  }
0x8: {  	s30 =	simm.s32 $0x1;
	s31 =	simm.s32 $0x0;
	s2 =	sand.u32 $0x1, s2  }
0x9: {  	[smem:$0x7FF] =	sst s3;
	s6 =	smul.u32 $0x1880, s26;
	s7 =	sadd.s32 $0x63A00, s0  }
0xa: {  	p0 =	seq.s32 s26, $0xF;
	s11 =	smul.u32 $0x3100, s26;
	s4 =	ssub.s32 $0x2, s2  }
0xb: {  	_ =	strace $0x80000047;
	s9 =	smul.u32 $0x186A0, s2;
	s5 =	sshrl.u32 s4, $0x1  }
0xc: {  	s8 =	ssub.s32 s4, s5;
	s4 =	sadd.s32 s6, s1;
	s5 =	simm.s32 $0x2E  }
0xd: {  	s23 =	sadd.s32 s6, s9;
	s24 =	sshrl.u32 s9, $0x3;
	s9 =	simm.s32 $0x1E00  }
0xe: {  	s5 =	simm.s32 @!p0 $0x31;
	p0 =	seq.s32 s2, $0x1;
	s2 =	sshrl.u32 s23, $0x3  }
0xf: {  	s10 =	sadd.s32 s7, s24;
	s8 =	smax.u32 s8, $0x1;
	s23 =	simm.s32 $0x500  }
0x10: {  	s24 =	simm.s32 $0x580;
	s9 =	simm.s32 @!p0 $0x32C00;
	s2 =	sadd.s32 s7, s2  }
0x11: {  	s25 =	sadd.s32 $0x2DF0, s10;
	p0 =	sne.s32 s26, $0xF;
	[dreg:$0x3] =	wrdreg s2  }
0x12: {  	s26 =	simm.s32 $0x680;
	[dreg:$0x4] =	wrdreg s25;
	s0 =	sadd.s32 s9, s0  }
0x13: {  	v0 =	vimm.f32 $1.000000000e+00;
	v1 =	vimm.f32 $0.0e+00;
	s25 =	simm.s32 $0x600;
	s2 =	sadd.s32 s0, s11;
	s10 =	sadd.s32 $0x30D00, s0  }
.LBB2_1:
0x14: {  	[tilespmem:$0x800] =	vst v0  }
0x15: {  	[tilespmem:$0x810] =	vst v0  }
0x16: {  	[tilespmem:$0x820] =	vst v0  }
0x17: {  	[tilespmem:$0x830] =	vst v0  }
0x18: {  	[tilespmem:$0x840] =	vst v0  }
0x19: {  	[tilespmem:$0x850] =	vst v0  }
0x1a: {  	[tilespmem:$0x860] =	vst v0  }
0x1b: {  	[tilespmem:$0x870] =	vst v0;
	s0 =	simm.s32 $0x40;
	s9 =	simm.s32 $0x0  }
.LBB2_2:
0x1c: {  	p1 =	sne.s32 s0, $0x61C0;
	[tilespmem:s9+$0x880] =	vst v1;
	s9 =	smov.u32 s0;
	s0 =	sadd.s32 $0x40, s0  }
.Ltmp0:
0x1d: {  	(pc) =	sbr.rel @p1 .LBB2_2-.Ltmp0, $2  }
0x1e: {  	_ =	sdelay $0x2  }
0x1f: {  	s9 =	sshra.s32 s9, $0x2  }
0x20: {  	[tilespmem:s9+$0x880] =	vst v1;
	s0 =	simm.s32 $0x880  }
0x21: {  	[spmem:s4] =	stream.linear.scatter [tilespmem:s0], [sflag:$0x2], $0x1880, $0x38;
	[tilespmem:$0x3980] =	vst v63  }
0x22: {  	_ =	swait.ge [sflag:s12], $0x1880  }
0x23: {  	[sflag:s12] =	ssyncset.done $0x0  }
0x24: {  	[sflag:s12] =	ssyncadd.s32 $0xFFFFE780  }
0x25: {  	[bflag:$0x0] =	sbarrier.arrive $0xFFFF  }
0x26: {  	[tilespmem:s3], [sflag:$0x2] =	stream.linear.gather [hbm4b:s2+s3], $0x800, $0x38;
	[tilespmem:$0x3980] =	vst v63  }
0x27: {  	_ =	swait.ge [sflag:s12], $0x800  }
0x28: {  	[sflag:s12] =	ssyncset.done $0x0  }
0x29: {  	[sflag:s12] =	ssyncadd.s32 $0xFFFFF800  }
0x2a: {  	[spmem:s1] =	stream.indirect.scatter.add.f32 [tilespmem:s14], [sflag:$0x1], $0x1, s3, s13, $0xb8;
	[tilespmem:$0x3980] =	vst v63  }
0x2b: {  	_ = 	snop  }
0x2c: {  	[spmem:s1] =	stream.indirect.scatter.add.f32 [tilespmem:s14], [sflag:$0x1], $0x1, s13, s13, $0xb8;
	[tilespmem:$0x3980] =	vst v63  }
0x2d: {  	_ = 	snop  }
0x2e: {  	[spmem:s1] =	stream.indirect.scatter.add.f32 [tilespmem:s14], [sflag:$0x1], $0x1, s15, s13, $0xb8;
	[tilespmem:$0x3980] =	vst v63  }
0x2f: {  	_ = 	snop  }
0x30: {  	[spmem:s1] =	stream.indirect.scatter.add.f32 [tilespmem:s14], [sflag:$0x1], $0x1, s16, s13, $0xb8;
	[tilespmem:$0x3980] =	vst v63  }
0x31: {  	_ = 	snop  }
0x32: {  	[spmem:s1] =	stream.indirect.scatter.add.f32 [tilespmem:s14], [sflag:$0x1], $0x1, s17, s13, $0xb8;
	[tilespmem:$0x3980] =	vst v63  }
0x33: {  	_ = 	snop  }
0x34: {  	[spmem:s1] =	stream.indirect.scatter.add.f32 [tilespmem:s14], [sflag:$0x1], $0x1, s18, s13, $0xb8;
	[tilespmem:$0x3980] =	vst v63  }
0x35: {  	_ = 	snop  }
0x36: {  	[spmem:s1] =	stream.indirect.scatter.add.f32 [tilespmem:s14], [sflag:$0x1], $0x1, s19, s13, $0xb8;
	[tilespmem:$0x3980] =	vst v63  }
0x37: {  	_ = 	snop  }
0x38: {  	[spmem:s1] =	stream.indirect.scatter.add.f32 [tilespmem:s14], [sflag:$0x1], $0x1, s20, s13, $0xb8;
	[tilespmem:$0x3980] =	vst v63  }
0x39: {  	_ = 	snop  }
0x3a: {  	[spmem:s1] =	stream.indirect.scatter.add.f32 [tilespmem:s14], [sflag:$0x1], $0x1, s21, s13, $0xb8;
	[tilespmem:$0x3980] =	vst v63  }
0x3b: {  	_ = 	snop  }
0x3c: {  	[spmem:s1] =	stream.indirect.scatter.add.f32 [tilespmem:s14], [sflag:$0x1], $0x1, s22, s13, $0xb8;
	[tilespmem:$0x3980] =	vst v63  }
0x3d: {  	_ = 	snop  }
0x3e: {  	[spmem:s1] =	stream.indirect.scatter.add.f32 [tilespmem:s14], [sflag:$0x1], $0x1, s23, s13, $0xb8;
	[tilespmem:$0x3980] =	vst v63  }
0x3f: {  	_ = 	snop  }
0x40: {  	[spmem:s1] =	stream.indirect.scatter.add.f32 [tilespmem:s14], [sflag:$0x1], $0x1, s24, s13, $0xb8;
	[tilespmem:$0x3980] =	vst v63  }
0x41: {  	_ = 	snop  }
0x42: {  	[spmem:s1] =	stream.indirect.scatter.add.f32 [tilespmem:s14], [sflag:$0x1], $0x1, s25, s13, $0xb8;
	[tilespmem:$0x3980] =	vst v63  }
0x43: {  	_ = 	snop  }
0x44: {  	[spmem:s1] =	stream.indirect.scatter.add.f32 [tilespmem:s14], [sflag:$0x1], $0x1, s26, s13, $0xb8;
	[tilespmem:$0x3980] =	vst v63  }
0x45: {  	_ = 	snop  }
0x46: {  	[spmem:s1] =	stream.indirect.scatter.add.f32 [tilespmem:s14], [sflag:$0x1], $0x1, s28, s13, $0xb8;
	[tilespmem:$0x3980] =	vst v63  }
0x47: {  	_ = 	snop  }
0x48: {  	[spmem:s1] =	stream.indirect.scatter.add.f32 [tilespmem:s14], [sflag:$0x1], $0x1, s29, s13, $0xb8;
	[tilespmem:$0x3980] =	vst v63  }
0x49: {  	_ =	swait.ge [sflag:s30], $0x80  }
0x4a: {  	[sflag:s30] =	ssyncset.done $0x0  }
0x4b: {  	[sflag:s30] =	ssyncadd.s32 $0xFFFFFF80  }
0x4c: {  	_ =	swait.ge [sflag:s30], $0x80  }
0x4d: {  	[sflag:s30] =	ssyncset.done $0x0  }
0x4e: {  	[sflag:s30] =	ssyncadd.s32 $0xFFFFFF80  }
0x4f: {  	_ =	swait.ge [sflag:s30], $0x80  }
0x50: {  	[sflag:s30] =	ssyncset.done $0x0  }
0x51: {  	[sflag:s30] =	ssyncadd.s32 $0xFFFFFF80  }
0x52: {  	_ =	swait.ge [sflag:s30], $0x80  }
0x53: {  	[sflag:s30] =	ssyncset.done $0x0  }
0x54: {  	[sflag:s30] =	ssyncadd.s32 $0xFFFFFF80  }
0x55: {  	_ =	swait.ge [sflag:s30], $0x80  }
0x56: {  	[sflag:s30] =	ssyncset.done $0x0  }
0x57: {  	[sflag:s30] =	ssyncadd.s32 $0xFFFFFF80  }
0x58: {  	_ =	swait.ge [sflag:s30], $0x80  }
0x59: {  	[sflag:s30] =	ssyncset.done $0x0  }
0x5a: {  	[sflag:s30] =	ssyncadd.s32 $0xFFFFFF80  }
0x5b: {  	_ =	swait.ge [sflag:s30], $0x80  }
0x5c: {  	[sflag:s30] =	ssyncset.done $0x0  }
0x5d: {  	[sflag:s30] =	ssyncadd.s32 $0xFFFFFF80  }
0x5e: {  	_ =	swait.ge [sflag:s30], $0x80  }
0x5f: {  	[sflag:s30] =	ssyncset.done $0x0  }
0x60: {  	[sflag:s30] =	ssyncadd.s32 $0xFFFFFF80  }
0x61: {  	_ =	swait.ge [sflag:s30], $0x80  }
0x62: {  	[sflag:s30] =	ssyncset.done $0x0  }
0x63: {  	[sflag:s30] =	ssyncadd.s32 $0xFFFFFF80  }
0x64: {  	_ =	swait.ge [sflag:s30], $0x80  }
0x65: {  	[sflag:s30] =	ssyncset.done $0x0  }
0x66: {  	[sflag:s30] =	ssyncadd.s32 $0xFFFFFF80  }
0x67: {  	_ =	swait.ge [sflag:s30], $0x80  }
0x68: {  	[sflag:s30] =	ssyncset.done $0x0  }
0x69: {  	[sflag:s30] =	ssyncadd.s32 $0xFFFFFF80  }
0x6a: {  	_ =	swait.ge [sflag:s30], $0x80  }
0x6b: {  	[sflag:s30] =	ssyncset.done $0x0  }
0x6c: {  	[sflag:s30] =	ssyncadd.s32 $0xFFFFFF80  }
0x6d: {  	_ =	swait.ge [sflag:s30], $0x80  }
0x6e: {  	[sflag:s30] =	ssyncset.done $0x0  }
0x6f: {  	[sflag:s30] =	ssyncadd.s32 $0xFFFFFF80  }
0x70: {  	_ =	swait.ge [sflag:s30], $0x80  }
0x71: {  	[sflag:s30] =	ssyncset.done $0x0  }
0x72: {  	p1 =	sne.s32 s5, $0x1;
	[sflag:s30] =	ssyncadd.s32 $0xFFFFFF80  }
.Ltmp1:
0x73: {  	_ =	swait.ge [sflag:s30], $0x80;
	(pc) =	sbr.rel @!p1 .LBB2_5-.Ltmp1, $4  }
0x74: {  	[sflag:s30] =	ssyncset.done $0x0  }
0x75: {  	[sflag:s30] =	ssyncadd.s32 $0xFFFFFF80  }
0x76: {  	_ =	swait.ge [sflag:s30], $0x80  }
0x77: {  	s9 =	smov.u32 s2;
	s0 =	sadd.s32 $0xFFFFFFFF, s5;
	[sflag:s30] =	ssyncset.done $0x0  }
.LBB2_4:
0x78: {  	p1 =	sne.s32 s0, $0x1;
	[sflag:s30] =	ssyncadd.s32 $0xFFFFFF80;
	s9 =	sadd.s32 $0x100, s9  }
0x79: {  	[tilespmem:s3], [sflag:$0x2] =	stream.linear.gather [hbm4b:s9+s3], $0x800, $0x38;
	[tilespmem:$0x3980] =	vst v63  }
0x7a: {  	s0 =	sadd.s32 $0xFFFFFFFF, s0;
	_ =	swait.ge [sflag:s12], $0x800  }
0x7b: {  	[sflag:s12] =	ssyncset.done $0x0  }
0x7c: {  	[sflag:s12] =	ssyncadd.s32 $0xFFFFF800  }
0x7d: {  	[spmem:s1] =	stream.indirect.scatter.add.f32 [tilespmem:s14], [sflag:$0x1], $0x1, s3, s13, $0xb8;
	[tilespmem:$0x3980] =	vst v63  }
0x7e: {  	_ = 	snop  }
0x7f: {  	[spmem:s1] =	stream.indirect.scatter.add.f32 [tilespmem:s14], [sflag:$0x1], $0x1, s13, s13, $0xb8;
	[tilespmem:$0x3980] =	vst v63  }
0x80: {  	_ = 	snop  }
0x81: {  	[spmem:s1] =	stream.indirect.scatter.add.f32 [tilespmem:s14], [sflag:$0x1], $0x1, s15, s13, $0xb8;
	[tilespmem:$0x3980] =	vst v63  }
0x82: {  	_ = 	snop  }
0x83: {  	[spmem:s1] =	stream.indirect.scatter.add.f32 [tilespmem:s14], [sflag:$0x1], $0x1, s16, s13, $0xb8;
	[tilespmem:$0x3980] =	vst v63  }
0x84: {  	_ = 	snop  }
0x85: {  	[spmem:s1] =	stream.indirect.scatter.add.f32 [tilespmem:s14], [sflag:$0x1], $0x1, s17, s13, $0xb8;
	[tilespmem:$0x3980] =	vst v63  }
0x86: {  	_ = 	snop  }
0x87: {  	[spmem:s1] =	stream.indirect.scatter.add.f32 [tilespmem:s14], [sflag:$0x1], $0x1, s18, s13, $0xb8;
	[tilespmem:$0x3980] =	vst v63  }
0x88: {  	_ = 	snop  }
0x89: {  	[spmem:s1] =	stream.indirect.scatter.add.f32 [tilespmem:s14], [sflag:$0x1], $0x1, s19, s13, $0xb8;
	[tilespmem:$0x3980] =	vst v63  }
0x8a: {  	_ = 	snop  }
0x8b: {  	[spmem:s1] =	stream.indirect.scatter.add.f32 [tilespmem:s14], [sflag:$0x1], $0x1, s20, s13, $0xb8;
	[tilespmem:$0x3980] =	vst v63  }
0x8c: {  	_ = 	snop  }
0x8d: {  	[spmem:s1] =	stream.indirect.scatter.add.f32 [tilespmem:s14], [sflag:$0x1], $0x1, s21, s13, $0xb8;
	[tilespmem:$0x3980] =	vst v63  }
0x8e: {  	_ = 	snop  }
0x8f: {  	[spmem:s1] =	stream.indirect.scatter.add.f32 [tilespmem:s14], [sflag:$0x1], $0x1, s22, s13, $0xb8;
	[tilespmem:$0x3980] =	vst v63  }
0x90: {  	_ = 	snop  }
0x91: {  	[spmem:s1] =	stream.indirect.scatter.add.f32 [tilespmem:s14], [sflag:$0x1], $0x1, s23, s13, $0xb8;
	[tilespmem:$0x3980] =	vst v63  }
0x92: {  	_ = 	snop  }
0x93: {  	[spmem:s1] =	stream.indirect.scatter.add.f32 [tilespmem:s14], [sflag:$0x1], $0x1, s24, s13, $0xb8;
	[tilespmem:$0x3980] =	vst v63  }
0x94: {  	_ = 	snop  }
0x95: {  	[spmem:s1] =	stream.indirect.scatter.add.f32 [tilespmem:s14], [sflag:$0x1], $0x1, s25, s13, $0xb8;
	[tilespmem:$0x3980] =	vst v63  }
0x96: {  	_ = 	snop  }
0x97: {  	[spmem:s1] =	stream.indirect.scatter.add.f32 [tilespmem:s14], [sflag:$0x1], $0x1, s26, s13, $0xb8;
	[tilespmem:$0x3980] =	vst v63  }
0x98: {  	_ = 	snop  }
0x99: {  	[spmem:s1] =	stream.indirect.scatter.add.f32 [tilespmem:s14], [sflag:$0x1], $0x1, s28, s13, $0xb8;
	[tilespmem:$0x3980] =	vst v63  }
0x9a: {  	_ = 	snop  }
0x9b: {  	[spmem:s1] =	stream.indirect.scatter.add.f32 [tilespmem:s14], [sflag:$0x1], $0x1, s29, s13, $0xb8;
	[tilespmem:$0x3980] =	vst v63  }
0x9c: {  	_ =	swait.ge [sflag:s30], $0x80  }
0x9d: {  	[sflag:s30] =	ssyncset.done $0x0  }
0x9e: {  	[sflag:s30] =	ssyncadd.s32 $0xFFFFFF80  }
0x9f: {  	_ =	swait.ge [sflag:s30], $0x80  }
0xa0: {  	[sflag:s30] =	ssyncset.done $0x0  }
0xa1: {  	[sflag:s30] =	ssyncadd.s32 $0xFFFFFF80  }
0xa2: {  	_ =	swait.ge [sflag:s30], $0x80  }
0xa3: {  	[sflag:s30] =	ssyncset.done $0x0  }
0xa4: {  	[sflag:s30] =	ssyncadd.s32 $0xFFFFFF80  }
0xa5: {  	_ =	swait.ge [sflag:s30], $0x80  }
0xa6: {  	[sflag:s30] =	ssyncset.done $0x0  }
0xa7: {  	[sflag:s30] =	ssyncadd.s32 $0xFFFFFF80  }
0xa8: {  	_ =	swait.ge [sflag:s30], $0x80  }
0xa9: {  	[sflag:s30] =	ssyncset.done $0x0  }
0xaa: {  	[sflag:s30] =	ssyncadd.s32 $0xFFFFFF80  }
0xab: {  	_ =	swait.ge [sflag:s30], $0x80  }
0xac: {  	[sflag:s30] =	ssyncset.done $0x0  }
0xad: {  	[sflag:s30] =	ssyncadd.s32 $0xFFFFFF80  }
0xae: {  	_ =	swait.ge [sflag:s30], $0x80  }
0xaf: {  	[sflag:s30] =	ssyncset.done $0x0  }
0xb0: {  	[sflag:s30] =	ssyncadd.s32 $0xFFFFFF80  }
0xb1: {  	_ =	swait.ge [sflag:s30], $0x80  }
0xb2: {  	[sflag:s30] =	ssyncset.done $0x0  }
0xb3: {  	[sflag:s30] =	ssyncadd.s32 $0xFFFFFF80  }
0xb4: {  	_ =	swait.ge [sflag:s30], $0x80  }
0xb5: {  	[sflag:s30] =	ssyncset.done $0x0  }
0xb6: {  	[sflag:s30] =	ssyncadd.s32 $0xFFFFFF80  }
0xb7: {  	_ =	swait.ge [sflag:s30], $0x80  }
0xb8: {  	[sflag:s30] =	ssyncset.done $0x0  }
0xb9: {  	[sflag:s30] =	ssyncadd.s32 $0xFFFFFF80  }
0xba: {  	_ =	swait.ge [sflag:s30], $0x80  }
0xbb: {  	[sflag:s30] =	ssyncset.done $0x0  }
0xbc: {  	[sflag:s30] =	ssyncadd.s32 $0xFFFFFF80  }
0xbd: {  	_ =	swait.ge [sflag:s30], $0x80  }
0xbe: {  	[sflag:s30] =	ssyncset.done $0x0  }
0xbf: {  	[sflag:s30] =	ssyncadd.s32 $0xFFFFFF80  }
0xc0: {  	_ =	swait.ge [sflag:s30], $0x80  }
0xc1: {  	[sflag:s30] =	ssyncset.done $0x0  }
0xc2: {  	[sflag:s30] =	ssyncadd.s32 $0xFFFFFF80  }
0xc3: {  	_ =	swait.ge [sflag:s30], $0x80  }
0xc4: {  	[sflag:s30] =	ssyncset.done $0x0  }
0xc5: {  	[sflag:s30] =	ssyncadd.s32 $0xFFFFFF80  }
.Ltmp2:
0xc6: {  	_ =	swait.ge [sflag:s30], $0x80;
	(pc) =	sbr.rel @p1 .LBB2_4-.Ltmp2, $4  }
0xc7: {  	[sflag:s30] =	ssyncset.done $0x0  }
0xc8: {  	[sflag:s30] =	ssyncadd.s32 $0xFFFFFF80  }
0xc9: {  	_ =	swait.ge [sflag:s30], $0x80  }
0xca: {  	[sflag:s30] =	ssyncset.done $0x0  }
.LBB2_5:
0xcb: {  	[sflag:s30] =	ssyncadd.s32 $0xFFFFFF80  }
0xcc: {  	s0 =	simm.s32 @p0 $0x880;
	s9 =	simm.s32 @p0 $0x2;
	[bflag:$0x0] =	sbarrier.arrive @p0 $0xFFFF  }
0xcd: {  	[tilespmem:s0], [sflag:$0x2] =	stream.linear.gather @p0 [spmem:s4], $0x1880, $0x38;
	[tilespmem:$0x3980] =	vst v63  }
0xce: {  	_ =	swait.ge @p0 [sflag:s9], $0x1880  }
0xcf: {  	[sflag:s9] =	ssyncset.done @p0 $0x0  }
0xd0: {  	s11 =	simm.s32 @p0 $0x0;
	s6 =	rddreg [dreg:$0x3];
	[sflag:s9] =	ssyncadd.s32 @p0 $0xFFFFE780  }
0xd1: {  	[hbm4b:s6+s11] =	stream.linear.scatter @p0 [tilespmem:s0], [sflag:$0x2], $0x1880, $0x38;
	[tilespmem:$0x3980] =	vst v63  }
0xd2: {  	_ =	swait.ge @p0 [sflag:s9], $0x1880  }
0xd3: {  	[sflag:s9] =	ssyncset.done @p0 $0x0  }
0xd4: {  	s0 =	simm.s32 @!p0 $0x0;
	[sflag:s9] =	ssyncadd.s32 @p0 $0xFFFFE780;
	s9 =	simm.s32 @!p0 $0x2  }
0xd5: {  	[tilespmem:s0], [sflag:$0x2] =	stream.linear.gather @!p0 [hbm4b:s10+s0], $0x200, $0x38;
	[tilespmem:$0x3980] =	vst v63  }
0xd6: {  	_ =	swait.ge @!p0 [sflag:s9], $0x200  }
0xd7: {  	[sflag:s9] =	ssyncset.done @!p0 $0x0  }
0xd8: {  	s11 =	simm.s32 @!p0 $0x80;
	s6 =	simm.s32 @!p0 $0x800;
	[sflag:s9] =	ssyncadd.s32 @!p0 $0xFFFFFE00  }
0xd9: {  	[spmem:s1] =	stream.indirect.scatter.add.f32 @!p0 [tilespmem:s6], [sflag:$0x1], $0x1, s0, s11, $0xb8;
	[tilespmem:$0x3980] =	vst v63  }
0xda: {  	_ = 	snop  }
0xdb: {  	[spmem:s1] =	stream.indirect.scatter.add.f32 @!p0 [tilespmem:s6], [sflag:$0x1], $0x1, s11, s11, $0xb8;
	[tilespmem:$0x3980] =	vst v63  }
0xdc: {  	s7 =	simm.s32 @!p0 $0x100  }
0xdd: {  	[spmem:s1] =	stream.indirect.scatter.add.f32 @!p0 [tilespmem:s6], [sflag:$0x1], $0x1, s7, s11, $0xb8;
	[tilespmem:$0x3980] =	vst v63  }
0xde: {  	s7 =	simm.s32 @!p0 $0x180  }
0xdf: {  	[spmem:s1] =	stream.indirect.scatter.add.f32 @!p0 [tilespmem:s6], [sflag:$0x1], $0x1, s7, s11, $0xb8;
	[tilespmem:$0x3980] =	vst v63  }
0xe0: {  	s6 =	simm.s32 @!p0 $0x1  }
0xe1: {  	_ =	swait.ge @!p0 [sflag:s6], $0x80  }
0xe2: {  	[sflag:s6] =	ssyncset.done @!p0 $0x0  }
0xe3: {  	[sflag:s6] =	ssyncadd.s32 @!p0 $0xFFFFFF80  }
0xe4: {  	_ =	swait.ge @!p0 [sflag:s6], $0x80  }
0xe5: {  	[sflag:s6] =	ssyncset.done @!p0 $0x0  }
0xe6: {  	[sflag:s6] =	ssyncadd.s32 @!p0 $0xFFFFFF80  }
0xe7: {  	_ =	swait.ge @!p0 [sflag:s6], $0x80  }
0xe8: {  	[sflag:s6] =	ssyncset.done @!p0 $0x0  }
0xe9: {  	[sflag:s6] =	ssyncadd.s32 @!p0 $0xFFFFFF80  }
0xea: {  	_ =	swait.ge @!p0 [sflag:s6], $0x80  }
0xeb: {  	[sflag:s6] =	ssyncset.done @!p0 $0x0  }
0xec: {  	[sflag:s6] =	ssyncadd.s32 @!p0 $0xFFFFFF80  }
0xed: {  	s6 =	simm.s32 @!p0 $0x880;
	[bflag:$0x0] =	sbarrier.arrive @!p0 $0xFFFF  }
0xee: {  	[tilespmem:s6], [sflag:$0x2] =	stream.linear.gather @!p0 [spmem:s4], $0x1720, $0x38;
	[tilespmem:$0x3980] =	vst v63  }
0xef: {  	s31 =	sadd.s32 $0x1, s31;
	_ =	swait.ge @!p0 [sflag:s9], $0x1720  }
0xf0: {  	p1 =	sne.s32 s31, s8;
	[sflag:s9] =	ssyncset.done @!p0 $0x0  }
.Ltmp3:
0xf1: {  	s7 =	rddreg [dreg:$0x4];
	[sflag:s9] =	ssyncadd.s32 @!p0 $0xFFFFE8E0;
	(pc) =	sbr.rel @p1 .LBB2_1-.Ltmp3, $4  }
0xf2: {  	[hbm4b:s7+s0] =	stream.linear.scatter @!p0 [tilespmem:s6], [sflag:$0x2], $0x1720, $0x38;
	[tilespmem:$0x3980] =	vst v63  }
0xf3: {  	_ =	swait.ge @!p0 [sflag:s9], $0x1720  }
0xf4: {  	[sflag:s9] =	ssyncset.done @!p0 $0x0  }
0xf5: {  	[sflag:s9] =	ssyncadd.s32 @!p0 $0xFFFFE8E0  }
0xf6: {  	_ =	sfence.sel $0x180000  }
0xf7: {  	[bflag:$0x0] =	sbarrier.arrive $0xFFFF  }
0xf8: {  	_ =	strace $0x90000047  }
0xf9: {  	s0 =	stileid.u32;
	[bflag:$0x2] =	sbarrier.arrive $0xFFFF  }
0xfa: {  	p0 =	sne.s32 s0, $0x0;
	s0 =	rddreg [dreg:$0x2]  }
0xfb: {  	s0 =	sadd.s32 @!p0 $0x100000, s0  }
0xfc: {  	[sflag:s0] =	ssyncadd.tile.s32 @!p0 $0x1;
	_ =	shalt  }
.Lfunc_end2:
_tile_overlayer_lowered:
.L_overlay_start_2:
0xfd: {  	(tag) =	ssettag $0x2  }
0xfe: {  	s0 =	rddreg [dreg:$0x0];
	s2 =	stileid.u32  }
0xff: {  	s1 =	rddreg [dreg:$0x1];
	p0 =	sne.s32 s2, $0x0  }
0x100: {  	s3 =	rddreg [dreg:$0x2];
	[bflag:$0x3] =	sbarrier.arrive $0xFFFF;
	s2 =	simm.s32 @!p0 $0x1C02  }
0x101: {  	[timem:s3], [sflag:s2] =	dma.local @!p0 [hbm:s0], s1  }
0x102: {  	s0 =	simm.s32 @!p0 $0x2  }
0x103: {  	_ =	swait.ge @!p0 [sflag:s0], s1  }
0x104: {  	s1 =	ssub.s32 @!p0 $0x0, s1;
	[sflag:s0] =	ssyncset.done @!p0 $0x0  }
0x105: {  	[sflag:s0] =	ssyncadd.s32 @!p0 s1  }
0x106: {  	[bflag:$0x3] =	sbarrier.arrive $0xFFFF  }
0x107: {  	_ =	shalt  }

// kernel: kernel.9.cloned.1.call-start
scs
__scs_entry_jumppad:
0x0: {  	(pc) =	sbr.rel $0x88, $3  }
0x1: {  	(tag) =	ssettag $0x0;
	lr =	simm.s32 $0x1  }
0x2: {  	[smem:$0x3F9C] =	sst lr;
	_ =	strace $0xD0000000  }
0x3: {  	_ = 	snop  }
0x4: {  	_ = 	snop  }
0x5: {  	_ = 	snop  }
0x6: {  	_ = 	snop  }
0x7: {  	_ = 	snop  }
__scs_overlays_trampoline_lowered:
0x8: {  	[smem:$0x3FAB] =	sst s0  }
0x9: {  	[smem:$0x3FAC] =	sst s1  }
0xa: {  	[smem:$0x3FAD] =	sst s2  }
0xb: {  	[smem:$0x3FAE] =	sst s3  }
0xc: {  	[smem:$0x3FAF] =	sst s4  }
0xd: {  	[smem:$0x3FB0] =	sst s5  }
0xe: {  	[smem:$0x3FB1] =	sst s6  }
0xf: {  	[smem:$0x3FB2] =	sst s7  }
0x10: {  	[smem:$0x3FB3] =	sst s8  }
0x11: {  	[smem:$0x3FB4] =	sst s9;
	s0 =	simm.s32 @!p0 $0x0  }
0x12: {  	s1 =	sld [smem:$0x3F9A];
	s0 =	simm.s32 @p0 $0x1  }
0x13: {  	[smem:$0x3FB5] =	sst s0;
	s0 =	simm.s32 @!p1 $0x0  }
0x14: {  	s2 =	sld [smem:$0x3F99];
	s0 =	simm.s32 @p1 $0x1  }
0x15: {  	[smem:$0x3FB6] =	sst s0;
	s0 =	simm.s32 @!p2 $0x0  }
0x16: {  	s3 =	sld [smem:$0x3FDB];
	s0 =	simm.s32 @p2 $0x1  }
0x17: {  	s4 =	simm.s32 $0x1BF5;
	[smem:$0x3FB8] =	sst s0  }
0x18: {  	s0 =	sld [smem:$0x3F9B];
	_ =	swait.ge [sflag:s4], $0x0  }
0x19: {  	s7 =	sld [smem:$0x3F9C]  }
0x1a: {  	s8 =	sadd.s32 $0xFFFFE003, lr  }
0x1b: {  	s9 =	sadd.s32 $0xFFFFFEF7, lr;
	s5 =	simm.s32 $0xFFFFFFFF;
	p2 =	slt.u32 s8, $0xFFFFF086  }
0x1c: {  	p1 =	slt.u32 s9, $0xF7A;
	s5 =	simm.s32 @!p2 $0x0  }
0x1d: {  	s5 =	simm.s32 @p1 $0x1;
	p0 =	seq.s32 s7, s2  }
0x1e: {  	s7 =	smul.u32 @!p0 $0xF7A, s2;
	p2 =	seq.s32 @!p0 s5, $0x0  }
0x1f: {  	s9 =	smul.u32 $0xF7A, s1;
	s8 =	simm.s32 @!p0 $0x1BF5;
	p2 =	por !p2, p0  }
0x20: {  	[sflag:s8] =	ssyncset.s32 @!p0 $0xFFFFF086;
	s6 =	sadd.s32 @!p0 s3, s7;
	s7 =	simm.s32 @!p0 $0x108  }
0x21: {  	s3 =	sadd.s32 s3, s9;
	s6 =	sadd.s32 @!p0 $0x88, s6;
	s7 =	simm.s32 @p2 $0x1082  }
0x22: {  	[simem:s7], [sflag:s8] =	dma.local @!p0 [hbm:s6], $0xF7A  }
0x23: {  	s9 =	sor.u32 $0xD0000000, s2;
	s6 =	simm.s32 $0x108;
	_ =	swait.ge @!p0 [sflag:s8], $0x0  }
0x24: {  	s3 =	sadd.s32 $0x88, s3;
	s6 =	simm.s32 @!p1 $0x1082;
	[sflag:s4] =	ssyncset.s32 $0xFFFFF086  }
0x25: {  	[simem:s6], [sflag:s4] =	dma.local [hbm:s3], $0xF7A  }
0x26: {  	[smem:$0x3F9C] =	sst s1;
	(tag) =	ssettag s2;
	_ =	strace s9  }
0x27: {  	s1 =	sld [smem:$0x3FAC]  }
0x28: {  	s2 =	sld [smem:$0x3FAD]  }
0x29: {  	s4 =	sld [smem:$0x3FAF]  }
0x2a: {  	p0 =	seq.s32 s5, $0x0;
	s5 =	sld [smem:$0x3FB0]  }
0x2b: {  	s6 =	sld [smem:$0x3FB1]  }
0x2c: {  	s7 =	sld [smem:$0x3FB2]  }
0x2d: {  	s3 =	simm.s32 $0x108;
	s8 =	sld [smem:$0x3FB3]  }
0x2e: {  	s3 =	simm.s32 @!p0 $0x1082;
	s9 =	sld [smem:$0x3FB4]  }
0x2f: {  	lr =	sadd.s32 s0, s3;
	s0 =	sld [smem:$0x3FAB]  }
0x30: {  	s3 =	sld [smem:$0x3FAE]  }
0x31: {  	[smem:$0x3FB7] =	sst s10  }
0x32: {  	s10 =	sld [smem:$0x3FB5];
	_ =	sdelay $0x3  }
0x33: {  	p0 =	seq.s32 s10, $0x1;
	s10 =	sld [smem:$0x3FB7];
	_ =	sdelay $0x3  }
0x34: {  	[smem:$0x3FB7] =	sst s10  }
0x35: {  	s10 =	sld [smem:$0x3FB6];
	_ =	sdelay $0x3  }
0x36: {  	p1 =	seq.s32 s10, $0x1;
	s10 =	sld [smem:$0x3FB7];
	_ =	sdelay $0x3  }
0x37: {  	[smem:$0x3FB7] =	sst s10  }
0x38: {  	s10 =	sld [smem:$0x3FB8]  }
0x39: {  	_ = 	snop;
	(pc) =	sbr.ind lr, $3  }
0x3a: {  	_ = 	snop  }
0x3b: {  	_ = 	snop  }
0x3c: {  	p2 =	seq.s32 s10, $0x1;
	s10 =	sld [smem:$0x3FB7]  }
0x3d: {  	_ =	shalt  }
0x3e: {  	_ =	shalt  }
0x3f: {  	_ =	shalt  }
0x40: {  	_ =	shalt  }
0x41: {  	_ =	shalt  }
0x42: {  	_ =	shalt  }
0x43: {  	_ =	shalt  }
0x44: {  	_ =	shalt  }
0x45: {  	_ =	shalt  }
0x46: {  	_ =	shalt  }
0x47: {  	_ =	shalt  }
0x48: {  	_ =	shalt  }
0x49: {  	_ =	shalt  }
0x4a: {  	_ =	shalt  }
0x4b: {  	_ =	shalt  }
0x4c: {  	_ =	shalt  }
0x4d: {  	_ =	shalt  }
0x4e: {  	_ =	shalt  }
0x4f: {  	_ =	shalt  }
0x50: {  	_ =	shalt  }
0x51: {  	_ =	shalt  }
0x52: {  	_ =	shalt  }
0x53: {  	_ =	shalt  }
0x54: {  	_ =	shalt  }
0x55: {  	_ =	shalt  }
0x56: {  	_ =	shalt  }
0x57: {  	_ =	shalt  }
0x58: {  	_ =	shalt  }
0x59: {  	_ =	shalt  }
0x5a: {  	_ =	shalt  }
0x5b: {  	_ =	shalt  }
0x5c: {  	_ =	shalt  }
0x5d: {  	_ =	shalt  }
0x5e: {  	_ =	shalt  }
0x5f: {  	_ =	shalt  }
0x60: {  	_ =	shalt  }
0x61: {  	_ =	shalt  }
0x62: {  	_ =	shalt  }
0x63: {  	_ =	shalt  }
0x64: {  	_ =	shalt  }
0x65: {  	_ =	shalt  }
0x66: {  	_ =	shalt  }
0x67: {  	_ =	shalt  }
0x68: {  	_ =	shalt  }
0x69: {  	_ =	shalt  }
0x6a: {  	_ =	shalt  }
0x6b: {  	_ =	shalt  }
0x6c: {  	_ =	shalt  }
0x6d: {  	_ =	shalt  }
0x6e: {  	_ =	shalt  }
0x6f: {  	_ =	shalt  }
0x70: {  	_ =	shalt  }
0x71: {  	_ =	shalt  }
0x72: {  	_ =	shalt  }
0x73: {  	_ =	shalt  }
0x74: {  	_ =	shalt  }
0x75: {  	_ =	shalt  }
0x76: {  	_ =	shalt  }
0x77: {  	_ =	shalt  }
0x78: {  	_ =	shalt  }
0x79: {  	_ =	shalt  }
0x7a: {  	_ =	shalt  }
0x7b: {  	_ =	shalt  }
0x7c: {  	_ =	shalt  }
0x7d: {  	_ =	shalt  }
0x7e: {  	_ =	shalt  }
0x7f: {  	_ =	shalt  }
0x80: {  	_ =	shalt  }
0x81: {  	_ =	shalt  }
0x82: {  	_ =	shalt  }
0x83: {  	_ =	shalt  }
0x84: {  	_ =	shalt  }
0x85: {  	_ =	shalt  }
0x86: {  	_ =	shalt  }
0x87: {  	_ =	shalt  }
.Lfunc_end0:
.L_simem_size_0:
called_computation.1_lowered:
.L_overlay_start_0:
0x88: {  	s2 =	sld [smem:$0x3FD9]  }
0x89: {  	s3 =	sld [smem:$0x3FFE];
	_ =	sdelay $0x1  }
0x8a: {  	s1 =	srdreg.scid  }
0x8b: {  	s0 =	sand.u32 $0x1, s1  }
0x8c: {  	s16 =	sshll.u32 s0, $0xA;
	s2 =	sadd.s32 s3, s2  }
0x8d: {  	s2 =	sadd.s32 s2, s16  }
0x8e: {  	[smem:$0x3FC3] =	sst s2  }
0x8f: {  	_ = 	snop  }
0x90: {  	(tm) =	ssettm $0x1  }
0x91: {  	s17 =	sld [smem:$0x3FFB];
	_ =	sdelay $0x3  }
0x92: {  	_ =	strace s17  }
0x93: {  	s2 =	sld [smem:$0x3FFC];
	_ =	sdelay $0x3  }
0x94: {  	_ =	strace s2  }
0x95: {  	s2 =	sld [smem:$0x3FFD];
	_ =	sdelay $0x3  }
0x96: {  	_ =	strace s2  }
0x97: {  	_ =	strace $0x8FFFFFFF  }
0x98: {  	s18 =	sld [smem:$0x3FDB];
	_ =	sdelay $0x1  }
0x99: {  	s19 =	simm.s32 $_scs_section_size  }
0x9a: {  	s4 =	simm.s32 $_size__tile_overlayer_lowered;
	s5 =	simm.s32 $_tile_overlayer_lowered  }
0x9b: {  	s22 =	simm.s32 $0x1BFF;
	s21 =	sshll.u32 s5, $0x1;
	s2 =	sadd.s32 s19, s18  }
0x9c: {  	s6 =	simm.s32 $0x0;
	s20 =	sshll.u32 s4, $0x1;
	s4 =	sadd.s32 s21, s2  }
0x9d: {  	[timem:s6], [sflag:s22] =	dma.local [hbm:s4], s20  }
0x9e: {  	_ =	swait.ge [sflag:s22], s20  }
0x9f: {  	s3 =	ssub.s32 $0x0, s20;
	[sflag:s22] =	ssyncset.done $0x0  }
0xa0: {  	[sflag:s22] =	ssyncadd.s32 s3;
	_ =	sdelay $0x1  }
0xa1: {  	s23 =	simm.s32 $0x1B8B  }
0xa2: {  	_ =	swait.ge [sflag:s23], $0x1  }
0xa3: {  	[sflag:s23] =	ssyncset.done $0x0  }
0xa4: {  	s25 =	simm.s32 $0x1B8E;
	s24 =	sld [smem:$0x3FFE];
	[sflag:s23] =	ssyncadd.s32 $0xFFFFFFFF  }
0xa5: {  	s26 =	simm.s32 $execute0_lowered;
	[smem:$0x3FD2] =	sst s25  }
0xa6: {  	s4 =	sshll.u32 s26, $0x1;
	_ =	strace $0x80000049;
	[dreg:$0x1] =	wrdreg $0xFFFFFFFF  }
0xa7: {  	s28 =	simm.s32 $_size_execute0_lowered;
	s2 =	sadd.s32 s2, s4;
	[dreg:$0x0] =	wrdreg $0x0  }
0xa8: {  	s4 =	sshll.u32 s28, $0x1;
	[dreg:$0x2] =	wrdreg s2  }
0xa9: {  	[dreg:$0x3] =	wrdreg s4  }
0xaa: {  	[dreg:$0x4] =	wrdreg $0xC0  }
0xab: {  	_ =	task [dreg:s6], $0x5FFFF  }
0xac: {  	[dreg:$0x1] =	wrdreg $0xFFFFFFFF  }
0xad: {  	[dreg:$0x0] =	wrdreg $0x60  }
0xae: {  	[dreg:$0x2] =	wrdreg s24  }
0xaf: {  	[dreg:$0x3] =	wrdreg $0x48000  }
0xb0: {  	[dreg:$0x4] =	wrdreg $0x9  }
0xb1: {  	_ =	task.clear_ibuf [dreg:s6], $0x5FFFF;
	_ =	strace $0x90000049  }
0xb2: {  	s29 =	simm.s32 $0x9;
	_ =	strace $0x8000004B  }
0xb3: {  	_ =	swait.ge [sflag:s29], $0x1  }
0xb4: {  	[sflag:s29] =	ssyncadd.s32 $0xFFFFFFFF  }
0xb5: {  	_ =	strace $0x9000004B  }
0xb6: {  	_ =	sfence  }
0xb7: {  	s30 =	sld [smem:$0x0];
	_ =	sdelay $0x2  }
0xb8: {  	s31 =	sshll.u32 s1, $0xD;
	s1 =	sshrl.u32 s1, $0x2  }
0xb9: {  	s3 =	sand.u32 $0x4000, s31;
	s1 =	sadd.s32 s1, s30  }
0xba: {  	s0 =	sor.u32 s3, s0;
	s1 =	sshll.u32 s1, $0x11  }
0xbb: {  	s0 =	sor.u32 s1, s0  }
0xbc: {  	s0 =	sadd.s32 $0x8F2B, s0  }
0xbd: {  	[sflag:s0] =	ssyncadd.remote.s32 $0x1  }
0xbe: {  	_ =	sfence.sel $0xFFFF  }
0xbf: {  	[dreg:$0x0] =	wrdreg $0xFFFFFFFF;
	(pc) =	sbr.abs _section_cstart, $3  }
0xc0: {  	[dreg:$0x1] =	wrdreg $0xFFFFFFFF  }
0xc1: {  	_ =	task.clear_ibuf [dreg:s6], $0x2FFFF;
	_ =	strace $0x9FFFFFFF  }
0xc2: {  	(tm) =	ssettm $0x7FFFFFFF  }
0xc3: {  	_ =	shalt  }
tec
execute0_lowered:
.L_overlay_start_1:
0x0: {  	(tag) =	ssettag $0x1  }
0x1: {  	s2 =	rddreg [dreg:$0x0]  }
0x2: {  	s1 =	rddreg [dreg:$0x1];
	s3 =	simm.s32 $0x0;
	s0 =	srdreg.scid  }
0x3: {  	s14 =	stileid.u32;
	[smem:$0x7FF] =	sst s3;
	s5 =	sadd.s32 $0x32C00, s2  }
0x4: {  	s6 =	sand.u32 $0x1, s0;
	s21 =	smul.u32 $0x62000, s14;
	s7 =	sadd.s32 $0x1E00, s2  }
0x5: {  	s8 =	sadd.s32 $0x69C00, s2;
	s20 =	smul.u32 $0x3100, s14;
	_ =	strace $0x8000004A  }
0x6: {  	s9 =	ssub.s32 $0x2, s6;
	s24 =	sxor.u32 $0x1, s6;
	p0 =	seq.s32 s6, $0x1  }
0x7: {  	s10 =	sshrl.u32 s9, $0x1;
	s11 =	sshrl.u32 s21, $0x2;
	s26 =	smul.u32 $0x186A0, s24  }
0x8: {  	s7 =	smov.u32 @p0 s5;
	s5 =	smov.u32 @p0 s8;
	s15 =	sadd.s32 s11, s1  }
0x9: {  	s0 =	ssub.s32 s9, s10;
	s5 =	sadd.s32 s20, s5;
	[dreg:$0x7] =	wrdreg s15  }
0xa: {  	s10 =	smul.u32 $0x30D40, s24;
	s24 =	simm.s32 $0x280;
	[dreg:$0x17] =	wrdreg s5  }
0xb: {  	s22 =	sadd.s32 $0x4000, s15;
	[dreg:$0x4] =	wrdreg s24  }
0xc: {  	s11 =	sadd.s32 $0x8000, s15;
	[dreg:$0x8] =	wrdreg s22  }
0xd: {  	s25 =	sadd.s32 $0xC000, s15;
	[dreg:$0x9] =	wrdreg s11  }
0xe: {  	s13 =	sadd.s32 $0x10000, s15;
	[dreg:$0xa] =	wrdreg s25  }
0xf: {  	s23 =	smul.u32 $0x1870, s14;
	s29 =	sadd.s32 $0x14000, s15;
	[dreg:$0xb] =	wrdreg s13  }
0x10: {  	s15 =	sadd.s32 $0x18000, s15;
	[dreg:$0xc] =	wrdreg s29  }
0x11: {  	s9 =	sadd.s32 s23, s26;
	s23 =	simm.s32 $0x200;
	[dreg:$0xd] =	wrdreg s15  }
0x12: {  	s4 =	sadd.s32 $0xFC600, s2;
	s26 =	simm.s32 $0x300;
	[dreg:$0x3] =	wrdreg s23  }
0x13: {  	s16 =	smul.u32 $0x61C00, s14;
	s24 =	sadd.s32 $0x17A900, s1;
	[dreg:$0x5] =	wrdreg s26  }
0x14: {  	s12 =	sadd.s32 $0x15E200, s2;
	s0 =	smax.u32 s0, $0x1;
	[smem:$0x7F9] =	sst s24  }
0x15: {  	s17 =	sshrl.u32 s16, $0x2;
	s22 =	sadd.s32 s20, s7;
	[smem:$0x7FA] =	sst s0  }
0x16: {  	s6 =	sadd.s32 $0x63900, s2;
	s11 =	sadd.s32 s17, s1;
	[dreg:$0x16] =	wrdreg s22  }
0x17: {  	s8 =	smov.u32 s6;
	s20 =	simm.s32 $0x380;
	[dreg:$0xe] =	wrdreg s11  }
0x18: {  	s9 =	sshll.u32 s9, $0x1;
	s23 =	sadd.s32 $0x176900, s1;
	[dreg:$0x6] =	wrdreg s20  }
0x19: {  	s18 =	sadd.s32 s10, s12;
	s26 =	sadd.s32 $0x182900, s1;
	[smem:$0x7F8] =	sst s23  }
0x1a: {  	s15 =	sadd.s32 $0x32B00, s2;
	s10 =	sadd.s32 $0x2DD20, s18;
	[smem:$0x7FC] =	sst s26  }
0x1b: {  	s2 =	sadd.s32 $0x9A900, s2;
	s19 =	sadd.s32 $0x2E520, s18;
	[dreg:$0x11] =	wrdreg s10  }
0x1c: {  	s13 =	sadd.s32 s12, s9;
	s12 =	sadd.s32 $0x2ED20, s18;
	[dreg:$0x12] =	wrdreg s19  }
0x1d: {  	s8 =	smov.u32 @p0 s2;
	[dreg:$0x14] =	wrdreg s12  }
0x1e: {  	s21 =	sadd.s32 $0x2F520, s18;
	[dreg:$0x13] =	wrdreg s8  }
0x1f: {  	s15 =	smov.u32 @p0 s6;
	[dreg:$0x15] =	wrdreg s21  }
0x20: {  	s25 =	sadd.s32 $0x2FD20, s18;
	[dreg:$0x10] =	wrdreg s15  }
0x21: {  	s29 =	sadd.s32 $0x30520, s18;
	[dreg:$0x18] =	wrdreg s25  }
0x22: {  	s5 =	sadd.s32 $0x30D20, s18;
	[dreg:$0x19] =	wrdreg s29  }
0x23: {  	p1 =	seq.s32 s14, $0xF;
	s6 =	sadd.s32 $0x4000, s11;
	[dreg:$0x1a] =	wrdreg s5  }
0x24: {  	p0 =	sne.s32 s14, $0xF;
	s14 =	sadd.s32 $0x10000, s11;
	[dreg:$0x1c] =	wrdreg s6  }
0x25: {  	s28 =	simm.s32 $0x2800;
	s16 =	sadd.s32 $0x14000, s11;
	[smem:$0x7F0] =	sst s14  }
0x26: {  	s30 =	simm.s32 $0x3000;
	s18 =	sadd.s32 $0x18000, s11;
	[smem:$0x7F2] =	sst s16  }
0x27: {  	s31 =	simm.s32 $0x3800;
	s24 =	simm.s32 $0x180;
	[smem:$0x7F4] =	sst s18  }
0x28: {  	s0 =	simm.s32 $0x4000;
	s22 =	sadd.s32 $0x172900, s1;
	[dreg:$0xf] =	wrdreg s13  }
0x29: {  	s2 =	simm.s32 $0x800;
	s7 =	sadd.s32 $0x800, s13;
	[smem:$0x7F7] =	sst s22  }
0x2a: {  	s23 =	simm.s32 $0x1800;
	s8 =	sadd.s32 $0x8000, s11;
	[dreg:$0x1d] =	wrdreg s7  }
0x2b: {  	s26 =	simm.s32 $0x2000;
	s9 =	sadd.s32 $0x1000, s13;
	[dreg:$0x1e] =	wrdreg s8  }
0x2c: {  	s5 =	simm.s32 $0x5C;
	s10 =	sadd.s32 $0xC000, s11;
	[dreg:$0x1f] =	wrdreg s9  }
0x2d: {  	s12 =	sadd.s32 $0x1800, s13;
	s15 =	sadd.s32 $0x2000, s13;
	[smem:$0x7EE] =	sst s10  }
0x2e: {  	s17 =	sadd.s32 $0x2800, s13;
	s21 =	sadd.s32 $0x16E900, s1;
	[smem:$0x7EF] =	sst s12  }
0x2f: {  	s19 =	sadd.s32 $0x3000, s13;
	s25 =	sadd.s32 $0x17E900, s1;
	[smem:$0x7F1] =	sst s15  }
0x30: {  	s29 =	sadd.s32 $0x186900, s1;
	s16 =	simm.s32 $0x400;
	[smem:$0x7F3] =	sst s17  }
0x31: {  	s18 =	simm.s32 $0x80;
	s22 =	simm.s32 $0x100;
	[smem:$0x7F5] =	sst s19  }
0x32: {  	s14 =	simm.s32 $0x1;
	s13 =	simm.s32 $0x580;
	[smem:$0x7F6] =	sst s21  }
.Ltmp0:
0x33: {  	s6 =	simm.s32 $0x600;
	[smem:$0x7FB] =	sst s25;
	(pc) =	sbr.rel .LBB2_1-.Ltmp0, $4  }
0x34: {  	s11 =	simm.s32 $0x0;
	s5 =	simm.s32 @!p1 $0x62;
	[smem:$0x7FD] =	sst s29  }
0x35: {  	s15 =	simm.s32 $0x3;
	s19 =	simm.s32 $0x1000;
	s17 =	simm.s32 $0x480  }
0x36: {  	s12 =	simm.s32 $0x500;
	s7 =	simm.s32 $0x680;
	s8 =	simm.s32 $0x700  }
0x37: {  	v0 =	vimm.f32 $0.0e+00;
	s9 =	simm.s32 $0x780;
	s10 =	simm.s32 $0x2;
	[dreg:$0x1b] =	wrdreg s5  }
.LBB2_7:
0x38: {  	[bflag:$0x0] =	sbarrier.arrive $0xFFFF  }
0x39: {  	s5 =	rddreg [dreg:$0xe]  }
0x3a: {  	[tilespmem:s2], [sflag:$0x3] =	stream.linear.gather [spmem:s5], $0x4000, $0x38;
	[tilespmem:$0x1D000] =	vst v63  }
0x3b: {  	_ =	swait.ge [sflag:s15], $0x4000  }
0x3c: {  	[sflag:s15] =	ssyncset.done $0x0  }
0x3d: {  	s29 =	rddreg [dreg:$0xf];
	[sflag:s15] =	ssyncadd.s32 $0xFFFFC000  }
0x3e: {  	[hbm4b:s29+s3] =	stream.linear.scatter [tilespmem:s2], [sflag:$0x3], $0x4000, $0x38;
	[tilespmem:$0x1D000] =	vst v63  }
0x3f: {  	_ =	swait.ge [sflag:s15], $0x4000  }
0x40: {  	[sflag:s15] =	ssyncset.done $0x0  }
0x41: {  	s20 =	rddreg [dreg:$0x1c];
	[sflag:s15] =	ssyncadd.s32 $0xFFFFC000  }
0x42: {  	[tilespmem:s2], [sflag:$0x3] =	stream.linear.gather [spmem:s20], $0x4000, $0x38;
	[tilespmem:$0x1D000] =	vst v63  }
0x43: {  	_ =	swait.ge [sflag:s15], $0x4000  }
0x44: {  	[sflag:s15] =	ssyncset.done $0x0  }
0x45: {  	s21 =	rddreg [dreg:$0x1d];
	[sflag:s15] =	ssyncadd.s32 $0xFFFFC000  }
0x46: {  	[hbm4b:s21+s3] =	stream.linear.scatter [tilespmem:s2], [sflag:$0x3], $0x4000, $0x38;
	[tilespmem:$0x1D000] =	vst v63  }
0x47: {  	_ =	swait.ge [sflag:s15], $0x4000  }
0x48: {  	[sflag:s15] =	ssyncset.done $0x0  }
0x49: {  	s25 =	rddreg [dreg:$0x1e];
	[sflag:s15] =	ssyncadd.s32 $0xFFFFC000  }
0x4a: {  	[tilespmem:s2], [sflag:$0x3] =	stream.linear.gather [spmem:s25], $0x4000, $0x38;
	[tilespmem:$0x1D000] =	vst v63  }
0x4b: {  	_ =	swait.ge [sflag:s15], $0x4000  }
0x4c: {  	[sflag:s15] =	ssyncset.done $0x0  }
0x4d: {  	s29 =	rddreg [dreg:$0x1f];
	[sflag:s15] =	ssyncadd.s32 $0xFFFFC000  }
0x4e: {  	[hbm4b:s29+s3] =	stream.linear.scatter [tilespmem:s2], [sflag:$0x3], $0x4000, $0x38;
	[tilespmem:$0x1D000] =	vst v63  }
0x4f: {  	_ =	swait.ge [sflag:s15], $0x4000  }
0x50: {  	s20 =	sld [smem:$0x7EE]  }
0x51: {  	[sflag:s15] =	ssyncset.done $0x0  }
0x52: {  	[sflag:s15] =	ssyncadd.s32 $0xFFFFC000  }
0x53: {  	[tilespmem:s2], [sflag:$0x3] =	stream.linear.gather [spmem:s20], $0x4000, $0x38;
	[tilespmem:$0x1D000] =	vst v63  }
0x54: {  	_ =	swait.ge [sflag:s15], $0x4000  }
0x55: {  	s21 =	sld [smem:$0x7EF]  }
0x56: {  	[sflag:s15] =	ssyncset.done $0x0  }
0x57: {  	[sflag:s15] =	ssyncadd.s32 $0xFFFFC000  }
0x58: {  	[hbm4b:s21+s3] =	stream.linear.scatter [tilespmem:s2], [sflag:$0x3], $0x4000, $0x38;
	[tilespmem:$0x1D000] =	vst v63  }
0x59: {  	_ =	swait.ge [sflag:s15], $0x4000  }
0x5a: {  	s25 =	sld [smem:$0x7F0]  }
0x5b: {  	[sflag:s15] =	ssyncset.done $0x0  }
0x5c: {  	[sflag:s15] =	ssyncadd.s32 $0xFFFFC000  }
0x5d: {  	[tilespmem:s2], [sflag:$0x3] =	stream.linear.gather [spmem:s25], $0x4000, $0x38;
	[tilespmem:$0x1D000] =	vst v63  }
0x5e: {  	_ =	swait.ge [sflag:s15], $0x4000  }
0x5f: {  	s29 =	sld [smem:$0x7F1]  }
0x60: {  	[sflag:s15] =	ssyncset.done $0x0  }
0x61: {  	[sflag:s15] =	ssyncadd.s32 $0xFFFFC000  }
0x62: {  	[hbm4b:s29+s3] =	stream.linear.scatter [tilespmem:s2], [sflag:$0x3], $0x4000, $0x38;
	[tilespmem:$0x1D000] =	vst v63  }
0x63: {  	_ =	swait.ge [sflag:s15], $0x4000  }
0x64: {  	s20 =	sld [smem:$0x7F2]  }
0x65: {  	[sflag:s15] =	ssyncset.done $0x0  }
0x66: {  	[sflag:s15] =	ssyncadd.s32 $0xFFFFC000  }
0x67: {  	[tilespmem:s2], [sflag:$0x3] =	stream.linear.gather [spmem:s20], $0x4000, $0x38;
	[tilespmem:$0x1D000] =	vst v63  }
0x68: {  	_ =	swait.ge [sflag:s15], $0x4000  }
0x69: {  	s21 =	sld [smem:$0x7F3]  }
0x6a: {  	[sflag:s15] =	ssyncset.done $0x0  }
0x6b: {  	[sflag:s15] =	ssyncadd.s32 $0xFFFFC000  }
0x6c: {  	[hbm4b:s21+s3] =	stream.linear.scatter [tilespmem:s2], [sflag:$0x3], $0x4000, $0x38;
	[tilespmem:$0x1D000] =	vst v63  }
0x6d: {  	_ =	swait.ge [sflag:s15], $0x4000  }
0x6e: {  	s25 =	sld [smem:$0x7F4]  }
0x6f: {  	[sflag:s15] =	ssyncset.done $0x0  }
0x70: {  	[sflag:s15] =	ssyncadd.s32 $0xFFFFC000  }
0x71: {  	[tilespmem:s2], [sflag:$0x3] =	stream.linear.gather [spmem:s25], $0x700, $0x38;
	[tilespmem:$0x1D000] =	vst v63  }
0x72: {  	_ =	swait.ge [sflag:s15], $0x700  }
0x73: {  	s29 =	sld [smem:$0x7F5]  }
0x74: {  	[sflag:s15] =	ssyncset.done $0x0  }
0x75: {  	[sflag:s15] =	ssyncadd.s32 $0xFFFFF900  }
0x76: {  	[hbm4b:s29+s3] =	stream.linear.scatter [tilespmem:s2], [sflag:$0x3], $0x700, $0x38;
	[tilespmem:$0x1D000] =	vst v63  }
0x77: {  	_ =	swait.ge [sflag:s15], $0x700  }
0x78: {  	[sflag:s15] =	ssyncset.done $0x0  }
0x79: {  	[sflag:s15] =	ssyncadd.s32 $0xFFFFF900  }
.LBB2_8:
0x7a: {  	s5 =	sld [smem:$0x7FA];
	_ =	sdelay $0x1  }
0x7b: {  	s11 =	sadd.s32 $0x1, s11  }
0x7c: {  	p1 =	sne.s32 s11, s5  }
.Ltmp1:
0x7d: {  	_ = 	snop;
	(pc) =	sbr.rel @!p1 .LBB2_9-.Ltmp1, $1  }
0x7e: {  	_ =	sdelay $0x3  }
.LBB2_1:
0x7f: {  	s20 =	simm.s32 $0x40;
	s21 =	simm.s32 $0x0  }
.LBB2_2:
0x80: {  	p1 =	sne.s32 s20, $0xFFC0;
	[tilespmem:s21+$0x800] =	vst v0;
	s21 =	smov.u32 s20;
	s20 =	sadd.s32 $0x40, s20  }
.Ltmp2:
0x81: {  	(pc) =	sbr.rel @p1 .LBB2_2-.Ltmp2, $2  }
0x82: {  	_ =	sdelay $0x2  }
0x83: {  	s21 =	sshra.s32 s21, $0x2  }
0x84: {  	[tilespmem:s21+$0x800] =	vst v0;
	s5 =	rddreg [dreg:$0x7]  }
0x85: {  	[spmem:s5] =	stream.linear.scatter [tilespmem:s2], [sflag:$0x3], $0x4000, $0x38;
	[tilespmem:$0x1D000] =	vst v63  }
0x86: {  	_ =	swait.ge [sflag:s15], $0x4000  }
0x87: {  	[sflag:s15] =	ssyncset.done $0x0  }
0x88: {  	s21 =	rddreg [dreg:$0x8];
	[sflag:s15] =	ssyncadd.s32 $0xFFFFC000  }
0x89: {  	[spmem:s21] =	stream.linear.scatter [tilespmem:s2], [sflag:$0x3], $0x4000, $0x38;
	[tilespmem:$0x1D000] =	vst v63  }
0x8a: {  	_ =	swait.ge [sflag:s15], $0x4000  }
0x8b: {  	[sflag:s15] =	ssyncset.done $0x0  }
0x8c: {  	s25 =	rddreg [dreg:$0x9];
	[sflag:s15] =	ssyncadd.s32 $0xFFFFC000  }
0x8d: {  	[spmem:s25] =	stream.linear.scatter [tilespmem:s2], [sflag:$0x3], $0x4000, $0x38;
	[tilespmem:$0x1D000] =	vst v63  }
0x8e: {  	_ =	swait.ge [sflag:s15], $0x4000  }
0x8f: {  	[sflag:s15] =	ssyncset.done $0x0  }
0x90: {  	s20 =	rddreg [dreg:$0xa];
	[sflag:s15] =	ssyncadd.s32 $0xFFFFC000  }
0x91: {  	[spmem:s20] =	stream.linear.scatter [tilespmem:s2], [sflag:$0x3], $0x4000, $0x38;
	[tilespmem:$0x1D000] =	vst v63  }
0x92: {  	_ =	swait.ge [sflag:s15], $0x4000  }
0x93: {  	[sflag:s15] =	ssyncset.done $0x0  }
0x94: {  	s21 =	rddreg [dreg:$0xb];
	[sflag:s15] =	ssyncadd.s32 $0xFFFFC000  }
0x95: {  	[spmem:s21] =	stream.linear.scatter [tilespmem:s2], [sflag:$0x3], $0x4000, $0x38;
	[tilespmem:$0x1D000] =	vst v63  }
0x96: {  	_ =	swait.ge [sflag:s15], $0x4000  }
0x97: {  	[sflag:s15] =	ssyncset.done $0x0  }
0x98: {  	s25 =	rddreg [dreg:$0xc];
	[sflag:s15] =	ssyncadd.s32 $0xFFFFC000  }
0x99: {  	[spmem:s25] =	stream.linear.scatter [tilespmem:s2], [sflag:$0x3], $0x4000, $0x38;
	[tilespmem:$0x1D000] =	vst v63  }
0x9a: {  	_ =	swait.ge [sflag:s15], $0x4000  }
0x9b: {  	[sflag:s15] =	ssyncset.done $0x0  }
0x9c: {  	s20 =	rddreg [dreg:$0xd];
	[sflag:s15] =	ssyncadd.s32 $0xFFFFC000  }
0x9d: {  	[spmem:s20] =	stream.linear.scatter [tilespmem:s2], [sflag:$0x3], $0x800, $0x38;
	[tilespmem:$0x1D000] =	vst v63  }
0x9e: {  	_ =	swait.ge [sflag:s15], $0x800  }
0x9f: {  	[sflag:s15] =	ssyncset.done $0x0  }
0xa0: {  	[sflag:s15] =	ssyncadd.s32 $0xFFFFF800  }
0xa1: {  	[bflag:$0x0] =	sbarrier.arrive $0xFFFF  }
0xa2: {  	s25 =	rddreg [dreg:$0x17]  }
0xa3: {  	[tilespmem:s3], [sflag:$0x3] =	stream.linear.gather [hbm4b:s25+s3], $0x400, $0x38;
	[tilespmem:$0x1D000] =	vst v63  }
0xa4: {  	_ =	swait.ge [sflag:s15], $0x400  }
0xa5: {  	[sflag:s15] =	ssyncset.done $0x0  }
0xa6: {  	s5 =	rddreg [dreg:$0x16];
	[sflag:s15] =	ssyncadd.s32 $0xFFFFFC00  }
0xa7: {  	[tilespmem:s16], [sflag:$0x3] =	stream.linear.gather [hbm4b:s5+s3], $0x400, $0x38;
	[tilespmem:$0x1D000] =	vst v63  }
0xa8: {  	_ =	swait.ge [sflag:s15], $0x400  }
0xa9: {  	[sflag:s15] =	ssyncset.done $0x0  }
0xaa: {  	[sflag:s15] =	ssyncadd.s32 $0xFFFFFC00  }
0xab: {  	[tilespmem:s2], [sflag:$0x1] =	stream.indirect.gather [hbm4b:s4+s18], $0x10, s3, s18, $0xb8;
	[tilespmem:$0x1D000] =	vst v63  }
0xac: {  	_ = 	snop  }
0xad: {  	[tilespmem:s19], [sflag:$0x1] =	stream.indirect.gather [hbm4b:s4+s18], $0x10, s18, s18, $0xb8;
	[tilespmem:$0x1D000] =	vst v63  }
0xae: {  	_ = 	snop  }
0xaf: {  	[tilespmem:s23], [sflag:$0x1] =	stream.indirect.gather [hbm4b:s4+s18], $0x10, s22, s18, $0xb8;
	[tilespmem:$0x1D000] =	vst v63  }
0xb0: {  	_ = 	snop  }
0xb1: {  	[tilespmem:s26], [sflag:$0x1] =	stream.indirect.gather [hbm4b:s4+s18], $0x10, s24, s18, $0xb8;
	[tilespmem:$0x1D000] =	vst v63  }
0xb2: {  	s20 =	rddreg [dreg:$0x3]  }
0xb3: {  	[tilespmem:s28], [sflag:$0x1] =	stream.indirect.gather [hbm4b:s4+s18], $0x10, s20, s18, $0xb8;
	[tilespmem:$0x1D000] =	vst v63  }
0xb4: {  	s21 =	rddreg [dreg:$0x4]  }
0xb5: {  	[tilespmem:s30], [sflag:$0x1] =	stream.indirect.gather [hbm4b:s4+s18], $0x10, s21, s18, $0xb8;
	[tilespmem:$0x1D000] =	vst v63  }
0xb6: {  	s20 =	rddreg [dreg:$0x5]  }
0xb7: {  	[tilespmem:s31], [sflag:$0x1] =	stream.indirect.gather [hbm4b:s4+s18], $0x10, s20, s18, $0xb8;
	[tilespmem:$0x1D000] =	vst v63  }
0xb8: {  	s21 =	rddreg [dreg:$0x6]  }
0xb9: {  	[tilespmem:s0], [sflag:$0x1] =	stream.indirect.gather [hbm4b:s4+s18], $0x10, s21, s18, $0xb8;
	[tilespmem:$0x1D000] =	vst v63  }
0xba: {  	_ =	swait.ge [sflag:s14], $0x800  }
0xbb: {  	[sflag:s14] =	ssyncset.done $0x0  }
0xbc: {  	[sflag:s14] =	ssyncadd.s32 $0xFFFFF800  }
0xbd: {  	_ =	swait.ge [sflag:s14], $0x800  }
0xbe: {  	[sflag:s14] =	ssyncset.done $0x0  }
0xbf: {  	[sflag:s14] =	ssyncadd.s32 $0xFFFFF800  }
0xc0: {  	_ =	swait.ge [sflag:s14], $0x800  }
0xc1: {  	[sflag:s14] =	ssyncset.done $0x0  }
0xc2: {  	[sflag:s14] =	ssyncadd.s32 $0xFFFFF800  }
0xc3: {  	_ =	swait.ge [sflag:s14], $0x800  }
0xc4: {  	[sflag:s14] =	ssyncset.done $0x0  }
0xc5: {  	[sflag:s14] =	ssyncadd.s32 $0xFFFFF800  }
0xc6: {  	_ =	swait.ge [sflag:s14], $0x800  }
0xc7: {  	[sflag:s14] =	ssyncset.done $0x0  }
0xc8: {  	[sflag:s14] =	ssyncadd.s32 $0xFFFFF800  }
0xc9: {  	_ =	swait.ge [sflag:s14], $0x800  }
0xca: {  	[sflag:s14] =	ssyncset.done $0x0  }
0xcb: {  	[sflag:s14] =	ssyncadd.s32 $0xFFFFF800  }
0xcc: {  	_ =	swait.ge [sflag:s14], $0x800  }
0xcd: {  	[sflag:s14] =	ssyncset.done $0x0  }
0xce: {  	[sflag:s14] =	ssyncadd.s32 $0xFFFFF800  }
0xcf: {  	_ =	swait.ge [sflag:s14], $0x800  }
0xd0: {  	[sflag:s14] =	ssyncset.done $0x0  }
0xd1: {  	[sflag:s14] =	ssyncadd.s32 $0xFFFFF800  }
0xd2: {  	[spmem:s1] =	stream.indirect.scatter.add.f32 [tilespmem:s2], [sflag:$0x2], $0x10, s16, s18, $0xb8;
	[tilespmem:$0x1D000] =	vst v63  }
0xd3: {  	_ = 	snop  }
0xd4: {  	[spmem:s1] =	stream.indirect.scatter.add.f32 [tilespmem:s19], [sflag:$0x2], $0x10, s17, s18, $0xb8;
	[tilespmem:$0x1D000] =	vst v63  }
0xd5: {  	_ = 	snop  }
0xd6: {  	[spmem:s1] =	stream.indirect.scatter.add.f32 [tilespmem:s23], [sflag:$0x2], $0x10, s12, s18, $0xb8;
	[tilespmem:$0x1D000] =	vst v63  }
0xd7: {  	_ = 	snop  }
0xd8: {  	[spmem:s1] =	stream.indirect.scatter.add.f32 [tilespmem:s26], [sflag:$0x2], $0x10, s13, s18, $0xb8;
	[tilespmem:$0x1D000] =	vst v63  }
0xd9: {  	_ = 	snop  }
0xda: {  	[spmem:s1] =	stream.indirect.scatter.add.f32 [tilespmem:s28], [sflag:$0x2], $0x10, s6, s18, $0xb8;
	[tilespmem:$0x1D000] =	vst v63  }
0xdb: {  	_ = 	snop  }
0xdc: {  	[spmem:s1] =	stream.indirect.scatter.add.f32 [tilespmem:s30], [sflag:$0x2], $0x10, s7, s18, $0xb8;
	[tilespmem:$0x1D000] =	vst v63  }
0xdd: {  	_ = 	snop  }
0xde: {  	[spmem:s1] =	stream.indirect.scatter.add.f32 [tilespmem:s31], [sflag:$0x2], $0x10, s8, s18, $0xb8;
	[tilespmem:$0x1D000] =	vst v63  }
0xdf: {  	_ = 	snop  }
0xe0: {  	[spmem:s1] =	stream.indirect.scatter.add.f32 [tilespmem:s0], [sflag:$0x2], $0x10, s9, s18, $0xb8;
	[tilespmem:$0x1D000] =	vst v63  }
0xe1: {  	_ =	swait.ge [sflag:s10], $0x800  }
0xe2: {  	[sflag:s10] =	ssyncset.done $0x0  }
0xe3: {  	[sflag:s10] =	ssyncadd.s32 $0xFFFFF800  }
0xe4: {  	_ =	swait.ge [sflag:s10], $0x800  }
0xe5: {  	[sflag:s10] =	ssyncset.done $0x0  }
0xe6: {  	[sflag:s10] =	ssyncadd.s32 $0xFFFFF800  }
0xe7: {  	_ =	swait.ge [sflag:s10], $0x800  }
0xe8: {  	[sflag:s10] =	ssyncset.done $0x0  }
0xe9: {  	[sflag:s10] =	ssyncadd.s32 $0xFFFFF800  }
0xea: {  	_ =	swait.ge [sflag:s10], $0x800  }
0xeb: {  	[sflag:s10] =	ssyncset.done $0x0  }
0xec: {  	[sflag:s10] =	ssyncadd.s32 $0xFFFFF800  }
0xed: {  	_ =	swait.ge [sflag:s10], $0x800  }
0xee: {  	[sflag:s10] =	ssyncset.done $0x0  }
0xef: {  	[sflag:s10] =	ssyncadd.s32 $0xFFFFF800  }
0xf0: {  	_ =	swait.ge [sflag:s10], $0x800  }
0xf1: {  	[sflag:s10] =	ssyncset.done $0x0  }
0xf2: {  	[sflag:s10] =	ssyncadd.s32 $0xFFFFF800  }
0xf3: {  	_ =	swait.ge [sflag:s10], $0x800  }
0xf4: {  	s21 =	rddreg [dreg:$0x1b]  }
0xf5: {  	p1 =	sne.s32 s21, $0x1  }
.Ltmp3:
0xf6: {  	_ = 	snop;
	(pc) =	sbr.rel @!p1 .LBB2_5-.Ltmp3, $4  }
0xf7: {  	[sflag:s10] =	ssyncset.done $0x0  }
0xf8: {  	[sflag:s10] =	ssyncadd.s32 $0xFFFFF800  }
0xf9: {  	s20 =	smov.u32 s5;
	_ =	swait.ge [sflag:s10], $0x800  }
0xfa: {  	s29 =	sadd.s32 $0xFFFFFFFF, s21;
	s21 =	smov.u32 s25;
	[sflag:s10] =	ssyncset.done $0x0  }
.LBB2_4:
0xfb: {  	[sflag:s10] =	ssyncadd.s32 $0xFFFFF800;
	s21 =	sadd.s32 $0x80, s21  }
0xfc: {  	[tilespmem:s3], [sflag:$0x3] =	stream.linear.gather [hbm4b:s21+s3], $0x400, $0x38;
	[tilespmem:$0x1D000] =	vst v63  }
0xfd: {  	_ =	swait.ge [sflag:s15], $0x400  }
0xfe: {  	[sflag:s15] =	ssyncset.done $0x0  }
0xff: {  	s20 =	sadd.s32 $0x80, s20;
	[sflag:s15] =	ssyncadd.s32 $0xFFFFFC00  }
0x100: {  	[tilespmem:s16], [sflag:$0x3] =	stream.linear.gather [hbm4b:s20+s3], $0x400, $0x38;
	[tilespmem:$0x1D000] =	vst v63  }
0x101: {  	_ =	swait.ge [sflag:s15], $0x400  }
0x102: {  	[sflag:s15] =	ssyncset.done $0x0  }
0x103: {  	[sflag:s15] =	ssyncadd.s32 $0xFFFFFC00  }
0x104: {  	[tilespmem:s2], [sflag:$0x1] =	stream.indirect.gather [hbm4b:s4+s18], $0x10, s3, s18, $0xb8;
	[tilespmem:$0x1D000] =	vst v63  }
0x105: {  	_ = 	snop  }
0x106: {  	[tilespmem:s19], [sflag:$0x1] =	stream.indirect.gather [hbm4b:s4+s18], $0x10, s18, s18, $0xb8;
	[tilespmem:$0x1D000] =	vst v63  }
0x107: {  	_ = 	snop  }
0x108: {  	[tilespmem:s23], [sflag:$0x1] =	stream.indirect.gather [hbm4b:s4+s18], $0x10, s22, s18, $0xb8;
	[tilespmem:$0x1D000] =	vst v63  }
0x109: {  	_ = 	snop  }
0x10a: {  	[tilespmem:s26], [sflag:$0x1] =	stream.indirect.gather [hbm4b:s4+s18], $0x10, s24, s18, $0xb8;
	[tilespmem:$0x1D000] =	vst v63  }
0x10b: {  	s5 =	rddreg [dreg:$0x3]  }
0x10c: {  	[tilespmem:s28], [sflag:$0x1] =	stream.indirect.gather [hbm4b:s4+s18], $0x10, s5, s18, $0xb8;
	[tilespmem:$0x1D000] =	vst v63  }
0x10d: {  	s25 =	rddreg [dreg:$0x4]  }
0x10e: {  	[tilespmem:s30], [sflag:$0x1] =	stream.indirect.gather [hbm4b:s4+s18], $0x10, s25, s18, $0xb8;
	[tilespmem:$0x1D000] =	vst v63  }
0x10f: {  	s5 =	rddreg [dreg:$0x5]  }
0x110: {  	[tilespmem:s31], [sflag:$0x1] =	stream.indirect.gather [hbm4b:s4+s18], $0x10, s5, s18, $0xb8;
	[tilespmem:$0x1D000] =	vst v63  }
0x111: {  	s25 =	rddreg [dreg:$0x6]  }
0x112: {  	[tilespmem:s0], [sflag:$0x1] =	stream.indirect.gather [hbm4b:s4+s18], $0x10, s25, s18, $0xb8;
	[tilespmem:$0x1D000] =	vst v63  }
0x113: {  	_ =	swait.ge [sflag:s14], $0x800  }
0x114: {  	[sflag:s14] =	ssyncset.done $0x0  }
0x115: {  	[sflag:s14] =	ssyncadd.s32 $0xFFFFF800  }
0x116: {  	_ =	swait.ge [sflag:s14], $0x800  }
0x117: {  	[sflag:s14] =	ssyncset.done $0x0  }
0x118: {  	[sflag:s14] =	ssyncadd.s32 $0xFFFFF800  }
0x119: {  	_ =	swait.ge [sflag:s14], $0x800  }
0x11a: {  	[sflag:s14] =	ssyncset.done $0x0  }
0x11b: {  	[sflag:s14] =	ssyncadd.s32 $0xFFFFF800  }
0x11c: {  	_ =	swait.ge [sflag:s14], $0x800  }
0x11d: {  	[sflag:s14] =	ssyncset.done $0x0  }
0x11e: {  	[sflag:s14] =	ssyncadd.s32 $0xFFFFF800  }
0x11f: {  	_ =	swait.ge [sflag:s14], $0x800  }
0x120: {  	[sflag:s14] =	ssyncset.done $0x0  }
0x121: {  	[sflag:s14] =	ssyncadd.s32 $0xFFFFF800  }
0x122: {  	_ =	swait.ge [sflag:s14], $0x800  }
0x123: {  	[sflag:s14] =	ssyncset.done $0x0  }
0x124: {  	[sflag:s14] =	ssyncadd.s32 $0xFFFFF800  }
0x125: {  	_ =	swait.ge [sflag:s14], $0x800  }
0x126: {  	[sflag:s14] =	ssyncset.done $0x0  }
0x127: {  	[sflag:s14] =	ssyncadd.s32 $0xFFFFF800  }
0x128: {  	_ =	swait.ge [sflag:s14], $0x800  }
0x129: {  	[sflag:s14] =	ssyncset.done $0x0  }
0x12a: {  	[sflag:s14] =	ssyncadd.s32 $0xFFFFF800  }
0x12b: {  	[spmem:s1] =	stream.indirect.scatter.add.f32 [tilespmem:s2], [sflag:$0x2], $0x10, s16, s18, $0xb8;
	[tilespmem:$0x1D000] =	vst v63  }
0x12c: {  	_ = 	snop  }
0x12d: {  	[spmem:s1] =	stream.indirect.scatter.add.f32 [tilespmem:s19], [sflag:$0x2], $0x10, s17, s18, $0xb8;
	[tilespmem:$0x1D000] =	vst v63  }
0x12e: {  	_ = 	snop  }
0x12f: {  	[spmem:s1] =	stream.indirect.scatter.add.f32 [tilespmem:s23], [sflag:$0x2], $0x10, s12, s18, $0xb8;
	[tilespmem:$0x1D000] =	vst v63  }
0x130: {  	_ = 	snop  }
0x131: {  	[spmem:s1] =	stream.indirect.scatter.add.f32 [tilespmem:s26], [sflag:$0x2], $0x10, s13, s18, $0xb8;
	[tilespmem:$0x1D000] =	vst v63  }
0x132: {  	_ = 	snop  }
0x133: {  	[spmem:s1] =	stream.indirect.scatter.add.f32 [tilespmem:s28], [sflag:$0x2], $0x10, s6, s18, $0xb8;
	[tilespmem:$0x1D000] =	vst v63  }
0x134: {  	_ = 	snop  }
0x135: {  	[spmem:s1] =	stream.indirect.scatter.add.f32 [tilespmem:s30], [sflag:$0x2], $0x10, s7, s18, $0xb8;
	[tilespmem:$0x1D000] =	vst v63  }
0x136: {  	_ = 	snop  }
0x137: {  	[spmem:s1] =	stream.indirect.scatter.add.f32 [tilespmem:s31], [sflag:$0x2], $0x10, s8, s18, $0xb8;
	[tilespmem:$0x1D000] =	vst v63  }
0x138: {  	_ = 	snop  }
0x139: {  	[spmem:s1] =	stream.indirect.scatter.add.f32 [tilespmem:s0], [sflag:$0x2], $0x10, s9, s18, $0xb8;
	[tilespmem:$0x1D000] =	vst v63  }
0x13a: {  	_ =	swait.ge [sflag:s10], $0x800  }
0x13b: {  	[sflag:s10] =	ssyncset.done $0x0  }
0x13c: {  	[sflag:s10] =	ssyncadd.s32 $0xFFFFF800  }
0x13d: {  	_ =	swait.ge [sflag:s10], $0x800  }
0x13e: {  	[sflag:s10] =	ssyncset.done $0x0  }
0x13f: {  	[sflag:s10] =	ssyncadd.s32 $0xFFFFF800  }
0x140: {  	_ =	swait.ge [sflag:s10], $0x800  }
0x141: {  	[sflag:s10] =	ssyncset.done $0x0  }
0x142: {  	[sflag:s10] =	ssyncadd.s32 $0xFFFFF800  }
0x143: {  	_ =	swait.ge [sflag:s10], $0x800  }
0x144: {  	[sflag:s10] =	ssyncset.done $0x0  }
0x145: {  	[sflag:s10] =	ssyncadd.s32 $0xFFFFF800  }
0x146: {  	_ =	swait.ge [sflag:s10], $0x800  }
0x147: {  	[sflag:s10] =	ssyncset.done $0x0  }
0x148: {  	[sflag:s10] =	ssyncadd.s32 $0xFFFFF800  }
0x149: {  	_ =	swait.ge [sflag:s10], $0x800  }
0x14a: {  	[sflag:s10] =	ssyncset.done $0x0  }
0x14b: {  	p1 =	sne.s32 s29, $0x1;
	[sflag:s10] =	ssyncadd.s32 $0xFFFFF800  }
.Ltmp4:
0x14c: {  	_ =	swait.ge [sflag:s10], $0x800;
	(pc) =	sbr.rel @p1 .LBB2_4-.Ltmp4, $4  }
0x14d: {  	[sflag:s10] =	ssyncset.done $0x0  }
0x14e: {  	[sflag:s10] =	ssyncadd.s32 $0xFFFFF800  }
0x14f: {  	_ =	swait.ge [sflag:s10], $0x800  }
0x150: {  	s29 =	sadd.s32 $0xFFFFFFFF, s29;
	[sflag:s10] =	ssyncset.done $0x0  }
.LBB2_5:
.Ltmp5:
0x151: {  	(pc) =	sbr.rel @p0 .LBB2_7-.Ltmp5, $2  }
0x152: {  	_ =	sdelay $0x2  }
0x153: {  	[sflag:s10] =	ssyncadd.s32 $0xFFFFF800  }
0x154: {  	s5 =	rddreg [dreg:$0x13]  }
0x155: {  	[tilespmem:s3], [sflag:$0x3] =	stream.linear.gather [hbm4b:s5+s3], $0x200, $0x38;
	[tilespmem:$0x1D000] =	vst v63  }
0x156: {  	_ =	swait.ge [sflag:s15], $0x200  }
0x157: {  	[sflag:s15] =	ssyncset.done $0x0  }
0x158: {  	s21 =	rddreg [dreg:$0x10];
	[sflag:s15] =	ssyncadd.s32 $0xFFFFFE00  }
0x159: {  	[tilespmem:s16], [sflag:$0x3] =	stream.linear.gather [hbm4b:s21+s3], $0x200, $0x38;
	[tilespmem:$0x1D000] =	vst v63  }
0x15a: {  	_ =	swait.ge [sflag:s15], $0x200  }
0x15b: {  	[sflag:s15] =	ssyncset.done $0x0  }
0x15c: {  	[sflag:s15] =	ssyncadd.s32 $0xFFFFFE00  }
0x15d: {  	[tilespmem:s2], [sflag:$0x1] =	stream.indirect.gather [hbm4b:s4+s18], $0x10, s3, s18, $0xb8;
	[tilespmem:$0x1D000] =	vst v63  }
0x15e: {  	_ = 	snop  }
0x15f: {  	[tilespmem:s19], [sflag:$0x1] =	stream.indirect.gather [hbm4b:s4+s18], $0x10, s18, s18, $0xb8;
	[tilespmem:$0x1D000] =	vst v63  }
0x160: {  	_ = 	snop  }
0x161: {  	[tilespmem:s23], [sflag:$0x1] =	stream.indirect.gather [hbm4b:s4+s18], $0x10, s22, s18, $0xb8;
	[tilespmem:$0x1D000] =	vst v63  }
0x162: {  	_ = 	snop  }
0x163: {  	[tilespmem:s26], [sflag:$0x1] =	stream.indirect.gather [hbm4b:s4+s18], $0x10, s24, s18, $0xb8;
	[tilespmem:$0x1D000] =	vst v63  }
0x164: {  	_ =	swait.ge [sflag:s14], $0x800  }
0x165: {  	[sflag:s14] =	ssyncset.done $0x0  }
0x166: {  	[sflag:s14] =	ssyncadd.s32 $0xFFFFF800  }
0x167: {  	_ =	swait.ge [sflag:s14], $0x800  }
0x168: {  	[sflag:s14] =	ssyncset.done $0x0  }
0x169: {  	[sflag:s14] =	ssyncadd.s32 $0xFFFFF800  }
0x16a: {  	_ =	swait.ge [sflag:s14], $0x800  }
0x16b: {  	[sflag:s14] =	ssyncset.done $0x0  }
0x16c: {  	[sflag:s14] =	ssyncadd.s32 $0xFFFFF800  }
0x16d: {  	_ =	swait.ge [sflag:s14], $0x800  }
0x16e: {  	[sflag:s14] =	ssyncset.done $0x0  }
0x16f: {  	[sflag:s14] =	ssyncadd.s32 $0xFFFFF800  }
0x170: {  	[spmem:s1] =	stream.indirect.scatter.add.f32 [tilespmem:s2], [sflag:$0x2], $0x10, s16, s18, $0xb8;
	[tilespmem:$0x1D000] =	vst v63  }
0x171: {  	_ = 	snop  }
0x172: {  	[spmem:s1] =	stream.indirect.scatter.add.f32 [tilespmem:s19], [sflag:$0x2], $0x10, s17, s18, $0xb8;
	[tilespmem:$0x1D000] =	vst v63  }
0x173: {  	_ = 	snop  }
0x174: {  	[spmem:s1] =	stream.indirect.scatter.add.f32 [tilespmem:s23], [sflag:$0x2], $0x10, s12, s18, $0xb8;
	[tilespmem:$0x1D000] =	vst v63  }
0x175: {  	_ = 	snop  }
0x176: {  	[spmem:s1] =	stream.indirect.scatter.add.f32 [tilespmem:s26], [sflag:$0x2], $0x10, s13, s18, $0xb8;
	[tilespmem:$0x1D000] =	vst v63  }
0x177: {  	_ =	swait.ge [sflag:s10], $0x800  }
0x178: {  	[sflag:s10] =	ssyncset.done $0x0  }
0x179: {  	[sflag:s10] =	ssyncadd.s32 $0xFFFFF800  }
0x17a: {  	_ =	swait.ge [sflag:s10], $0x800  }
0x17b: {  	[sflag:s10] =	ssyncset.done $0x0  }
0x17c: {  	[sflag:s10] =	ssyncadd.s32 $0xFFFFF800  }
0x17d: {  	_ =	swait.ge [sflag:s10], $0x800  }
0x17e: {  	[sflag:s10] =	ssyncset.done $0x0  }
0x17f: {  	[sflag:s10] =	ssyncadd.s32 $0xFFFFF800  }
0x180: {  	_ =	swait.ge [sflag:s10], $0x800  }
0x181: {  	[sflag:s10] =	ssyncset.done $0x0  }
0x182: {  	[sflag:s10] =	ssyncadd.s32 $0xFFFFF800  }
0x183: {  	[bflag:$0x0] =	sbarrier.arrive $0xFFFF  }
0x184: {  	s25 =	sld [smem:$0x7F6];
	_ =	sdelay $0x2  }
0x185: {  	[tilespmem:s2], [sflag:$0x3] =	stream.linear.gather [spmem:s25], $0x4000, $0x38;
	[tilespmem:$0x1D000] =	vst v63  }
0x186: {  	_ =	swait.ge [sflag:s15], $0x4000  }
0x187: {  	[sflag:s15] =	ssyncset.done $0x0  }
0x188: {  	s29 =	rddreg [dreg:$0x11];
	[sflag:s15] =	ssyncadd.s32 $0xFFFFC000  }
0x189: {  	[hbm4b:s29+s3] =	stream.linear.scatter [tilespmem:s2], [sflag:$0x3], $0x4000, $0x38;
	[tilespmem:$0x1D000] =	vst v63  }
0x18a: {  	_ =	swait.ge [sflag:s15], $0x4000  }
0x18b: {  	s20 =	sld [smem:$0x7F7]  }
0x18c: {  	[sflag:s15] =	ssyncset.done $0x0  }
0x18d: {  	[sflag:s15] =	ssyncadd.s32 $0xFFFFC000  }
0x18e: {  	[tilespmem:s2], [sflag:$0x3] =	stream.linear.gather [spmem:s20], $0x4000, $0x38;
	[tilespmem:$0x1D000] =	vst v63  }
0x18f: {  	_ =	swait.ge [sflag:s15], $0x4000  }
0x190: {  	[sflag:s15] =	ssyncset.done $0x0  }
0x191: {  	s21 =	rddreg [dreg:$0x12];
	[sflag:s15] =	ssyncadd.s32 $0xFFFFC000  }
0x192: {  	[hbm4b:s21+s3] =	stream.linear.scatter [tilespmem:s2], [sflag:$0x3], $0x4000, $0x38;
	[tilespmem:$0x1D000] =	vst v63  }
0x193: {  	_ =	swait.ge [sflag:s15], $0x4000  }
0x194: {  	s25 =	sld [smem:$0x7F8]  }
0x195: {  	[sflag:s15] =	ssyncset.done $0x0  }
0x196: {  	[sflag:s15] =	ssyncadd.s32 $0xFFFFC000  }
0x197: {  	[tilespmem:s2], [sflag:$0x3] =	stream.linear.gather [spmem:s25], $0x4000, $0x38;
	[tilespmem:$0x1D000] =	vst v63  }
0x198: {  	_ =	swait.ge [sflag:s15], $0x4000  }
0x199: {  	[sflag:s15] =	ssyncset.done $0x0  }
0x19a: {  	s29 =	rddreg [dreg:$0x14];
	[sflag:s15] =	ssyncadd.s32 $0xFFFFC000  }
0x19b: {  	[hbm4b:s29+s3] =	stream.linear.scatter [tilespmem:s2], [sflag:$0x3], $0x4000, $0x38;
	[tilespmem:$0x1D000] =	vst v63  }
0x19c: {  	_ =	swait.ge [sflag:s15], $0x4000  }
0x19d: {  	s20 =	sld [smem:$0x7F9]  }
0x19e: {  	[sflag:s15] =	ssyncset.done $0x0  }
0x19f: {  	[sflag:s15] =	ssyncadd.s32 $0xFFFFC000  }
0x1a0: {  	[tilespmem:s2], [sflag:$0x3] =	stream.linear.gather [spmem:s20], $0x4000, $0x38;
	[tilespmem:$0x1D000] =	vst v63  }
0x1a1: {  	_ =	swait.ge [sflag:s15], $0x4000  }
0x1a2: {  	[sflag:s15] =	ssyncset.done $0x0  }
0x1a3: {  	s21 =	rddreg [dreg:$0x15];
	[sflag:s15] =	ssyncadd.s32 $0xFFFFC000  }
0x1a4: {  	[hbm4b:s21+s3] =	stream.linear.scatter [tilespmem:s2], [sflag:$0x3], $0x4000, $0x38;
	[tilespmem:$0x1D000] =	vst v63  }
0x1a5: {  	_ =	swait.ge [sflag:s15], $0x4000  }
0x1a6: {  	s25 =	sld [smem:$0x7FB]  }
0x1a7: {  	[sflag:s15] =	ssyncset.done $0x0  }
0x1a8: {  	[sflag:s15] =	ssyncadd.s32 $0xFFFFC000  }
0x1a9: {  	[tilespmem:s2], [sflag:$0x3] =	stream.linear.gather [spmem:s25], $0x4000, $0x38;
	[tilespmem:$0x1D000] =	vst v63  }
0x1aa: {  	_ =	swait.ge [sflag:s15], $0x4000  }
0x1ab: {  	[sflag:s15] =	ssyncset.done $0x0  }
0x1ac: {  	s29 =	rddreg [dreg:$0x18];
	[sflag:s15] =	ssyncadd.s32 $0xFFFFC000  }
0x1ad: {  	[hbm4b:s29+s3] =	stream.linear.scatter [tilespmem:s2], [sflag:$0x3], $0x4000, $0x38;
	[tilespmem:$0x1D000] =	vst v63  }
0x1ae: {  	_ =	swait.ge [sflag:s15], $0x4000  }
0x1af: {  	s20 =	sld [smem:$0x7FC]  }
0x1b0: {  	[sflag:s15] =	ssyncset.done $0x0  }
0x1b1: {  	[sflag:s15] =	ssyncadd.s32 $0xFFFFC000  }
0x1b2: {  	[tilespmem:s2], [sflag:$0x3] =	stream.linear.gather [spmem:s20], $0x4000, $0x38;
	[tilespmem:$0x1D000] =	vst v63  }
0x1b3: {  	_ =	swait.ge [sflag:s15], $0x4000  }
0x1b4: {  	[sflag:s15] =	ssyncset.done $0x0  }
0x1b5: {  	s21 =	rddreg [dreg:$0x19];
	[sflag:s15] =	ssyncadd.s32 $0xFFFFC000  }
0x1b6: {  	[hbm4b:s21+s3] =	stream.linear.scatter [tilespmem:s2], [sflag:$0x3], $0x4000, $0x38;
	[tilespmem:$0x1D000] =	vst v63  }
0x1b7: {  	_ =	swait.ge [sflag:s15], $0x4000  }
0x1b8: {  	s25 =	sld [smem:$0x7FD]  }
0x1b9: {  	[sflag:s15] =	ssyncset.done $0x0  }
0x1ba: {  	[sflag:s15] =	ssyncadd.s32 $0xFFFFC000  }
0x1bb: {  	[tilespmem:s2], [sflag:$0x3] =	stream.linear.gather [spmem:s25], $0x100, $0x38;
	[tilespmem:$0x1D000] =	vst v63  }
0x1bc: {  	_ =	swait.ge [sflag:s15], $0x100  }
0x1bd: {  	[sflag:s15] =	ssyncset.done $0x0  }
.Ltmp6:
0x1be: {  	s29 =	rddreg [dreg:$0x1a];
	[sflag:s15] =	ssyncadd.s32 $0xFFFFFF00;
	(pc) =	sbr.rel .LBB2_8-.Ltmp6, $4  }
0x1bf: {  	[hbm4b:s29+s3] =	stream.linear.scatter [tilespmem:s2], [sflag:$0x3], $0x100, $0x38;
	[tilespmem:$0x1D000] =	vst v63  }
0x1c0: {  	_ =	swait.ge [sflag:s15], $0x100  }
0x1c1: {  	[sflag:s15] =	ssyncset.done $0x0  }
0x1c2: {  	[sflag:s15] =	ssyncadd.s32 $0xFFFFFF00  }
.LBB2_9:
0x1c3: {  	_ =	sfence.sel $0x180000  }
0x1c4: {  	[bflag:$0x0] =	sbarrier.arrive $0xFFFF  }
0x1c5: {  	_ =	strace $0x9000004A  }
0x1c6: {  	s0 =	stileid.u32;
	[bflag:$0x2] =	sbarrier.arrive $0xFFFF  }
0x1c7: {  	p0 =	sne.s32 s0, $0x0;
	s0 =	rddreg [dreg:$0x2]  }
0x1c8: {  	s0 =	sadd.s32 @!p0 $0x100000, s0  }
0x1c9: {  	[sflag:s0] =	ssyncadd.tile.s32 @!p0 $0x1;
	_ =	shalt  }
.Lfunc_end2:
_tile_overlayer_lowered:
.L_overlay_start_2:
0x1ca: {  	(tag) =	ssettag $0x2  }
0x1cb: {  	s0 =	rddreg [dreg:$0x0];
	s2 =	stileid.u32  }
0x1cc: {  	s1 =	rddreg [dreg:$0x1];
	p0 =	sne.s32 s2, $0x0  }
0x1cd: {  	s3 =	rddreg [dreg:$0x2];
	[bflag:$0x3] =	sbarrier.arrive $0xFFFF;
	s2 =	simm.s32 @!p0 $0x1C03  }
0x1ce: {  	[timem:s3], [sflag:s2] =	dma.local @!p0 [hbm:s0], s1  }
0x1cf: {  	s0 =	simm.s32 @!p0 $0x3  }
0x1d0: {  	_ =	swait.ge @!p0 [sflag:s0], s1  }
0x1d1: {  	s1 =	ssub.s32 @!p0 $0x0, s1;
	[sflag:s0] =	ssyncset.done @!p0 $0x0  }
0x1d2: {  	[sflag:s0] =	ssyncadd.s32 @!p0 s1  }
0x1d3: {  	[bflag:$0x3] =	sbarrier.arrive $0xFFFF  }
0x1d4: {  	_ =	shalt  }

</sc_bundles>
